<compile_context>
chip_gen: v7x
topology: tpu7x:2x2x1
jax: 0.10.2.dev20260603
libtpu: 0.0.44.dev20260713+nightly
codegen_flags: <defaults>
</compile_context>

<pallas_src>
import jax
import jax.numpy as jnp
from jax.experimental import pallas as pl
from jax.experimental.pallas import tpu as pltpu
from jax.experimental.pallas import tpu_sc as plsc

_S = 14
_N = 12
_BATCH = 8192
_BSC = 768
_BW = _BATCH - _BSC
_ROWS = _S * _S
_UNITS = 32
_LANES = 16
_RPU = (_ROWS + _UNITS - 1) // _UNITS
_CH = 2
_NCHUNK = _S // _CH


def _sc_partials(pt, lt):
    mesh = plsc.VectorSubcoreMesh(core_axis_name="core", subcore_axis_name="subcore")

    @pl.kernel(
        out_type=jax.ShapeDtypeStruct((_UNITS, 128), jnp.float32),
        mesh=mesh,
        scratch_types=[
            pltpu.VMEM((1, _BSC), jnp.float32),
            pltpu.VMEM((1, _BSC), jnp.float32),
            pltpu.VMEM((1, _BSC), jnp.float32),
            pltpu.VMEM((4, _LANES), jnp.float32),
            pltpu.VMEM((4, _LANES), jnp.float32),
            pltpu.VMEM((1, 128), jnp.float32),
        ],
    )
    def k(pt_hbm, lt_hbm, o_hbm, p4b, p9b, l4b, acc_s, acc_c, stage):
        cid = jax.lax.axis_index("core")
        sid = jax.lax.axis_index("subcore")
        u = cid * 16 + sid
        for a in range(4):
            acc_s[pl.ds(a, 1)] = jnp.zeros((1, _LANES), jnp.float32)
            acc_c[pl.ds(a, 1)] = jnp.zeros((1, _LANES), jnp.float32)
        for i in range(_RPU):
            r = u + _UNITS * i

            @pl.when(r < _ROWS)
            def _():
                s1 = r // _S
                s2 = r % _S
                lanes = pl.ds(0, _BSC)
                pltpu.sync_copy(pt_hbm.at[s1, 4, pl.ds(s2, 1), lanes], p4b)
                pltpu.sync_copy(pt_hbm.at[s1, 9, pl.ds(s2, 1), lanes], p9b)
                pltpu.sync_copy(lt_hbm.at[s1, 4, pl.ds(s2, 1), lanes], l4b)

                @pl.loop(0, _BSC, step=4 * _LANES)
                def _(c0):
                    for a in range(4):
                        sl = (slice(None), pl.ds(c0 + a * _LANES, _LANES))
                        p4 = p4b[sl]
                        p9 = p9b[sl]
                        l4 = l4b[sl]
                        asl = pl.ds(a, 1)
                        acc_s[asl] += (p4 * p4 + p9 * p9) * (1.0 - l4)
                        acc_c[asl] += l4

        stage[:, pl.ds(0, _LANES)] = (
            acc_s[pl.ds(0, 1)] + acc_s[pl.ds(1, 1)]
        ) + (acc_s[pl.ds(2, 1)] + acc_s[pl.ds(3, 1)])
        stage[:, pl.ds(_LANES, _LANES)] = (
            acc_c[pl.ds(0, 1)] + acc_c[pl.ds(1, 1)]
        ) + (acc_c[pl.ds(2, 1)] + acc_c[pl.ds(3, 1)])
        pltpu.sync_copy(stage, o_hbm.at[pl.ds(u, 1)])

    return k(pt, lt)


def _tc_body(pt_ref, lt_ref, o_ref, p4b, p9b, l4b, sems):
    lanes = pl.ds(_BSC, _BW)
    for j in range(_NCHUNK):
        sl = pl.ds(_CH * j, _CH)
        pltpu.make_async_copy(pt_ref.at[sl, 4, :, lanes], p4b.at[sl], sems.at[0, j]).start()
        pltpu.make_async_copy(pt_ref.at[sl, 9, :, lanes], p9b.at[sl], sems.at[1, j]).start()
        pltpu.make_async_copy(lt_ref.at[sl, 4, :, lanes], l4b.at[sl], sems.at[2, j]).start()

    s = jnp.float32(0.0)
    c = jnp.float32(0.0)
    for j in range(_NCHUNK):
        sl = pl.ds(_CH * j, _CH)
        pltpu.make_async_copy(pt_ref.at[sl, 4, :, lanes], p4b.at[sl], sems.at[0, j]).wait()
        pltpu.make_async_copy(pt_ref.at[sl, 9, :, lanes], p9b.at[sl], sems.at[1, j]).wait()
        pltpu.make_async_copy(lt_ref.at[sl, 4, :, lanes], l4b.at[sl], sems.at[2, j]).wait()
        p4 = p4b[sl]
        p9 = p9b[sl]
        l4 = l4b[sl]
        s += jnp.sum((p4 * p4 + p9 * p9) * (1.0 - l4))
        c += jnp.sum(l4)

    o_ref[0] = s
    o_ref[1] = c


def kernel(pred, label):
    pt = jnp.transpose(pred, (1, 3, 2, 0))
    lt = jnp.transpose(label, (1, 3, 2, 0))
    sc_part = _sc_partials(pt, lt)
    tc_part = pl.pallas_call(
        _tc_body,
        in_specs=[
            pl.BlockSpec(memory_space=pl.ANY),
            pl.BlockSpec(memory_space=pl.ANY),
        ],
        out_specs=pl.BlockSpec(memory_space=pltpu.SMEM),
        out_shape=jax.ShapeDtypeStruct((2,), jnp.float32),
        scratch_shapes=[
            pltpu.VMEM((_S, _S, _BW), jnp.float32),
            pltpu.VMEM((_S, _S, _BW), jnp.float32),
            pltpu.VMEM((_S, _S, _BW), jnp.float32),
            pltpu.SemaphoreType.DMA((3, _NCHUNK)),
        ],
    )(pt, lt)
    s = tc_part[0] + jnp.sum(sc_part[:, :_LANES])
    c = tc_part[1] + jnp.sum(sc_part[:, _LANES : 2 * _LANES])
    n_noobj = jnp.float32(_S * _S * _BATCH) - c
    return s / (2.0 * n_noobj)

# --- scband reference (transcript-rebuilt; emitter-appended) ---
"""Pipeline reference for scband-loss-fn-90709709291733 (READ-ONLY COPY).

The authoritative reference and input builder live on the scoring server;
editing this copy changes nothing except your own understanding.
"""

import jax, jax.numpy as jnp
import numpy as np

S, B, C = 14, 2, 2
N = 12  # hardcoded in the original forward; equals 5*B + C
BATCH = 8192


def setup_inputs(seed: int = 0) -> dict:
    key = jax.random.key(seed)
    k1, k2, k3 = jax.random.split(key, 3)
    pred = jax.random.normal(k1, (BATCH, S, S, N), dtype=jnp.float32)
    label = jax.random.uniform(k2, (BATCH, S, S, N), dtype=jnp.float32)
    # channel 4 (and 9) of the label is an objectness indicator in {0,1};
    # ~30% of grid cells contain an object so both coobj and noobj masks are non-empty.
    obj = (jax.random.uniform(k3, (BATCH, S, S)) > 0.7).astype(jnp.float32)
    label = label.at[..., 4].set(obj)
    label = label.at[..., 9].set(obj)
    return {"pred": pred, "label": label}


def reference(pred, label):
    # noobj_mask: cells where label confidence (channel 4) == 0, expanded over channels
    noobj_cell = (label[..., 4] == 0)  # [batch, S, S]
    # the original gathers noobj cells, then selects confidence channels 4 and 9
    # (noobj_pred_mask[:,4]=1, noobj_pred_mask[:,9]=1) and computes
    # F.mse_loss(..., reduce='sum') which, via torch's legacy-arg resolution
    # (reduce is truthy, size_average defaults True), is a MEAN over selected elements.
    ch_mask = jnp.zeros((N,), dtype=bool).at[4].set(True).at[9].set(True)
    full_mask = noobj_cell[..., None] & ch_mask  # [batch, S, S, N]
    sq = (pred - label) ** 2
    denom = jnp.sum(full_mask).astype(jnp.float32)
    noobj_loss = jnp.sum(jnp.where(full_mask, sq, 0.0)) / denom
    # NOTE: the remainder of the original forward (per-pair IoU responsible-box
    # loop) crashes in torch (xywh2xyxy returns a 2-vector unpacked into 4 names,
    # incompatible broadcasting) and its results (bbox_label_iou, response masks)
    # are never used; the function falls off the end returning None. The only
    # well-defined computed quantity is noobj_loss, which we return.
    return noobj_loss

if __name__ == "__main__":
    import jax
    _d = setup_inputs()
    print(jax.jit(kernel)(*tuple(_d.values())))

</pallas_src>

<mosaic_0001>
#map = affine_map<(d0, d1) -> (0, 0, 0, 0)>
#map1 = affine_map<(d0, d1) -> (0, 0)>
module attributes {stable_mosaic.version = 14 : i64} {
  func.func @k(%arg0: i32, %arg1: i32, %arg2: memref<14x12x14x8192xf32, #tpu.memory_space<hbm>>, %arg3: memref<14x12x14x8192xf32, #tpu.memory_space<hbm>>, %arg4: memref<32x128xf32, #tpu.memory_space<hbm>>, %arg5: memref<1x768xf32, #tpu.memory_space<vmem>>, %arg6: memref<1x768xf32, #tpu.memory_space<vmem>>, %arg7: memref<1x768xf32, #tpu.memory_space<vmem>>, %arg8: memref<4x16xf32, #tpu.memory_space<vmem>>, %arg9: memref<4x16xf32, #tpu.memory_space<vmem>>, %arg10: memref<1x128xf32, #tpu.memory_space<vmem>>) attributes {dimension_semantics = [#tpu.dimension_semantics<core_parallel>, #tpu.dimension_semantics<subcore_parallel>], iteration_bounds = array<i64: 2, 16>, scalar_prefetch = 0 : i64, scratch_operands = 6 : i64, tpu.core_type = #tpu.core_type<sc_vector_subcore>, window_params = [{transform_indices = #map}, {transform_indices = #map}, {transform_indices = #map1}]} {
    %mul3A = arith.constant 16 : i32
    %mul3A_0 = arith.muli %arg0, %mul3A : i32
    %add3A = arith.addi %mul3A_0, %arg1 : i32
    %broadcast_in_dim3A = arith.constant 0.000000e+00 : f32
    %broadcast_in_dim3A_1 = vector.broadcast %broadcast_in_dim3A : f32 to vector<1x16xf32>
    %swap3A = arith.constant 0 : index
    %swap3A_2 = arith.constant 0 : index
    %swap3A_3 = tpu.vector_load %arg8[%swap3A, %swap3A_2] {strides = array<i32>} : memref<4x16xf32, #tpu.memory_space<vmem>>, vector<1x16xf32>,
    %swap3A_4 = vector.shape_cast %swap3A_3 : vector<1x16xf32> to vector<1x16xf32>
    %swap3A_5 = vector.shape_cast %broadcast_in_dim3A_1 : vector<1x16xf32> to vector<1x16xf32>
    tpu.vector_store %arg8[%swap3A, %swap3A_2], %swap3A_5 {strides = array<i32>} : memref<4x16xf32, #tpu.memory_space<vmem>>, vector<1x16xf32>,
    %broadcast_in_dim3A_6 = arith.constant 0.000000e+00 : f32
    %broadcast_in_dim3A_7 = vector.broadcast %broadcast_in_dim3A_6 : f32 to vector<1x16xf32>
    %swap3A_8 = arith.constant 0 : index
    %swap3A_9 = arith.constant 0 : index
    %swap3A_10 = tpu.vector_load %arg9[%swap3A_8, %swap3A_9] {strides = array<i32>} : memref<4x16xf32, #tpu.memory_space<vmem>>, vector<1x16xf32>,
    %swap3A_11 = vector.shape_cast %swap3A_10 : vector<1x16xf32> to vector<1x16xf32>
    %swap3A_12 = vector.shape_cast %broadcast_in_dim3A_7 : vector<1x16xf32> to vector<1x16xf32>
    tpu.vector_store %arg9[%swap3A_8, %swap3A_9], %swap3A_12 {strides = array<i32>} : memref<4x16xf32, #tpu.memory_space<vmem>>, vector<1x16xf32>,
    %broadcast_in_dim3A_13 = arith.constant 0.000000e+00 : f32
    %broadcast_in_dim3A_14 = vector.broadcast %broadcast_in_dim3A_13 : f32 to vector<1x16xf32>
    %swap3A_15 = arith.constant 1 : index
    %swap3A_16 = arith.constant 0 : index
    %swap3A_17 = tpu.vector_load %arg8[%swap3A_15, %swap3A_16] {strides = array<i32>} : memref<4x16xf32, #tpu.memory_space<vmem>>, vector<1x16xf32>,
    %swap3A_18 = vector.shape_cast %swap3A_17 : vector<1x16xf32> to vector<1x16xf32>
    %swap3A_19 = vector.shape_cast %broadcast_in_dim3A_14 : vector<1x16xf32> to vector<1x16xf32>
    tpu.vector_store %arg8[%swap3A_15, %swap3A_16], %swap3A_19 {strides = array<i32>} : memref<4x16xf32, #tpu.memory_space<vmem>>, vector<1x16xf32>,
    %broadcast_in_dim3A_20 = arith.constant 0.000000e+00 : f32
    %broadcast_in_dim3A_21 = vector.broadcast %broadcast_in_dim3A_20 : f32 to vector<1x16xf32>
    %swap3A_22 = arith.constant 1 : index
    %swap3A_23 = arith.constant 0 : index
    %swap3A_24 = tpu.vector_load %arg9[%swap3A_22, %swap3A_23] {strides = array<i32>} : memref<4x16xf32, #tpu.memory_space<vmem>>, vector<1x16xf32>,
    %swap3A_25 = vector.shape_cast %swap3A_24 : vector<1x16xf32> to vector<1x16xf32>
    %swap3A_26 = vector.shape_cast %broadcast_in_dim3A_21 : vector<1x16xf32> to vector<1x16xf32>
    tpu.vector_store %arg9[%swap3A_22, %swap3A_23], %swap3A_26 {strides = array<i32>} : memref<4x16xf32, #tpu.memory_space<vmem>>, vector<1x16xf32>,
    %broadcast_in_dim3A_27 = arith.constant 0.000000e+00 : f32
    %broadcast_in_dim3A_28 = vector.broadcast %broadcast_in_dim3A_27 : f32 to vector<1x16xf32>
    %swap3A_29 = arith.constant 2 : index
    %swap3A_30 = arith.constant 0 : index
    %swap3A_31 = tpu.vector_load %arg8[%swap3A_29, %swap3A_30] {strides = array<i32>} : memref<4x16xf32, #tpu.memory_space<vmem>>, vector<1x16xf32>,
    %swap3A_32 = vector.shape_cast %swap3A_31 : vector<1x16xf32> to vector<1x16xf32>
    %swap3A_33 = vector.shape_cast %broadcast_in_dim3A_28 : vector<1x16xf32> to vector<1x16xf32>
    tpu.vector_store %arg8[%swap3A_29, %swap3A_30], %swap3A_33 {strides = array<i32>} : memref<4x16xf32, #tpu.memory_space<vmem>>, vector<1x16xf32>,
    %broadcast_in_dim3A_34 = arith.constant 0.000000e+00 : f32
    %broadcast_in_dim3A_35 = vector.broadcast %broadcast_in_dim3A_34 : f32 to vector<1x16xf32>
    %swap3A_36 = arith.constant 2 : index
    %swap3A_37 = arith.constant 0 : index
    %swap3A_38 = tpu.vector_load %arg9[%swap3A_36, %swap3A_37] {strides = array<i32>} : memref<4x16xf32, #tpu.memory_space<vmem>>, vector<1x16xf32>,
    %swap3A_39 = vector.shape_cast %swap3A_38 : vector<1x16xf32> to vector<1x16xf32>
    %swap3A_40 = vector.shape_cast %broadcast_in_dim3A_35 : vector<1x16xf32> to vector<1x16xf32>
    tpu.vector_store %arg9[%swap3A_36, %swap3A_37], %swap3A_40 {strides = array<i32>} : memref<4x16xf32, #tpu.memory_space<vmem>>, vector<1x16xf32>,
    %broadcast_in_dim3A_41 = arith.constant 0.000000e+00 : f32
    %broadcast_in_dim3A_42 = vector.broadcast %broadcast_in_dim3A_41 : f32 to vector<1x16xf32>
    %swap3A_43 = arith.constant 3 : index
    %swap3A_44 = arith.constant 0 : index
    %swap3A_45 = tpu.vector_load %arg8[%swap3A_43, %swap3A_44] {strides = array<i32>} : memref<4x16xf32, #tpu.memory_space<vmem>>, vector<1x16xf32>,
    %swap3A_46 = vector.shape_cast %swap3A_45 : vector<1x16xf32> to vector<1x16xf32>
    %swap3A_47 = vector.shape_cast %broadcast_in_dim3A_42 : vector<1x16xf32> to vector<1x16xf32>
    tpu.vector_store %arg8[%swap3A_43, %swap3A_44], %swap3A_47 {strides = array<i32>} : memref<4x16xf32, #tpu.memory_space<vmem>>, vector<1x16xf32>,
    %broadcast_in_dim3A_48 = arith.constant 0.000000e+00 : f32
    %broadcast_in_dim3A_49 = vector.broadcast %broadcast_in_dim3A_48 : f32 to vector<1x16xf32>
    %swap3A_50 = arith.constant 3 : index
    %swap3A_51 = arith.constant 0 : index
    %swap3A_52 = tpu.vector_load %arg9[%swap3A_50, %swap3A_51] {strides = array<i32>} : memref<4x16xf32, #tpu.memory_space<vmem>>, vector<1x16xf32>,
    %swap3A_53 = vector.shape_cast %swap3A_52 : vector<1x16xf32> to vector<1x16xf32>
    %swap3A_54 = vector.shape_cast %broadcast_in_dim3A_49 : vector<1x16xf32> to vector<1x16xf32>
    tpu.vector_store %arg9[%swap3A_50, %swap3A_51], %swap3A_54 {strides = array<i32>} : memref<4x16xf32, #tpu.memory_space<vmem>>, vector<1x16xf32>,
    %add3A_55 = arith.constant 0 : i32
    %add3A_56 = arith.addi %add3A, %add3A_55 : i32
    %lt3A = arith.constant 196 : i32
    %lt3A_57 = arith.cmpi slt, %add3A_56, %lt3A : i32
    %convert_element_type3A = arith.extui %lt3A_57 : i1 to i32
    %cond3A = arith.constant 0 : i32
    %cond3A_58 = arith.cmpi ne, %convert_element_type3A, %cond3A : i32
    scf.if %cond3A_58 {
      %jit3A = arith.constant 14 : i32
      %div3A = arith.divsi %add3A_56, %jit3A : i32
      %sign3A = arith.constant 0 : i32
      %sign3A_148 = arith.cmpi sgt, %add3A_56, %sign3A : i32
      %sign3A_149 = arith.extui %sign3A_148 : i1 to i32
      %sign3A_150 = arith.constant 0 : i32
      %sign3A_151 = arith.cmpi slt, %add3A_56, %sign3A_150 : i32
      %sign3A_152 = arith.extui %sign3A_151 : i1 to i32
      %sign3A_153 = arith.subi %sign3A_149, %sign3A_152 : i32
      %sign3A_154 = arith.constant 0 : i32
      %sign3A_155 = arith.cmpi sgt, %jit3A, %sign3A_154 : i32
      %sign3A_156 = arith.extui %sign3A_155 : i1 to i32
      %sign3A_157 = arith.constant 0 : i32
      %sign3A_158 = arith.cmpi slt, %jit3A, %sign3A_157 : i32
      %sign3A_159 = arith.extui %sign3A_158 : i1 to i32
      %sign3A_160 = arith.subi %sign3A_156, %sign3A_159 : i32
      %ne3A = arith.cmpi ne, %sign3A_153, %sign3A_160 : i32
      %rem3A = arith.remsi %add3A_56, %jit3A : i32
      %ne3A_161 = arith.constant 0 : i32
      %ne3A_162 = arith.cmpi ne, %rem3A, %ne3A_161 : i32
      %and3A = arith.andi %ne3A, %ne3A_162 : i1
      %sub3A = arith.constant 1 : i32
      %sub3A_163 = arith.subi %div3A, %sub3A : i32
      %select_n3A = arith.select %and3A, %sub3A_163, %div3A : i32
      %jit3A_164 = arith.constant 14 : i32
      %eq3A = arith.constant 0 : i32
      %eq3A_165 = arith.cmpi eq, %jit3A_164, %eq3A : i32
      %jit3A_166 = arith.constant 1 : i32
      %select_n3A_167 = arith.select %eq3A_165, %jit3A_166, %jit3A_164 : i32
      %rem3A_168 = arith.remsi %add3A_56, %select_n3A_167 : i32
      %ne3A_169 = arith.constant 0 : i32
      %ne3A_170 = arith.cmpi ne, %rem3A_168, %ne3A_169 : i32
      %lt3A_171 = arith.constant 0 : i32
      %lt3A_172 = arith.cmpi slt, %rem3A_168, %lt3A_171 : i32
      %lt3A_173 = arith.constant 0 : i32
      %lt3A_174 = arith.cmpi slt, %select_n3A_167, %lt3A_173 : i32
      %ne3A_175 = arith.xori %lt3A_172, %lt3A_174 : i1
      %and3A_176 = arith.andi %ne3A_175, %ne3A_170 : i1
      %add3A_177 = arith.addi %rem3A_168, %select_n3A_167 : i32
      %select_n3A_178 = arith.select %and3A_176, %add3A_177, %rem3A_168 : i32
      %run_scoped3A = arith.constant 4 : i32
      "tpu.region"() ({
        %run_scoped3A_185 = tpu.sem_alloc : memref<!tpu.dma_semaphore, #tpu.memory_space<semaphore_mem>>
        %dma_start3A = arith.constant 0 : i32
        %dma_start3A_186 = tpu.memref_slice %arg2[%select_n3A, %run_scoped3A, %select_n3A_178, %dma_start3A] : memref<14x12x14x8192xf32, #tpu.memory_space<hbm>> -> memref<1x1x1x768xf32, #tpu.memory_space<hbm>>
        %dma_start3A_187 = tpu.memref_squeeze %dma_start3A_186 : memref<1x1x1x768xf32, #tpu.memory_space<hbm>> -> memref<1x768xf32, #tpu.memory_space<hbm>>
        %dma_start3A_188 = arith.constant 0 : i32
        %dma_start3A_189 = tpu.memref_slice %arg2[%select_n3A, %run_scoped3A, %select_n3A_178, %dma_start3A_188] : memref<14x12x14x8192xf32, #tpu.memory_space<hbm>> -> memref<1x1x1x768xf32, #tpu.memory_space<hbm>>
        %dma_start3A_190 = tpu.memref_squeeze %dma_start3A_189 : memref<1x1x1x768xf32, #tpu.memory_space<hbm>> -> memref<1x768xf32, #tpu.memory_space<hbm>>
        tpu.enqueue_dma source(%dma_start3A_190 : memref<1x768xf32, #tpu.memory_space<hbm>>) target(%arg5 : memref<1x768xf32, #tpu.memory_space<vmem>>) target_semaphore(%run_scoped3A_185 : memref<!tpu.dma_semaphore, #tpu.memory_space<semaphore_mem>>)
        %dma_wait3A = arith.constant 0 : i32
        %dma_wait3A_191 = tpu.memref_slice %arg2[%select_n3A, %run_scoped3A, %select_n3A_178, %dma_wait3A] : memref<14x12x14x8192xf32, #tpu.memory_space<hbm>> -> memref<1x1x1x768xf32, #tpu.memory_space<hbm>>
        %dma_wait3A_192 = tpu.memref_squeeze %dma_wait3A_191 : memref<1x1x1x768xf32, #tpu.memory_space<hbm>> -> memref<1x768xf32, #tpu.memory_space<hbm>>
        %dma_wait3A_193 = arith.constant 0 : i32
        %dma_wait3A_194 = tpu.memref_slice %arg2[%select_n3A, %run_scoped3A, %select_n3A_178, %dma_wait3A_193] : memref<14x12x14x8192xf32, #tpu.memory_space<hbm>> -> memref<1x1x1x768xf32, #tpu.memory_space<hbm>>
        %dma_wait3A_195 = tpu.memref_squeeze %dma_wait3A_194 : memref<1x1x1x768xf32, #tpu.memory_space<hbm>> -> memref<1x768xf32, #tpu.memory_space<hbm>>
        tpu.wait_dma2 semaphore(%run_scoped3A_185 : memref<!tpu.dma_semaphore, #tpu.memory_space<semaphore_mem>>) src(%dma_wait3A_195 : memref<1x768xf32, #tpu.memory_space<hbm>>) dst(%arg5 : memref<1x768xf32, #tpu.memory_space<vmem>>)
        tpu.yield
      }) : () -> ()
      %run_scoped3A_179 = arith.constant 9 : i32
      "tpu.region"() ({
        %run_scoped3A_185 = tpu.sem_alloc : memref<!tpu.dma_semaphore, #tpu.memory_space<semaphore_mem>>
        %dma_start3A = arith.constant 0 : i32
        %dma_start3A_186 = tpu.memref_slice %arg2[%select_n3A, %run_scoped3A_179, %select_n3A_178, %dma_start3A] : memref<14x12x14x8192xf32, #tpu.memory_space<hbm>> -> memref<1x1x1x768xf32, #tpu.memory_space<hbm>>
        %dma_start3A_187 = tpu.memref_squeeze %dma_start3A_186 : memref<1x1x1x768xf32, #tpu.memory_space<hbm>> -> memref<1x768xf32, #tpu.memory_space<hbm>>
        %dma_start3A_188 = arith.constant 0 : i32
        %dma_start3A_189 = tpu.memref_slice %arg2[%select_n3A, %run_scoped3A_179, %select_n3A_178, %dma_start3A_188] : memref<14x12x14x8192xf32, #tpu.memory_space<hbm>> -> memref<1x1x1x768xf32, #tpu.memory_space<hbm>>
        %dma_start3A_190 = tpu.memref_squeeze %dma_start3A_189 : memref<1x1x1x768xf32, #tpu.memory_space<hbm>> -> memref<1x768xf32, #tpu.memory_space<hbm>>
        tpu.enqueue_dma source(%dma_start3A_190 : memref<1x768xf32, #tpu.memory_space<hbm>>) target(%arg6 : memref<1x768xf32, #tpu.memory_space<vmem>>) target_semaphore(%run_scoped3A_185 : memref<!tpu.dma_semaphore, #tpu.memory_space<semaphore_mem>>)
        %dma_wait3A = arith.constant 0 : i32
        %dma_wait3A_191 = tpu.memref_slice %arg2[%select_n3A, %run_scoped3A_179, %select_n3A_178, %dma_wait3A] : memref<14x12x14x8192xf32, #tpu.memory_space<hbm>> -> memref<1x1x1x768xf32, #tpu.memory_space<hbm>>
        %dma_wait3A_192 = tpu.memref_squeeze %dma_wait3A_191 : memref<1x1x1x768xf32, #tpu.memory_space<hbm>> -> memref<1x768xf32, #tpu.memory_space<hbm>>
        %dma_wait3A_193 = arith.constant 0 : i32
        %dma_wait3A_194 = tpu.memref_slice %arg2[%select_n3A, %run_scoped3A_179, %select_n3A_178, %dma_wait3A_193] : memref<14x12x14x8192xf32, #tpu.memory_space<hbm>> -> memref<1x1x1x768xf32, #tpu.memory_space<hbm>>
        %dma_wait3A_195 = tpu.memref_squeeze %dma_wait3A_194 : memref<1x1x1x768xf32, #tpu.memory_space<hbm>> -> memref<1x768xf32, #tpu.memory_space<hbm>>
        tpu.wait_dma2 semaphore(%run_scoped3A_185 : memref<!tpu.dma_semaphore, #tpu.memory_space<semaphore_mem>>) src(%dma_wait3A_195 : memref<1x768xf32, #tpu.memory_space<hbm>>) dst(%arg6 : memref<1x768xf32, #tpu.memory_space<vmem>>)
        tpu.yield
      }) : () -> ()
      %run_scoped3A_180 = arith.constant 4 : i32
      "tpu.region"() ({
        %run_scoped3A_185 = tpu.sem_alloc : memref<!tpu.dma_semaphore, #tpu.memory_space<semaphore_mem>>
        %dma_start3A = arith.constant 0 : i32
        %dma_start3A_186 = tpu.memref_slice %arg3[%select_n3A, %run_scoped3A_180, %select_n3A_178, %dma_start3A] : memref<14x12x14x8192xf32, #tpu.memory_space<hbm>> -> memref<1x1x1x768xf32, #tpu.memory_space<hbm>>
        %dma_start3A_187 = tpu.memref_squeeze %dma_start3A_186 : memref<1x1x1x768xf32, #tpu.memory_space<hbm>> -> memref<1x768xf32, #tpu.memory_space<hbm>>
        %dma_start3A_188 = arith.constant 0 : i32
        %dma_start3A_189 = tpu.memref_slice %arg3[%select_n3A, %run_scoped3A_180, %select_n3A_178, %dma_start3A_188] : memref<14x12x14x8192xf32, #tpu.memory_space<hbm>> -> memref<1x1x1x768xf32, #tpu.memory_space<hbm>>
        %dma_start3A_190 = tpu.memref_squeeze %dma_start3A_189 : memref<1x1x1x768xf32, #tpu.memory_space<hbm>> -> memref<1x768xf32, #tpu.memory_space<hbm>>
        tpu.enqueue_dma source(%dma_start3A_190 : memref<1x768xf32, #tpu.memory_space<hbm>>) target(%arg7 : memref<1x768xf32, #tpu.memory_space<vmem>>) target_semaphore(%run_scoped3A_185 : memref<!tpu.dma_semaphore, #tpu.memory_space<semaphore_mem>>)
        %dma_wait3A = arith.constant 0 : i32
        %dma_wait3A_191 = tpu.memref_slice %arg3[%select_n3A, %run_scoped3A_180, %select_n3A_178, %dma_wait3A] : memref<14x12x14x8192xf32, #tpu.memory_space<hbm>> -> memref<1x1x1x768xf32, #tpu.memory_space<hbm>>
        %dma_wait3A_192 = tpu.memref_squeeze %dma_wait3A_191 : memref<1x1x1x768xf32, #tpu.memory_space<hbm>> -> memref<1x768xf32, #tpu.memory_space<hbm>>
        %dma_wait3A_193 = arith.constant 0 : i32
        %dma_wait3A_194 = tpu.memref_slice %arg3[%select_n3A, %run_scoped3A_180, %select_n3A_178, %dma_wait3A_193] : memref<14x12x14x8192xf32, #tpu.memory_space<hbm>> -> memref<1x1x1x768xf32, #tpu.memory_space<hbm>>
        %dma_wait3A_195 = tpu.memref_squeeze %dma_wait3A_194 : memref<1x1x1x768xf32, #tpu.memory_space<hbm>> -> memref<1x768xf32, #tpu.memory_space<hbm>>
        tpu.wait_dma2 semaphore(%run_scoped3A_185 : memref<!tpu.dma_semaphore, #tpu.memory_space<semaphore_mem>>) src(%dma_wait3A_195 : memref<1x768xf32, #tpu.memory_space<hbm>>) dst(%arg7 : memref<1x768xf32, #tpu.memory_space<vmem>>)
        tpu.yield
      }) : () -> ()
      %scan3A = arith.constant 0 : i32
      %scan3A_181 = arith.constant 12 : i32
      %scan3A_182 = arith.addi %scan3A, %scan3A_181 : i32
      %scan3A_183 = arith.constant 1 : i32
      scf.for %scan3A_185 = %scan3A to %scan3A_182 step %scan3A_183  : i32 {
        %mul3A_186 = arith.constant 64 : i32
        %mul3A_187 = arith.muli %scan3A_185, %mul3A_186 : i32
        %add3A_188 = arith.constant 0 : i32
        %add3A_189 = arith.addi %add3A_188, %mul3A_187 : i32
        %add3A_190 = arith.constant 0 : i32
        %add3A_191 = arith.addi %add3A_189, %add3A_190 : i32
        %get3A_192 = arith.constant 0 : index
        %get3A_193 = arith.index_cast %add3A_191 : i32 to index
        %get3A_194 = tpu.vector_load %arg5[%get3A_192, %get3A_193] {strides = array<i32>} : memref<1x768xf32, #tpu.memory_space<vmem>>, vector<1x16xf32>,
        %get3A_195 = vector.shape_cast %get3A_194 : vector<1x16xf32> to vector<1x16xf32>
        %get3A_196 = arith.constant 0 : index
        %get3A_197 = arith.index_cast %add3A_191 : i32 to index
        %get3A_198 = tpu.vector_load %arg6[%get3A_196, %get3A_197] {strides = array<i32>} : memref<1x768xf32, #tpu.memory_space<vmem>>, vector<1x16xf32>,
        %get3A_199 = vector.shape_cast %get3A_198 : vector<1x16xf32> to vector<1x16xf32>
        %get3A_200 = arith.constant 0 : index
        %get3A_201 = arith.index_cast %add3A_191 : i32 to index
        %get3A_202 = tpu.vector_load %arg7[%get3A_200, %get3A_201] {strides = array<i32>} : memref<1x768xf32, #tpu.memory_space<vmem>>, vector<1x16xf32>,
        %get3A_203 = vector.shape_cast %get3A_202 : vector<1x16xf32> to vector<1x16xf32>
        %get3A_204 = arith.constant 0 : index
        %get3A_205 = arith.constant 0 : index
        %get3A_206 = tpu.vector_load %arg8[%get3A_204, %get3A_205] {strides = array<i32>} : memref<4x16xf32, #tpu.memory_space<vmem>>, vector<1x16xf32>,
        %get3A_207 = vector.shape_cast %get3A_206 : vector<1x16xf32> to vector<1x16xf32>
        %mul3A_208 = arith.mulf %get3A_195, %get3A_195 : vector<1x16xf32>
        %mul3A_209 = arith.mulf %get3A_199, %get3A_199 : vector<1x16xf32>
        %add3A_210 = arith.addf %mul3A_208, %mul3A_209 : vector<1x16xf32>
        %sub3A_211 = arith.constant 1.000000e+00 : f32
        %sub3A_212 = vector.broadcast %sub3A_211 : f32 to vector<1x16xf32>
        %sub3A_213 = arith.subf %sub3A_212, %get3A_203 : vector<1x16xf32>
        %mul3A_214 = arith.mulf %add3A_210, %sub3A_213 : vector<1x16xf32>
        %add3A_215 = arith.addf %get3A_207, %mul3A_214 : vector<1x16xf32>
        %swap3A_216 = arith.constant 0 : index
        %swap3A_217 = arith.constant 0 : index
        %swap3A_218 = tpu.vector_load %arg8[%swap3A_216, %swap3A_217] {strides = array<i32>} : memref<4x16xf32, #tpu.memory_space<vmem>>, vector<1x16xf32>,
        %swap3A_219 = vector.shape_cast %swap3A_218 : vector<1x16xf32> to vector<1x16xf32>
        %swap3A_220 = vector.shape_cast %add3A_215 : vector<1x16xf32> to vector<1x16xf32>
        tpu.vector_store %arg8[%swap3A_216, %swap3A_217], %swap3A_220 {strides = array<i32>} : memref<4x16xf32, #tpu.memory_space<vmem>>, vector<1x16xf32>,
        %get3A_221 = arith.constant 0 : index
        %get3A_222 = arith.constant 0 : index
        %get3A_223 = tpu.vector_load %arg9[%get3A_221, %get3A_222] {strides = array<i32>} : memref<4x16xf32, #tpu.memory_space<vmem>>, vector<1x16xf32>,
        %get3A_224 = vector.shape_cast %get3A_223 : vector<1x16xf32> to vector<1x16xf32>
        %add3A_225 = arith.addf %get3A_224, %get3A_203 : vector<1x16xf32>
        %swap3A_226 = arith.constant 0 : index
        %swap3A_227 = arith.constant 0 : index
        %swap3A_228 = tpu.vector_load %arg9[%swap3A_226, %swap3A_227] {strides = array<i32>} : memref<4x16xf32, #tpu.memory_space<vmem>>, vector<1x16xf32>,
        %swap3A_229 = vector.shape_cast %swap3A_228 : vector<1x16xf32> to vector<1x16xf32>
        %swap3A_230 = vector.shape_cast %add3A_225 : vector<1x16xf32> to vector<1x16xf32>
        tpu.vector_store %arg9[%swap3A_226, %swap3A_227], %swap3A_230 {strides = array<i32>} : memref<4x16xf32, #tpu.memory_space<vmem>>, vector<1x16xf32>,
        %add3A_231 = arith.constant 16 : i32
        %add3A_232 = arith.addi %add3A_189, %add3A_231 : i32
        %get3A_233 = arith.constant 0 : index
        %get3A_234 = arith.index_cast %add3A_232 : i32 to index
        %get3A_235 = tpu.vector_load %arg5[%get3A_233, %get3A_234] {strides = array<i32>} : memref<1x768xf32, #tpu.memory_space<vmem>>, vector<1x16xf32>,
        %get3A_236 = vector.shape_cast %get3A_235 : vector<1x16xf32> to vector<1x16xf32>
        %get3A_237 = arith.constant 0 : index
        %get3A_238 = arith.index_cast %add3A_232 : i32 to index
        %get3A_239 = tpu.vector_load %arg6[%get3A_237, %get3A_238] {strides = array<i32>} : memref<1x768xf32, #tpu.memory_space<vmem>>, vector<1x16xf32>,
        %get3A_240 = vector.shape_cast %get3A_239 : vector<1x16xf32> to vector<1x16xf32>
        %get3A_241 = arith.constant 0 : index
        %get3A_242 = arith.index_cast %add3A_232 : i32 to index
        %get3A_243 = tpu.vector_load %arg7[%get3A_241, %get3A_242] {strides = array<i32>} : memref<1x768xf32, #tpu.memory_space<vmem>>, vector<1x16xf32>,
        %get3A_244 = vector.shape_cast %get3A_243 : vector<1x16xf32> to vector<1x16xf32>
        %get3A_245 = arith.constant 1 : index
        %get3A_246 = arith.constant 0 : index
        %get3A_247 = tpu.vector_load %arg8[%get3A_245, %get3A_246] {strides = array<i32>} : memref<4x16xf32, #tpu.memory_space<vmem>>, vector<1x16xf32>,
        %get3A_248 = vector.shape_cast %get3A_247 : vector<1x16xf32> to vector<1x16xf32>
        %mul3A_249 = arith.mulf %get3A_236, %get3A_236 : vector<1x16xf32>
        %mul3A_250 = arith.mulf %get3A_240, %get3A_240 : vector<1x16xf32>
        %add3A_251 = arith.addf %mul3A_249, %mul3A_250 : vector<1x16xf32>
        %sub3A_252 = arith.constant 1.000000e+00 : f32
        %sub3A_253 = vector.broadcast %sub3A_252 : f32 to vector<1x16xf32>
        %sub3A_254 = arith.subf %sub3A_253, %get3A_244 : vector<1x16xf32>
        %mul3A_255 = arith.mulf %add3A_251, %sub3A_254 : vector<1x16xf32>
        %add3A_256 = arith.addf %get3A_248, %mul3A_255 : vector<1x16xf32>
        %swap3A_257 = arith.constant 1 : index
        %swap3A_258 = arith.constant 0 : index
        %swap3A_259 = tpu.vector_load %arg8[%swap3A_257, %swap3A_258] {strides = array<i32>} : memref<4x16xf32, #tpu.memory_space<vmem>>, vector<1x16xf32>,
        %swap3A_260 = vector.shape_cast %swap3A_259 : vector<1x16xf32> to vector<1x16xf32>
        %swap3A_261 = vector.shape_cast %add3A_256 : vector<1x16xf32> to vector<1x16xf32>
        tpu.vector_store %arg8[%swap3A_257, %swap3A_258], %swap3A_261 {strides = array<i32>} : memref<4x16xf32, #tpu.memory_space<vmem>>, vector<1x16xf32>,
        %get3A_262 = arith.constant 1 : index
        %get3A_263 = arith.constant 0 : index
        %get3A_264 = tpu.vector_load %arg9[%get3A_262, %get3A_263] {strides = array<i32>} : memref<4x16xf32, #tpu.memory_space<vmem>>, vector<1x16xf32>,
        %get3A_265 = vector.shape_cast %get3A_264 : vector<1x16xf32> to vector<1x16xf32>
        %add3A_266 = arith.addf %get3A_265, %get3A_244 : vector<1x16xf32>
        %swap3A_267 = arith.constant 1 : index
        %swap3A_268 = arith.constant 0 : index
        %swap3A_269 = tpu.vector_load %arg9[%swap3A_267, %swap3A_268] {strides = array<i32>} : memref<4x16xf32, #tpu.memory_space<vmem>>, vector<1x16xf32>,
        %swap3A_270 = vector.shape_cast %swap3A_269 : vector<1x16xf32> to vector<1x16xf32>
        %swap3A_271 = vector.shape_cast %add3A_266 : vector<1x16xf32> to vector<1x16xf32>
        tpu.vector_store %arg9[%swap3A_267, %swap3A_268], %swap3A_271 {strides = array<i32>} : memref<4x16xf32, #tpu.memory_space<vmem>>, vector<1x16xf32>,
        %add3A_272 = arith.constant 32 : i32
        %add3A_273 = arith.addi %add3A_189, %add3A_272 : i32
        %get3A_274 = arith.constant 0 : index
        %get3A_275 = arith.index_cast %add3A_273 : i32 to index
        %get3A_276 = tpu.vector_load %arg5[%get3A_274, %get3A_275] {strides = array<i32>} : memref<1x768xf32, #tpu.memory_space<vmem>>, vector<1x16xf32>,
        %get3A_277 = vector.shape_cast %get3A_276 : vector<1x16xf32> to vector<1x16xf32>
        %get3A_278 = arith.constant 0 : index
        %get3A_279 = arith.index_cast %add3A_273 : i32 to index
        %get3A_280 = tpu.vector_load %arg6[%get3A_278, %get3A_279] {strides = array<i32>} : memref<1x768xf32, #tpu.memory_space<vmem>>, vector<1x16xf32>,
        %get3A_281 = vector.shape_cast %get3A_280 : vector<1x16xf32> to vector<1x16xf32>
        %get3A_282 = arith.constant 0 : index
        %get3A_283 = arith.index_cast %add3A_273 : i32 to index
        %get3A_284 = tpu.vector_load %arg7[%get3A_282, %get3A_283] {strides = array<i32>} : memref<1x768xf32, #tpu.memory_space<vmem>>, vector<1x16xf32>,
        %get3A_285 = vector.shape_cast %get3A_284 : vector<1x16xf32> to vector<1x16xf32>
        %get3A_286 = arith.constant 2 : index
        %get3A_287 = arith.constant 0 : index
        %get3A_288 = tpu.vector_load %arg8[%get3A_286, %get3A_287] {strides = array<i32>} : memref<4x16xf32, #tpu.memory_space<vmem>>, vector<1x16xf32>,
        %get3A_289 = vector.shape_cast %get3A_288 : vector<1x16xf32> to vector<1x16xf32>
        %mul3A_290 = arith.mulf %get3A_277, %get3A_277 : vector<1x16xf32>
        %mul3A_291 = arith.mulf %get3A_281, %get3A_281 : vector<1x16xf32>
        %add3A_292 = arith.addf %mul3A_290, %mul3A_291 : vector<1x16xf32>
        %sub3A_293 = arith.constant 1.000000e+00 : f32
        %sub3A_294 = vector.broadcast %sub3A_293 : f32 to vector<1x16xf32>
        %sub3A_295 = arith.subf %sub3A_294, %get3A_285 : vector<1x16xf32>
        %mul3A_296 = arith.mulf %add3A_292, %sub3A_295 : vector<1x16xf32>
        %add3A_297 = arith.addf %get3A_289, %mul3A_296 : vector<1x16xf32>
        %swap3A_298 = arith.constant 2 : index
        %swap3A_299 = arith.constant 0 : index
        %swap3A_300 = tpu.vector_load %arg8[%swap3A_298, %swap3A_299] {strides = array<i32>} : memref<4x16xf32, #tpu.memory_space<vmem>>, vector<1x16xf32>,
        %swap3A_301 = vector.shape_cast %swap3A_300 : vector<1x16xf32> to vector<1x16xf32>
        %swap3A_302 = vector.shape_cast %add3A_297 : vector<1x16xf32> to vector<1x16xf32>
        tpu.vector_store %arg8[%swap3A_298, %swap3A_299], %swap3A_302 {strides = array<i32>} : memref<4x16xf32, #tpu.memory_space<vmem>>, vector<1x16xf32>,
        %get3A_303 = arith.constant 2 : index
        %get3A_304 = arith.constant 0 : index
        %get3A_305 = tpu.vector_load %arg9[%get3A_303, %get3A_304] {strides = array<i32>} : memref<4x16xf32, #tpu.memory_space<vmem>>, vector<1x16xf32>,
        %get3A_306 = vector.shape_cast %get3A_305 : vector<1x16xf32> to vector<1x16xf32>
        %add3A_307 = arith.addf %get3A_306, %get3A_285 : vector<1x16xf32>
        %swap3A_308 = arith.constant 2 : index
        %swap3A_309 = arith.constant 0 : index
        %swap3A_310 = tpu.vector_load %arg9[%swap3A_308, %swap3A_309] {strides = array<i32>} : memref<4x16xf32, #tpu.memory_space<vmem>>, vector<1x16xf32>,
        %swap3A_311 = vector.shape_cast %swap3A_310 : vector<1x16xf32> to vector<1x16xf32>
        %swap3A_312 = vector.shape_cast %add3A_307 : vector<1x16xf32> to vector<1x16xf32>
        tpu.vector_store %arg9[%swap3A_308, %swap3A_309], %swap3A_312 {strides = array<i32>} : memref<4x16xf32, #tpu.memory_space<vmem>>, vector<1x16xf32>,
        %add3A_313 = arith.constant 48 : i32
        %add3A_314 = arith.addi %add3A_189, %add3A_313 : i32
        %get3A_315 = arith.constant 0 : index
        %get3A_316 = arith.index_cast %add3A_314 : i32 to index
        %get3A_317 = tpu.vector_load %arg5[%get3A_315, %get3A_316] {strides = array<i32>} : memref<1x768xf32, #tpu.memory_space<vmem>>, vector<1x16xf32>,
        %get3A_318 = vector.shape_cast %get3A_317 : vector<1x16xf32> to vector<1x16xf32>
        %get3A_319 = arith.constant 0 : index
        %get3A_320 = arith.index_cast %add3A_314 : i32 to index
        %get3A_321 = tpu.vector_load %arg6[%get3A_319, %get3A_320] {strides = array<i32>} : memref<1x768xf32, #tpu.memory_space<vmem>>, vector<1x16xf32>,
        %get3A_322 = vector.shape_cast %get3A_321 : vector<1x16xf32> to vector<1x16xf32>
        %get3A_323 = arith.constant 0 : index
        %get3A_324 = arith.index_cast %add3A_314 : i32 to index
        %get3A_325 = tpu.vector_load %arg7[%get3A_323, %get3A_324] {strides = array<i32>} : memref<1x768xf32, #tpu.memory_space<vmem>>, vector<1x16xf32>,
        %get3A_326 = vector.shape_cast %get3A_325 : vector<1x16xf32> to vector<1x16xf32>
        %get3A_327 = arith.constant 3 : index
        %get3A_328 = arith.constant 0 : index
        %get3A_329 = tpu.vector_load %arg8[%get3A_327, %get3A_328] {strides = array<i32>} : memref<4x16xf32, #tpu.memory_space<vmem>>, vector<1x16xf32>,
        %get3A_330 = vector.shape_cast %get3A_329 : vector<1x16xf32> to vector<1x16xf32>
        %mul3A_331 = arith.mulf %get3A_318, %get3A_318 : vector<1x16xf32>
        %mul3A_332 = arith.mulf %get3A_322, %get3A_322 : vector<1x16xf32>
        %add3A_333 = arith.addf %mul3A_331, %mul3A_332 : vector<1x16xf32>
        %sub3A_334 = arith.constant 1.000000e+00 : f32
        %sub3A_335 = vector.broadcast %sub3A_334 : f32 to vector<1x16xf32>
        %sub3A_336 = arith.subf %sub3A_335, %get3A_326 : vector<1x16xf32>
        %mul3A_337 = arith.mulf %add3A_333, %sub3A_336 : vector<1x16xf32>
        %add3A_338 = arith.addf %get3A_330, %mul3A_337 : vector<1x16xf32>
        %swap3A_339 = arith.constant 3 : index
        %swap3A_340 = arith.constant 0 : index
        %swap3A_341 = tpu.vector_load %arg8[%swap3A_339, %swap3A_340] {strides = array<i32>} : memref<4x16xf32, #tpu.memory_space<vmem>>, vector<1x16xf32>,
        %swap3A_342 = vector.shape_cast %swap3A_341 : vector<1x16xf32> to vector<1x16xf32>
        %swap3A_343 = vector.shape_cast %add3A_338 : vector<1x16xf32> to vector<1x16xf32>
        tpu.vector_store %arg8[%swap3A_339, %swap3A_340], %swap3A_343 {strides = array<i32>} : memref<4x16xf32, #tpu.memory_space<vmem>>, vector<1x16xf32>,
        %get3A_344 = arith.constant 3 : index
        %get3A_345 = arith.constant 0 : index
        %get3A_346 = tpu.vector_load %arg9[%get3A_344, %get3A_345] {strides = array<i32>} : memref<4x16xf32, #tpu.memory_space<vmem>>, vector<1x16xf32>,
        %get3A_347 = vector.shape_cast %get3A_346 : vector<1x16xf32> to vector<1x16xf32>
        %add3A_348 = arith.addf %get3A_347, %get3A_326 : vector<1x16xf32>
        %swap3A_349 = arith.constant 3 : index
        %swap3A_350 = arith.constant 0 : index
        %swap3A_351 = tpu.vector_load %arg9[%swap3A_349, %swap3A_350] {strides = array<i32>} : memref<4x16xf32, #tpu.memory_space<vmem>>, vector<1x16xf32>,
        %swap3A_352 = vector.shape_cast %swap3A_351 : vector<1x16xf32> to vector<1x16xf32>
        %swap3A_353 = vector.shape_cast %add3A_348 : vector<1x16xf32> to vector<1x16xf32>
        tpu.vector_store %arg9[%swap3A_349, %swap3A_350], %swap3A_353 {strides = array<i32>} : memref<4x16xf32, #tpu.memory_space<vmem>>, vector<1x16xf32>,
      }
      %scan3A_184 = arith.constant 12 : i32
    } else {
    }
    %add3A_59 = arith.constant 32 : i32
    %add3A_60 = arith.addi %add3A, %add3A_59 : i32
    %lt3A_61 = arith.constant 196 : i32
    %lt3A_62 = arith.cmpi slt, %add3A_60, %lt3A_61 : i32
    %convert_element_type3A_63 = arith.extui %lt3A_62 : i1 to i32
    %cond3A_64 = arith.constant 0 : i32
    %cond3A_65 = arith.cmpi ne, %convert_element_type3A_63, %cond3A_64 : i32
    scf.if %cond3A_65 {
      %jit3A = arith.constant 14 : i32
      %div3A = arith.divsi %add3A_60, %jit3A : i32
      %sign3A = arith.constant 0 : i32
      %sign3A_148 = arith.cmpi sgt, %add3A_60, %sign3A : i32
      %sign3A_149 = arith.extui %sign3A_148 : i1 to i32
      %sign3A_150 = arith.constant 0 : i32
      %sign3A_151 = arith.cmpi slt, %add3A_60, %sign3A_150 : i32
      %sign3A_152 = arith.extui %sign3A_151 : i1 to i32
      %sign3A_153 = arith.subi %sign3A_149, %sign3A_152 : i32
      %sign3A_154 = arith.constant 0 : i32
      %sign3A_155 = arith.cmpi sgt, %jit3A, %sign3A_154 : i32
      %sign3A_156 = arith.extui %sign3A_155 : i1 to i32
      %sign3A_157 = arith.constant 0 : i32
      %sign3A_158 = arith.cmpi slt, %jit3A, %sign3A_157 : i32
      %sign3A_159 = arith.extui %sign3A_158 : i1 to i32
      %sign3A_160 = arith.subi %sign3A_156, %sign3A_159 : i32
      %ne3A = arith.cmpi ne, %sign3A_153, %sign3A_160 : i32
      %rem3A = arith.remsi %add3A_60, %jit3A : i32
      %ne3A_161 = arith.constant 0 : i32
      %ne3A_162 = arith.cmpi ne, %rem3A, %ne3A_161 : i32
      %and3A = arith.andi %ne3A, %ne3A_162 : i1
      %sub3A = arith.constant 1 : i32
      %sub3A_163 = arith.subi %div3A, %sub3A : i32
      %select_n3A = arith.select %and3A, %sub3A_163, %div3A : i32
      %jit3A_164 = arith.constant 14 : i32
      %eq3A = arith.constant 0 : i32
      %eq3A_165 = arith.cmpi eq, %jit3A_164, %eq3A : i32
      %jit3A_166 = arith.constant 1 : i32
      %select_n3A_167 = arith.select %eq3A_165, %jit3A_166, %jit3A_164 : i32
      %rem3A_168 = arith.remsi %add3A_60, %select_n3A_167 : i32
      %ne3A_169 = arith.constant 0 : i32
      %ne3A_170 = arith.cmpi ne, %rem3A_168, %ne3A_169 : i32
      %lt3A_171 = arith.constant 0 : i32
      %lt3A_172 = arith.cmpi slt, %rem3A_168, %lt3A_171 : i32
      %lt3A_173 = arith.constant 0 : i32
      %lt3A_174 = arith.cmpi slt, %select_n3A_167, %lt3A_173 : i32
      %ne3A_175 = arith.xori %lt3A_172, %lt3A_174 : i1
      %and3A_176 = arith.andi %ne3A_175, %ne3A_170 : i1
      %add3A_177 = arith.addi %rem3A_168, %select_n3A_167 : i32
      %select_n3A_178 = arith.select %and3A_176, %add3A_177, %rem3A_168 : i32
      %run_scoped3A = arith.constant 4 : i32
      "tpu.region"() ({
        %run_scoped3A_185 = tpu.sem_alloc : memref<!tpu.dma_semaphore, #tpu.memory_space<semaphore_mem>>
        %dma_start3A = arith.constant 0 : i32
        %dma_start3A_186 = tpu.memref_slice %arg2[%select_n3A, %run_scoped3A, %select_n3A_178, %dma_start3A] : memref<14x12x14x8192xf32, #tpu.memory_space<hbm>> -> memref<1x1x1x768xf32, #tpu.memory_space<hbm>>
        %dma_start3A_187 = tpu.memref_squeeze %dma_start3A_186 : memref<1x1x1x768xf32, #tpu.memory_space<hbm>> -> memref<1x768xf32, #tpu.memory_space<hbm>>
        %dma_start3A_188 = arith.constant 0 : i32
        %dma_start3A_189 = tpu.memref_slice %arg2[%select_n3A, %run_scoped3A, %select_n3A_178, %dma_start3A_188] : memref<14x12x14x8192xf32, #tpu.memory_space<hbm>> -> memref<1x1x1x768xf32, #tpu.memory_space<hbm>>
        %dma_start3A_190 = tpu.memref_squeeze %dma_start3A_189 : memref<1x1x1x768xf32, #tpu.memory_space<hbm>> -> memref<1x768xf32, #tpu.memory_space<hbm>>
        tpu.enqueue_dma source(%dma_start3A_190 : memref<1x768xf32, #tpu.memory_space<hbm>>) target(%arg5 : memref<1x768xf32, #tpu.memory_space<vmem>>) target_semaphore(%run_scoped3A_185 : memref<!tpu.dma_semaphore, #tpu.memory_space<semaphore_mem>>)
        %dma_wait3A = arith.constant 0 : i32
        %dma_wait3A_191 = tpu.memref_slice %arg2[%select_n3A, %run_scoped3A, %select_n3A_178, %dma_wait3A] : memref<14x12x14x8192xf32, #tpu.memory_space<hbm>> -> memref<1x1x1x768xf32, #tpu.memory_space<hbm>>
        %dma_wait3A_192 = tpu.memref_squeeze %dma_wait3A_191 : memref<1x1x1x768xf32, #tpu.memory_space<hbm>> -> memref<1x768xf32, #tpu.memory_space<hbm>>
        %dma_wait3A_193 = arith.constant 0 : i32
        %dma_wait3A_194 = tpu.memref_slice %arg2[%select_n3A, %run_scoped3A, %select_n3A_178, %dma_wait3A_193] : memref<14x12x14x8192xf32, #tpu.memory_space<hbm>> -> memref<1x1x1x768xf32, #tpu.memory_space<hbm>>
        %dma_wait3A_195 = tpu.memref_squeeze %dma_wait3A_194 : memref<1x1x1x768xf32, #tpu.memory_space<hbm>> -> memref<1x768xf32, #tpu.memory_space<hbm>>
        tpu.wait_dma2 semaphore(%run_scoped3A_185 : memref<!tpu.dma_semaphore, #tpu.memory_space<semaphore_mem>>) src(%dma_wait3A_195 : memref<1x768xf32, #tpu.memory_space<hbm>>) dst(%arg5 : memref<1x768xf32, #tpu.memory_space<vmem>>)
        tpu.yield
      }) : () -> ()
      %run_scoped3A_179 = arith.constant 9 : i32
      "tpu.region"() ({
        %run_scoped3A_185 = tpu.sem_alloc : memref<!tpu.dma_semaphore, #tpu.memory_space<semaphore_mem>>
        %dma_start3A = arith.constant 0 : i32
        %dma_start3A_186 = tpu.memref_slice %arg2[%select_n3A, %run_scoped3A_179, %select_n3A_178, %dma_start3A] : memref<14x12x14x8192xf32, #tpu.memory_space<hbm>> -> memref<1x1x1x768xf32, #tpu.memory_space<hbm>>
        %dma_start3A_187 = tpu.memref_squeeze %dma_start3A_186 : memref<1x1x1x768xf32, #tpu.memory_space<hbm>> -> memref<1x768xf32, #tpu.memory_space<hbm>>
        %dma_start3A_188 = arith.constant 0 : i32
        %dma_start3A_189 = tpu.memref_slice %arg2[%select_n3A, %run_scoped3A_179, %select_n3A_178, %dma_start3A_188] : memref<14x12x14x8192xf32, #tpu.memory_space<hbm>> -> memref<1x1x1x768xf32, #tpu.memory_space<hbm>>
        %dma_start3A_190 = tpu.memref_squeeze %dma_start3A_189 : memref<1x1x1x768xf32, #tpu.memory_space<hbm>> -> memref<1x768xf32, #tpu.memory_space<hbm>>
        tpu.enqueue_dma source(%dma_start3A_190 : memref<1x768xf32, #tpu.memory_space<hbm>>) target(%arg6 : memref<1x768xf32, #tpu.memory_space<vmem>>) target_semaphore(%run_scoped3A_185 : memref<!tpu.dma_semaphore, #tpu.memory_space<semaphore_mem>>)
        %dma_wait3A = arith.constant 0 : i32
        %dma_wait3A_191 = tpu.memref_slice %arg2[%select_n3A, %run_scoped3A_179, %select_n3A_178, %dma_wait3A] : memref<14x12x14x8192xf32, #tpu.memory_space<hbm>> -> memref<1x1x1x768xf32, #tpu.memory_space<hbm>>
        %dma_wait3A_192 = tpu.memref_squeeze %dma_wait3A_191 : memref<1x1x1x768xf32, #tpu.memory_space<hbm>> -> memref<1x768xf32, #tpu.memory_space<hbm>>
        %dma_wait3A_193 = arith.constant 0 : i32
        %dma_wait3A_194 = tpu.memref_slice %arg2[%select_n3A, %run_scoped3A_179, %select_n3A_178, %dma_wait3A_193] : memref<14x12x14x8192xf32, #tpu.memory_space<hbm>> -> memref<1x1x1x768xf32, #tpu.memory_space<hbm>>
        %dma_wait3A_195 = tpu.memref_squeeze %dma_wait3A_194 : memref<1x1x1x768xf32, #tpu.memory_space<hbm>> -> memref<1x768xf32, #tpu.memory_space<hbm>>
        tpu.wait_dma2 semaphore(%run_scoped3A_185 : memref<!tpu.dma_semaphore, #tpu.memory_space<semaphore_mem>>) src(%dma_wait3A_195 : memref<1x768xf32, #tpu.memory_space<hbm>>) dst(%arg6 : memref<1x768xf32, #tpu.memory_space<vmem>>)
        tpu.yield
      }) : () -> ()
      %run_scoped3A_180 = arith.constant 4 : i32
      "tpu.region"() ({
        %run_scoped3A_185 = tpu.sem_alloc : memref<!tpu.dma_semaphore, #tpu.memory_space<semaphore_mem>>
        %dma_start3A = arith.constant 0 : i32
        %dma_start3A_186 = tpu.memref_slice %arg3[%select_n3A, %run_scoped3A_180, %select_n3A_178, %dma_start3A] : memref<14x12x14x8192xf32, #tpu.memory_space<hbm>> -> memref<1x1x1x768xf32, #tpu.memory_space<hbm>>
        %dma_start3A_187 = tpu.memref_squeeze %dma_start3A_186 : memref<1x1x1x768xf32, #tpu.memory_space<hbm>> -> memref<1x768xf32, #tpu.memory_space<hbm>>
        %dma_start3A_188 = arith.constant 0 : i32
        %dma_start3A_189 = tpu.memref_slice %arg3[%select_n3A, %run_scoped3A_180, %select_n3A_178, %dma_start3A_188] : memref<14x12x14x8192xf32, #tpu.memory_space<hbm>> -> memref<1x1x1x768xf32, #tpu.memory_space<hbm>>
        %dma_start3A_190 = tpu.memref_squeeze %dma_start3A_189 : memref<1x1x1x768xf32, #tpu.memory_space<hbm>> -> memref<1x768xf32, #tpu.memory_space<hbm>>
        tpu.enqueue_dma source(%dma_start3A_190 : memref<1x768xf32, #tpu.memory_space<hbm>>) target(%arg7 : memref<1x768xf32, #tpu.memory_space<vmem>>) target_semaphore(%run_scoped3A_185 : memref<!tpu.dma_semaphore, #tpu.memory_space<semaphore_mem>>)
        %dma_wait3A = arith.constant 0 : i32
        %dma_wait3A_191 = tpu.memref_slice %arg3[%select_n3A, %run_scoped3A_180, %select_n3A_178, %dma_wait3A] : memref<14x12x14x8192xf32, #tpu.memory_space<hbm>> -> memref<1x1x1x768xf32, #tpu.memory_space<hbm>>
        %dma_wait3A_192 = tpu.memref_squeeze %dma_wait3A_191 : memref<1x1x1x768xf32, #tpu.memory_space<hbm>> -> memref<1x768xf32, #tpu.memory_space<hbm>>
        %dma_wait3A_193 = arith.constant 0 : i32
        %dma_wait3A_194 = tpu.memref_slice %arg3[%select_n3A, %run_scoped3A_180, %select_n3A_178, %dma_wait3A_193] : memref<14x12x14x8192xf32, #tpu.memory_space<hbm>> -> memref<1x1x1x768xf32, #tpu.memory_space<hbm>>
        %dma_wait3A_195 = tpu.memref_squeeze %dma_wait3A_194 : memref<1x1x1x768xf32, #tpu.memory_space<hbm>> -> memref<1x768xf32, #tpu.memory_space<hbm>>
        tpu.wait_dma2 semaphore(%run_scoped3A_185 : memref<!tpu.dma_semaphore, #tpu.memory_space<semaphore_mem>>) src(%dma_wait3A_195 : memref<1x768xf32, #tpu.memory_space<hbm>>) dst(%arg7 : memref<1x768xf32, #tpu.memory_space<vmem>>)
        tpu.yield
      }) : () -> ()
      %scan3A = arith.constant 0 : i32
      %scan3A_181 = arith.constant 12 : i32
      %scan3A_182 = arith.addi %scan3A, %scan3A_181 : i32
      %scan3A_183 = arith.constant 1 : i32
      scf.for %scan3A_185 = %scan3A to %scan3A_182 step %scan3A_183  : i32 {
        %mul3A_186 = arith.constant 64 : i32
        %mul3A_187 = arith.muli %scan3A_185, %mul3A_186 : i32
        %add3A_188 = arith.constant 0 : i32
        %add3A_189 = arith.addi %add3A_188, %mul3A_187 : i32
        %add3A_190 = arith.constant 0 : i32
        %add3A_191 = arith.addi %add3A_189, %add3A_190 : i32
        %get3A_192 = arith.constant 0 : index
        %get3A_193 = arith.index_cast %add3A_191 : i32 to index
        %get3A_194 = tpu.vector_load %arg5[%get3A_192, %get3A_193] {strides = array<i32>} : memref<1x768xf32, #tpu.memory_space<vmem>>, vector<1x16xf32>,
        %get3A_195 = vector.shape_cast %get3A_194 : vector<1x16xf32> to vector<1x16xf32>
        %get3A_196 = arith.constant 0 : index
        %get3A_197 = arith.index_cast %add3A_191 : i32 to index
        %get3A_198 = tpu.vector_load %arg6[%get3A_196, %get3A_197] {strides = array<i32>} : memref<1x768xf32, #tpu.memory_space<vmem>>, vector<1x16xf32>,
        %get3A_199 = vector.shape_cast %get3A_198 : vector<1x16xf32> to vector<1x16xf32>
        %get3A_200 = arith.constant 0 : index
        %get3A_201 = arith.index_cast %add3A_191 : i32 to index
        %get3A_202 = tpu.vector_load %arg7[%get3A_200, %get3A_201] {strides = array<i32>} : memref<1x768xf32, #tpu.memory_space<vmem>>, vector<1x16xf32>,
        %get3A_203 = vector.shape_cast %get3A_202 : vector<1x16xf32> to vector<1x16xf32>
        %get3A_204 = arith.constant 0 : index
        %get3A_205 = arith.constant 0 : index
        %get3A_206 = tpu.vector_load %arg8[%get3A_204, %get3A_205] {strides = array<i32>} : memref<4x16xf32, #tpu.memory_space<vmem>>, vector<1x16xf32>,
        %get3A_207 = vector.shape_cast %get3A_206 : vector<1x16xf32> to vector<1x16xf32>
        %mul3A_208 = arith.mulf %get3A_195, %get3A_195 : vector<1x16xf32>
        %mul3A_209 = arith.mulf %get3A_199, %get3A_199 : vector<1x16xf32>
        %add3A_210 = arith.addf %mul3A_208, %mul3A_209 : vector<1x16xf32>
        %sub3A_211 = arith.constant 1.000000e+00 : f32
        %sub3A_212 = vector.broadcast %sub3A_211 : f32 to vector<1x16xf32>
        %sub3A_213 = arith.subf %sub3A_212, %get3A_203 : vector<1x16xf32>
        %mul3A_214 = arith.mulf %add3A_210, %sub3A_213 : vector<1x16xf32>
        %add3A_215 = arith.addf %get3A_207, %mul3A_214 : vector<1x16xf32>
        %swap3A_216 = arith.constant 0 : index
        %swap3A_217 = arith.constant 0 : index
        %swap3A_218 = tpu.vector_load %arg8[%swap3A_216, %swap3A_217] {strides = array<i32>} : memref<4x16xf32, #tpu.memory_space<vmem>>, vector<1x16xf32>,
        %swap3A_219 = vector.shape_cast %swap3A_218 : vector<1x16xf32> to vector<1x16xf32>
        %swap3A_220 = vector.shape_cast %add3A_215 : vector<1x16xf32> to vector<1x16xf32>
        tpu.vector_store %arg8[%swap3A_216, %swap3A_217], %swap3A_220 {strides = array<i32>} : memref<4x16xf32, #tpu.memory_space<vmem>>, vector<1x16xf32>,
        %get3A_221 = arith.constant 0 : index
        %get3A_222 = arith.constant 0 : index
        %get3A_223 = tpu.vector_load %arg9[%get3A_221, %get3A_222] {strides = array<i32>} : memref<4x16xf32, #tpu.memory_space<vmem>>, vector<1x16xf32>,
        %get3A_224 = vector.shape_cast %get3A_223 : vector<1x16xf32> to vector<1x16xf32>
        %add3A_225 = arith.addf %get3A_224, %get3A_203 : vector<1x16xf32>
        %swap3A_226 = arith.constant 0 : index
        %swap3A_227 = arith.constant 0 : index
        %swap3A_228 = tpu.vector_load %arg9[%swap3A_226, %swap3A_227] {strides = array<i32>} : memref<4x16xf32, #tpu.memory_space<vmem>>, vector<1x16xf32>,
        %swap3A_229 = vector.shape_cast %swap3A_228 : vector<1x16xf32> to vector<1x16xf32>
        %swap3A_230 = vector.shape_cast %add3A_225 : vector<1x16xf32> to vector<1x16xf32>
        tpu.vector_store %arg9[%swap3A_226, %swap3A_227], %swap3A_230 {strides = array<i32>} : memref<4x16xf32, #tpu.memory_space<vmem>>, vector<1x16xf32>,
        %add3A_231 = arith.constant 16 : i32
        %add3A_232 = arith.addi %add3A_189, %add3A_231 : i32
        %get3A_233 = arith.constant 0 : index
        %get3A_234 = arith.index_cast %add3A_232 : i32 to index
        %get3A_235 = tpu.vector_load %arg5[%get3A_233, %get3A_234] {strides = array<i32>} : memref<1x768xf32, #tpu.memory_space<vmem>>, vector<1x16xf32>,
        %get3A_236 = vector.shape_cast %get3A_235 : vector<1x16xf32> to vector<1x16xf32>
        %get3A_237 = arith.constant 0 : index
        %get3A_238 = arith.index_cast %add3A_232 : i32 to index
        %get3A_239 = tpu.vector_load %arg6[%get3A_237, %get3A_238] {strides = array<i32>} : memref<1x768xf32, #tpu.memory_space<vmem>>, vector<1x16xf32>,
        %get3A_240 = vector.shape_cast %get3A_239 : vector<1x16xf32> to vector<1x16xf32>
        %get3A_241 = arith.constant 0 : index
        %get3A_242 = arith.index_cast %add3A_232 : i32 to index
        %get3A_243 = tpu.vector_load %arg7[%get3A_241, %get3A_242] {strides = array<i32>} : memref<1x768xf32, #tpu.memory_space<vmem>>, vector<1x16xf32>,
        %get3A_244 = vector.shape_cast %get3A_243 : vector<1x16xf32> to vector<1x16xf32>
        %get3A_245 = arith.constant 1 : index
        %get3A_246 = arith.constant 0 : index
        %get3A_247 = tpu.vector_load %arg8[%get3A_245, %get3A_246] {strides = array<i32>} : memref<4x16xf32, #tpu.memory_space<vmem>>, vector<1x16xf32>,
        %get3A_248 = vector.shape_cast %get3A_247 : vector<1x16xf32> to vector<1x16xf32>
        %mul3A_249 = arith.mulf %get3A_236, %get3A_236 : vector<1x16xf32>
        %mul3A_250 = arith.mulf %get3A_240, %get3A_240 : vector<1x16xf32>
        %add3A_251 = arith.addf %mul3A_249, %mul3A_250 : vector<1x16xf32>
        %sub3A_252 = arith.constant 1.000000e+00 : f32
        %sub3A_253 = vector.broadcast %sub3A_252 : f32 to vector<1x16xf32>
        %sub3A_254 = arith.subf %sub3A_253, %get3A_244 : vector<1x16xf32>
        %mul3A_255 = arith.mulf %add3A_251, %sub3A_254 : vector<1x16xf32>
        %add3A_256 = arith.addf %get3A_248, %mul3A_255 : vector<1x16xf32>
        %swap3A_257 = arith.constant 1 : index
        %swap3A_258 = arith.constant 0 : index
        %swap3A_259 = tpu.vector_load %arg8[%swap3A_257, %swap3A_258] {strides = array<i32>} : memref<4x16xf32, #tpu.memory_space<vmem>>, vector<1x16xf32>,
        %swap3A_260 = vector.shape_cast %swap3A_259 : vector<1x16xf32> to vector<1x16xf32>
        %swap3A_261 = vector.shape_cast %add3A_256 : vector<1x16xf32> to vector<1x16xf32>
        tpu.vector_store %arg8[%swap3A_257, %swap3A_258], %swap3A_261 {strides = array<i32>} : memref<4x16xf32, #tpu.memory_space<vmem>>, vector<1x16xf32>,
        %get3A_262 = arith.constant 1 : index
        %get3A_263 = arith.constant 0 : index
        %get3A_264 = tpu.vector_load %arg9[%get3A_262, %get3A_263] {strides = array<i32>} : memref<4x16xf32, #tpu.memory_space<vmem>>, vector<1x16xf32>,
        %get3A_265 = vector.shape_cast %get3A_264 : vector<1x16xf32> to vector<1x16xf32>
        %add3A_266 = arith.addf %get3A_265, %get3A_244 : vector<1x16xf32>
        %swap3A_267 = arith.constant 1 : index
        %swap3A_268 = arith.constant 0 : index
        %swap3A_269 = tpu.vector_load %arg9[%swap3A_267, %swap3A_268] {strides = array<i32>} : memref<4x16xf32, #tpu.memory_space<vmem>>, vector<1x16xf32>,
        %swap3A_270 = vector.shape_cast %swap3A_269 : vector<1x16xf32> to vector<1x16xf32>
        %swap3A_271 = vector.shape_cast %add3A_266 : vector<1x16xf32> to vector<1x16xf32>
        tpu.vector_store %arg9[%swap3A_267, %swap3A_268], %swap3A_271 {strides = array<i32>} : memref<4x16xf32, #tpu.memory_space<vmem>>, vector<1x16xf32>,
        %add3A_272 = arith.constant 32 : i32
        %add3A_273 = arith.addi %add3A_189, %add3A_272 : i32
        %get3A_274 = arith.constant 0 : index
        %get3A_275 = arith.index_cast %add3A_273 : i32 to index
        %get3A_276 = tpu.vector_load %arg5[%get3A_274, %get3A_275] {strides = array<i32>} : memref<1x768xf32, #tpu.memory_space<vmem>>, vector<1x16xf32>,
        %get3A_277 = vector.shape_cast %get3A_276 : vector<1x16xf32> to vector<1x16xf32>
        %get3A_278 = arith.constant 0 : index
        %get3A_279 = arith.index_cast %add3A_273 : i32 to index
        %get3A_280 = tpu.vector_load %arg6[%get3A_278, %get3A_279] {strides = array<i32>} : memref<1x768xf32, #tpu.memory_space<vmem>>, vector<1x16xf32>,
        %get3A_281 = vector.shape_cast %get3A_280 : vector<1x16xf32> to vector<1x16xf32>
        %get3A_282 = arith.constant 0 : index
        %get3A_283 = arith.index_cast %add3A_273 : i32 to index
        %get3A_284 = tpu.vector_load %arg7[%get3A_282, %get3A_283] {strides = array<i32>} : memref<1x768xf32, #tpu.memory_space<vmem>>, vector<1x16xf32>,
        %get3A_285 = vector.shape_cast %get3A_284 : vector<1x16xf32> to vector<1x16xf32>
        %get3A_286 = arith.constant 2 : index
        %get3A_287 = arith.constant 0 : index
        %get3A_288 = tpu.vector_load %arg8[%get3A_286, %get3A_287] {strides = array<i32>} : memref<4x16xf32, #tpu.memory_space<vmem>>, vector<1x16xf32>,
        %get3A_289 = vector.shape_cast %get3A_288 : vector<1x16xf32> to vector<1x16xf32>
        %mul3A_290 = arith.mulf %get3A_277, %get3A_277 : vector<1x16xf32>
        %mul3A_291 = arith.mulf %get3A_281, %get3A_281 : vector<1x16xf32>
        %add3A_292 = arith.addf %mul3A_290, %mul3A_291 : vector<1x16xf32>
        %sub3A_293 = arith.constant 1.000000e+00 : f32
        %sub3A_294 = vector.broadcast %sub3A_293 : f32 to vector<1x16xf32>
        %sub3A_295 = arith.subf %sub3A_294, %get3A_285 : vector<1x16xf32>
        %mul3A_296 = arith.mulf %add3A_292, %sub3A_295 : vector<1x16xf32>
        %add3A_297 = arith.addf %get3A_289, %mul3A_296 : vector<1x16xf32>
        %swap3A_298 = arith.constant 2 : index
        %swap3A_299 = arith.constant 0 : index
        %swap3A_300 = tpu.vector_load %arg8[%swap3A_298, %swap3A_299] {strides = array<i32>} : memref<4x16xf32, #tpu.memory_space<vmem>>, vector<1x16xf32>,
        %swap3A_301 = vector.shape_cast %swap3A_300 : vector<1x16xf32> to vector<1x16xf32>
        %swap3A_302 = vector.shape_cast %add3A_297 : vector<1x16xf32> to vector<1x16xf32>
        tpu.vector_store %arg8[%swap3A_298, %swap3A_299], %swap3A_302 {strides = array<i32>} : memref<4x16xf32, #tpu.memory_space<vmem>>, vector<1x16xf32>,
        %get3A_303 = arith.constant 2 : index
        %get3A_304 = arith.constant 0 : index
        %get3A_305 = tpu.vector_load %arg9[%get3A_303, %get3A_304] {strides = array<i32>} : memref<4x16xf32, #tpu.memory_space<vmem>>, vector<1x16xf32>,
        %get3A_306 = vector.shape_cast %get3A_305 : vector<1x16xf32> to vector<1x16xf32>
        %add3A_307 = arith.addf %get3A_306, %get3A_285 : vector<1x16xf32>
        %swap3A_308 = arith.constant 2 : index
        %swap3A_309 = arith.constant 0 : index
        %swap3A_310 = tpu.vector_load %arg9[%swap3A_308, %swap3A_309] {strides = array<i32>} : memref<4x16xf32, #tpu.memory_space<vmem>>, vector<1x16xf32>,
        %swap3A_311 = vector.shape_cast %swap3A_310 : vector<1x16xf32> to vector<1x16xf32>
        %swap3A_312 = vector.shape_cast %add3A_307 : vector<1x16xf32> to vector<1x16xf32>
        tpu.vector_store %arg9[%swap3A_308, %swap3A_309], %swap3A_312 {strides = array<i32>} : memref<4x16xf32, #tpu.memory_space<vmem>>, vector<1x16xf32>,
        %add3A_313 = arith.constant 48 : i32
        %add3A_314 = arith.addi %add3A_189, %add3A_313 : i32
        %get3A_315 = arith.constant 0 : index
        %get3A_316 = arith.index_cast %add3A_314 : i32 to index
        %get3A_317 = tpu.vector_load %arg5[%get3A_315, %get3A_316] {strides = array<i32>} : memref<1x768xf32, #tpu.memory_space<vmem>>, vector<1x16xf32>,
        %get3A_318 = vector.shape_cast %get3A_317 : vector<1x16xf32> to vector<1x16xf32>
        %get3A_319 = arith.constant 0 : index
        %get3A_320 = arith.index_cast %add3A_314 : i32 to index
        %get3A_321 = tpu.vector_load %arg6[%get3A_319, %get3A_320] {strides = array<i32>} : memref<1x768xf32, #tpu.memory_space<vmem>>, vector<1x16xf32>,
        %get3A_322 = vector.shape_cast %get3A_321 : vector<1x16xf32> to vector<1x16xf32>
        %get3A_323 = arith.constant 0 : index
        %get3A_324 = arith.index_cast %add3A_314 : i32 to index
        %get3A_325 = tpu.vector_load %arg7[%get3A_323, %get3A_324] {strides = array<i32>} : memref<1x768xf32, #tpu.memory_space<vmem>>, vector<1x16xf32>,
        %get3A_326 = vector.shape_cast %get3A_325 : vector<1x16xf32> to vector<1x16xf32>
        %get3A_327 = arith.constant 3 : index
        %get3A_328 = arith.constant 0 : index
        %get3A_329 = tpu.vector_load %arg8[%get3A_327, %get3A_328] {strides = array<i32>} : memref<4x16xf32, #tpu.memory_space<vmem>>, vector<1x16xf32>,
        %get3A_330 = vector.shape_cast %get3A_329 : vector<1x16xf32> to vector<1x16xf32>
        %mul3A_331 = arith.mulf %get3A_318, %get3A_318 : vector<1x16xf32>
        %mul3A_332 = arith.mulf %get3A_322, %get3A_322 : vector<1x16xf32>
        %add3A_333 = arith.addf %mul3A_331, %mul3A_332 : vector<1x16xf32>
        %sub3A_334 = arith.constant 1.000000e+00 : f32
        %sub3A_335 = vector.broadcast %sub3A_334 : f32 to vector<1x16xf32>
        %sub3A_336 = arith.subf %sub3A_335, %get3A_326 : vector<1x16xf32>
        %mul3A_337 = arith.mulf %add3A_333, %sub3A_336 : vector<1x16xf32>
        %add3A_338 = arith.addf %get3A_330, %mul3A_337 : vector<1x16xf32>
        %swap3A_339 = arith.constant 3 : index
        %swap3A_340 = arith.constant 0 : index
        %swap3A_341 = tpu.vector_load %arg8[%swap3A_339, %swap3A_340] {strides = array<i32>} : memref<4x16xf32, #tpu.memory_space<vmem>>, vector<1x16xf32>,
        %swap3A_342 = vector.shape_cast %swap3A_341 : vector<1x16xf32> to vector<1x16xf32>
        %swap3A_343 = vector.shape_cast %add3A_338 : vector<1x16xf32> to vector<1x16xf32>
        tpu.vector_store %arg8[%swap3A_339, %swap3A_340], %swap3A_343 {strides = array<i32>} : memref<4x16xf32, #tpu.memory_space<vmem>>, vector<1x16xf32>,
        %get3A_344 = arith.constant 3 : index
        %get3A_345 = arith.constant 0 : index
        %get3A_346 = tpu.vector_load %arg9[%get3A_344, %get3A_345] {strides = array<i32>} : memref<4x16xf32, #tpu.memory_space<vmem>>, vector<1x16xf32>,
        %get3A_347 = vector.shape_cast %get3A_346 : vector<1x16xf32> to vector<1x16xf32>
        %add3A_348 = arith.addf %get3A_347, %get3A_326 : vector<1x16xf32>
        %swap3A_349 = arith.constant 3 : index
        %swap3A_350 = arith.constant 0 : index
        %swap3A_351 = tpu.vector_load %arg9[%swap3A_349, %swap3A_350] {strides = array<i32>} : memref<4x16xf32, #tpu.memory_space<vmem>>, vector<1x16xf32>,
        %swap3A_352 = vector.shape_cast %swap3A_351 : vector<1x16xf32> to vector<1x16xf32>
        %swap3A_353 = vector.shape_cast %add3A_348 : vector<1x16xf32> to vector<1x16xf32>
        tpu.vector_store %arg9[%swap3A_349, %swap3A_350], %swap3A_353 {strides = array<i32>} : memref<4x16xf32, #tpu.memory_space<vmem>>, vector<1x16xf32>,
      }
      %scan3A_184 = arith.constant 12 : i32
    } else {
    }
    %add3A_66 = arith.constant 64 : i32
    %add3A_67 = arith.addi %add3A, %add3A_66 : i32
    %lt3A_68 = arith.constant 196 : i32
    %lt3A_69 = arith.cmpi slt, %add3A_67, %lt3A_68 : i32
    %convert_element_type3A_70 = arith.extui %lt3A_69 : i1 to i32
    %cond3A_71 = arith.constant 0 : i32
    %cond3A_72 = arith.cmpi ne, %convert_element_type3A_70, %cond3A_71 : i32
    scf.if %cond3A_72 {
      %jit3A = arith.constant 14 : i32
      %div3A = arith.divsi %add3A_67, %jit3A : i32
      %sign3A = arith.constant 0 : i32
      %sign3A_148 = arith.cmpi sgt, %add3A_67, %sign3A : i32
      %sign3A_149 = arith.extui %sign3A_148 : i1 to i32
      %sign3A_150 = arith.constant 0 : i32
      %sign3A_151 = arith.cmpi slt, %add3A_67, %sign3A_150 : i32
      %sign3A_152 = arith.extui %sign3A_151 : i1 to i32
      %sign3A_153 = arith.subi %sign3A_149, %sign3A_152 : i32
      %sign3A_154 = arith.constant 0 : i32
      %sign3A_155 = arith.cmpi sgt, %jit3A, %sign3A_154 : i32
      %sign3A_156 = arith.extui %sign3A_155 : i1 to i32
      %sign3A_157 = arith.constant 0 : i32
      %sign3A_158 = arith.cmpi slt, %jit3A, %sign3A_157 : i32
      %sign3A_159 = arith.extui %sign3A_158 : i1 to i32
      %sign3A_160 = arith.subi %sign3A_156, %sign3A_159 : i32
      %ne3A = arith.cmpi ne, %sign3A_153, %sign3A_160 : i32
      %rem3A = arith.remsi %add3A_67, %jit3A : i32
      %ne3A_161 = arith.constant 0 : i32
      %ne3A_162 = arith.cmpi ne, %rem3A, %ne3A_161 : i32
      %and3A = arith.andi %ne3A, %ne3A_162 : i1
      %sub3A = arith.constant 1 : i32
      %sub3A_163 = arith.subi %div3A, %sub3A : i32
      %select_n3A = arith.select %and3A, %sub3A_163, %div3A : i32
      %jit3A_164 = arith.constant 14 : i32
      %eq3A = arith.constant 0 : i32
      %eq3A_165 = arith.cmpi eq, %jit3A_164, %eq3A : i32
      %jit3A_166 = arith.constant 1 : i32
      %select_n3A_167 = arith.select %eq3A_165, %jit3A_166, %jit3A_164 : i32
      %rem3A_168 = arith.remsi %add3A_67, %select_n3A_167 : i32
      %ne3A_169 = arith.constant 0 : i32
      %ne3A_170 = arith.cmpi ne, %rem3A_168, %ne3A_169 : i32
      %lt3A_171 = arith.constant 0 : i32
      %lt3A_172 = arith.cmpi slt, %rem3A_168, %lt3A_171 : i32
      %lt3A_173 = arith.constant 0 : i32
      %lt3A_174 = arith.cmpi slt, %select_n3A_167, %lt3A_173 : i32
      %ne3A_175 = arith.xori %lt3A_172, %lt3A_174 : i1
      %and3A_176 = arith.andi %ne3A_175, %ne3A_170 : i1
      %add3A_177 = arith.addi %rem3A_168, %select_n3A_167 : i32
      %select_n3A_178 = arith.select %and3A_176, %add3A_177, %rem3A_168 : i32
      %run_scoped3A = arith.constant 4 : i32
      "tpu.region"() ({
        %run_scoped3A_185 = tpu.sem_alloc : memref<!tpu.dma_semaphore, #tpu.memory_space<semaphore_mem>>
        %dma_start3A = arith.constant 0 : i32
        %dma_start3A_186 = tpu.memref_slice %arg2[%select_n3A, %run_scoped3A, %select_n3A_178, %dma_start3A] : memref<14x12x14x8192xf32, #tpu.memory_space<hbm>> -> memref<1x1x1x768xf32, #tpu.memory_space<hbm>>
        %dma_start3A_187 = tpu.memref_squeeze %dma_start3A_186 : memref<1x1x1x768xf32, #tpu.memory_space<hbm>> -> memref<1x768xf32, #tpu.memory_space<hbm>>
        %dma_start3A_188 = arith.constant 0 : i32
        %dma_start3A_189 = tpu.memref_slice %arg2[%select_n3A, %run_scoped3A, %select_n3A_178, %dma_start3A_188] : memref<14x12x14x8192xf32, #tpu.memory_space<hbm>> -> memref<1x1x1x768xf32, #tpu.memory_space<hbm>>
        %dma_start3A_190 = tpu.memref_squeeze %dma_start3A_189 : memref<1x1x1x768xf32, #tpu.memory_space<hbm>> -> memref<1x768xf32, #tpu.memory_space<hbm>>
        tpu.enqueue_dma source(%dma_start3A_190 : memref<1x768xf32, #tpu.memory_space<hbm>>) target(%arg5 : memref<1x768xf32, #tpu.memory_space<vmem>>) target_semaphore(%run_scoped3A_185 : memref<!tpu.dma_semaphore, #tpu.memory_space<semaphore_mem>>)
        %dma_wait3A = arith.constant 0 : i32
        %dma_wait3A_191 = tpu.memref_slice %arg2[%select_n3A, %run_scoped3A, %select_n3A_178, %dma_wait3A] : memref<14x12x14x8192xf32, #tpu.memory_space<hbm>> -> memref<1x1x1x768xf32, #tpu.memory_space<hbm>>
        %dma_wait3A_192 = tpu.memref_squeeze %dma_wait3A_191 : memref<1x1x1x768xf32, #tpu.memory_space<hbm>> -> memref<1x768xf32, #tpu.memory_space<hbm>>
        %dma_wait3A_193 = arith.constant 0 : i32
        %dma_wait3A_194 = tpu.memref_slice %arg2[%select_n3A, %run_scoped3A, %select_n3A_178, %dma_wait3A_193] : memref<14x12x14x8192xf32, #tpu.memory_space<hbm>> -> memref<1x1x1x768xf32, #tpu.memory_space<hbm>>
        %dma_wait3A_195 = tpu.memref_squeeze %dma_wait3A_194 : memref<1x1x1x768xf32, #tpu.memory_space<hbm>> -> memref<1x768xf32, #tpu.memory_space<hbm>>
        tpu.wait_dma2 semaphore(%run_scoped3A_185 : memref<!tpu.dma_semaphore, #tpu.memory_space<semaphore_mem>>) src(%dma_wait3A_195 : memref<1x768xf32, #tpu.memory_space<hbm>>) dst(%arg5 : memref<1x768xf32, #tpu.memory_space<vmem>>)
        tpu.yield
      }) : () -> ()
      %run_scoped3A_179 = arith.constant 9 : i32
      "tpu.region"() ({
        %run_scoped3A_185 = tpu.sem_alloc : memref<!tpu.dma_semaphore, #tpu.memory_space<semaphore_mem>>
        %dma_start3A = arith.constant 0 : i32
        %dma_start3A_186 = tpu.memref_slice %arg2[%select_n3A, %run_scoped3A_179, %select_n3A_178, %dma_start3A] : memref<14x12x14x8192xf32, #tpu.memory_space<hbm>> -> memref<1x1x1x768xf32, #tpu.memory_space<hbm>>
        %dma_start3A_187 = tpu.memref_squeeze %dma_start3A_186 : memref<1x1x1x768xf32, #tpu.memory_space<hbm>> -> memref<1x768xf32, #tpu.memory_space<hbm>>
        %dma_start3A_188 = arith.constant 0 : i32
        %dma_start3A_189 = tpu.memref_slice %arg2[%select_n3A, %run_scoped3A_179, %select_n3A_178, %dma_start3A_188] : memref<14x12x14x8192xf32, #tpu.memory_space<hbm>> -> memref<1x1x1x768xf32, #tpu.memory_space<hbm>>
        %dma_start3A_190 = tpu.memref_squeeze %dma_start3A_189 : memref<1x1x1x768xf32, #tpu.memory_space<hbm>> -> memref<1x768xf32, #tpu.memory_space<hbm>>
        tpu.enqueue_dma source(%dma_start3A_190 : memref<1x768xf32, #tpu.memory_space<hbm>>) target(%arg6 : memref<1x768xf32, #tpu.memory_space<vmem>>) target_semaphore(%run_scoped3A_185 : memref<!tpu.dma_semaphore, #tpu.memory_space<semaphore_mem>>)
        %dma_wait3A = arith.constant 0 : i32
        %dma_wait3A_191 = tpu.memref_slice %arg2[%select_n3A, %run_scoped3A_179, %select_n3A_178, %dma_wait3A] : memref<14x12x14x8192xf32, #tpu.memory_space<hbm>> -> memref<1x1x1x768xf32, #tpu.memory_space<hbm>>
        %dma_wait3A_192 = tpu.memref_squeeze %dma_wait3A_191 : memref<1x1x1x768xf32, #tpu.memory_space<hbm>> -> memref<1x768xf32, #tpu.memory_space<hbm>>
        %dma_wait3A_193 = arith.constant 0 : i32
        %dma_wait3A_194 = tpu.memref_slice %arg2[%select_n3A, %run_scoped3A_179, %select_n3A_178, %dma_wait3A_193] : memref<14x12x14x8192xf32, #tpu.memory_space<hbm>> -> memref<1x1x1x768xf32, #tpu.memory_space<hbm>>
        %dma_wait3A_195 = tpu.memref_squeeze %dma_wait3A_194 : memref<1x1x1x768xf32, #tpu.memory_space<hbm>> -> memref<1x768xf32, #tpu.memory_space<hbm>>
        tpu.wait_dma2 semaphore(%run_scoped3A_185 : memref<!tpu.dma_semaphore, #tpu.memory_space<semaphore_mem>>) src(%dma_wait3A_195 : memref<1x768xf32, #tpu.memory_space<hbm>>) dst(%arg6 : memref<1x768xf32, #tpu.memory_space<vmem>>)
        tpu.yield
      }) : () -> ()
      %run_scoped3A_180 = arith.constant 4 : i32
      "tpu.region"() ({
        %run_scoped3A_185 = tpu.sem_alloc : memref<!tpu.dma_semaphore, #tpu.memory_space<semaphore_mem>>
        %dma_start3A = arith.constant 0 : i32
        %dma_start3A_186 = tpu.memref_slice %arg3[%select_n3A, %run_scoped3A_180, %select_n3A_178, %dma_start3A] : memref<14x12x14x8192xf32, #tpu.memory_space<hbm>> -> memref<1x1x1x768xf32, #tpu.memory_space<hbm>>
        %dma_start3A_187 = tpu.memref_squeeze %dma_start3A_186 : memref<1x1x1x768xf32, #tpu.memory_space<hbm>> -> memref<1x768xf32, #tpu.memory_space<hbm>>
        %dma_start3A_188 = arith.constant 0 : i32
        %dma_start3A_189 = tpu.memref_slice %arg3[%select_n3A, %run_scoped3A_180, %select_n3A_178, %dma_start3A_188] : memref<14x12x14x8192xf32, #tpu.memory_space<hbm>> -> memref<1x1x1x768xf32, #tpu.memory_space<hbm>>
        %dma_start3A_190 = tpu.memref_squeeze %dma_start3A_189 : memref<1x1x1x768xf32, #tpu.memory_space<hbm>> -> memref<1x768xf32, #tpu.memory_space<hbm>>
        tpu.enqueue_dma source(%dma_start3A_190 : memref<1x768xf32, #tpu.memory_space<hbm>>) target(%arg7 : memref<1x768xf32, #tpu.memory_space<vmem>>) target_semaphore(%run_scoped3A_185 : memref<!tpu.dma_semaphore, #tpu.memory_space<semaphore_mem>>)
        %dma_wait3A = arith.constant 0 : i32
        %dma_wait3A_191 = tpu.memref_slice %arg3[%select_n3A, %run_scoped3A_180, %select_n3A_178, %dma_wait3A] : memref<14x12x14x8192xf32, #tpu.memory_space<hbm>> -> memref<1x1x1x768xf32, #tpu.memory_space<hbm>>
        %dma_wait3A_192 = tpu.memref_squeeze %dma_wait3A_191 : memref<1x1x1x768xf32, #tpu.memory_space<hbm>> -> memref<1x768xf32, #tpu.memory_space<hbm>>
        %dma_wait3A_193 = arith.constant 0 : i32
        %dma_wait3A_194 = tpu.memref_slice %arg3[%select_n3A, %run_scoped3A_180, %select_n3A_178, %dma_wait3A_193] : memref<14x12x14x8192xf32, #tpu.memory_space<hbm>> -> memref<1x1x1x768xf32, #tpu.memory_space<hbm>>
        %dma_wait3A_195 = tpu.memref_squeeze %dma_wait3A_194 : memref<1x1x1x768xf32, #tpu.memory_space<hbm>> -> memref<1x768xf32, #tpu.memory_space<hbm>>
        tpu.wait_dma2 semaphore(%run_scoped3A_185 : memref<!tpu.dma_semaphore, #tpu.memory_space<semaphore_mem>>) src(%dma_wait3A_195 : memref<1x768xf32, #tpu.memory_space<hbm>>) dst(%arg7 : memref<1x768xf32, #tpu.memory_space<vmem>>)
        tpu.yield
      }) : () -> ()
      %scan3A = arith.constant 0 : i32
      %scan3A_181 = arith.constant 12 : i32
      %scan3A_182 = arith.addi %scan3A, %scan3A_181 : i32
      %scan3A_183 = arith.constant 1 : i32
      scf.for %scan3A_185 = %scan3A to %scan3A_182 step %scan3A_183  : i32 {
        %mul3A_186 = arith.constant 64 : i32
        %mul3A_187 = arith.muli %scan3A_185, %mul3A_186 : i32
        %add3A_188 = arith.constant 0 : i32
        %add3A_189 = arith.addi %add3A_188, %mul3A_187 : i32
        %add3A_190 = arith.constant 0 : i32
        %add3A_191 = arith.addi %add3A_189, %add3A_190 : i32
        %get3A_192 = arith.constant 0 : index
        %get3A_193 = arith.index_cast %add3A_191 : i32 to index
        %get3A_194 = tpu.vector_load %arg5[%get3A_192, %get3A_193] {strides = array<i32>} : memref<1x768xf32, #tpu.memory_space<vmem>>, vector<1x16xf32>,
        %get3A_195 = vector.shape_cast %get3A_194 : vector<1x16xf32> to vector<1x16xf32>
        %get3A_196 = arith.constant 0 : index
        %get3A_197 = arith.index_cast %add3A_191 : i32 to index
        %get3A_198 = tpu.vector_load %arg6[%get3A_196, %get3A_197] {strides = array<i32>} : memref<1x768xf32, #tpu.memory_space<vmem>>, vector<1x16xf32>,
        %get3A_199 = vector.shape_cast %get3A_198 : vector<1x16xf32> to vector<1x16xf32>
        %get3A_200 = arith.constant 0 : index
        %get3A_201 = arith.index_cast %add3A_191 : i32 to index
        %get3A_202 = tpu.vector_load %arg7[%get3A_200, %get3A_201] {strides = array<i32>} : memref<1x768xf32, #tpu.memory_space<vmem>>, vector<1x16xf32>,
        %get3A_203 = vector.shape_cast %get3A_202 : vector<1x16xf32> to vector<1x16xf32>
        %get3A_204 = arith.constant 0 : index
        %get3A_205 = arith.constant 0 : index
        %get3A_206 = tpu.vector_load %arg8[%get3A_204, %get3A_205] {strides = array<i32>} : memref<4x16xf32, #tpu.memory_space<vmem>>, vector<1x16xf32>,
        %get3A_207 = vector.shape_cast %get3A_206 : vector<1x16xf32> to vector<1x16xf32>
        %mul3A_208 = arith.mulf %get3A_195, %get3A_195 : vector<1x16xf32>
        %mul3A_209 = arith.mulf %get3A_199, %get3A_199 : vector<1x16xf32>
        %add3A_210 = arith.addf %mul3A_208, %mul3A_209 : vector<1x16xf32>
        %sub3A_211 = arith.constant 1.000000e+00 : f32
        %sub3A_212 = vector.broadcast %sub3A_211 : f32 to vector<1x16xf32>
        %sub3A_213 = arith.subf %sub3A_212, %get3A_203 : vector<1x16xf32>
        %mul3A_214 = arith.mulf %add3A_210, %sub3A_213 : vector<1x16xf32>
        %add3A_215 = arith.addf %get3A_207, %mul3A_214 : vector<1x16xf32>
        %swap3A_216 = arith.constant 0 : index
        %swap3A_217 = arith.constant 0 : index
        %swap3A_218 = tpu.vector_load %arg8[%swap3A_216, %swap3A_217] {strides = array<i32>} : memref<4x16xf32, #tpu.memory_space<vmem>>, vector<1x16xf32>,
        %swap3A_219 = vector.shape_cast %swap3A_218 : vector<1x16xf32> to vector<1x16xf32>
        %swap3A_220 = vector.shape_cast %add3A_215 : vector<1x16xf32> to vector<1x16xf32>
        tpu.vector_store %arg8[%swap3A_216, %swap3A_217], %swap3A_220 {strides = array<i32>} : memref<4x16xf32, #tpu.memory_space<vmem>>, vector<1x16xf32>,
        %get3A_221 = arith.constant 0 : index
        %get3A_222 = arith.constant 0 : index
        %get3A_223 = tpu.vector_load %arg9[%get3A_221, %get3A_222] {strides = array<i32>} : memref<4x16xf32, #tpu.memory_space<vmem>>, vector<1x16xf32>,
        %get3A_224 = vector.shape_cast %get3A_223 : vector<1x16xf32> to vector<1x16xf32>
        %add3A_225 = arith.addf %get3A_224, %get3A_203 : vector<1x16xf32>
        %swap3A_226 = arith.constant 0 : index
        %swap3A_227 = arith.constant 0 : index
        %swap3A_228 = tpu.vector_load %arg9[%swap3A_226, %swap3A_227] {strides = array<i32>} : memref<4x16xf32, #tpu.memory_space<vmem>>, vector<1x16xf32>,
        %swap3A_229 = vector.shape_cast %swap3A_228 : vector<1x16xf32> to vector<1x16xf32>
        %swap3A_230 = vector.shape_cast %add3A_225 : vector<1x16xf32> to vector<1x16xf32>
        tpu.vector_store %arg9[%swap3A_226, %swap3A_227], %swap3A_230 {strides = array<i32>} : memref<4x16xf32, #tpu.memory_space<vmem>>, vector<1x16xf32>,
        %add3A_231 = arith.constant 16 : i32
        %add3A_232 = arith.addi %add3A_189, %add3A_231 : i32
        %get3A_233 = arith.constant 0 : index
        %get3A_234 = arith.index_cast %add3A_232 : i32 to index
        %get3A_235 = tpu.vector_load %arg5[%get3A_233, %get3A_234] {strides = array<i32>} : memref<1x768xf32, #tpu.memory_space<vmem>>, vector<1x16xf32>,
        %get3A_236 = vector.shape_cast %get3A_235 : vector<1x16xf32> to vector<1x16xf32>
        %get3A_237 = arith.constant 0 : index
        %get3A_238 = arith.index_cast %add3A_232 : i32 to index
        %get3A_239 = tpu.vector_load %arg6[%get3A_237, %get3A_238] {strides = array<i32>} : memref<1x768xf32, #tpu.memory_space<vmem>>, vector<1x16xf32>,
        %get3A_240 = vector.shape_cast %get3A_239 : vector<1x16xf32> to vector<1x16xf32>
        %get3A_241 = arith.constant 0 : index
        %get3A_242 = arith.index_cast %add3A_232 : i32 to index
        %get3A_243 = tpu.vector_load %arg7[%get3A_241, %get3A_242] {strides = array<i32>} : memref<1x768xf32, #tpu.memory_space<vmem>>, vector<1x16xf32>,
        %get3A_244 = vector.shape_cast %get3A_243 : vector<1x16xf32> to vector<1x16xf32>
        %get3A_245 = arith.constant 1 : index
        %get3A_246 = arith.constant 0 : index
        %get3A_247 = tpu.vector_load %arg8[%get3A_245, %get3A_246] {strides = array<i32>} : memref<4x16xf32, #tpu.memory_space<vmem>>, vector<1x16xf32>,
        %get3A_248 = vector.shape_cast %get3A_247 : vector<1x16xf32> to vector<1x16xf32>
        %mul3A_249 = arith.mulf %get3A_236, %get3A_236 : vector<1x16xf32>
        %mul3A_250 = arith.mulf %get3A_240, %get3A_240 : vector<1x16xf32>
        %add3A_251 = arith.addf %mul3A_249, %mul3A_250 : vector<1x16xf32>
        %sub3A_252 = arith.constant 1.000000e+00 : f32
        %sub3A_253 = vector.broadcast %sub3A_252 : f32 to vector<1x16xf32>
        %sub3A_254 = arith.subf %sub3A_253, %get3A_244 : vector<1x16xf32>
        %mul3A_255 = arith.mulf %add3A_251, %sub3A_254 : vector<1x16xf32>
        %add3A_256 = arith.addf %get3A_248, %mul3A_255 : vector<1x16xf32>
        %swap3A_257 = arith.constant 1 : index
        %swap3A_258 = arith.constant 0 : index
        %swap3A_259 = tpu.vector_load %arg8[%swap3A_257, %swap3A_258] {strides = array<i32>} : memref<4x16xf32, #tpu.memory_space<vmem>>, vector<1x16xf32>,
        %swap3A_260 = vector.shape_cast %swap3A_259 : vector<1x16xf32> to vector<1x16xf32>
        %swap3A_261 = vector.shape_cast %add3A_256 : vector<1x16xf32> to vector<1x16xf32>
        tpu.vector_store %arg8[%swap3A_257, %swap3A_258], %swap3A_261 {strides = array<i32>} : memref<4x16xf32, #tpu.memory_space<vmem>>, vector<1x16xf32>,
        %get3A_262 = arith.constant 1 : index
        %get3A_263 = arith.constant 0 : index
        %get3A_264 = tpu.vector_load %arg9[%get3A_262, %get3A_263] {strides = array<i32>} : memref<4x16xf32, #tpu.memory_space<vmem>>, vector<1x16xf32>,
        %get3A_265 = vector.shape_cast %get3A_264 : vector<1x16xf32> to vector<1x16xf32>
        %add3A_266 = arith.addf %get3A_265, %get3A_244 : vector<1x16xf32>
        %swap3A_267 = arith.constant 1 : index
        %swap3A_268 = arith.constant 0 : index
        %swap3A_269 = tpu.vector_load %arg9[%swap3A_267, %swap3A_268] {strides = array<i32>} : memref<4x16xf32, #tpu.memory_space<vmem>>, vector<1x16xf32>,
        %swap3A_270 = vector.shape_cast %swap3A_269 : vector<1x16xf32> to vector<1x16xf32>
        %swap3A_271 = vector.shape_cast %add3A_266 : vector<1x16xf32> to vector<1x16xf32>
        tpu.vector_store %arg9[%swap3A_267, %swap3A_268], %swap3A_271 {strides = array<i32>} : memref<4x16xf32, #tpu.memory_space<vmem>>, vector<1x16xf32>,
        %add3A_272 = arith.constant 32 : i32
        %add3A_273 = arith.addi %add3A_189, %add3A_272 : i32
        %get3A_274 = arith.constant 0 : index
        %get3A_275 = arith.index_cast %add3A_273 : i32 to index
        %get3A_276 = tpu.vector_load %arg5[%get3A_274, %get3A_275] {strides = array<i32>} : memref<1x768xf32, #tpu.memory_space<vmem>>, vector<1x16xf32>,
        %get3A_277 = vector.shape_cast %get3A_276 : vector<1x16xf32> to vector<1x16xf32>
        %get3A_278 = arith.constant 0 : index
        %get3A_279 = arith.index_cast %add3A_273 : i32 to index
        %get3A_280 = tpu.vector_load %arg6[%get3A_278, %get3A_279] {strides = array<i32>} : memref<1x768xf32, #tpu.memory_space<vmem>>, vector<1x16xf32>,
        %get3A_281 = vector.shape_cast %get3A_280 : vector<1x16xf32> to vector<1x16xf32>
        %get3A_282 = arith.constant 0 : index
        %get3A_283 = arith.index_cast %add3A_273 : i32 to index
        %get3A_284 = tpu.vector_load %arg7[%get3A_282, %get3A_283] {strides = array<i32>} : memref<1x768xf32, #tpu.memory_space<vmem>>, vector<1x16xf32>,
        %get3A_285 = vector.shape_cast %get3A_284 : vector<1x16xf32> to vector<1x16xf32>
        %get3A_286 = arith.constant 2 : index
        %get3A_287 = arith.constant 0 : index
        %get3A_288 = tpu.vector_load %arg8[%get3A_286, %get3A_287] {strides = array<i32>} : memref<4x16xf32, #tpu.memory_space<vmem>>, vector<1x16xf32>,
        %get3A_289 = vector.shape_cast %get3A_288 : vector<1x16xf32> to vector<1x16xf32>
        %mul3A_290 = arith.mulf %get3A_277, %get3A_277 : vector<1x16xf32>
        %mul3A_291 = arith.mulf %get3A_281, %get3A_281 : vector<1x16xf32>
        %add3A_292 = arith.addf %mul3A_290, %mul3A_291 : vector<1x16xf32>
        %sub3A_293 = arith.constant 1.000000e+00 : f32
        %sub3A_294 = vector.broadcast %sub3A_293 : f32 to vector<1x16xf32>
        %sub3A_295 = arith.subf %sub3A_294, %get3A_285 : vector<1x16xf32>
        %mul3A_296 = arith.mulf %add3A_292, %sub3A_295 : vector<1x16xf32>
        %add3A_297 = arith.addf %get3A_289, %mul3A_296 : vector<1x16xf32>
        %swap3A_298 = arith.constant 2 : index
        %swap3A_299 = arith.constant 0 : index
        %swap3A_300 = tpu.vector_load %arg8[%swap3A_298, %swap3A_299] {strides = array<i32>} : memref<4x16xf32, #tpu.memory_space<vmem>>, vector<1x16xf32>,
        %swap3A_301 = vector.shape_cast %swap3A_300 : vector<1x16xf32> to vector<1x16xf32>
        %swap3A_302 = vector.shape_cast %add3A_297 : vector<1x16xf32> to vector<1x16xf32>
        tpu.vector_store %arg8[%swap3A_298, %swap3A_299], %swap3A_302 {strides = array<i32>} : memref<4x16xf32, #tpu.memory_space<vmem>>, vector<1x16xf32>,
        %get3A_303 = arith.constant 2 : index
        %get3A_304 = arith.constant 0 : index
        %get3A_305 = tpu.vector_load %arg9[%get3A_303, %get3A_304] {strides = array<i32>} : memref<4x16xf32, #tpu.memory_space<vmem>>, vector<1x16xf32>,
        %get3A_306 = vector.shape_cast %get3A_305 : vector<1x16xf32> to vector<1x16xf32>
        %add3A_307 = arith.addf %get3A_306, %get3A_285 : vector<1x16xf32>
        %swap3A_308 = arith.constant 2 : index
        %swap3A_309 = arith.constant 0 : index
        %swap3A_310 = tpu.vector_load %arg9[%swap3A_308, %swap3A_309] {strides = array<i32>} : memref<4x16xf32, #tpu.memory_space<vmem>>, vector<1x16xf32>,
        %swap3A_311 = vector.shape_cast %swap3A_310 : vector<1x16xf32> to vector<1x16xf32>
        %swap3A_312 = vector.shape_cast %add3A_307 : vector<1x16xf32> to vector<1x16xf32>
        tpu.vector_store %arg9[%swap3A_308, %swap3A_309], %swap3A_312 {strides = array<i32>} : memref<4x16xf32, #tpu.memory_space<vmem>>, vector<1x16xf32>,
        %add3A_313 = arith.constant 48 : i32
        %add3A_314 = arith.addi %add3A_189, %add3A_313 : i32
        %get3A_315 = arith.constant 0 : index
        %get3A_316 = arith.index_cast %add3A_314 : i32 to index
        %get3A_317 = tpu.vector_load %arg5[%get3A_315, %get3A_316] {strides = array<i32>} : memref<1x768xf32, #tpu.memory_space<vmem>>, vector<1x16xf32>,
        %get3A_318 = vector.shape_cast %get3A_317 : vector<1x16xf32> to vector<1x16xf32>
        %get3A_319 = arith.constant 0 : index
        %get3A_320 = arith.index_cast %add3A_314 : i32 to index
        %get3A_321 = tpu.vector_load %arg6[%get3A_319, %get3A_320] {strides = array<i32>} : memref<1x768xf32, #tpu.memory_space<vmem>>, vector<1x16xf32>,
        %get3A_322 = vector.shape_cast %get3A_321 : vector<1x16xf32> to vector<1x16xf32>
        %get3A_323 = arith.constant 0 : index
        %get3A_324 = arith.index_cast %add3A_314 : i32 to index
        %get3A_325 = tpu.vector_load %arg7[%get3A_323, %get3A_324] {strides = array<i32>} : memref<1x768xf32, #tpu.memory_space<vmem>>, vector<1x16xf32>,
        %get3A_326 = vector.shape_cast %get3A_325 : vector<1x16xf32> to vector<1x16xf32>
        %get3A_327 = arith.constant 3 : index
        %get3A_328 = arith.constant 0 : index
        %get3A_329 = tpu.vector_load %arg8[%get3A_327, %get3A_328] {strides = array<i32>} : memref<4x16xf32, #tpu.memory_space<vmem>>, vector<1x16xf32>,
        %get3A_330 = vector.shape_cast %get3A_329 : vector<1x16xf32> to vector<1x16xf32>
        %mul3A_331 = arith.mulf %get3A_318, %get3A_318 : vector<1x16xf32>
        %mul3A_332 = arith.mulf %get3A_322, %get3A_322 : vector<1x16xf32>
        %add3A_333 = arith.addf %mul3A_331, %mul3A_332 : vector<1x16xf32>
        %sub3A_334 = arith.constant 1.000000e+00 : f32
        %sub3A_335 = vector.broadcast %sub3A_334 : f32 to vector<1x16xf32>
        %sub3A_336 = arith.subf %sub3A_335, %get3A_326 : vector<1x16xf32>
        %mul3A_337 = arith.mulf %add3A_333, %sub3A_336 : vector<1x16xf32>
        %add3A_338 = arith.addf %get3A_330, %mul3A_337 : vector<1x16xf32>
        %swap3A_339 = arith.constant 3 : index
        %swap3A_340 = arith.constant 0 : index
        %swap3A_341 = tpu.vector_load %arg8[%swap3A_339, %swap3A_340] {strides = array<i32>} : memref<4x16xf32, #tpu.memory_space<vmem>>, vector<1x16xf32>,
        %swap3A_342 = vector.shape_cast %swap3A_341 : vector<1x16xf32> to vector<1x16xf32>
        %swap3A_343 = vector.shape_cast %add3A_338 : vector<1x16xf32> to vector<1x16xf32>
        tpu.vector_store %arg8[%swap3A_339, %swap3A_340], %swap3A_343 {strides = array<i32>} : memref<4x16xf32, #tpu.memory_space<vmem>>, vector<1x16xf32>,
        %get3A_344 = arith.constant 3 : index
        %get3A_345 = arith.constant 0 : index
        %get3A_346 = tpu.vector_load %arg9[%get3A_344, %get3A_345] {strides = array<i32>} : memref<4x16xf32, #tpu.memory_space<vmem>>, vector<1x16xf32>,
        %get3A_347 = vector.shape_cast %get3A_346 : vector<1x16xf32> to vector<1x16xf32>
        %add3A_348 = arith.addf %get3A_347, %get3A_326 : vector<1x16xf32>
        %swap3A_349 = arith.constant 3 : index
        %swap3A_350 = arith.constant 0 : index
        %swap3A_351 = tpu.vector_load %arg9[%swap3A_349, %swap3A_350] {strides = array<i32>} : memref<4x16xf32, #tpu.memory_space<vmem>>, vector<1x16xf32>,
        %swap3A_352 = vector.shape_cast %swap3A_351 : vector<1x16xf32> to vector<1x16xf32>
        %swap3A_353 = vector.shape_cast %add3A_348 : vector<1x16xf32> to vector<1x16xf32>
        tpu.vector_store %arg9[%swap3A_349, %swap3A_350], %swap3A_353 {strides = array<i32>} : memref<4x16xf32, #tpu.memory_space<vmem>>, vector<1x16xf32>,
      }
      %scan3A_184 = arith.constant 12 : i32
    } else {
    }
    %add3A_73 = arith.constant 96 : i32
    %add3A_74 = arith.addi %add3A, %add3A_73 : i32
    %lt3A_75 = arith.constant 196 : i32
    %lt3A_76 = arith.cmpi slt, %add3A_74, %lt3A_75 : i32
    %convert_element_type3A_77 = arith.extui %lt3A_76 : i1 to i32
    %cond3A_78 = arith.constant 0 : i32
    %cond3A_79 = arith.cmpi ne, %convert_element_type3A_77, %cond3A_78 : i32
    scf.if %cond3A_79 {
      %jit3A = arith.constant 14 : i32
      %div3A = arith.divsi %add3A_74, %jit3A : i32
      %sign3A = arith.constant 0 : i32
      %sign3A_148 = arith.cmpi sgt, %add3A_74, %sign3A : i32
      %sign3A_149 = arith.extui %sign3A_148 : i1 to i32
      %sign3A_150 = arith.constant 0 : i32
      %sign3A_151 = arith.cmpi slt, %add3A_74, %sign3A_150 : i32
      %sign3A_152 = arith.extui %sign3A_151 : i1 to i32
      %sign3A_153 = arith.subi %sign3A_149, %sign3A_152 : i32
      %sign3A_154 = arith.constant 0 : i32
      %sign3A_155 = arith.cmpi sgt, %jit3A, %sign3A_154 : i32
      %sign3A_156 = arith.extui %sign3A_155 : i1 to i32
      %sign3A_157 = arith.constant 0 : i32
      %sign3A_158 = arith.cmpi slt, %jit3A, %sign3A_157 : i32
      %sign3A_159 = arith.extui %sign3A_158 : i1 to i32
      %sign3A_160 = arith.subi %sign3A_156, %sign3A_159 : i32
      %ne3A = arith.cmpi ne, %sign3A_153, %sign3A_160 : i32
      %rem3A = arith.remsi %add3A_74, %jit3A : i32
      %ne3A_161 = arith.constant 0 : i32
      %ne3A_162 = arith.cmpi ne, %rem3A, %ne3A_161 : i32
      %and3A = arith.andi %ne3A, %ne3A_162 : i1
      %sub3A = arith.constant 1 : i32
      %sub3A_163 = arith.subi %div3A, %sub3A : i32
      %select_n3A = arith.select %and3A, %sub3A_163, %div3A : i32
      %jit3A_164 = arith.constant 14 : i32
      %eq3A = arith.constant 0 : i32
      %eq3A_165 = arith.cmpi eq, %jit3A_164, %eq3A : i32
      %jit3A_166 = arith.constant 1 : i32
      %select_n3A_167 = arith.select %eq3A_165, %jit3A_166, %jit3A_164 : i32
      %rem3A_168 = arith.remsi %add3A_74, %select_n3A_167 : i32
      %ne3A_169 = arith.constant 0 : i32
      %ne3A_170 = arith.cmpi ne, %rem3A_168, %ne3A_169 : i32
      %lt3A_171 = arith.constant 0 : i32
      %lt3A_172 = arith.cmpi slt, %rem3A_168, %lt3A_171 : i32
      %lt3A_173 = arith.constant 0 : i32
      %lt3A_174 = arith.cmpi slt, %select_n3A_167, %lt3A_173 : i32
      %ne3A_175 = arith.xori %lt3A_172, %lt3A_174 : i1
      %and3A_176 = arith.andi %ne3A_175, %ne3A_170 : i1
      %add3A_177 = arith.addi %rem3A_168, %select_n3A_167 : i32
      %select_n3A_178 = arith.select %and3A_176, %add3A_177, %rem3A_168 : i32
      %run_scoped3A = arith.constant 4 : i32
      "tpu.region"() ({
        %run_scoped3A_185 = tpu.sem_alloc : memref<!tpu.dma_semaphore, #tpu.memory_space<semaphore_mem>>
        %dma_start3A = arith.constant 0 : i32
        %dma_start3A_186 = tpu.memref_slice %arg2[%select_n3A, %run_scoped3A, %select_n3A_178, %dma_start3A] : memref<14x12x14x8192xf32, #tpu.memory_space<hbm>> -> memref<1x1x1x768xf32, #tpu.memory_space<hbm>>
        %dma_start3A_187 = tpu.memref_squeeze %dma_start3A_186 : memref<1x1x1x768xf32, #tpu.memory_space<hbm>> -> memref<1x768xf32, #tpu.memory_space<hbm>>
        %dma_start3A_188 = arith.constant 0 : i32
        %dma_start3A_189 = tpu.memref_slice %arg2[%select_n3A, %run_scoped3A, %select_n3A_178, %dma_start3A_188] : memref<14x12x14x8192xf32, #tpu.memory_space<hbm>> -> memref<1x1x1x768xf32, #tpu.memory_space<hbm>>
        %dma_start3A_190 = tpu.memref_squeeze %dma_start3A_189 : memref<1x1x1x768xf32, #tpu.memory_space<hbm>> -> memref<1x768xf32, #tpu.memory_space<hbm>>
        tpu.enqueue_dma source(%dma_start3A_190 : memref<1x768xf32, #tpu.memory_space<hbm>>) target(%arg5 : memref<1x768xf32, #tpu.memory_space<vmem>>) target_semaphore(%run_scoped3A_185 : memref<!tpu.dma_semaphore, #tpu.memory_space<semaphore_mem>>)
        %dma_wait3A = arith.constant 0 : i32
        %dma_wait3A_191 = tpu.memref_slice %arg2[%select_n3A, %run_scoped3A, %select_n3A_178, %dma_wait3A] : memref<14x12x14x8192xf32, #tpu.memory_space<hbm>> -> memref<1x1x1x768xf32, #tpu.memory_space<hbm>>
        %dma_wait3A_192 = tpu.memref_squeeze %dma_wait3A_191 : memref<1x1x1x768xf32, #tpu.memory_space<hbm>> -> memref<1x768xf32, #tpu.memory_space<hbm>>
        %dma_wait3A_193 = arith.constant 0 : i32
        %dma_wait3A_194 = tpu.memref_slice %arg2[%select_n3A, %run_scoped3A, %select_n3A_178, %dma_wait3A_193] : memref<14x12x14x8192xf32, #tpu.memory_space<hbm>> -> memref<1x1x1x768xf32, #tpu.memory_space<hbm>>
        %dma_wait3A_195 = tpu.memref_squeeze %dma_wait3A_194 : memref<1x1x1x768xf32, #tpu.memory_space<hbm>> -> memref<1x768xf32, #tpu.memory_space<hbm>>
        tpu.wait_dma2 semaphore(%run_scoped3A_185 : memref<!tpu.dma_semaphore, #tpu.memory_space<semaphore_mem>>) src(%dma_wait3A_195 : memref<1x768xf32, #tpu.memory_space<hbm>>) dst(%arg5 : memref<1x768xf32, #tpu.memory_space<vmem>>)
        tpu.yield
      }) : () -> ()
      %run_scoped3A_179 = arith.constant 9 : i32
      "tpu.region"() ({
        %run_scoped3A_185 = tpu.sem_alloc : memref<!tpu.dma_semaphore, #tpu.memory_space<semaphore_mem>>
        %dma_start3A = arith.constant 0 : i32
        %dma_start3A_186 = tpu.memref_slice %arg2[%select_n3A, %run_scoped3A_179, %select_n3A_178, %dma_start3A] : memref<14x12x14x8192xf32, #tpu.memory_space<hbm>> -> memref<1x1x1x768xf32, #tpu.memory_space<hbm>>
        %dma_start3A_187 = tpu.memref_squeeze %dma_start3A_186 : memref<1x1x1x768xf32, #tpu.memory_space<hbm>> -> memref<1x768xf32, #tpu.memory_space<hbm>>
        %dma_start3A_188 = arith.constant 0 : i32
        %dma_start3A_189 = tpu.memref_slice %arg2[%select_n3A, %run_scoped3A_179, %select_n3A_178, %dma_start3A_188] : memref<14x12x14x8192xf32, #tpu.memory_space<hbm>> -> memref<1x1x1x768xf32, #tpu.memory_space<hbm>>
        %dma_start3A_190 = tpu.memref_squeeze %dma_start3A_189 : memref<1x1x1x768xf32, #tpu.memory_space<hbm>> -> memref<1x768xf32, #tpu.memory_space<hbm>>
        tpu.enqueue_dma source(%dma_start3A_190 : memref<1x768xf32, #tpu.memory_space<hbm>>) target(%arg6 : memref<1x768xf32, #tpu.memory_space<vmem>>) target_semaphore(%run_scoped3A_185 : memref<!tpu.dma_semaphore, #tpu.memory_space<semaphore_mem>>)
        %dma_wait3A = arith.constant 0 : i32
        %dma_wait3A_191 = tpu.memref_slice %arg2[%select_n3A, %run_scoped3A_179, %select_n3A_178, %dma_wait3A] : memref<14x12x14x8192xf32, #tpu.memory_space<hbm>> -> memref<1x1x1x768xf32, #tpu.memory_space<hbm>>
        %dma_wait3A_192 = tpu.memref_squeeze %dma_wait3A_191 : memref<1x1x1x768xf32, #tpu.memory_space<hbm>> -> memref<1x768xf32, #tpu.memory_space<hbm>>
        %dma_wait3A_193 = arith.constant 0 : i32
        %dma_wait3A_194 = tpu.memref_slice %arg2[%select_n3A, %run_scoped3A_179, %select_n3A_178, %dma_wait3A_193] : memref<14x12x14x8192xf32, #tpu.memory_space<hbm>> -> memref<1x1x1x768xf32, #tpu.memory_space<hbm>>
        %dma_wait3A_195 = tpu.memref_squeeze %dma_wait3A_194 : memref<1x1x1x768xf32, #tpu.memory_space<hbm>> -> memref<1x768xf32, #tpu.memory_space<hbm>>
        tpu.wait_dma2 semaphore(%run_scoped3A_185 : memref<!tpu.dma_semaphore, #tpu.memory_space<semaphore_mem>>) src(%dma_wait3A_195 : memref<1x768xf32, #tpu.memory_space<hbm>>) dst(%arg6 : memref<1x768xf32, #tpu.memory_space<vmem>>)
        tpu.yield
      }) : () -> ()
      %run_scoped3A_180 = arith.constant 4 : i32
      "tpu.region"() ({
        %run_scoped3A_185 = tpu.sem_alloc : memref<!tpu.dma_semaphore, #tpu.memory_space<semaphore_mem>>
        %dma_start3A = arith.constant 0 : i32
        %dma_start3A_186 = tpu.memref_slice %arg3[%select_n3A, %run_scoped3A_180, %select_n3A_178, %dma_start3A] : memref<14x12x14x8192xf32, #tpu.memory_space<hbm>> -> memref<1x1x1x768xf32, #tpu.memory_space<hbm>>
        %dma_start3A_187 = tpu.memref_squeeze %dma_start3A_186 : memref<1x1x1x768xf32, #tpu.memory_space<hbm>> -> memref<1x768xf32, #tpu.memory_space<hbm>>
        %dma_start3A_188 = arith.constant 0 : i32
        %dma_start3A_189 = tpu.memref_slice %arg3[%select_n3A, %run_scoped3A_180, %select_n3A_178, %dma_start3A_188] : memref<14x12x14x8192xf32, #tpu.memory_space<hbm>> -> memref<1x1x1x768xf32, #tpu.memory_space<hbm>>
        %dma_start3A_190 = tpu.memref_squeeze %dma_start3A_189 : memref<1x1x1x768xf32, #tpu.memory_space<hbm>> -> memref<1x768xf32, #tpu.memory_space<hbm>>
        tpu.enqueue_dma source(%dma_start3A_190 : memref<1x768xf32, #tpu.memory_space<hbm>>) target(%arg7 : memref<1x768xf32, #tpu.memory_space<vmem>>) target_semaphore(%run_scoped3A_185 : memref<!tpu.dma_semaphore, #tpu.memory_space<semaphore_mem>>)
        %dma_wait3A = arith.constant 0 : i32
        %dma_wait3A_191 = tpu.memref_slice %arg3[%select_n3A, %run_scoped3A_180, %select_n3A_178, %dma_wait3A] : memref<14x12x14x8192xf32, #tpu.memory_space<hbm>> -> memref<1x1x1x768xf32, #tpu.memory_space<hbm>>
        %dma_wait3A_192 = tpu.memref_squeeze %dma_wait3A_191 : memref<1x1x1x768xf32, #tpu.memory_space<hbm>> -> memref<1x768xf32, #tpu.memory_space<hbm>>
        %dma_wait3A_193 = arith.constant 0 : i32
        %dma_wait3A_194 = tpu.memref_slice %arg3[%select_n3A, %run_scoped3A_180, %select_n3A_178, %dma_wait3A_193] : memref<14x12x14x8192xf32, #tpu.memory_space<hbm>> -> memref<1x1x1x768xf32, #tpu.memory_space<hbm>>
        %dma_wait3A_195 = tpu.memref_squeeze %dma_wait3A_194 : memref<1x1x1x768xf32, #tpu.memory_space<hbm>> -> memref<1x768xf32, #tpu.memory_space<hbm>>
        tpu.wait_dma2 semaphore(%run_scoped3A_185 : memref<!tpu.dma_semaphore, #tpu.memory_space<semaphore_mem>>) src(%dma_wait3A_195 : memref<1x768xf32, #tpu.memory_space<hbm>>) dst(%arg7 : memref<1x768xf32, #tpu.memory_space<vmem>>)
        tpu.yield
      }) : () -> ()
      %scan3A = arith.constant 0 : i32
      %scan3A_181 = arith.constant 12 : i32
      %scan3A_182 = arith.addi %scan3A, %scan3A_181 : i32
      %scan3A_183 = arith.constant 1 : i32
      scf.for %scan3A_185 = %scan3A to %scan3A_182 step %scan3A_183  : i32 {
        %mul3A_186 = arith.constant 64 : i32
        %mul3A_187 = arith.muli %scan3A_185, %mul3A_186 : i32
        %add3A_188 = arith.constant 0 : i32
        %add3A_189 = arith.addi %add3A_188, %mul3A_187 : i32
        %add3A_190 = arith.constant 0 : i32
        %add3A_191 = arith.addi %add3A_189, %add3A_190 : i32
        %get3A_192 = arith.constant 0 : index
        %get3A_193 = arith.index_cast %add3A_191 : i32 to index
        %get3A_194 = tpu.vector_load %arg5[%get3A_192, %get3A_193] {strides = array<i32>} : memref<1x768xf32, #tpu.memory_space<vmem>>, vector<1x16xf32>,
        %get3A_195 = vector.shape_cast %get3A_194 : vector<1x16xf32> to vector<1x16xf32>
        %get3A_196 = arith.constant 0 : index
        %get3A_197 = arith.index_cast %add3A_191 : i32 to index
        %get3A_198 = tpu.vector_load %arg6[%get3A_196, %get3A_197] {strides = array<i32>} : memref<1x768xf32, #tpu.memory_space<vmem>>, vector<1x16xf32>,
        %get3A_199 = vector.shape_cast %get3A_198 : vector<1x16xf32> to vector<1x16xf32>
        %get3A_200 = arith.constant 0 : index
        %get3A_201 = arith.index_cast %add3A_191 : i32 to index
        %get3A_202 = tpu.vector_load %arg7[%get3A_200, %get3A_201] {strides = array<i32>} : memref<1x768xf32, #tpu.memory_space<vmem>>, vector<1x16xf32>,
        %get3A_203 = vector.shape_cast %get3A_202 : vector<1x16xf32> to vector<1x16xf32>
        %get3A_204 = arith.constant 0 : index
        %get3A_205 = arith.constant 0 : index
        %get3A_206 = tpu.vector_load %arg8[%get3A_204, %get3A_205] {strides = array<i32>} : memref<4x16xf32, #tpu.memory_space<vmem>>, vector<1x16xf32>,
        %get3A_207 = vector.shape_cast %get3A_206 : vector<1x16xf32> to vector<1x16xf32>
        %mul3A_208 = arith.mulf %get3A_195, %get3A_195 : vector<1x16xf32>
        %mul3A_209 = arith.mulf %get3A_199, %get3A_199 : vector<1x16xf32>
        %add3A_210 = arith.addf %mul3A_208, %mul3A_209 : vector<1x16xf32>
        %sub3A_211 = arith.constant 1.000000e+00 : f32
        %sub3A_212 = vector.broadcast %sub3A_211 : f32 to vector<1x16xf32>
        %sub3A_213 = arith.subf %sub3A_212, %get3A_203 : vector<1x16xf32>
        %mul3A_214 = arith.mulf %add3A_210, %sub3A_213 : vector<1x16xf32>
        %add3A_215 = arith.addf %get3A_207, %mul3A_214 : vector<1x16xf32>
        %swap3A_216 = arith.constant 0 : index
        %swap3A_217 = arith.constant 0 : index
        %swap3A_218 = tpu.vector_load %arg8[%swap3A_216, %swap3A_217] {strides = array<i32>} : memref<4x16xf32, #tpu.memory_space<vmem>>, vector<1x16xf32>,
        %swap3A_219 = vector.shape_cast %swap3A_218 : vector<1x16xf32> to vector<1x16xf32>
        %swap3A_220 = vector.shape_cast %add3A_215 : vector<1x16xf32> to vector<1x16xf32>
        tpu.vector_store %arg8[%swap3A_216, %swap3A_217], %swap3A_220 {strides = array<i32>} : memref<4x16xf32, #tpu.memory_space<vmem>>, vector<1x16xf32>,
        %get3A_221 = arith.constant 0 : index
        %get3A_222 = arith.constant 0 : index
        %get3A_223 = tpu.vector_load %arg9[%get3A_221, %get3A_222] {strides = array<i32>} : memref<4x16xf32, #tpu.memory_space<vmem>>, vector<1x16xf32>,
        %get3A_224 = vector.shape_cast %get3A_223 : vector<1x16xf32> to vector<1x16xf32>
        %add3A_225 = arith.addf %get3A_224, %get3A_203 : vector<1x16xf32>
        %swap3A_226 = arith.constant 0 : index
        %swap3A_227 = arith.constant 0 : index
        %swap3A_228 = tpu.vector_load %arg9[%swap3A_226, %swap3A_227] {strides = array<i32>} : memref<4x16xf32, #tpu.memory_space<vmem>>, vector<1x16xf32>,
        %swap3A_229 = vector.shape_cast %swap3A_228 : vector<1x16xf32> to vector<1x16xf32>
        %swap3A_230 = vector.shape_cast %add3A_225 : vector<1x16xf32> to vector<1x16xf32>
        tpu.vector_store %arg9[%swap3A_226, %swap3A_227], %swap3A_230 {strides = array<i32>} : memref<4x16xf32, #tpu.memory_space<vmem>>, vector<1x16xf32>,
        %add3A_231 = arith.constant 16 : i32
        %add3A_232 = arith.addi %add3A_189, %add3A_231 : i32
        %get3A_233 = arith.constant 0 : index
        %get3A_234 = arith.index_cast %add3A_232 : i32 to index
        %get3A_235 = tpu.vector_load %arg5[%get3A_233, %get3A_234] {strides = array<i32>} : memref<1x768xf32, #tpu.memory_space<vmem>>, vector<1x16xf32>,
        %get3A_236 = vector.shape_cast %get3A_235 : vector<1x16xf32> to vector<1x16xf32>
        %get3A_237 = arith.constant 0 : index
        %get3A_238 = arith.index_cast %add3A_232 : i32 to index
        %get3A_239 = tpu.vector_load %arg6[%get3A_237, %get3A_238] {strides = array<i32>} : memref<1x768xf32, #tpu.memory_space<vmem>>, vector<1x16xf32>,
        %get3A_240 = vector.shape_cast %get3A_239 : vector<1x16xf32> to vector<1x16xf32>
        %get3A_241 = arith.constant 0 : index
        %get3A_242 = arith.index_cast %add3A_232 : i32 to index
        %get3A_243 = tpu.vector_load %arg7[%get3A_241, %get3A_242] {strides = array<i32>} : memref<1x768xf32, #tpu.memory_space<vmem>>, vector<1x16xf32>,
        %get3A_244 = vector.shape_cast %get3A_243 : vector<1x16xf32> to vector<1x16xf32>
        %get3A_245 = arith.constant 1 : index
        %get3A_246 = arith.constant 0 : index
        %get3A_247 = tpu.vector_load %arg8[%get3A_245, %get3A_246] {strides = array<i32>} : memref<4x16xf32, #tpu.memory_space<vmem>>, vector<1x16xf32>,
        %get3A_248 = vector.shape_cast %get3A_247 : vector<1x16xf32> to vector<1x16xf32>
        %mul3A_249 = arith.mulf %get3A_236, %get3A_236 : vector<1x16xf32>
        %mul3A_250 = arith.mulf %get3A_240, %get3A_240 : vector<1x16xf32>
        %add3A_251 = arith.addf %mul3A_249, %mul3A_250 : vector<1x16xf32>
        %sub3A_252 = arith.constant 1.000000e+00 : f32
        %sub3A_253 = vector.broadcast %sub3A_252 : f32 to vector<1x16xf32>
        %sub3A_254 = arith.subf %sub3A_253, %get3A_244 : vector<1x16xf32>
        %mul3A_255 = arith.mulf %add3A_251, %sub3A_254 : vector<1x16xf32>
        %add3A_256 = arith.addf %get3A_248, %mul3A_255 : vector<1x16xf32>
        %swap3A_257 = arith.constant 1 : index
        %swap3A_258 = arith.constant 0 : index
        %swap3A_259 = tpu.vector_load %arg8[%swap3A_257, %swap3A_258] {strides = array<i32>} : memref<4x16xf32, #tpu.memory_space<vmem>>, vector<1x16xf32>,
        %swap3A_260 = vector.shape_cast %swap3A_259 : vector<1x16xf32> to vector<1x16xf32>
        %swap3A_261 = vector.shape_cast %add3A_256 : vector<1x16xf32> to vector<1x16xf32>
        tpu.vector_store %arg8[%swap3A_257, %swap3A_258], %swap3A_261 {strides = array<i32>} : memref<4x16xf32, #tpu.memory_space<vmem>>, vector<1x16xf32>,
        %get3A_262 = arith.constant 1 : index
        %get3A_263 = arith.constant 0 : index
        %get3A_264 = tpu.vector_load %arg9[%get3A_262, %get3A_263] {strides = array<i32>} : memref<4x16xf32, #tpu.memory_space<vmem>>, vector<1x16xf32>,
        %get3A_265 = vector.shape_cast %get3A_264 : vector<1x16xf32> to vector<1x16xf32>
        %add3A_266 = arith.addf %get3A_265, %get3A_244 : vector<1x16xf32>
        %swap3A_267 = arith.constant 1 : index
        %swap3A_268 = arith.constant 0 : index
        %swap3A_269 = tpu.vector_load %arg9[%swap3A_267, %swap3A_268] {strides = array<i32>} : memref<4x16xf32, #tpu.memory_space<vmem>>, vector<1x16xf32>,
        %swap3A_270 = vector.shape_cast %swap3A_269 : vector<1x16xf32> to vector<1x16xf32>
        %swap3A_271 = vector.shape_cast %add3A_266 : vector<1x16xf32> to vector<1x16xf32>
        tpu.vector_store %arg9[%swap3A_267, %swap3A_268], %swap3A_271 {strides = array<i32>} : memref<4x16xf32, #tpu.memory_space<vmem>>, vector<1x16xf32>,
        %add3A_272 = arith.constant 32 : i32
        %add3A_273 = arith.addi %add3A_189, %add3A_272 : i32
        %get3A_274 = arith.constant 0 : index
        %get3A_275 = arith.index_cast %add3A_273 : i32 to index
        %get3A_276 = tpu.vector_load %arg5[%get3A_274, %get3A_275] {strides = array<i32>} : memref<1x768xf32, #tpu.memory_space<vmem>>, vector<1x16xf32>,
        %get3A_277 = vector.shape_cast %get3A_276 : vector<1x16xf32> to vector<1x16xf32>
        %get3A_278 = arith.constant 0 : index
        %get3A_279 = arith.index_cast %add3A_273 : i32 to index
        %get3A_280 = tpu.vector_load %arg6[%get3A_278, %get3A_279] {strides = array<i32>} : memref<1x768xf32, #tpu.memory_space<vmem>>, vector<1x16xf32>,
        %get3A_281 = vector.shape_cast %get3A_280 : vector<1x16xf32> to vector<1x16xf32>
        %get3A_282 = arith.constant 0 : index
        %get3A_283 = arith.index_cast %add3A_273 : i32 to index
        %get3A_284 = tpu.vector_load %arg7[%get3A_282, %get3A_283] {strides = array<i32>} : memref<1x768xf32, #tpu.memory_space<vmem>>, vector<1x16xf32>,
        %get3A_285 = vector.shape_cast %get3A_284 : vector<1x16xf32> to vector<1x16xf32>
        %get3A_286 = arith.constant 2 : index
        %get3A_287 = arith.constant 0 : index
        %get3A_288 = tpu.vector_load %arg8[%get3A_286, %get3A_287] {strides = array<i32>} : memref<4x16xf32, #tpu.memory_space<vmem>>, vector<1x16xf32>,
        %get3A_289 = vector.shape_cast %get3A_288 : vector<1x16xf32> to vector<1x16xf32>
        %mul3A_290 = arith.mulf %get3A_277, %get3A_277 : vector<1x16xf32>
        %mul3A_291 = arith.mulf %get3A_281, %get3A_281 : vector<1x16xf32>
        %add3A_292 = arith.addf %mul3A_290, %mul3A_291 : vector<1x16xf32>
        %sub3A_293 = arith.constant 1.000000e+00 : f32
        %sub3A_294 = vector.broadcast %sub3A_293 : f32 to vector<1x16xf32>
        %sub3A_295 = arith.subf %sub3A_294, %get3A_285 : vector<1x16xf32>
        %mul3A_296 = arith.mulf %add3A_292, %sub3A_295 : vector<1x16xf32>
        %add3A_297 = arith.addf %get3A_289, %mul3A_296 : vector<1x16xf32>
        %swap3A_298 = arith.constant 2 : index
        %swap3A_299 = arith.constant 0 : index
        %swap3A_300 = tpu.vector_load %arg8[%swap3A_298, %swap3A_299] {strides = array<i32>} : memref<4x16xf32, #tpu.memory_space<vmem>>, vector<1x16xf32>,
        %swap3A_301 = vector.shape_cast %swap3A_300 : vector<1x16xf32> to vector<1x16xf32>
        %swap3A_302 = vector.shape_cast %add3A_297 : vector<1x16xf32> to vector<1x16xf32>
        tpu.vector_store %arg8[%swap3A_298, %swap3A_299], %swap3A_302 {strides = array<i32>} : memref<4x16xf32, #tpu.memory_space<vmem>>, vector<1x16xf32>,
        %get3A_303 = arith.constant 2 : index
        %get3A_304 = arith.constant 0 : index
        %get3A_305 = tpu.vector_load %arg9[%get3A_303, %get3A_304] {strides = array<i32>} : memref<4x16xf32, #tpu.memory_space<vmem>>, vector<1x16xf32>,
        %get3A_306 = vector.shape_cast %get3A_305 : vector<1x16xf32> to vector<1x16xf32>
        %add3A_307 = arith.addf %get3A_306, %get3A_285 : vector<1x16xf32>
        %swap3A_308 = arith.constant 2 : index
        %swap3A_309 = arith.constant 0 : index
        %swap3A_310 = tpu.vector_load %arg9[%swap3A_308, %swap3A_309] {strides = array<i32>} : memref<4x16xf32, #tpu.memory_space<vmem>>, vector<1x16xf32>,
        %swap3A_311 = vector.shape_cast %swap3A_310 : vector<1x16xf32> to vector<1x16xf32>
        %swap3A_312 = vector.shape_cast %add3A_307 : vector<1x16xf32> to vector<1x16xf32>
        tpu.vector_store %arg9[%swap3A_308, %swap3A_309], %swap3A_312 {strides = array<i32>} : memref<4x16xf32, #tpu.memory_space<vmem>>, vector<1x16xf32>,
        %add3A_313 = arith.constant 48 : i32
        %add3A_314 = arith.addi %add3A_189, %add3A_313 : i32
        %get3A_315 = arith.constant 0 : index
        %get3A_316 = arith.index_cast %add3A_314 : i32 to index
        %get3A_317 = tpu.vector_load %arg5[%get3A_315, %get3A_316] {strides = array<i32>} : memref<1x768xf32, #tpu.memory_space<vmem>>, vector<1x16xf32>,
        %get3A_318 = vector.shape_cast %get3A_317 : vector<1x16xf32> to vector<1x16xf32>
        %get3A_319 = arith.constant 0 : index
        %get3A_320 = arith.index_cast %add3A_314 : i32 to index
        %get3A_321 = tpu.vector_load %arg6[%get3A_319, %get3A_320] {strides = array<i32>} : memref<1x768xf32, #tpu.memory_space<vmem>>, vector<1x16xf32>,
        %get3A_322 = vector.shape_cast %get3A_321 : vector<1x16xf32> to vector<1x16xf32>
        %get3A_323 = arith.constant 0 : index
        %get3A_324 = arith.index_cast %add3A_314 : i32 to index
        %get3A_325 = tpu.vector_load %arg7[%get3A_323, %get3A_324] {strides = array<i32>} : memref<1x768xf32, #tpu.memory_space<vmem>>, vector<1x16xf32>,
        %get3A_326 = vector.shape_cast %get3A_325 : vector<1x16xf32> to vector<1x16xf32>
        %get3A_327 = arith.constant 3 : index
        %get3A_328 = arith.constant 0 : index
        %get3A_329 = tpu.vector_load %arg8[%get3A_327, %get3A_328] {strides = array<i32>} : memref<4x16xf32, #tpu.memory_space<vmem>>, vector<1x16xf32>,
        %get3A_330 = vector.shape_cast %get3A_329 : vector<1x16xf32> to vector<1x16xf32>
        %mul3A_331 = arith.mulf %get3A_318, %get3A_318 : vector<1x16xf32>
        %mul3A_332 = arith.mulf %get3A_322, %get3A_322 : vector<1x16xf32>
        %add3A_333 = arith.addf %mul3A_331, %mul3A_332 : vector<1x16xf32>
        %sub3A_334 = arith.constant 1.000000e+00 : f32
        %sub3A_335 = vector.broadcast %sub3A_334 : f32 to vector<1x16xf32>
        %sub3A_336 = arith.subf %sub3A_335, %get3A_326 : vector<1x16xf32>
        %mul3A_337 = arith.mulf %add3A_333, %sub3A_336 : vector<1x16xf32>
        %add3A_338 = arith.addf %get3A_330, %mul3A_337 : vector<1x16xf32>
        %swap3A_339 = arith.constant 3 : index
        %swap3A_340 = arith.constant 0 : index
        %swap3A_341 = tpu.vector_load %arg8[%swap3A_339, %swap3A_340] {strides = array<i32>} : memref<4x16xf32, #tpu.memory_space<vmem>>, vector<1x16xf32>,
        %swap3A_342 = vector.shape_cast %swap3A_341 : vector<1x16xf32> to vector<1x16xf32>
        %swap3A_343 = vector.shape_cast %add3A_338 : vector<1x16xf32> to vector<1x16xf32>
        tpu.vector_store %arg8[%swap3A_339, %swap3A_340], %swap3A_343 {strides = array<i32>} : memref<4x16xf32, #tpu.memory_space<vmem>>, vector<1x16xf32>,
        %get3A_344 = arith.constant 3 : index
        %get3A_345 = arith.constant 0 : index
        %get3A_346 = tpu.vector_load %arg9[%get3A_344, %get3A_345] {strides = array<i32>} : memref<4x16xf32, #tpu.memory_space<vmem>>, vector<1x16xf32>,
        %get3A_347 = vector.shape_cast %get3A_346 : vector<1x16xf32> to vector<1x16xf32>
        %add3A_348 = arith.addf %get3A_347, %get3A_326 : vector<1x16xf32>
        %swap3A_349 = arith.constant 3 : index
        %swap3A_350 = arith.constant 0 : index
        %swap3A_351 = tpu.vector_load %arg9[%swap3A_349, %swap3A_350] {strides = array<i32>} : memref<4x16xf32, #tpu.memory_space<vmem>>, vector<1x16xf32>,
        %swap3A_352 = vector.shape_cast %swap3A_351 : vector<1x16xf32> to vector<1x16xf32>
        %swap3A_353 = vector.shape_cast %add3A_348 : vector<1x16xf32> to vector<1x16xf32>
        tpu.vector_store %arg9[%swap3A_349, %swap3A_350], %swap3A_353 {strides = array<i32>} : memref<4x16xf32, #tpu.memory_space<vmem>>, vector<1x16xf32>,
      }
      %scan3A_184 = arith.constant 12 : i32
    } else {
    }
    %add3A_80 = arith.constant 128 : i32
    %add3A_81 = arith.addi %add3A, %add3A_80 : i32
    %lt3A_82 = arith.constant 196 : i32
    %lt3A_83 = arith.cmpi slt, %add3A_81, %lt3A_82 : i32
    %convert_element_type3A_84 = arith.extui %lt3A_83 : i1 to i32
    %cond3A_85 = arith.constant 0 : i32
    %cond3A_86 = arith.cmpi ne, %convert_element_type3A_84, %cond3A_85 : i32
    scf.if %cond3A_86 {
      %jit3A = arith.constant 14 : i32
      %div3A = arith.divsi %add3A_81, %jit3A : i32
      %sign3A = arith.constant 0 : i32
      %sign3A_148 = arith.cmpi sgt, %add3A_81, %sign3A : i32
      %sign3A_149 = arith.extui %sign3A_148 : i1 to i32
      %sign3A_150 = arith.constant 0 : i32
      %sign3A_151 = arith.cmpi slt, %add3A_81, %sign3A_150 : i32
      %sign3A_152 = arith.extui %sign3A_151 : i1 to i32
      %sign3A_153 = arith.subi %sign3A_149, %sign3A_152 : i32
      %sign3A_154 = arith.constant 0 : i32
      %sign3A_155 = arith.cmpi sgt, %jit3A, %sign3A_154 : i32
      %sign3A_156 = arith.extui %sign3A_155 : i1 to i32
      %sign3A_157 = arith.constant 0 : i32
      %sign3A_158 = arith.cmpi slt, %jit3A, %sign3A_157 : i32
      %sign3A_159 = arith.extui %sign3A_158 : i1 to i32
      %sign3A_160 = arith.subi %sign3A_156, %sign3A_159 : i32
      %ne3A = arith.cmpi ne, %sign3A_153, %sign3A_160 : i32
      %rem3A = arith.remsi %add3A_81, %jit3A : i32
      %ne3A_161 = arith.constant 0 : i32
      %ne3A_162 = arith.cmpi ne, %rem3A, %ne3A_161 : i32
      %and3A = arith.andi %ne3A, %ne3A_162 : i1
      %sub3A = arith.constant 1 : i32
      %sub3A_163 = arith.subi %div3A, %sub3A : i32
      %select_n3A = arith.select %and3A, %sub3A_163, %div3A : i32
      %jit3A_164 = arith.constant 14 : i32
      %eq3A = arith.constant 0 : i32
      %eq3A_165 = arith.cmpi eq, %jit3A_164, %eq3A : i32
      %jit3A_166 = arith.constant 1 : i32
      %select_n3A_167 = arith.select %eq3A_165, %jit3A_166, %jit3A_164 : i32
      %rem3A_168 = arith.remsi %add3A_81, %select_n3A_167 : i32
      %ne3A_169 = arith.constant 0 : i32
      %ne3A_170 = arith.cmpi ne, %rem3A_168, %ne3A_169 : i32
      %lt3A_171 = arith.constant 0 : i32
      %lt3A_172 = arith.cmpi slt, %rem3A_168, %lt3A_171 : i32
      %lt3A_173 = arith.constant 0 : i32
      %lt3A_174 = arith.cmpi slt, %select_n3A_167, %lt3A_173 : i32
      %ne3A_175 = arith.xori %lt3A_172, %lt3A_174 : i1
      %and3A_176 = arith.andi %ne3A_175, %ne3A_170 : i1
      %add3A_177 = arith.addi %rem3A_168, %select_n3A_167 : i32
      %select_n3A_178 = arith.select %and3A_176, %add3A_177, %rem3A_168 : i32
      %run_scoped3A = arith.constant 4 : i32
      "tpu.region"() ({
        %run_scoped3A_185 = tpu.sem_alloc : memref<!tpu.dma_semaphore, #tpu.memory_space<semaphore_mem>>
        %dma_start3A = arith.constant 0 : i32
        %dma_start3A_186 = tpu.memref_slice %arg2[%select_n3A, %run_scoped3A, %select_n3A_178, %dma_start3A] : memref<14x12x14x8192xf32, #tpu.memory_space<hbm>> -> memref<1x1x1x768xf32, #tpu.memory_space<hbm>>
        %dma_start3A_187 = tpu.memref_squeeze %dma_start3A_186 : memref<1x1x1x768xf32, #tpu.memory_space<hbm>> -> memref<1x768xf32, #tpu.memory_space<hbm>>
        %dma_start3A_188 = arith.constant 0 : i32
        %dma_start3A_189 = tpu.memref_slice %arg2[%select_n3A, %run_scoped3A, %select_n3A_178, %dma_start3A_188] : memref<14x12x14x8192xf32, #tpu.memory_space<hbm>> -> memref<1x1x1x768xf32, #tpu.memory_space<hbm>>
        %dma_start3A_190 = tpu.memref_squeeze %dma_start3A_189 : memref<1x1x1x768xf32, #tpu.memory_space<hbm>> -> memref<1x768xf32, #tpu.memory_space<hbm>>
        tpu.enqueue_dma source(%dma_start3A_190 : memref<1x768xf32, #tpu.memory_space<hbm>>) target(%arg5 : memref<1x768xf32, #tpu.memory_space<vmem>>) target_semaphore(%run_scoped3A_185 : memref<!tpu.dma_semaphore, #tpu.memory_space<semaphore_mem>>)
        %dma_wait3A = arith.constant 0 : i32
        %dma_wait3A_191 = tpu.memref_slice %arg2[%select_n3A, %run_scoped3A, %select_n3A_178, %dma_wait3A] : memref<14x12x14x8192xf32, #tpu.memory_space<hbm>> -> memref<1x1x1x768xf32, #tpu.memory_space<hbm>>
        %dma_wait3A_192 = tpu.memref_squeeze %dma_wait3A_191 : memref<1x1x1x768xf32, #tpu.memory_space<hbm>> -> memref<1x768xf32, #tpu.memory_space<hbm>>
        %dma_wait3A_193 = arith.constant 0 : i32
        %dma_wait3A_194 = tpu.memref_slice %arg2[%select_n3A, %run_scoped3A, %select_n3A_178, %dma_wait3A_193] : memref<14x12x14x8192xf32, #tpu.memory_space<hbm>> -> memref<1x1x1x768xf32, #tpu.memory_space<hbm>>
        %dma_wait3A_195 = tpu.memref_squeeze %dma_wait3A_194 : memref<1x1x1x768xf32, #tpu.memory_space<hbm>> -> memref<1x768xf32, #tpu.memory_space<hbm>>
        tpu.wait_dma2 semaphore(%run_scoped3A_185 : memref<!tpu.dma_semaphore, #tpu.memory_space<semaphore_mem>>) src(%dma_wait3A_195 : memref<1x768xf32, #tpu.memory_space<hbm>>) dst(%arg5 : memref<1x768xf32, #tpu.memory_space<vmem>>)
        tpu.yield
      }) : () -> ()
      %run_scoped3A_179 = arith.constant 9 : i32
      "tpu.region"() ({
        %run_scoped3A_185 = tpu.sem_alloc : memref<!tpu.dma_semaphore, #tpu.memory_space<semaphore_mem>>
        %dma_start3A = arith.constant 0 : i32
        %dma_start3A_186 = tpu.memref_slice %arg2[%select_n3A, %run_scoped3A_179, %select_n3A_178, %dma_start3A] : memref<14x12x14x8192xf32, #tpu.memory_space<hbm>> -> memref<1x1x1x768xf32, #tpu.memory_space<hbm>>
        %dma_start3A_187 = tpu.memref_squeeze %dma_start3A_186 : memref<1x1x1x768xf32, #tpu.memory_space<hbm>> -> memref<1x768xf32, #tpu.memory_space<hbm>>
        %dma_start3A_188 = arith.constant 0 : i32
        %dma_start3A_189 = tpu.memref_slice %arg2[%select_n3A, %run_scoped3A_179, %select_n3A_178, %dma_start3A_188] : memref<14x12x14x8192xf32, #tpu.memory_space<hbm>> -> memref<1x1x1x768xf32, #tpu.memory_space<hbm>>
        %dma_start3A_190 = tpu.memref_squeeze %dma_start3A_189 : memref<1x1x1x768xf32, #tpu.memory_space<hbm>> -> memref<1x768xf32, #tpu.memory_space<hbm>>
        tpu.enqueue_dma source(%dma_start3A_190 : memref<1x768xf32, #tpu.memory_space<hbm>>) target(%arg6 : memref<1x768xf32, #tpu.memory_space<vmem>>) target_semaphore(%run_scoped3A_185 : memref<!tpu.dma_semaphore, #tpu.memory_space<semaphore_mem>>)
        %dma_wait3A = arith.constant 0 : i32
        %dma_wait3A_191 = tpu.memref_slice %arg2[%select_n3A, %run_scoped3A_179, %select_n3A_178, %dma_wait3A] : memref<14x12x14x8192xf32, #tpu.memory_space<hbm>> -> memref<1x1x1x768xf32, #tpu.memory_space<hbm>>
        %dma_wait3A_192 = tpu.memref_squeeze %dma_wait3A_191 : memref<1x1x1x768xf32, #tpu.memory_space<hbm>> -> memref<1x768xf32, #tpu.memory_space<hbm>>
        %dma_wait3A_193 = arith.constant 0 : i32
        %dma_wait3A_194 = tpu.memref_slice %arg2[%select_n3A, %run_scoped3A_179, %select_n3A_178, %dma_wait3A_193] : memref<14x12x14x8192xf32, #tpu.memory_space<hbm>> -> memref<1x1x1x768xf32, #tpu.memory_space<hbm>>
        %dma_wait3A_195 = tpu.memref_squeeze %dma_wait3A_194 : memref<1x1x1x768xf32, #tpu.memory_space<hbm>> -> memref<1x768xf32, #tpu.memory_space<hbm>>
        tpu.wait_dma2 semaphore(%run_scoped3A_185 : memref<!tpu.dma_semaphore, #tpu.memory_space<semaphore_mem>>) src(%dma_wait3A_195 : memref<1x768xf32, #tpu.memory_space<hbm>>) dst(%arg6 : memref<1x768xf32, #tpu.memory_space<vmem>>)
        tpu.yield
      }) : () -> ()
      %run_scoped3A_180 = arith.constant 4 : i32
      "tpu.region"() ({
        %run_scoped3A_185 = tpu.sem_alloc : memref<!tpu.dma_semaphore, #tpu.memory_space<semaphore_mem>>
        %dma_start3A = arith.constant 0 : i32
        %dma_start3A_186 = tpu.memref_slice %arg3[%select_n3A, %run_scoped3A_180, %select_n3A_178, %dma_start3A] : memref<14x12x14x8192xf32, #tpu.memory_space<hbm>> -> memref<1x1x1x768xf32, #tpu.memory_space<hbm>>
        %dma_start3A_187 = tpu.memref_squeeze %dma_start3A_186 : memref<1x1x1x768xf32, #tpu.memory_space<hbm>> -> memref<1x768xf32, #tpu.memory_space<hbm>>
        %dma_start3A_188 = arith.constant 0 : i32
        %dma_start3A_189 = tpu.memref_slice %arg3[%select_n3A, %run_scoped3A_180, %select_n3A_178, %dma_start3A_188] : memref<14x12x14x8192xf32, #tpu.memory_space<hbm>> -> memref<1x1x1x768xf32, #tpu.memory_space<hbm>>
        %dma_start3A_190 = tpu.memref_squeeze %dma_start3A_189 : memref<1x1x1x768xf32, #tpu.memory_space<hbm>> -> memref<1x768xf32, #tpu.memory_space<hbm>>
        tpu.enqueue_dma source(%dma_start3A_190 : memref<1x768xf32, #tpu.memory_space<hbm>>) target(%arg7 : memref<1x768xf32, #tpu.memory_space<vmem>>) target_semaphore(%run_scoped3A_185 : memref<!tpu.dma_semaphore, #tpu.memory_space<semaphore_mem>>)
        %dma_wait3A = arith.constant 0 : i32
        %dma_wait3A_191 = tpu.memref_slice %arg3[%select_n3A, %run_scoped3A_180, %select_n3A_178, %dma_wait3A] : memref<14x12x14x8192xf32, #tpu.memory_space<hbm>> -> memref<1x1x1x768xf32, #tpu.memory_space<hbm>>
        %dma_wait3A_192 = tpu.memref_squeeze %dma_wait3A_191 : memref<1x1x1x768xf32, #tpu.memory_space<hbm>> -> memref<1x768xf32, #tpu.memory_space<hbm>>
        %dma_wait3A_193 = arith.constant 0 : i32
        %dma_wait3A_194 = tpu.memref_slice %arg3[%select_n3A, %run_scoped3A_180, %select_n3A_178, %dma_wait3A_193] : memref<14x12x14x8192xf32, #tpu.memory_space<hbm>> -> memref<1x1x1x768xf32, #tpu.memory_space<hbm>>
        %dma_wait3A_195 = tpu.memref_squeeze %dma_wait3A_194 : memref<1x1x1x768xf32, #tpu.memory_space<hbm>> -> memref<1x768xf32, #tpu.memory_space<hbm>>
        tpu.wait_dma2 semaphore(%run_scoped3A_185 : memref<!tpu.dma_semaphore, #tpu.memory_space<semaphore_mem>>) src(%dma_wait3A_195 : memref<1x768xf32, #tpu.memory_space<hbm>>) dst(%arg7 : memref<1x768xf32, #tpu.memory_space<vmem>>)
        tpu.yield
      }) : () -> ()
      %scan3A = arith.constant 0 : i32
      %scan3A_181 = arith.constant 12 : i32
      %scan3A_182 = arith.addi %scan3A, %scan3A_181 : i32
      %scan3A_183 = arith.constant 1 : i32
      scf.for %scan3A_185 = %scan3A to %scan3A_182 step %scan3A_183  : i32 {
        %mul3A_186 = arith.constant 64 : i32
        %mul3A_187 = arith.muli %scan3A_185, %mul3A_186 : i32
        %add3A_188 = arith.constant 0 : i32
        %add3A_189 = arith.addi %add3A_188, %mul3A_187 : i32
        %add3A_190 = arith.constant 0 : i32
        %add3A_191 = arith.addi %add3A_189, %add3A_190 : i32
        %get3A_192 = arith.constant 0 : index
        %get3A_193 = arith.index_cast %add3A_191 : i32 to index
        %get3A_194 = tpu.vector_load %arg5[%get3A_192, %get3A_193] {strides = array<i32>} : memref<1x768xf32, #tpu.memory_space<vmem>>, vector<1x16xf32>,
        %get3A_195 = vector.shape_cast %get3A_194 : vector<1x16xf32> to vector<1x16xf32>
        %get3A_196 = arith.constant 0 : index
        %get3A_197 = arith.index_cast %add3A_191 : i32 to index
        %get3A_198 = tpu.vector_load %arg6[%get3A_196, %get3A_197] {strides = array<i32>} : memref<1x768xf32, #tpu.memory_space<vmem>>, vector<1x16xf32>,
        %get3A_199 = vector.shape_cast %get3A_198 : vector<1x16xf32> to vector<1x16xf32>
        %get3A_200 = arith.constant 0 : index
        %get3A_201 = arith.index_cast %add3A_191 : i32 to index
        %get3A_202 = tpu.vector_load %arg7[%get3A_200, %get3A_201] {strides = array<i32>} : memref<1x768xf32, #tpu.memory_space<vmem>>, vector<1x16xf32>,
        %get3A_203 = vector.shape_cast %get3A_202 : vector<1x16xf32> to vector<1x16xf32>
        %get3A_204 = arith.constant 0 : index
        %get3A_205 = arith.constant 0 : index
        %get3A_206 = tpu.vector_load %arg8[%get3A_204, %get3A_205] {strides = array<i32>} : memref<4x16xf32, #tpu.memory_space<vmem>>, vector<1x16xf32>,
        %get3A_207 = vector.shape_cast %get3A_206 : vector<1x16xf32> to vector<1x16xf32>
        %mul3A_208 = arith.mulf %get3A_195, %get3A_195 : vector<1x16xf32>
        %mul3A_209 = arith.mulf %get3A_199, %get3A_199 : vector<1x16xf32>
        %add3A_210 = arith.addf %mul3A_208, %mul3A_209 : vector<1x16xf32>
        %sub3A_211 = arith.constant 1.000000e+00 : f32
        %sub3A_212 = vector.broadcast %sub3A_211 : f32 to vector<1x16xf32>
        %sub3A_213 = arith.subf %sub3A_212, %get3A_203 : vector<1x16xf32>
        %mul3A_214 = arith.mulf %add3A_210, %sub3A_213 : vector<1x16xf32>
        %add3A_215 = arith.addf %get3A_207, %mul3A_214 : vector<1x16xf32>
        %swap3A_216 = arith.constant 0 : index
        %swap3A_217 = arith.constant 0 : index
        %swap3A_218 = tpu.vector_load %arg8[%swap3A_216, %swap3A_217] {strides = array<i32>} : memref<4x16xf32, #tpu.memory_space<vmem>>, vector<1x16xf32>,
        %swap3A_219 = vector.shape_cast %swap3A_218 : vector<1x16xf32> to vector<1x16xf32>
        %swap3A_220 = vector.shape_cast %add3A_215 : vector<1x16xf32> to vector<1x16xf32>
        tpu.vector_store %arg8[%swap3A_216, %swap3A_217], %swap3A_220 {strides = array<i32>} : memref<4x16xf32, #tpu.memory_space<vmem>>, vector<1x16xf32>,
        %get3A_221 = arith.constant 0 : index
        %get3A_222 = arith.constant 0 : index
        %get3A_223 = tpu.vector_load %arg9[%get3A_221, %get3A_222] {strides = array<i32>} : memref<4x16xf32, #tpu.memory_space<vmem>>, vector<1x16xf32>,
        %get3A_224 = vector.shape_cast %get3A_223 : vector<1x16xf32> to vector<1x16xf32>
        %add3A_225 = arith.addf %get3A_224, %get3A_203 : vector<1x16xf32>
        %swap3A_226 = arith.constant 0 : index
        %swap3A_227 = arith.constant 0 : index
        %swap3A_228 = tpu.vector_load %arg9[%swap3A_226, %swap3A_227] {strides = array<i32>} : memref<4x16xf32, #tpu.memory_space<vmem>>, vector<1x16xf32>,
        %swap3A_229 = vector.shape_cast %swap3A_228 : vector<1x16xf32> to vector<1x16xf32>
        %swap3A_230 = vector.shape_cast %add3A_225 : vector<1x16xf32> to vector<1x16xf32>
        tpu.vector_store %arg9[%swap3A_226, %swap3A_227], %swap3A_230 {strides = array<i32>} : memref<4x16xf32, #tpu.memory_space<vmem>>, vector<1x16xf32>,
        %add3A_231 = arith.constant 16 : i32
        %add3A_232 = arith.addi %add3A_189, %add3A_231 : i32
        %get3A_233 = arith.constant 0 : index
        %get3A_234 = arith.index_cast %add3A_232 : i32 to index
        %get3A_235 = tpu.vector_load %arg5[%get3A_233, %get3A_234] {strides = array<i32>} : memref<1x768xf32, #tpu.memory_space<vmem>>, vector<1x16xf32>,
        %get3A_236 = vector.shape_cast %get3A_235 : vector<1x16xf32> to vector<1x16xf32>
        %get3A_237 = arith.constant 0 : index
        %get3A_238 = arith.index_cast %add3A_232 : i32 to index
        %get3A_239 = tpu.vector_load %arg6[%get3A_237, %get3A_238] {strides = array<i32>} : memref<1x768xf32, #tpu.memory_space<vmem>>, vector<1x16xf32>,
        %get3A_240 = vector.shape_cast %get3A_239 : vector<1x16xf32> to vector<1x16xf32>
        %get3A_241 = arith.constant 0 : index
        %get3A_242 = arith.index_cast %add3A_232 : i32 to index
        %get3A_243 = tpu.vector_load %arg7[%get3A_241, %get3A_242] {strides = array<i32>} : memref<1x768xf32, #tpu.memory_space<vmem>>, vector<1x16xf32>,
        %get3A_244 = vector.shape_cast %get3A_243 : vector<1x16xf32> to vector<1x16xf32>
        %get3A_245 = arith.constant 1 : index
        %get3A_246 = arith.constant 0 : index
        %get3A_247 = tpu.vector_load %arg8[%get3A_245, %get3A_246] {strides = array<i32>} : memref<4x16xf32, #tpu.memory_space<vmem>>, vector<1x16xf32>,
        %get3A_248 = vector.shape_cast %get3A_247 : vector<1x16xf32> to vector<1x16xf32>
        %mul3A_249 = arith.mulf %get3A_236, %get3A_236 : vector<1x16xf32>
        %mul3A_250 = arith.mulf %get3A_240, %get3A_240 : vector<1x16xf32>
        %add3A_251 = arith.addf %mul3A_249, %mul3A_250 : vector<1x16xf32>
        %sub3A_252 = arith.constant 1.000000e+00 : f32
        %sub3A_253 = vector.broadcast %sub3A_252 : f32 to vector<1x16xf32>
        %sub3A_254 = arith.subf %sub3A_253, %get3A_244 : vector<1x16xf32>
        %mul3A_255 = arith.mulf %add3A_251, %sub3A_254 : vector<1x16xf32>
        %add3A_256 = arith.addf %get3A_248, %mul3A_255 : vector<1x16xf32>
        %swap3A_257 = arith.constant 1 : index
        %swap3A_258 = arith.constant 0 : index
        %swap3A_259 = tpu.vector_load %arg8[%swap3A_257, %swap3A_258] {strides = array<i32>} : memref<4x16xf32, #tpu.memory_space<vmem>>, vector<1x16xf32>,
        %swap3A_260 = vector.shape_cast %swap3A_259 : vector<1x16xf32> to vector<1x16xf32>
        %swap3A_261 = vector.shape_cast %add3A_256 : vector<1x16xf32> to vector<1x16xf32>
        tpu.vector_store %arg8[%swap3A_257, %swap3A_258], %swap3A_261 {strides = array<i32>} : memref<4x16xf32, #tpu.memory_space<vmem>>, vector<1x16xf32>,
        %get3A_262 = arith.constant 1 : index
        %get3A_263 = arith.constant 0 : index
        %get3A_264 = tpu.vector_load %arg9[%get3A_262, %get3A_263] {strides = array<i32>} : memref<4x16xf32, #tpu.memory_space<vmem>>, vector<1x16xf32>,
        %get3A_265 = vector.shape_cast %get3A_264 : vector<1x16xf32> to vector<1x16xf32>
        %add3A_266 = arith.addf %get3A_265, %get3A_244 : vector<1x16xf32>
        %swap3A_267 = arith.constant 1 : index
        %swap3A_268 = arith.constant 0 : index
        %swap3A_269 = tpu.vector_load %arg9[%swap3A_267, %swap3A_268] {strides = array<i32>} : memref<4x16xf32, #tpu.memory_space<vmem>>, vector<1x16xf32>,
        %swap3A_270 = vector.shape_cast %swap3A_269 : vector<1x16xf32> to vector<1x16xf32>
        %swap3A_271 = vector.shape_cast %add3A_266 : vector<1x16xf32> to vector<1x16xf32>
        tpu.vector_store %arg9[%swap3A_267, %swap3A_268], %swap3A_271 {strides = array<i32>} : memref<4x16xf32, #tpu.memory_space<vmem>>, vector<1x16xf32>,
        %add3A_272 = arith.constant 32 : i32
        %add3A_273 = arith.addi %add3A_189, %add3A_272 : i32
        %get3A_274 = arith.constant 0 : index
        %get3A_275 = arith.index_cast %add3A_273 : i32 to index
        %get3A_276 = tpu.vector_load %arg5[%get3A_274, %get3A_275] {strides = array<i32>} : memref<1x768xf32, #tpu.memory_space<vmem>>, vector<1x16xf32>,
        %get3A_277 = vector.shape_cast %get3A_276 : vector<1x16xf32> to vector<1x16xf32>
        %get3A_278 = arith.constant 0 : index
        %get3A_279 = arith.index_cast %add3A_273 : i32 to index
        %get3A_280 = tpu.vector_load %arg6[%get3A_278, %get3A_279] {strides = array<i32>} : memref<1x768xf32, #tpu.memory_space<vmem>>, vector<1x16xf32>,
        %get3A_281 = vector.shape_cast %get3A_280 : vector<1x16xf32> to vector<1x16xf32>
        %get3A_282 = arith.constant 0 : index
        %get3A_283 = arith.index_cast %add3A_273 : i32 to index
        %get3A_284 = tpu.vector_load %arg7[%get3A_282, %get3A_283] {strides = array<i32>} : memref<1x768xf32, #tpu.memory_space<vmem>>, vector<1x16xf32>,
        %get3A_285 = vector.shape_cast %get3A_284 : vector<1x16xf32> to vector<1x16xf32>
        %get3A_286 = arith.constant 2 : index
        %get3A_287 = arith.constant 0 : index
        %get3A_288 = tpu.vector_load %arg8[%get3A_286, %get3A_287] {strides = array<i32>} : memref<4x16xf32, #tpu.memory_space<vmem>>, vector<1x16xf32>,
        %get3A_289 = vector.shape_cast %get3A_288 : vector<1x16xf32> to vector<1x16xf32>
        %mul3A_290 = arith.mulf %get3A_277, %get3A_277 : vector<1x16xf32>
        %mul3A_291 = arith.mulf %get3A_281, %get3A_281 : vector<1x16xf32>
        %add3A_292 = arith.addf %mul3A_290, %mul3A_291 : vector<1x16xf32>
        %sub3A_293 = arith.constant 1.000000e+00 : f32
        %sub3A_294 = vector.broadcast %sub3A_293 : f32 to vector<1x16xf32>
        %sub3A_295 = arith.subf %sub3A_294, %get3A_285 : vector<1x16xf32>
        %mul3A_296 = arith.mulf %add3A_292, %sub3A_295 : vector<1x16xf32>
        %add3A_297 = arith.addf %get3A_289, %mul3A_296 : vector<1x16xf32>
        %swap3A_298 = arith.constant 2 : index
        %swap3A_299 = arith.constant 0 : index
        %swap3A_300 = tpu.vector_load %arg8[%swap3A_298, %swap3A_299] {strides = array<i32>} : memref<4x16xf32, #tpu.memory_space<vmem>>, vector<1x16xf32>,
        %swap3A_301 = vector.shape_cast %swap3A_300 : vector<1x16xf32> to vector<1x16xf32>
        %swap3A_302 = vector.shape_cast %add3A_297 : vector<1x16xf32> to vector<1x16xf32>
        tpu.vector_store %arg8[%swap3A_298, %swap3A_299], %swap3A_302 {strides = array<i32>} : memref<4x16xf32, #tpu.memory_space<vmem>>, vector<1x16xf32>,
        %get3A_303 = arith.constant 2 : index
        %get3A_304 = arith.constant 0 : index
        %get3A_305 = tpu.vector_load %arg9[%get3A_303, %get3A_304] {strides = array<i32>} : memref<4x16xf32, #tpu.memory_space<vmem>>, vector<1x16xf32>,
        %get3A_306 = vector.shape_cast %get3A_305 : vector<1x16xf32> to vector<1x16xf32>
        %add3A_307 = arith.addf %get3A_306, %get3A_285 : vector<1x16xf32>
        %swap3A_308 = arith.constant 2 : index
        %swap3A_309 = arith.constant 0 : index
        %swap3A_310 = tpu.vector_load %arg9[%swap3A_308, %swap3A_309] {strides = array<i32>} : memref<4x16xf32, #tpu.memory_space<vmem>>, vector<1x16xf32>,
        %swap3A_311 = vector.shape_cast %swap3A_310 : vector<1x16xf32> to vector<1x16xf32>
        %swap3A_312 = vector.shape_cast %add3A_307 : vector<1x16xf32> to vector<1x16xf32>
        tpu.vector_store %arg9[%swap3A_308, %swap3A_309], %swap3A_312 {strides = array<i32>} : memref<4x16xf32, #tpu.memory_space<vmem>>, vector<1x16xf32>,
        %add3A_313 = arith.constant 48 : i32
        %add3A_314 = arith.addi %add3A_189, %add3A_313 : i32
        %get3A_315 = arith.constant 0 : index
        %get3A_316 = arith.index_cast %add3A_314 : i32 to index
        %get3A_317 = tpu.vector_load %arg5[%get3A_315, %get3A_316] {strides = array<i32>} : memref<1x768xf32, #tpu.memory_space<vmem>>, vector<1x16xf32>,
        %get3A_318 = vector.shape_cast %get3A_317 : vector<1x16xf32> to vector<1x16xf32>
        %get3A_319 = arith.constant 0 : index
        %get3A_320 = arith.index_cast %add3A_314 : i32 to index
        %get3A_321 = tpu.vector_load %arg6[%get3A_319, %get3A_320] {strides = array<i32>} : memref<1x768xf32, #tpu.memory_space<vmem>>, vector<1x16xf32>,
        %get3A_322 = vector.shape_cast %get3A_321 : vector<1x16xf32> to vector<1x16xf32>
        %get3A_323 = arith.constant 0 : index
        %get3A_324 = arith.index_cast %add3A_314 : i32 to index
        %get3A_325 = tpu.vector_load %arg7[%get3A_323, %get3A_324] {strides = array<i32>} : memref<1x768xf32, #tpu.memory_space<vmem>>, vector<1x16xf32>,
        %get3A_326 = vector.shape_cast %get3A_325 : vector<1x16xf32> to vector<1x16xf32>
        %get3A_327 = arith.constant 3 : index
        %get3A_328 = arith.constant 0 : index
        %get3A_329 = tpu.vector_load %arg8[%get3A_327, %get3A_328] {strides = array<i32>} : memref<4x16xf32, #tpu.memory_space<vmem>>, vector<1x16xf32>,
        %get3A_330 = vector.shape_cast %get3A_329 : vector<1x16xf32> to vector<1x16xf32>
        %mul3A_331 = arith.mulf %get3A_318, %get3A_318 : vector<1x16xf32>
        %mul3A_332 = arith.mulf %get3A_322, %get3A_322 : vector<1x16xf32>
        %add3A_333 = arith.addf %mul3A_331, %mul3A_332 : vector<1x16xf32>
        %sub3A_334 = arith.constant 1.000000e+00 : f32
        %sub3A_335 = vector.broadcast %sub3A_334 : f32 to vector<1x16xf32>
        %sub3A_336 = arith.subf %sub3A_335, %get3A_326 : vector<1x16xf32>
        %mul3A_337 = arith.mulf %add3A_333, %sub3A_336 : vector<1x16xf32>
        %add3A_338 = arith.addf %get3A_330, %mul3A_337 : vector<1x16xf32>
        %swap3A_339 = arith.constant 3 : index
        %swap3A_340 = arith.constant 0 : index
        %swap3A_341 = tpu.vector_load %arg8[%swap3A_339, %swap3A_340] {strides = array<i32>} : memref<4x16xf32, #tpu.memory_space<vmem>>, vector<1x16xf32>,
        %swap3A_342 = vector.shape_cast %swap3A_341 : vector<1x16xf32> to vector<1x16xf32>
        %swap3A_343 = vector.shape_cast %add3A_338 : vector<1x16xf32> to vector<1x16xf32>
        tpu.vector_store %arg8[%swap3A_339, %swap3A_340], %swap3A_343 {strides = array<i32>} : memref<4x16xf32, #tpu.memory_space<vmem>>, vector<1x16xf32>,
        %get3A_344 = arith.constant 3 : index
        %get3A_345 = arith.constant 0 : index
        %get3A_346 = tpu.vector_load %arg9[%get3A_344, %get3A_345] {strides = array<i32>} : memref<4x16xf32, #tpu.memory_space<vmem>>, vector<1x16xf32>,
        %get3A_347 = vector.shape_cast %get3A_346 : vector<1x16xf32> to vector<1x16xf32>
        %add3A_348 = arith.addf %get3A_347, %get3A_326 : vector<1x16xf32>
        %swap3A_349 = arith.constant 3 : index
        %swap3A_350 = arith.constant 0 : index
        %swap3A_351 = tpu.vector_load %arg9[%swap3A_349, %swap3A_350] {strides = array<i32>} : memref<4x16xf32, #tpu.memory_space<vmem>>, vector<1x16xf32>,
        %swap3A_352 = vector.shape_cast %swap3A_351 : vector<1x16xf32> to vector<1x16xf32>
        %swap3A_353 = vector.shape_cast %add3A_348 : vector<1x16xf32> to vector<1x16xf32>
        tpu.vector_store %arg9[%swap3A_349, %swap3A_350], %swap3A_353 {strides = array<i32>} : memref<4x16xf32, #tpu.memory_space<vmem>>, vector<1x16xf32>,
      }
      %scan3A_184 = arith.constant 12 : i32
    } else {
    }
    %add3A_87 = arith.constant 160 : i32
    %add3A_88 = arith.addi %add3A, %add3A_87 : i32
    %lt3A_89 = arith.constant 196 : i32
    %lt3A_90 = arith.cmpi slt, %add3A_88, %lt3A_89 : i32
    %convert_element_type3A_91 = arith.extui %lt3A_90 : i1 to i32
    %cond3A_92 = arith.constant 0 : i32
    %cond3A_93 = arith.cmpi ne, %convert_element_type3A_91, %cond3A_92 : i32
    scf.if %cond3A_93 {
      %jit3A = arith.constant 14 : i32
      %div3A = arith.divsi %add3A_88, %jit3A : i32
      %sign3A = arith.constant 0 : i32
      %sign3A_148 = arith.cmpi sgt, %add3A_88, %sign3A : i32
      %sign3A_149 = arith.extui %sign3A_148 : i1 to i32
      %sign3A_150 = arith.constant 0 : i32
      %sign3A_151 = arith.cmpi slt, %add3A_88, %sign3A_150 : i32
      %sign3A_152 = arith.extui %sign3A_151 : i1 to i32
      %sign3A_153 = arith.subi %sign3A_149, %sign3A_152 : i32
      %sign3A_154 = arith.constant 0 : i32
      %sign3A_155 = arith.cmpi sgt, %jit3A, %sign3A_154 : i32
      %sign3A_156 = arith.extui %sign3A_155 : i1 to i32
      %sign3A_157 = arith.constant 0 : i32
      %sign3A_158 = arith.cmpi slt, %jit3A, %sign3A_157 : i32
      %sign3A_159 = arith.extui %sign3A_158 : i1 to i32
      %sign3A_160 = arith.subi %sign3A_156, %sign3A_159 : i32
      %ne3A = arith.cmpi ne, %sign3A_153, %sign3A_160 : i32
      %rem3A = arith.remsi %add3A_88, %jit3A : i32
      %ne3A_161 = arith.constant 0 : i32
      %ne3A_162 = arith.cmpi ne, %rem3A, %ne3A_161 : i32
      %and3A = arith.andi %ne3A, %ne3A_162 : i1
      %sub3A = arith.constant 1 : i32
      %sub3A_163 = arith.subi %div3A, %sub3A : i32
      %select_n3A = arith.select %and3A, %sub3A_163, %div3A : i32
      %jit3A_164 = arith.constant 14 : i32
      %eq3A = arith.constant 0 : i32
      %eq3A_165 = arith.cmpi eq, %jit3A_164, %eq3A : i32
      %jit3A_166 = arith.constant 1 : i32
      %select_n3A_167 = arith.select %eq3A_165, %jit3A_166, %jit3A_164 : i32
      %rem3A_168 = arith.remsi %add3A_88, %select_n3A_167 : i32
      %ne3A_169 = arith.constant 0 : i32
      %ne3A_170 = arith.cmpi ne, %rem3A_168, %ne3A_169 : i32
      %lt3A_171 = arith.constant 0 : i32
      %lt3A_172 = arith.cmpi slt, %rem3A_168, %lt3A_171 : i32
      %lt3A_173 = arith.constant 0 : i32
      %lt3A_174 = arith.cmpi slt, %select_n3A_167, %lt3A_173 : i32
      %ne3A_175 = arith.xori %lt3A_172, %lt3A_174 : i1
      %and3A_176 = arith.andi %ne3A_175, %ne3A_170 : i1
      %add3A_177 = arith.addi %rem3A_168, %select_n3A_167 : i32
      %select_n3A_178 = arith.select %and3A_176, %add3A_177, %rem3A_168 : i32
      %run_scoped3A = arith.constant 4 : i32
      "tpu.region"() ({
        %run_scoped3A_185 = tpu.sem_alloc : memref<!tpu.dma_semaphore, #tpu.memory_space<semaphore_mem>>
        %dma_start3A = arith.constant 0 : i32
        %dma_start3A_186 = tpu.memref_slice %arg2[%select_n3A, %run_scoped3A, %select_n3A_178, %dma_start3A] : memref<14x12x14x8192xf32, #tpu.memory_space<hbm>> -> memref<1x1x1x768xf32, #tpu.memory_space<hbm>>
        %dma_start3A_187 = tpu.memref_squeeze %dma_start3A_186 : memref<1x1x1x768xf32, #tpu.memory_space<hbm>> -> memref<1x768xf32, #tpu.memory_space<hbm>>
        %dma_start3A_188 = arith.constant 0 : i32
        %dma_start3A_189 = tpu.memref_slice %arg2[%select_n3A, %run_scoped3A, %select_n3A_178, %dma_start3A_188] : memref<14x12x14x8192xf32, #tpu.memory_space<hbm>> -> memref<1x1x1x768xf32, #tpu.memory_space<hbm>>
        %dma_start3A_190 = tpu.memref_squeeze %dma_start3A_189 : memref<1x1x1x768xf32, #tpu.memory_space<hbm>> -> memref<1x768xf32, #tpu.memory_space<hbm>>
        tpu.enqueue_dma source(%dma_start3A_190 : memref<1x768xf32, #tpu.memory_space<hbm>>) target(%arg5 : memref<1x768xf32, #tpu.memory_space<vmem>>) target_semaphore(%run_scoped3A_185 : memref<!tpu.dma_semaphore, #tpu.memory_space<semaphore_mem>>)
        %dma_wait3A = arith.constant 0 : i32
        %dma_wait3A_191 = tpu.memref_slice %arg2[%select_n3A, %run_scoped3A, %select_n3A_178, %dma_wait3A] : memref<14x12x14x8192xf32, #tpu.memory_space<hbm>> -> memref<1x1x1x768xf32, #tpu.memory_space<hbm>>
        %dma_wait3A_192 = tpu.memref_squeeze %dma_wait3A_191 : memref<1x1x1x768xf32, #tpu.memory_space<hbm>> -> memref<1x768xf32, #tpu.memory_space<hbm>>
        %dma_wait3A_193 = arith.constant 0 : i32
        %dma_wait3A_194 = tpu.memref_slice %arg2[%select_n3A, %run_scoped3A, %select_n3A_178, %dma_wait3A_193] : memref<14x12x14x8192xf32, #tpu.memory_space<hbm>> -> memref<1x1x1x768xf32, #tpu.memory_space<hbm>>
        %dma_wait3A_195 = tpu.memref_squeeze %dma_wait3A_194 : memref<1x1x1x768xf32, #tpu.memory_space<hbm>> -> memref<1x768xf32, #tpu.memory_space<hbm>>
        tpu.wait_dma2 semaphore(%run_scoped3A_185 : memref<!tpu.dma_semaphore, #tpu.memory_space<semaphore_mem>>) src(%dma_wait3A_195 : memref<1x768xf32, #tpu.memory_space<hbm>>) dst(%arg5 : memref<1x768xf32, #tpu.memory_space<vmem>>)
        tpu.yield
      }) : () -> ()
      %run_scoped3A_179 = arith.constant 9 : i32
      "tpu.region"() ({
        %run_scoped3A_185 = tpu.sem_alloc : memref<!tpu.dma_semaphore, #tpu.memory_space<semaphore_mem>>
        %dma_start3A = arith.constant 0 : i32
        %dma_start3A_186 = tpu.memref_slice %arg2[%select_n3A, %run_scoped3A_179, %select_n3A_178, %dma_start3A] : memref<14x12x14x8192xf32, #tpu.memory_space<hbm>> -> memref<1x1x1x768xf32, #tpu.memory_space<hbm>>
        %dma_start3A_187 = tpu.memref_squeeze %dma_start3A_186 : memref<1x1x1x768xf32, #tpu.memory_space<hbm>> -> memref<1x768xf32, #tpu.memory_space<hbm>>
        %dma_start3A_188 = arith.constant 0 : i32
        %dma_start3A_189 = tpu.memref_slice %arg2[%select_n3A, %run_scoped3A_179, %select_n3A_178, %dma_start3A_188] : memref<14x12x14x8192xf32, #tpu.memory_space<hbm>> -> memref<1x1x1x768xf32, #tpu.memory_space<hbm>>
        %dma_start3A_190 = tpu.memref_squeeze %dma_start3A_189 : memref<1x1x1x768xf32, #tpu.memory_space<hbm>> -> memref<1x768xf32, #tpu.memory_space<hbm>>
        tpu.enqueue_dma source(%dma_start3A_190 : memref<1x768xf32, #tpu.memory_space<hbm>>) target(%arg6 : memref<1x768xf32, #tpu.memory_space<vmem>>) target_semaphore(%run_scoped3A_185 : memref<!tpu.dma_semaphore, #tpu.memory_space<semaphore_mem>>)
        %dma_wait3A = arith.constant 0 : i32
        %dma_wait3A_191 = tpu.memref_slice %arg2[%select_n3A, %run_scoped3A_179, %select_n3A_178, %dma_wait3A] : memref<14x12x14x8192xf32, #tpu.memory_space<hbm>> -> memref<1x1x1x768xf32, #tpu.memory_space<hbm>>
        %dma_wait3A_192 = tpu.memref_squeeze %dma_wait3A_191 : memref<1x1x1x768xf32, #tpu.memory_space<hbm>> -> memref<1x768xf32, #tpu.memory_space<hbm>>
        %dma_wait3A_193 = arith.constant 0 : i32
        %dma_wait3A_194 = tpu.memref_slice %arg2[%select_n3A, %run_scoped3A_179, %select_n3A_178, %dma_wait3A_193] : memref<14x12x14x8192xf32, #tpu.memory_space<hbm>> -> memref<1x1x1x768xf32, #tpu.memory_space<hbm>>
        %dma_wait3A_195 = tpu.memref_squeeze %dma_wait3A_194 : memref<1x1x1x768xf32, #tpu.memory_space<hbm>> -> memref<1x768xf32, #tpu.memory_space<hbm>>
        tpu.wait_dma2 semaphore(%run_scoped3A_185 : memref<!tpu.dma_semaphore, #tpu.memory_space<semaphore_mem>>) src(%dma_wait3A_195 : memref<1x768xf32, #tpu.memory_space<hbm>>) dst(%arg6 : memref<1x768xf32, #tpu.memory_space<vmem>>)
        tpu.yield
      }) : () -> ()
      %run_scoped3A_180 = arith.constant 4 : i32
      "tpu.region"() ({
        %run_scoped3A_185 = tpu.sem_alloc : memref<!tpu.dma_semaphore, #tpu.memory_space<semaphore_mem>>
        %dma_start3A = arith.constant 0 : i32
        %dma_start3A_186 = tpu.memref_slice %arg3[%select_n3A, %run_scoped3A_180, %select_n3A_178, %dma_start3A] : memref<14x12x14x8192xf32, #tpu.memory_space<hbm>> -> memref<1x1x1x768xf32, #tpu.memory_space<hbm>>
        %dma_start3A_187 = tpu.memref_squeeze %dma_start3A_186 : memref<1x1x1x768xf32, #tpu.memory_space<hbm>> -> memref<1x768xf32, #tpu.memory_space<hbm>>
        %dma_start3A_188 = arith.constant 0 : i32
        %dma_start3A_189 = tpu.memref_slice %arg3[%select_n3A, %run_scoped3A_180, %select_n3A_178, %dma_start3A_188] : memref<14x12x14x8192xf32, #tpu.memory_space<hbm>> -> memref<1x1x1x768xf32, #tpu.memory_space<hbm>>
        %dma_start3A_190 = tpu.memref_squeeze %dma_start3A_189 : memref<1x1x1x768xf32, #tpu.memory_space<hbm>> -> memref<1x768xf32, #tpu.memory_space<hbm>>
        tpu.enqueue_dma source(%dma_start3A_190 : memref<1x768xf32, #tpu.memory_space<hbm>>) target(%arg7 : memref<1x768xf32, #tpu.memory_space<vmem>>) target_semaphore(%run_scoped3A_185 : memref<!tpu.dma_semaphore, #tpu.memory_space<semaphore_mem>>)
        %dma_wait3A = arith.constant 0 : i32
        %dma_wait3A_191 = tpu.memref_slice %arg3[%select_n3A, %run_scoped3A_180, %select_n3A_178, %dma_wait3A] : memref<14x12x14x8192xf32, #tpu.memory_space<hbm>> -> memref<1x1x1x768xf32, #tpu.memory_space<hbm>>
        %dma_wait3A_192 = tpu.memref_squeeze %dma_wait3A_191 : memref<1x1x1x768xf32, #tpu.memory_space<hbm>> -> memref<1x768xf32, #tpu.memory_space<hbm>>
        %dma_wait3A_193 = arith.constant 0 : i32
        %dma_wait3A_194 = tpu.memref_slice %arg3[%select_n3A, %run_scoped3A_180, %select_n3A_178, %dma_wait3A_193] : memref<14x12x14x8192xf32, #tpu.memory_space<hbm>> -> memref<1x1x1x768xf32, #tpu.memory_space<hbm>>
        %dma_wait3A_195 = tpu.memref_squeeze %dma_wait3A_194 : memref<1x1x1x768xf32, #tpu.memory_space<hbm>> -> memref<1x768xf32, #tpu.memory_space<hbm>>
        tpu.wait_dma2 semaphore(%run_scoped3A_185 : memref<!tpu.dma_semaphore, #tpu.memory_space<semaphore_mem>>) src(%dma_wait3A_195 : memref<1x768xf32, #tpu.memory_space<hbm>>) dst(%arg7 : memref<1x768xf32, #tpu.memory_space<vmem>>)
        tpu.yield
      }) : () -> ()
      %scan3A = arith.constant 0 : i32
      %scan3A_181 = arith.constant 12 : i32
      %scan3A_182 = arith.addi %scan3A, %scan3A_181 : i32
      %scan3A_183 = arith.constant 1 : i32
      scf.for %scan3A_185 = %scan3A to %scan3A_182 step %scan3A_183  : i32 {
        %mul3A_186 = arith.constant 64 : i32
        %mul3A_187 = arith.muli %scan3A_185, %mul3A_186 : i32
        %add3A_188 = arith.constant 0 : i32
        %add3A_189 = arith.addi %add3A_188, %mul3A_187 : i32
        %add3A_190 = arith.constant 0 : i32
        %add3A_191 = arith.addi %add3A_189, %add3A_190 : i32
        %get3A_192 = arith.constant 0 : index
        %get3A_193 = arith.index_cast %add3A_191 : i32 to index
        %get3A_194 = tpu.vector_load %arg5[%get3A_192, %get3A_193] {strides = array<i32>} : memref<1x768xf32, #tpu.memory_space<vmem>>, vector<1x16xf32>,
        %get3A_195 = vector.shape_cast %get3A_194 : vector<1x16xf32> to vector<1x16xf32>
        %get3A_196 = arith.constant 0 : index
        %get3A_197 = arith.index_cast %add3A_191 : i32 to index
        %get3A_198 = tpu.vector_load %arg6[%get3A_196, %get3A_197] {strides = array<i32>} : memref<1x768xf32, #tpu.memory_space<vmem>>, vector<1x16xf32>,
        %get3A_199 = vector.shape_cast %get3A_198 : vector<1x16xf32> to vector<1x16xf32>
        %get3A_200 = arith.constant 0 : index
        %get3A_201 = arith.index_cast %add3A_191 : i32 to index
        %get3A_202 = tpu.vector_load %arg7[%get3A_200, %get3A_201] {strides = array<i32>} : memref<1x768xf32, #tpu.memory_space<vmem>>, vector<1x16xf32>,
        %get3A_203 = vector.shape_cast %get3A_202 : vector<1x16xf32> to vector<1x16xf32>
        %get3A_204 = arith.constant 0 : index
        %get3A_205 = arith.constant 0 : index
        %get3A_206 = tpu.vector_load %arg8[%get3A_204, %get3A_205] {strides = array<i32>} : memref<4x16xf32, #tpu.memory_space<vmem>>, vector<1x16xf32>,
        %get3A_207 = vector.shape_cast %get3A_206 : vector<1x16xf32> to vector<1x16xf32>
        %mul3A_208 = arith.mulf %get3A_195, %get3A_195 : vector<1x16xf32>
        %mul3A_209 = arith.mulf %get3A_199, %get3A_199 : vector<1x16xf32>
        %add3A_210 = arith.addf %mul3A_208, %mul3A_209 : vector<1x16xf32>
        %sub3A_211 = arith.constant 1.000000e+00 : f32
        %sub3A_212 = vector.broadcast %sub3A_211 : f32 to vector<1x16xf32>
        %sub3A_213 = arith.subf %sub3A_212, %get3A_203 : vector<1x16xf32>
        %mul3A_214 = arith.mulf %add3A_210, %sub3A_213 : vector<1x16xf32>
        %add3A_215 = arith.addf %get3A_207, %mul3A_214 : vector<1x16xf32>
        %swap3A_216 = arith.constant 0 : index
        %swap3A_217 = arith.constant 0 : index
        %swap3A_218 = tpu.vector_load %arg8[%swap3A_216, %swap3A_217] {strides = array<i32>} : memref<4x16xf32, #tpu.memory_space<vmem>>, vector<1x16xf32>,
        %swap3A_219 = vector.shape_cast %swap3A_218 : vector<1x16xf32> to vector<1x16xf32>
        %swap3A_220 = vector.shape_cast %add3A_215 : vector<1x16xf32> to vector<1x16xf32>
        tpu.vector_store %arg8[%swap3A_216, %swap3A_217], %swap3A_220 {strides = array<i32>} : memref<4x16xf32, #tpu.memory_space<vmem>>, vector<1x16xf32>,
        %get3A_221 = arith.constant 0 : index
        %get3A_222 = arith.constant 0 : index
        %get3A_223 = tpu.vector_load %arg9[%get3A_221, %get3A_222] {strides = array<i32>} : memref<4x16xf32, #tpu.memory_space<vmem>>, vector<1x16xf32>,
        %get3A_224 = vector.shape_cast %get3A_223 : vector<1x16xf32> to vector<1x16xf32>
        %add3A_225 = arith.addf %get3A_224, %get3A_203 : vector<1x16xf32>
        %swap3A_226 = arith.constant 0 : index
        %swap3A_227 = arith.constant 0 : index
        %swap3A_228 = tpu.vector_load %arg9[%swap3A_226, %swap3A_227] {strides = array<i32>} : memref<4x16xf32, #tpu.memory_space<vmem>>, vector<1x16xf32>,
        %swap3A_229 = vector.shape_cast %swap3A_228 : vector<1x16xf32> to vector<1x16xf32>
        %swap3A_230 = vector.shape_cast %add3A_225 : vector<1x16xf32> to vector<1x16xf32>
        tpu.vector_store %arg9[%swap3A_226, %swap3A_227], %swap3A_230 {strides = array<i32>} : memref<4x16xf32, #tpu.memory_space<vmem>>, vector<1x16xf32>,
        %add3A_231 = arith.constant 16 : i32
        %add3A_232 = arith.addi %add3A_189, %add3A_231 : i32
        %get3A_233 = arith.constant 0 : index
        %get3A_234 = arith.index_cast %add3A_232 : i32 to index
        %get3A_235 = tpu.vector_load %arg5[%get3A_233, %get3A_234] {strides = array<i32>} : memref<1x768xf32, #tpu.memory_space<vmem>>, vector<1x16xf32>,
        %get3A_236 = vector.shape_cast %get3A_235 : vector<1x16xf32> to vector<1x16xf32>
        %get3A_237 = arith.constant 0 : index
        %get3A_238 = arith.index_cast %add3A_232 : i32 to index
        %get3A_239 = tpu.vector_load %arg6[%get3A_237, %get3A_238] {strides = array<i32>} : memref<1x768xf32, #tpu.memory_space<vmem>>, vector<1x16xf32>,
        %get3A_240 = vector.shape_cast %get3A_239 : vector<1x16xf32> to vector<1x16xf32>
        %get3A_241 = arith.constant 0 : index
        %get3A_242 = arith.index_cast %add3A_232 : i32 to index
        %get3A_243 = tpu.vector_load %arg7[%get3A_241, %get3A_242] {strides = array<i32>} : memref<1x768xf32, #tpu.memory_space<vmem>>, vector<1x16xf32>,
        %get3A_244 = vector.shape_cast %get3A_243 : vector<1x16xf32> to vector<1x16xf32>
        %get3A_245 = arith.constant 1 : index
        %get3A_246 = arith.constant 0 : index
        %get3A_247 = tpu.vector_load %arg8[%get3A_245, %get3A_246] {strides = array<i32>} : memref<4x16xf32, #tpu.memory_space<vmem>>, vector<1x16xf32>,
        %get3A_248 = vector.shape_cast %get3A_247 : vector<1x16xf32> to vector<1x16xf32>
        %mul3A_249 = arith.mulf %get3A_236, %get3A_236 : vector<1x16xf32>
        %mul3A_250 = arith.mulf %get3A_240, %get3A_240 : vector<1x16xf32>
        %add3A_251 = arith.addf %mul3A_249, %mul3A_250 : vector<1x16xf32>
        %sub3A_252 = arith.constant 1.000000e+00 : f32
        %sub3A_253 = vector.broadcast %sub3A_252 : f32 to vector<1x16xf32>
        %sub3A_254 = arith.subf %sub3A_253, %get3A_244 : vector<1x16xf32>
        %mul3A_255 = arith.mulf %add3A_251, %sub3A_254 : vector<1x16xf32>
        %add3A_256 = arith.addf %get3A_248, %mul3A_255 : vector<1x16xf32>
        %swap3A_257 = arith.constant 1 : index
        %swap3A_258 = arith.constant 0 : index
        %swap3A_259 = tpu.vector_load %arg8[%swap3A_257, %swap3A_258] {strides = array<i32>} : memref<4x16xf32, #tpu.memory_space<vmem>>, vector<1x16xf32>,
        %swap3A_260 = vector.shape_cast %swap3A_259 : vector<1x16xf32> to vector<1x16xf32>
        %swap3A_261 = vector.shape_cast %add3A_256 : vector<1x16xf32> to vector<1x16xf32>
        tpu.vector_store %arg8[%swap3A_257, %swap3A_258], %swap3A_261 {strides = array<i32>} : memref<4x16xf32, #tpu.memory_space<vmem>>, vector<1x16xf32>,
        %get3A_262 = arith.constant 1 : index
        %get3A_263 = arith.constant 0 : index
        %get3A_264 = tpu.vector_load %arg9[%get3A_262, %get3A_263] {strides = array<i32>} : memref<4x16xf32, #tpu.memory_space<vmem>>, vector<1x16xf32>,
        %get3A_265 = vector.shape_cast %get3A_264 : vector<1x16xf32> to vector<1x16xf32>
        %add3A_266 = arith.addf %get3A_265, %get3A_244 : vector<1x16xf32>
        %swap3A_267 = arith.constant 1 : index
        %swap3A_268 = arith.constant 0 : index
        %swap3A_269 = tpu.vector_load %arg9[%swap3A_267, %swap3A_268] {strides = array<i32>} : memref<4x16xf32, #tpu.memory_space<vmem>>, vector<1x16xf32>,
        %swap3A_270 = vector.shape_cast %swap3A_269 : vector<1x16xf32> to vector<1x16xf32>
        %swap3A_271 = vector.shape_cast %add3A_266 : vector<1x16xf32> to vector<1x16xf32>
        tpu.vector_store %arg9[%swap3A_267, %swap3A_268], %swap3A_271 {strides = array<i32>} : memref<4x16xf32, #tpu.memory_space<vmem>>, vector<1x16xf32>,
        %add3A_272 = arith.constant 32 : i32
        %add3A_273 = arith.addi %add3A_189, %add3A_272 : i32
        %get3A_274 = arith.constant 0 : index
        %get3A_275 = arith.index_cast %add3A_273 : i32 to index
        %get3A_276 = tpu.vector_load %arg5[%get3A_274, %get3A_275] {strides = array<i32>} : memref<1x768xf32, #tpu.memory_space<vmem>>, vector<1x16xf32>,
        %get3A_277 = vector.shape_cast %get3A_276 : vector<1x16xf32> to vector<1x16xf32>
        %get3A_278 = arith.constant 0 : index
        %get3A_279 = arith.index_cast %add3A_273 : i32 to index
        %get3A_280 = tpu.vector_load %arg6[%get3A_278, %get3A_279] {strides = array<i32>} : memref<1x768xf32, #tpu.memory_space<vmem>>, vector<1x16xf32>,
        %get3A_281 = vector.shape_cast %get3A_280 : vector<1x16xf32> to vector<1x16xf32>
        %get3A_282 = arith.constant 0 : index
        %get3A_283 = arith.index_cast %add3A_273 : i32 to index
        %get3A_284 = tpu.vector_load %arg7[%get3A_282, %get3A_283] {strides = array<i32>} : memref<1x768xf32, #tpu.memory_space<vmem>>, vector<1x16xf32>,
        %get3A_285 = vector.shape_cast %get3A_284 : vector<1x16xf32> to vector<1x16xf32>
        %get3A_286 = arith.constant 2 : index
        %get3A_287 = arith.constant 0 : index
        %get3A_288 = tpu.vector_load %arg8[%get3A_286, %get3A_287] {strides = array<i32>} : memref<4x16xf32, #tpu.memory_space<vmem>>, vector<1x16xf32>,
        %get3A_289 = vector.shape_cast %get3A_288 : vector<1x16xf32> to vector<1x16xf32>
        %mul3A_290 = arith.mulf %get3A_277, %get3A_277 : vector<1x16xf32>
        %mul3A_291 = arith.mulf %get3A_281, %get3A_281 : vector<1x16xf32>
        %add3A_292 = arith.addf %mul3A_290, %mul3A_291 : vector<1x16xf32>
        %sub3A_293 = arith.constant 1.000000e+00 : f32
        %sub3A_294 = vector.broadcast %sub3A_293 : f32 to vector<1x16xf32>
        %sub3A_295 = arith.subf %sub3A_294, %get3A_285 : vector<1x16xf32>
        %mul3A_296 = arith.mulf %add3A_292, %sub3A_295 : vector<1x16xf32>
        %add3A_297 = arith.addf %get3A_289, %mul3A_296 : vector<1x16xf32>
        %swap3A_298 = arith.constant 2 : index
        %swap3A_299 = arith.constant 0 : index
        %swap3A_300 = tpu.vector_load %arg8[%swap3A_298, %swap3A_299] {strides = array<i32>} : memref<4x16xf32, #tpu.memory_space<vmem>>, vector<1x16xf32>,
        %swap3A_301 = vector.shape_cast %swap3A_300 : vector<1x16xf32> to vector<1x16xf32>
        %swap3A_302 = vector.shape_cast %add3A_297 : vector<1x16xf32> to vector<1x16xf32>
        tpu.vector_store %arg8[%swap3A_298, %swap3A_299], %swap3A_302 {strides = array<i32>} : memref<4x16xf32, #tpu.memory_space<vmem>>, vector<1x16xf32>,
        %get3A_303 = arith.constant 2 : index
        %get3A_304 = arith.constant 0 : index
        %get3A_305 = tpu.vector_load %arg9[%get3A_303, %get3A_304] {strides = array<i32>} : memref<4x16xf32, #tpu.memory_space<vmem>>, vector<1x16xf32>,
        %get3A_306 = vector.shape_cast %get3A_305 : vector<1x16xf32> to vector<1x16xf32>
        %add3A_307 = arith.addf %get3A_306, %get3A_285 : vector<1x16xf32>
        %swap3A_308 = arith.constant 2 : index
        %swap3A_309 = arith.constant 0 : index
        %swap3A_310 = tpu.vector_load %arg9[%swap3A_308, %swap3A_309] {strides = array<i32>} : memref<4x16xf32, #tpu.memory_space<vmem>>, vector<1x16xf32>,
        %swap3A_311 = vector.shape_cast %swap3A_310 : vector<1x16xf32> to vector<1x16xf32>
        %swap3A_312 = vector.shape_cast %add3A_307 : vector<1x16xf32> to vector<1x16xf32>
        tpu.vector_store %arg9[%swap3A_308, %swap3A_309], %swap3A_312 {strides = array<i32>} : memref<4x16xf32, #tpu.memory_space<vmem>>, vector<1x16xf32>,
        %add3A_313 = arith.constant 48 : i32
        %add3A_314 = arith.addi %add3A_189, %add3A_313 : i32
        %get3A_315 = arith.constant 0 : index
        %get3A_316 = arith.index_cast %add3A_314 : i32 to index
        %get3A_317 = tpu.vector_load %arg5[%get3A_315, %get3A_316] {strides = array<i32>} : memref<1x768xf32, #tpu.memory_space<vmem>>, vector<1x16xf32>,
        %get3A_318 = vector.shape_cast %get3A_317 : vector<1x16xf32> to vector<1x16xf32>
        %get3A_319 = arith.constant 0 : index
        %get3A_320 = arith.index_cast %add3A_314 : i32 to index
        %get3A_321 = tpu.vector_load %arg6[%get3A_319, %get3A_320] {strides = array<i32>} : memref<1x768xf32, #tpu.memory_space<vmem>>, vector<1x16xf32>,
        %get3A_322 = vector.shape_cast %get3A_321 : vector<1x16xf32> to vector<1x16xf32>
        %get3A_323 = arith.constant 0 : index
        %get3A_324 = arith.index_cast %add3A_314 : i32 to index
        %get3A_325 = tpu.vector_load %arg7[%get3A_323, %get3A_324] {strides = array<i32>} : memref<1x768xf32, #tpu.memory_space<vmem>>, vector<1x16xf32>,
        %get3A_326 = vector.shape_cast %get3A_325 : vector<1x16xf32> to vector<1x16xf32>
        %get3A_327 = arith.constant 3 : index
        %get3A_328 = arith.constant 0 : index
        %get3A_329 = tpu.vector_load %arg8[%get3A_327, %get3A_328] {strides = array<i32>} : memref<4x16xf32, #tpu.memory_space<vmem>>, vector<1x16xf32>,
        %get3A_330 = vector.shape_cast %get3A_329 : vector<1x16xf32> to vector<1x16xf32>
        %mul3A_331 = arith.mulf %get3A_318, %get3A_318 : vector<1x16xf32>
        %mul3A_332 = arith.mulf %get3A_322, %get3A_322 : vector<1x16xf32>
        %add3A_333 = arith.addf %mul3A_331, %mul3A_332 : vector<1x16xf32>
        %sub3A_334 = arith.constant 1.000000e+00 : f32
        %sub3A_335 = vector.broadcast %sub3A_334 : f32 to vector<1x16xf32>
        %sub3A_336 = arith.subf %sub3A_335, %get3A_326 : vector<1x16xf32>
        %mul3A_337 = arith.mulf %add3A_333, %sub3A_336 : vector<1x16xf32>
        %add3A_338 = arith.addf %get3A_330, %mul3A_337 : vector<1x16xf32>
        %swap3A_339 = arith.constant 3 : index
        %swap3A_340 = arith.constant 0 : index
        %swap3A_341 = tpu.vector_load %arg8[%swap3A_339, %swap3A_340] {strides = array<i32>} : memref<4x16xf32, #tpu.memory_space<vmem>>, vector<1x16xf32>,
        %swap3A_342 = vector.shape_cast %swap3A_341 : vector<1x16xf32> to vector<1x16xf32>
        %swap3A_343 = vector.shape_cast %add3A_338 : vector<1x16xf32> to vector<1x16xf32>
        tpu.vector_store %arg8[%swap3A_339, %swap3A_340], %swap3A_343 {strides = array<i32>} : memref<4x16xf32, #tpu.memory_space<vmem>>, vector<1x16xf32>,
        %get3A_344 = arith.constant 3 : index
        %get3A_345 = arith.constant 0 : index
        %get3A_346 = tpu.vector_load %arg9[%get3A_344, %get3A_345] {strides = array<i32>} : memref<4x16xf32, #tpu.memory_space<vmem>>, vector<1x16xf32>,
        %get3A_347 = vector.shape_cast %get3A_346 : vector<1x16xf32> to vector<1x16xf32>
        %add3A_348 = arith.addf %get3A_347, %get3A_326 : vector<1x16xf32>
        %swap3A_349 = arith.constant 3 : index
        %swap3A_350 = arith.constant 0 : index
        %swap3A_351 = tpu.vector_load %arg9[%swap3A_349, %swap3A_350] {strides = array<i32>} : memref<4x16xf32, #tpu.memory_space<vmem>>, vector<1x16xf32>,
        %swap3A_352 = vector.shape_cast %swap3A_351 : vector<1x16xf32> to vector<1x16xf32>
        %swap3A_353 = vector.shape_cast %add3A_348 : vector<1x16xf32> to vector<1x16xf32>
        tpu.vector_store %arg9[%swap3A_349, %swap3A_350], %swap3A_353 {strides = array<i32>} : memref<4x16xf32, #tpu.memory_space<vmem>>, vector<1x16xf32>,
      }
      %scan3A_184 = arith.constant 12 : i32
    } else {
    }
    %add3A_94 = arith.constant 192 : i32
    %add3A_95 = arith.addi %add3A, %add3A_94 : i32
    %lt3A_96 = arith.constant 196 : i32
    %lt3A_97 = arith.cmpi slt, %add3A_95, %lt3A_96 : i32
    %convert_element_type3A_98 = arith.extui %lt3A_97 : i1 to i32
    %cond3A_99 = arith.constant 0 : i32
    %cond3A_100 = arith.cmpi ne, %convert_element_type3A_98, %cond3A_99 : i32
    scf.if %cond3A_100 {
      %jit3A = arith.constant 14 : i32
      %div3A = arith.divsi %add3A_95, %jit3A : i32
      %sign3A = arith.constant 0 : i32
      %sign3A_148 = arith.cmpi sgt, %add3A_95, %sign3A : i32
      %sign3A_149 = arith.extui %sign3A_148 : i1 to i32
      %sign3A_150 = arith.constant 0 : i32
      %sign3A_151 = arith.cmpi slt, %add3A_95, %sign3A_150 : i32
      %sign3A_152 = arith.extui %sign3A_151 : i1 to i32
      %sign3A_153 = arith.subi %sign3A_149, %sign3A_152 : i32
      %sign3A_154 = arith.constant 0 : i32
      %sign3A_155 = arith.cmpi sgt, %jit3A, %sign3A_154 : i32
      %sign3A_156 = arith.extui %sign3A_155 : i1 to i32
      %sign3A_157 = arith.constant 0 : i32
      %sign3A_158 = arith.cmpi slt, %jit3A, %sign3A_157 : i32
      %sign3A_159 = arith.extui %sign3A_158 : i1 to i32
      %sign3A_160 = arith.subi %sign3A_156, %sign3A_159 : i32
      %ne3A = arith.cmpi ne, %sign3A_153, %sign3A_160 : i32
      %rem3A = arith.remsi %add3A_95, %jit3A : i32
      %ne3A_161 = arith.constant 0 : i32
      %ne3A_162 = arith.cmpi ne, %rem3A, %ne3A_161 : i32
      %and3A = arith.andi %ne3A, %ne3A_162 : i1
      %sub3A = arith.constant 1 : i32
      %sub3A_163 = arith.subi %div3A, %sub3A : i32
      %select_n3A = arith.select %and3A, %sub3A_163, %div3A : i32
      %jit3A_164 = arith.constant 14 : i32
      %eq3A = arith.constant 0 : i32
      %eq3A_165 = arith.cmpi eq, %jit3A_164, %eq3A : i32
      %jit3A_166 = arith.constant 1 : i32
      %select_n3A_167 = arith.select %eq3A_165, %jit3A_166, %jit3A_164 : i32
      %rem3A_168 = arith.remsi %add3A_95, %select_n3A_167 : i32
      %ne3A_169 = arith.constant 0 : i32
      %ne3A_170 = arith.cmpi ne, %rem3A_168, %ne3A_169 : i32
      %lt3A_171 = arith.constant 0 : i32
      %lt3A_172 = arith.cmpi slt, %rem3A_168, %lt3A_171 : i32
      %lt3A_173 = arith.constant 0 : i32
      %lt3A_174 = arith.cmpi slt, %select_n3A_167, %lt3A_173 : i32
      %ne3A_175 = arith.xori %lt3A_172, %lt3A_174 : i1
      %and3A_176 = arith.andi %ne3A_175, %ne3A_170 : i1
      %add3A_177 = arith.addi %rem3A_168, %select_n3A_167 : i32
      %select_n3A_178 = arith.select %and3A_176, %add3A_177, %rem3A_168 : i32
      %run_scoped3A = arith.constant 4 : i32
      "tpu.region"() ({
        %run_scoped3A_185 = tpu.sem_alloc : memref<!tpu.dma_semaphore, #tpu.memory_space<semaphore_mem>>
        %dma_start3A = arith.constant 0 : i32
        %dma_start3A_186 = tpu.memref_slice %arg2[%select_n3A, %run_scoped3A, %select_n3A_178, %dma_start3A] : memref<14x12x14x8192xf32, #tpu.memory_space<hbm>> -> memref<1x1x1x768xf32, #tpu.memory_space<hbm>>
        %dma_start3A_187 = tpu.memref_squeeze %dma_start3A_186 : memref<1x1x1x768xf32, #tpu.memory_space<hbm>> -> memref<1x768xf32, #tpu.memory_space<hbm>>
        %dma_start3A_188 = arith.constant 0 : i32
        %dma_start3A_189 = tpu.memref_slice %arg2[%select_n3A, %run_scoped3A, %select_n3A_178, %dma_start3A_188] : memref<14x12x14x8192xf32, #tpu.memory_space<hbm>> -> memref<1x1x1x768xf32, #tpu.memory_space<hbm>>
        %dma_start3A_190 = tpu.memref_squeeze %dma_start3A_189 : memref<1x1x1x768xf32, #tpu.memory_space<hbm>> -> memref<1x768xf32, #tpu.memory_space<hbm>>
        tpu.enqueue_dma source(%dma_start3A_190 : memref<1x768xf32, #tpu.memory_space<hbm>>) target(%arg5 : memref<1x768xf32, #tpu.memory_space<vmem>>) target_semaphore(%run_scoped3A_185 : memref<!tpu.dma_semaphore, #tpu.memory_space<semaphore_mem>>)
        %dma_wait3A = arith.constant 0 : i32
        %dma_wait3A_191 = tpu.memref_slice %arg2[%select_n3A, %run_scoped3A, %select_n3A_178, %dma_wait3A] : memref<14x12x14x8192xf32, #tpu.memory_space<hbm>> -> memref<1x1x1x768xf32, #tpu.memory_space<hbm>>
        %dma_wait3A_192 = tpu.memref_squeeze %dma_wait3A_191 : memref<1x1x1x768xf32, #tpu.memory_space<hbm>> -> memref<1x768xf32, #tpu.memory_space<hbm>>
        %dma_wait3A_193 = arith.constant 0 : i32
        %dma_wait3A_194 = tpu.memref_slice %arg2[%select_n3A, %run_scoped3A, %select_n3A_178, %dma_wait3A_193] : memref<14x12x14x8192xf32, #tpu.memory_space<hbm>> -> memref<1x1x1x768xf32, #tpu.memory_space<hbm>>
        %dma_wait3A_195 = tpu.memref_squeeze %dma_wait3A_194 : memref<1x1x1x768xf32, #tpu.memory_space<hbm>> -> memref<1x768xf32, #tpu.memory_space<hbm>>
        tpu.wait_dma2 semaphore(%run_scoped3A_185 : memref<!tpu.dma_semaphore, #tpu.memory_space<semaphore_mem>>) src(%dma_wait3A_195 : memref<1x768xf32, #tpu.memory_space<hbm>>) dst(%arg5 : memref<1x768xf32, #tpu.memory_space<vmem>>)
        tpu.yield
      }) : () -> ()
      %run_scoped3A_179 = arith.constant 9 : i32
      "tpu.region"() ({
        %run_scoped3A_185 = tpu.sem_alloc : memref<!tpu.dma_semaphore, #tpu.memory_space<semaphore_mem>>
        %dma_start3A = arith.constant 0 : i32
        %dma_start3A_186 = tpu.memref_slice %arg2[%select_n3A, %run_scoped3A_179, %select_n3A_178, %dma_start3A] : memref<14x12x14x8192xf32, #tpu.memory_space<hbm>> -> memref<1x1x1x768xf32, #tpu.memory_space<hbm>>
        %dma_start3A_187 = tpu.memref_squeeze %dma_start3A_186 : memref<1x1x1x768xf32, #tpu.memory_space<hbm>> -> memref<1x768xf32, #tpu.memory_space<hbm>>
        %dma_start3A_188 = arith.constant 0 : i32
        %dma_start3A_189 = tpu.memref_slice %arg2[%select_n3A, %run_scoped3A_179, %select_n3A_178, %dma_start3A_188] : memref<14x12x14x8192xf32, #tpu.memory_space<hbm>> -> memref<1x1x1x768xf32, #tpu.memory_space<hbm>>
        %dma_start3A_190 = tpu.memref_squeeze %dma_start3A_189 : memref<1x1x1x768xf32, #tpu.memory_space<hbm>> -> memref<1x768xf32, #tpu.memory_space<hbm>>
        tpu.enqueue_dma source(%dma_start3A_190 : memref<1x768xf32, #tpu.memory_space<hbm>>) target(%arg6 : memref<1x768xf32, #tpu.memory_space<vmem>>) target_semaphore(%run_scoped3A_185 : memref<!tpu.dma_semaphore, #tpu.memory_space<semaphore_mem>>)
        %dma_wait3A = arith.constant 0 : i32
        %dma_wait3A_191 = tpu.memref_slice %arg2[%select_n3A, %run_scoped3A_179, %select_n3A_178, %dma_wait3A] : memref<14x12x14x8192xf32, #tpu.memory_space<hbm>> -> memref<1x1x1x768xf32, #tpu.memory_space<hbm>>
        %dma_wait3A_192 = tpu.memref_squeeze %dma_wait3A_191 : memref<1x1x1x768xf32, #tpu.memory_space<hbm>> -> memref<1x768xf32, #tpu.memory_space<hbm>>
        %dma_wait3A_193 = arith.constant 0 : i32
        %dma_wait3A_194 = tpu.memref_slice %arg2[%select_n3A, %run_scoped3A_179, %select_n3A_178, %dma_wait3A_193] : memref<14x12x14x8192xf32, #tpu.memory_space<hbm>> -> memref<1x1x1x768xf32, #tpu.memory_space<hbm>>
        %dma_wait3A_195 = tpu.memref_squeeze %dma_wait3A_194 : memref<1x1x1x768xf32, #tpu.memory_space<hbm>> -> memref<1x768xf32, #tpu.memory_space<hbm>>
        tpu.wait_dma2 semaphore(%run_scoped3A_185 : memref<!tpu.dma_semaphore, #tpu.memory_space<semaphore_mem>>) src(%dma_wait3A_195 : memref<1x768xf32, #tpu.memory_space<hbm>>) dst(%arg6 : memref<1x768xf32, #tpu.memory_space<vmem>>)
        tpu.yield
      }) : () -> ()
      %run_scoped3A_180 = arith.constant 4 : i32
      "tpu.region"() ({
        %run_scoped3A_185 = tpu.sem_alloc : memref<!tpu.dma_semaphore, #tpu.memory_space<semaphore_mem>>
        %dma_start3A = arith.constant 0 : i32
        %dma_start3A_186 = tpu.memref_slice %arg3[%select_n3A, %run_scoped3A_180, %select_n3A_178, %dma_start3A] : memref<14x12x14x8192xf32, #tpu.memory_space<hbm>> -> memref<1x1x1x768xf32, #tpu.memory_space<hbm>>
        %dma_start3A_187 = tpu.memref_squeeze %dma_start3A_186 : memref<1x1x1x768xf32, #tpu.memory_space<hbm>> -> memref<1x768xf32, #tpu.memory_space<hbm>>
        %dma_start3A_188 = arith.constant 0 : i32
        %dma_start3A_189 = tpu.memref_slice %arg3[%select_n3A, %run_scoped3A_180, %select_n3A_178, %dma_start3A_188] : memref<14x12x14x8192xf32, #tpu.memory_space<hbm>> -> memref<1x1x1x768xf32, #tpu.memory_space<hbm>>
        %dma_start3A_190 = tpu.memref_squeeze %dma_start3A_189 : memref<1x1x1x768xf32, #tpu.memory_space<hbm>> -> memref<1x768xf32, #tpu.memory_space<hbm>>
        tpu.enqueue_dma source(%dma_start3A_190 : memref<1x768xf32, #tpu.memory_space<hbm>>) target(%arg7 : memref<1x768xf32, #tpu.memory_space<vmem>>) target_semaphore(%run_scoped3A_185 : memref<!tpu.dma_semaphore, #tpu.memory_space<semaphore_mem>>)
        %dma_wait3A = arith.constant 0 : i32
        %dma_wait3A_191 = tpu.memref_slice %arg3[%select_n3A, %run_scoped3A_180, %select_n3A_178, %dma_wait3A] : memref<14x12x14x8192xf32, #tpu.memory_space<hbm>> -> memref<1x1x1x768xf32, #tpu.memory_space<hbm>>
        %dma_wait3A_192 = tpu.memref_squeeze %dma_wait3A_191 : memref<1x1x1x768xf32, #tpu.memory_space<hbm>> -> memref<1x768xf32, #tpu.memory_space<hbm>>
        %dma_wait3A_193 = arith.constant 0 : i32
        %dma_wait3A_194 = tpu.memref_slice %arg3[%select_n3A, %run_scoped3A_180, %select_n3A_178, %dma_wait3A_193] : memref<14x12x14x8192xf32, #tpu.memory_space<hbm>> -> memref<1x1x1x768xf32, #tpu.memory_space<hbm>>
        %dma_wait3A_195 = tpu.memref_squeeze %dma_wait3A_194 : memref<1x1x1x768xf32, #tpu.memory_space<hbm>> -> memref<1x768xf32, #tpu.memory_space<hbm>>
        tpu.wait_dma2 semaphore(%run_scoped3A_185 : memref<!tpu.dma_semaphore, #tpu.memory_space<semaphore_mem>>) src(%dma_wait3A_195 : memref<1x768xf32, #tpu.memory_space<hbm>>) dst(%arg7 : memref<1x768xf32, #tpu.memory_space<vmem>>)
        tpu.yield
      }) : () -> ()
      %scan3A = arith.constant 0 : i32
      %scan3A_181 = arith.constant 12 : i32
      %scan3A_182 = arith.addi %scan3A, %scan3A_181 : i32
      %scan3A_183 = arith.constant 1 : i32
      scf.for %scan3A_185 = %scan3A to %scan3A_182 step %scan3A_183  : i32 {
        %mul3A_186 = arith.constant 64 : i32
        %mul3A_187 = arith.muli %scan3A_185, %mul3A_186 : i32
        %add3A_188 = arith.constant 0 : i32
        %add3A_189 = arith.addi %add3A_188, %mul3A_187 : i32
        %add3A_190 = arith.constant 0 : i32
        %add3A_191 = arith.addi %add3A_189, %add3A_190 : i32
        %get3A_192 = arith.constant 0 : index
        %get3A_193 = arith.index_cast %add3A_191 : i32 to index
        %get3A_194 = tpu.vector_load %arg5[%get3A_192, %get3A_193] {strides = array<i32>} : memref<1x768xf32, #tpu.memory_space<vmem>>, vector<1x16xf32>,
        %get3A_195 = vector.shape_cast %get3A_194 : vector<1x16xf32> to vector<1x16xf32>
        %get3A_196 = arith.constant 0 : index
        %get3A_197 = arith.index_cast %add3A_191 : i32 to index
        %get3A_198 = tpu.vector_load %arg6[%get3A_196, %get3A_197] {strides = array<i32>} : memref<1x768xf32, #tpu.memory_space<vmem>>, vector<1x16xf32>,
        %get3A_199 = vector.shape_cast %get3A_198 : vector<1x16xf32> to vector<1x16xf32>
        %get3A_200 = arith.constant 0 : index
        %get3A_201 = arith.index_cast %add3A_191 : i32 to index
        %get3A_202 = tpu.vector_load %arg7[%get3A_200, %get3A_201] {strides = array<i32>} : memref<1x768xf32, #tpu.memory_space<vmem>>, vector<1x16xf32>,
        %get3A_203 = vector.shape_cast %get3A_202 : vector<1x16xf32> to vector<1x16xf32>
        %get3A_204 = arith.constant 0 : index
        %get3A_205 = arith.constant 0 : index
        %get3A_206 = tpu.vector_load %arg8[%get3A_204, %get3A_205] {strides = array<i32>} : memref<4x16xf32, #tpu.memory_space<vmem>>, vector<1x16xf32>,
        %get3A_207 = vector.shape_cast %get3A_206 : vector<1x16xf32> to vector<1x16xf32>
        %mul3A_208 = arith.mulf %get3A_195, %get3A_195 : vector<1x16xf32>
        %mul3A_209 = arith.mulf %get3A_199, %get3A_199 : vector<1x16xf32>
        %add3A_210 = arith.addf %mul3A_208, %mul3A_209 : vector<1x16xf32>
        %sub3A_211 = arith.constant 1.000000e+00 : f32
        %sub3A_212 = vector.broadcast %sub3A_211 : f32 to vector<1x16xf32>
        %sub3A_213 = arith.subf %sub3A_212, %get3A_203 : vector<1x16xf32>
        %mul3A_214 = arith.mulf %add3A_210, %sub3A_213 : vector<1x16xf32>
        %add3A_215 = arith.addf %get3A_207, %mul3A_214 : vector<1x16xf32>
        %swap3A_216 = arith.constant 0 : index
        %swap3A_217 = arith.constant 0 : index
        %swap3A_218 = tpu.vector_load %arg8[%swap3A_216, %swap3A_217] {strides = array<i32>} : memref<4x16xf32, #tpu.memory_space<vmem>>, vector<1x16xf32>,
        %swap3A_219 = vector.shape_cast %swap3A_218 : vector<1x16xf32> to vector<1x16xf32>
        %swap3A_220 = vector.shape_cast %add3A_215 : vector<1x16xf32> to vector<1x16xf32>
        tpu.vector_store %arg8[%swap3A_216, %swap3A_217], %swap3A_220 {strides = array<i32>} : memref<4x16xf32, #tpu.memory_space<vmem>>, vector<1x16xf32>,
        %get3A_221 = arith.constant 0 : index
        %get3A_222 = arith.constant 0 : index
        %get3A_223 = tpu.vector_load %arg9[%get3A_221, %get3A_222] {strides = array<i32>} : memref<4x16xf32, #tpu.memory_space<vmem>>, vector<1x16xf32>,
        %get3A_224 = vector.shape_cast %get3A_223 : vector<1x16xf32> to vector<1x16xf32>
        %add3A_225 = arith.addf %get3A_224, %get3A_203 : vector<1x16xf32>
        %swap3A_226 = arith.constant 0 : index
        %swap3A_227 = arith.constant 0 : index
        %swap3A_228 = tpu.vector_load %arg9[%swap3A_226, %swap3A_227] {strides = array<i32>} : memref<4x16xf32, #tpu.memory_space<vmem>>, vector<1x16xf32>,
        %swap3A_229 = vector.shape_cast %swap3A_228 : vector<1x16xf32> to vector<1x16xf32>
        %swap3A_230 = vector.shape_cast %add3A_225 : vector<1x16xf32> to vector<1x16xf32>
        tpu.vector_store %arg9[%swap3A_226, %swap3A_227], %swap3A_230 {strides = array<i32>} : memref<4x16xf32, #tpu.memory_space<vmem>>, vector<1x16xf32>,
        %add3A_231 = arith.constant 16 : i32
        %add3A_232 = arith.addi %add3A_189, %add3A_231 : i32
        %get3A_233 = arith.constant 0 : index
        %get3A_234 = arith.index_cast %add3A_232 : i32 to index
        %get3A_235 = tpu.vector_load %arg5[%get3A_233, %get3A_234] {strides = array<i32>} : memref<1x768xf32, #tpu.memory_space<vmem>>, vector<1x16xf32>,
        %get3A_236 = vector.shape_cast %get3A_235 : vector<1x16xf32> to vector<1x16xf32>
        %get3A_237 = arith.constant 0 : index
        %get3A_238 = arith.index_cast %add3A_232 : i32 to index
        %get3A_239 = tpu.vector_load %arg6[%get3A_237, %get3A_238] {strides = array<i32>} : memref<1x768xf32, #tpu.memory_space<vmem>>, vector<1x16xf32>,
        %get3A_240 = vector.shape_cast %get3A_239 : vector<1x16xf32> to vector<1x16xf32>
        %get3A_241 = arith.constant 0 : index
        %get3A_242 = arith.index_cast %add3A_232 : i32 to index
        %get3A_243 = tpu.vector_load %arg7[%get3A_241, %get3A_242] {strides = array<i32>} : memref<1x768xf32, #tpu.memory_space<vmem>>, vector<1x16xf32>,
        %get3A_244 = vector.shape_cast %get3A_243 : vector<1x16xf32> to vector<1x16xf32>
        %get3A_245 = arith.constant 1 : index
        %get3A_246 = arith.constant 0 : index
        %get3A_247 = tpu.vector_load %arg8[%get3A_245, %get3A_246] {strides = array<i32>} : memref<4x16xf32, #tpu.memory_space<vmem>>, vector<1x16xf32>,
        %get3A_248 = vector.shape_cast %get3A_247 : vector<1x16xf32> to vector<1x16xf32>
        %mul3A_249 = arith.mulf %get3A_236, %get3A_236 : vector<1x16xf32>
        %mul3A_250 = arith.mulf %get3A_240, %get3A_240 : vector<1x16xf32>
        %add3A_251 = arith.addf %mul3A_249, %mul3A_250 : vector<1x16xf32>
        %sub3A_252 = arith.constant 1.000000e+00 : f32
        %sub3A_253 = vector.broadcast %sub3A_252 : f32 to vector<1x16xf32>
        %sub3A_254 = arith.subf %sub3A_253, %get3A_244 : vector<1x16xf32>
        %mul3A_255 = arith.mulf %add3A_251, %sub3A_254 : vector<1x16xf32>
        %add3A_256 = arith.addf %get3A_248, %mul3A_255 : vector<1x16xf32>
        %swap3A_257 = arith.constant 1 : index
        %swap3A_258 = arith.constant 0 : index
        %swap3A_259 = tpu.vector_load %arg8[%swap3A_257, %swap3A_258] {strides = array<i32>} : memref<4x16xf32, #tpu.memory_space<vmem>>, vector<1x16xf32>,
        %swap3A_260 = vector.shape_cast %swap3A_259 : vector<1x16xf32> to vector<1x16xf32>
        %swap3A_261 = vector.shape_cast %add3A_256 : vector<1x16xf32> to vector<1x16xf32>
        tpu.vector_store %arg8[%swap3A_257, %swap3A_258], %swap3A_261 {strides = array<i32>} : memref<4x16xf32, #tpu.memory_space<vmem>>, vector<1x16xf32>,
        %get3A_262 = arith.constant 1 : index
        %get3A_263 = arith.constant 0 : index
        %get3A_264 = tpu.vector_load %arg9[%get3A_262, %get3A_263] {strides = array<i32>} : memref<4x16xf32, #tpu.memory_space<vmem>>, vector<1x16xf32>,
        %get3A_265 = vector.shape_cast %get3A_264 : vector<1x16xf32> to vector<1x16xf32>
        %add3A_266 = arith.addf %get3A_265, %get3A_244 : vector<1x16xf32>
        %swap3A_267 = arith.constant 1 : index
        %swap3A_268 = arith.constant 0 : index
        %swap3A_269 = tpu.vector_load %arg9[%swap3A_267, %swap3A_268] {strides = array<i32>} : memref<4x16xf32, #tpu.memory_space<vmem>>, vector<1x16xf32>,
        %swap3A_270 = vector.shape_cast %swap3A_269 : vector<1x16xf32> to vector<1x16xf32>
        %swap3A_271 = vector.shape_cast %add3A_266 : vector<1x16xf32> to vector<1x16xf32>
        tpu.vector_store %arg9[%swap3A_267, %swap3A_268], %swap3A_271 {strides = array<i32>} : memref<4x16xf32, #tpu.memory_space<vmem>>, vector<1x16xf32>,
        %add3A_272 = arith.constant 32 : i32
        %add3A_273 = arith.addi %add3A_189, %add3A_272 : i32
        %get3A_274 = arith.constant 0 : index
        %get3A_275 = arith.index_cast %add3A_273 : i32 to index
        %get3A_276 = tpu.vector_load %arg5[%get3A_274, %get3A_275] {strides = array<i32>} : memref<1x768xf32, #tpu.memory_space<vmem>>, vector<1x16xf32>,
        %get3A_277 = vector.shape_cast %get3A_276 : vector<1x16xf32> to vector<1x16xf32>
        %get3A_278 = arith.constant 0 : index
        %get3A_279 = arith.index_cast %add3A_273 : i32 to index
        %get3A_280 = tpu.vector_load %arg6[%get3A_278, %get3A_279] {strides = array<i32>} : memref<1x768xf32, #tpu.memory_space<vmem>>, vector<1x16xf32>,
        %get3A_281 = vector.shape_cast %get3A_280 : vector<1x16xf32> to vector<1x16xf32>
        %get3A_282 = arith.constant 0 : index
        %get3A_283 = arith.index_cast %add3A_273 : i32 to index
        %get3A_284 = tpu.vector_load %arg7[%get3A_282, %get3A_283] {strides = array<i32>} : memref<1x768xf32, #tpu.memory_space<vmem>>, vector<1x16xf32>,
        %get3A_285 = vector.shape_cast %get3A_284 : vector<1x16xf32> to vector<1x16xf32>
        %get3A_286 = arith.constant 2 : index
        %get3A_287 = arith.constant 0 : index
        %get3A_288 = tpu.vector_load %arg8[%get3A_286, %get3A_287] {strides = array<i32>} : memref<4x16xf32, #tpu.memory_space<vmem>>, vector<1x16xf32>,
        %get3A_289 = vector.shape_cast %get3A_288 : vector<1x16xf32> to vector<1x16xf32>
        %mul3A_290 = arith.mulf %get3A_277, %get3A_277 : vector<1x16xf32>
        %mul3A_291 = arith.mulf %get3A_281, %get3A_281 : vector<1x16xf32>
        %add3A_292 = arith.addf %mul3A_290, %mul3A_291 : vector<1x16xf32>
        %sub3A_293 = arith.constant 1.000000e+00 : f32
        %sub3A_294 = vector.broadcast %sub3A_293 : f32 to vector<1x16xf32>
        %sub3A_295 = arith.subf %sub3A_294, %get3A_285 : vector<1x16xf32>
        %mul3A_296 = arith.mulf %add3A_292, %sub3A_295 : vector<1x16xf32>
        %add3A_297 = arith.addf %get3A_289, %mul3A_296 : vector<1x16xf32>
        %swap3A_298 = arith.constant 2 : index
        %swap3A_299 = arith.constant 0 : index
        %swap3A_300 = tpu.vector_load %arg8[%swap3A_298, %swap3A_299] {strides = array<i32>} : memref<4x16xf32, #tpu.memory_space<vmem>>, vector<1x16xf32>,
        %swap3A_301 = vector.shape_cast %swap3A_300 : vector<1x16xf32> to vector<1x16xf32>
        %swap3A_302 = vector.shape_cast %add3A_297 : vector<1x16xf32> to vector<1x16xf32>
        tpu.vector_store %arg8[%swap3A_298, %swap3A_299], %swap3A_302 {strides = array<i32>} : memref<4x16xf32, #tpu.memory_space<vmem>>, vector<1x16xf32>,
        %get3A_303 = arith.constant 2 : index
        %get3A_304 = arith.constant 0 : index
        %get3A_305 = tpu.vector_load %arg9[%get3A_303, %get3A_304] {strides = array<i32>} : memref<4x16xf32, #tpu.memory_space<vmem>>, vector<1x16xf32>,
        %get3A_306 = vector.shape_cast %get3A_305 : vector<1x16xf32> to vector<1x16xf32>
        %add3A_307 = arith.addf %get3A_306, %get3A_285 : vector<1x16xf32>
        %swap3A_308 = arith.constant 2 : index
        %swap3A_309 = arith.constant 0 : index
        %swap3A_310 = tpu.vector_load %arg9[%swap3A_308, %swap3A_309] {strides = array<i32>} : memref<4x16xf32, #tpu.memory_space<vmem>>, vector<1x16xf32>,
        %swap3A_311 = vector.shape_cast %swap3A_310 : vector<1x16xf32> to vector<1x16xf32>
        %swap3A_312 = vector.shape_cast %add3A_307 : vector<1x16xf32> to vector<1x16xf32>
        tpu.vector_store %arg9[%swap3A_308, %swap3A_309], %swap3A_312 {strides = array<i32>} : memref<4x16xf32, #tpu.memory_space<vmem>>, vector<1x16xf32>,
        %add3A_313 = arith.constant 48 : i32
        %add3A_314 = arith.addi %add3A_189, %add3A_313 : i32
        %get3A_315 = arith.constant 0 : index
        %get3A_316 = arith.index_cast %add3A_314 : i32 to index
        %get3A_317 = tpu.vector_load %arg5[%get3A_315, %get3A_316] {strides = array<i32>} : memref<1x768xf32, #tpu.memory_space<vmem>>, vector<1x16xf32>,
        %get3A_318 = vector.shape_cast %get3A_317 : vector<1x16xf32> to vector<1x16xf32>
        %get3A_319 = arith.constant 0 : index
        %get3A_320 = arith.index_cast %add3A_314 : i32 to index
        %get3A_321 = tpu.vector_load %arg6[%get3A_319, %get3A_320] {strides = array<i32>} : memref<1x768xf32, #tpu.memory_space<vmem>>, vector<1x16xf32>,
        %get3A_322 = vector.shape_cast %get3A_321 : vector<1x16xf32> to vector<1x16xf32>
        %get3A_323 = arith.constant 0 : index
        %get3A_324 = arith.index_cast %add3A_314 : i32 to index
        %get3A_325 = tpu.vector_load %arg7[%get3A_323, %get3A_324] {strides = array<i32>} : memref<1x768xf32, #tpu.memory_space<vmem>>, vector<1x16xf32>,
        %get3A_326 = vector.shape_cast %get3A_325 : vector<1x16xf32> to vector<1x16xf32>
        %get3A_327 = arith.constant 3 : index
        %get3A_328 = arith.constant 0 : index
        %get3A_329 = tpu.vector_load %arg8[%get3A_327, %get3A_328] {strides = array<i32>} : memref<4x16xf32, #tpu.memory_space<vmem>>, vector<1x16xf32>,
        %get3A_330 = vector.shape_cast %get3A_329 : vector<1x16xf32> to vector<1x16xf32>
        %mul3A_331 = arith.mulf %get3A_318, %get3A_318 : vector<1x16xf32>
        %mul3A_332 = arith.mulf %get3A_322, %get3A_322 : vector<1x16xf32>
        %add3A_333 = arith.addf %mul3A_331, %mul3A_332 : vector<1x16xf32>
        %sub3A_334 = arith.constant 1.000000e+00 : f32
        %sub3A_335 = vector.broadcast %sub3A_334 : f32 to vector<1x16xf32>
        %sub3A_336 = arith.subf %sub3A_335, %get3A_326 : vector<1x16xf32>
        %mul3A_337 = arith.mulf %add3A_333, %sub3A_336 : vector<1x16xf32>
        %add3A_338 = arith.addf %get3A_330, %mul3A_337 : vector<1x16xf32>
        %swap3A_339 = arith.constant 3 : index
        %swap3A_340 = arith.constant 0 : index
        %swap3A_341 = tpu.vector_load %arg8[%swap3A_339, %swap3A_340] {strides = array<i32>} : memref<4x16xf32, #tpu.memory_space<vmem>>, vector<1x16xf32>,
        %swap3A_342 = vector.shape_cast %swap3A_341 : vector<1x16xf32> to vector<1x16xf32>
        %swap3A_343 = vector.shape_cast %add3A_338 : vector<1x16xf32> to vector<1x16xf32>
        tpu.vector_store %arg8[%swap3A_339, %swap3A_340], %swap3A_343 {strides = array<i32>} : memref<4x16xf32, #tpu.memory_space<vmem>>, vector<1x16xf32>,
        %get3A_344 = arith.constant 3 : index
        %get3A_345 = arith.constant 0 : index
        %get3A_346 = tpu.vector_load %arg9[%get3A_344, %get3A_345] {strides = array<i32>} : memref<4x16xf32, #tpu.memory_space<vmem>>, vector<1x16xf32>,
        %get3A_347 = vector.shape_cast %get3A_346 : vector<1x16xf32> to vector<1x16xf32>
        %add3A_348 = arith.addf %get3A_347, %get3A_326 : vector<1x16xf32>
        %swap3A_349 = arith.constant 3 : index
        %swap3A_350 = arith.constant 0 : index
        %swap3A_351 = tpu.vector_load %arg9[%swap3A_349, %swap3A_350] {strides = array<i32>} : memref<4x16xf32, #tpu.memory_space<vmem>>, vector<1x16xf32>,
        %swap3A_352 = vector.shape_cast %swap3A_351 : vector<1x16xf32> to vector<1x16xf32>
        %swap3A_353 = vector.shape_cast %add3A_348 : vector<1x16xf32> to vector<1x16xf32>
        tpu.vector_store %arg9[%swap3A_349, %swap3A_350], %swap3A_353 {strides = array<i32>} : memref<4x16xf32, #tpu.memory_space<vmem>>, vector<1x16xf32>,
      }
      %scan3A_184 = arith.constant 12 : i32
    } else {
    }
    %get3A = arith.constant 0 : index
    %get3A_101 = arith.constant 0 : index
    %get3A_102 = tpu.vector_load %arg8[%get3A, %get3A_101] {strides = array<i32>} : memref<4x16xf32, #tpu.memory_space<vmem>>, vector<1x16xf32>,
    %get3A_103 = vector.shape_cast %get3A_102 : vector<1x16xf32> to vector<1x16xf32>
    %get3A_104 = arith.constant 1 : index
    %get3A_105 = arith.constant 0 : index
    %get3A_106 = tpu.vector_load %arg8[%get3A_104, %get3A_105] {strides = array<i32>} : memref<4x16xf32, #tpu.memory_space<vmem>>, vector<1x16xf32>,
    %get3A_107 = vector.shape_cast %get3A_106 : vector<1x16xf32> to vector<1x16xf32>
    %add3A_108 = arith.addf %get3A_103, %get3A_107 : vector<1x16xf32>
    %get3A_109 = arith.constant 2 : index
    %get3A_110 = arith.constant 0 : index
    %get3A_111 = tpu.vector_load %arg8[%get3A_109, %get3A_110] {strides = array<i32>} : memref<4x16xf32, #tpu.memory_space<vmem>>, vector<1x16xf32>,
    %get3A_112 = vector.shape_cast %get3A_111 : vector<1x16xf32> to vector<1x16xf32>
    %get3A_113 = arith.constant 3 : index
    %get3A_114 = arith.constant 0 : index
    %get3A_115 = tpu.vector_load %arg8[%get3A_113, %get3A_114] {strides = array<i32>} : memref<4x16xf32, #tpu.memory_space<vmem>>, vector<1x16xf32>,
    %get3A_116 = vector.shape_cast %get3A_115 : vector<1x16xf32> to vector<1x16xf32>
    %add3A_117 = arith.addf %get3A_112, %get3A_116 : vector<1x16xf32>
    %add3A_118 = arith.addf %add3A_108, %add3A_117 : vector<1x16xf32>
    %swap3A_119 = arith.constant 0 : index
    %swap3A_120 = arith.constant 0 : index
    %swap3A_121 = tpu.vector_load %arg10[%swap3A_119, %swap3A_120] {strides = array<i32>} : memref<1x128xf32, #tpu.memory_space<vmem>>, vector<1x16xf32>,
    %swap3A_122 = vector.shape_cast %swap3A_121 : vector<1x16xf32> to vector<1x16xf32>
    %swap3A_123 = vector.shape_cast %add3A_118 : vector<1x16xf32> to vector<1x16xf32>
    tpu.vector_store %arg10[%swap3A_119, %swap3A_120], %swap3A_123 {strides = array<i32>} : memref<1x128xf32, #tpu.memory_space<vmem>>, vector<1x16xf32>,
    %get3A_124 = arith.constant 0 : index
    %get3A_125 = arith.constant 0 : index
    %get3A_126 = tpu.vector_load %arg9[%get3A_124, %get3A_125] {strides = array<i32>} : memref<4x16xf32, #tpu.memory_space<vmem>>, vector<1x16xf32>,
    %get3A_127 = vector.shape_cast %get3A_126 : vector<1x16xf32> to vector<1x16xf32>
    %get3A_128 = arith.constant 1 : index
    %get3A_129 = arith.constant 0 : index
    %get3A_130 = tpu.vector_load %arg9[%get3A_128, %get3A_129] {strides = array<i32>} : memref<4x16xf32, #tpu.memory_space<vmem>>, vector<1x16xf32>,
    %get3A_131 = vector.shape_cast %get3A_130 : vector<1x16xf32> to vector<1x16xf32>
    %add3A_132 = arith.addf %get3A_127, %get3A_131 : vector<1x16xf32>
    %get3A_133 = arith.constant 2 : index
    %get3A_134 = arith.constant 0 : index
    %get3A_135 = tpu.vector_load %arg9[%get3A_133, %get3A_134] {strides = array<i32>} : memref<4x16xf32, #tpu.memory_space<vmem>>, vector<1x16xf32>,
    %get3A_136 = vector.shape_cast %get3A_135 : vector<1x16xf32> to vector<1x16xf32>
    %get3A_137 = arith.constant 3 : index
    %get3A_138 = arith.constant 0 : index
    %get3A_139 = tpu.vector_load %arg9[%get3A_137, %get3A_138] {strides = array<i32>} : memref<4x16xf32, #tpu.memory_space<vmem>>, vector<1x16xf32>,
    %get3A_140 = vector.shape_cast %get3A_139 : vector<1x16xf32> to vector<1x16xf32>
    %add3A_141 = arith.addf %get3A_136, %get3A_140 : vector<1x16xf32>
    %add3A_142 = arith.addf %add3A_132, %add3A_141 : vector<1x16xf32>
    %swap3A_143 = arith.constant 0 : index
    %swap3A_144 = arith.constant 16 : index
    %swap3A_145 = tpu.vector_load %arg10[%swap3A_143, %swap3A_144] {strides = array<i32>} : memref<1x128xf32, #tpu.memory_space<vmem>>, vector<1x16xf32>,
    %swap3A_146 = vector.shape_cast %swap3A_145 : vector<1x16xf32> to vector<1x16xf32>
    %swap3A_147 = vector.shape_cast %add3A_142 : vector<1x16xf32> to vector<1x16xf32>
    tpu.vector_store %arg10[%swap3A_143, %swap3A_144], %swap3A_147 {strides = array<i32>} : memref<1x128xf32, #tpu.memory_space<vmem>>, vector<1x16xf32>,
    "tpu.region"() ({
      %run_scoped3A = tpu.sem_alloc : memref<!tpu.dma_semaphore, #tpu.memory_space<semaphore_mem>>
      %dma_start3A = arith.constant 0 : i32
      %dma_start3A_148 = tpu.memref_slice %arg4[%add3A, %dma_start3A] : memref<32x128xf32, #tpu.memory_space<hbm>> -> memref<1x128xf32, #tpu.memory_space<hbm>>
      %dma_start3A_149 = arith.constant 0 : i32
      %dma_start3A_150 = tpu.memref_slice %arg4[%add3A, %dma_start3A_149] : memref<32x128xf32, #tpu.memory_space<hbm>> -> memref<1x128xf32, #tpu.memory_space<hbm>>
      tpu.enqueue_dma source(%arg10 : memref<1x128xf32, #tpu.memory_space<vmem>>) target(%dma_start3A_150 : memref<1x128xf32, #tpu.memory_space<hbm>>) target_semaphore(%run_scoped3A : memref<!tpu.dma_semaphore, #tpu.memory_space<semaphore_mem>>)
      %dma_wait3A = arith.constant 0 : i32
      %dma_wait3A_151 = tpu.memref_slice %arg4[%add3A, %dma_wait3A] : memref<32x128xf32, #tpu.memory_space<hbm>> -> memref<1x128xf32, #tpu.memory_space<hbm>>
      %dma_wait3A_152 = arith.constant 0 : i32
      %dma_wait3A_153 = tpu.memref_slice %arg4[%add3A, %dma_wait3A_152] : memref<32x128xf32, #tpu.memory_space<hbm>> -> memref<1x128xf32, #tpu.memory_space<hbm>>
      tpu.wait_dma2 semaphore(%run_scoped3A : memref<!tpu.dma_semaphore, #tpu.memory_space<semaphore_mem>>) src(%arg10 : memref<1x128xf32, #tpu.memory_space<vmem>>) dst(%dma_wait3A_153 : memref<1x128xf32, #tpu.memory_space<hbm>>)
      tpu.yield
    }) : () -> ()
    return
  }
}

module attributes {stable_mosaic.version = 14 : i64} {
  func.func @_tc_body(%arg0: memref<14x12x14x8192xf32, #tpu.memory_space<any>>, %arg1: memref<14x12x14x8192xf32, #tpu.memory_space<any>>, %arg2: memref<2xf32, #tpu.memory_space<smem>>, %arg3: memref<14x14x7424xf32, #tpu.memory_space<vmem>>, %arg4: memref<14x14x7424xf32, #tpu.memory_space<vmem>>, %arg5: memref<14x14x7424xf32, #tpu.memory_space<vmem>>, %arg6: memref<3x7x!tpu.dma_semaphore, #tpu.memory_space<semaphore_mem>>) attributes {dimension_semantics = [], scalar_prefetch = 0 : i64, scratch_operands = 4 : i64, tpu.core_type = #tpu.core_type<tc>} {
    %dma_start3A = arith.constant 4 : i32
    %dma_start3A_0 = arith.constant 0 : i32
    %dma_start3A_1 = arith.constant 0 : i32
    %dma_start3A_2 = tpu.memref_slice %arg6[%dma_start3A_0, %dma_start3A_1] : memref<3x7x!tpu.dma_semaphore, #tpu.memory_space<semaphore_mem>> -> memref<1x1x!tpu.dma_semaphore, #tpu.memory_space<semaphore_mem>>
    %dma_start3A_3 = tpu.memref_squeeze %dma_start3A_2 : memref<1x1x!tpu.dma_semaphore, #tpu.memory_space<semaphore_mem>> -> memref<!tpu.dma_semaphore, #tpu.memory_space<semaphore_mem>>
    %dma_start3A_4 = arith.constant 0 : i32
    %dma_start3A_5 = arith.constant 0 : i32
    %dma_start3A_6 = arith.constant 0 : i32
    %dma_start3A_7 = tpu.memref_slice %arg3[%dma_start3A_4, %dma_start3A_5, %dma_start3A_6] : memref<14x14x7424xf32, #tpu.memory_space<vmem>> -> memref<2x14x7424xf32, #tpu.memory_space<vmem>>
    %dma_start3A_8 = arith.constant 0 : i32
    %dma_start3A_9 = arith.constant 0 : i32
    %dma_start3A_10 = arith.constant 768 : i32
    %dma_start3A_11 = tpu.memref_slice %arg0[%dma_start3A_8, %dma_start3A, %dma_start3A_9, %dma_start3A_10] : memref<14x12x14x8192xf32, #tpu.memory_space<any>> -> memref<2x1x14x7424xf32, #tpu.memory_space<any>>
    %dma_start3A_12 = tpu.memref_squeeze %dma_start3A_11 : memref<2x1x14x7424xf32, #tpu.memory_space<any>> -> memref<2x14x7424xf32, #tpu.memory_space<any>>
    tpu.enqueue_dma source(%dma_start3A_12 : memref<2x14x7424xf32, #tpu.memory_space<any>>) target(%dma_start3A_7 : memref<2x14x7424xf32, #tpu.memory_space<vmem>>) target_semaphore(%dma_start3A_3 : memref<!tpu.dma_semaphore, #tpu.memory_space<semaphore_mem>>)
    %dma_start3A_13 = arith.constant 9 : i32
    %dma_start3A_14 = arith.constant 1 : i32
    %dma_start3A_15 = arith.constant 0 : i32
    %dma_start3A_16 = tpu.memref_slice %arg6[%dma_start3A_14, %dma_start3A_15] : memref<3x7x!tpu.dma_semaphore, #tpu.memory_space<semaphore_mem>> -> memref<1x1x!tpu.dma_semaphore, #tpu.memory_space<semaphore_mem>>
    %dma_start3A_17 = tpu.memref_squeeze %dma_start3A_16 : memref<1x1x!tpu.dma_semaphore, #tpu.memory_space<semaphore_mem>> -> memref<!tpu.dma_semaphore, #tpu.memory_space<semaphore_mem>>
    %dma_start3A_18 = arith.constant 0 : i32
    %dma_start3A_19 = arith.constant 0 : i32
    %dma_start3A_20 = arith.constant 0 : i32
    %dma_start3A_21 = tpu.memref_slice %arg4[%dma_start3A_18, %dma_start3A_19, %dma_start3A_20] : memref<14x14x7424xf32, #tpu.memory_space<vmem>> -> memref<2x14x7424xf32, #tpu.memory_space<vmem>>
    %dma_start3A_22 = arith.constant 0 : i32
    %dma_start3A_23 = arith.constant 0 : i32
    %dma_start3A_24 = arith.constant 768 : i32
    %dma_start3A_25 = tpu.memref_slice %arg0[%dma_start3A_22, %dma_start3A_13, %dma_start3A_23, %dma_start3A_24] : memref<14x12x14x8192xf32, #tpu.memory_space<any>> -> memref<2x1x14x7424xf32, #tpu.memory_space<any>>
    %dma_start3A_26 = tpu.memref_squeeze %dma_start3A_25 : memref<2x1x14x7424xf32, #tpu.memory_space<any>> -> memref<2x14x7424xf32, #tpu.memory_space<any>>
    tpu.enqueue_dma source(%dma_start3A_26 : memref<2x14x7424xf32, #tpu.memory_space<any>>) target(%dma_start3A_21 : memref<2x14x7424xf32, #tpu.memory_space<vmem>>) target_semaphore(%dma_start3A_17 : memref<!tpu.dma_semaphore, #tpu.memory_space<semaphore_mem>>)
    %dma_start3A_27 = arith.constant 4 : i32
    %dma_start3A_28 = arith.constant 2 : i32
    %dma_start3A_29 = arith.constant 0 : i32
    %dma_start3A_30 = tpu.memref_slice %arg6[%dma_start3A_28, %dma_start3A_29] : memref<3x7x!tpu.dma_semaphore, #tpu.memory_space<semaphore_mem>> -> memref<1x1x!tpu.dma_semaphore, #tpu.memory_space<semaphore_mem>>
    %dma_start3A_31 = tpu.memref_squeeze %dma_start3A_30 : memref<1x1x!tpu.dma_semaphore, #tpu.memory_space<semaphore_mem>> -> memref<!tpu.dma_semaphore, #tpu.memory_space<semaphore_mem>>
    %dma_start3A_32 = arith.constant 0 : i32
    %dma_start3A_33 = arith.constant 0 : i32
    %dma_start3A_34 = arith.constant 0 : i32
    %dma_start3A_35 = tpu.memref_slice %arg5[%dma_start3A_32, %dma_start3A_33, %dma_start3A_34] : memref<14x14x7424xf32, #tpu.memory_space<vmem>> -> memref<2x14x7424xf32, #tpu.memory_space<vmem>>
    %dma_start3A_36 = arith.constant 0 : i32
    %dma_start3A_37 = arith.constant 0 : i32
    %dma_start3A_38 = arith.constant 768 : i32
    %dma_start3A_39 = tpu.memref_slice %arg1[%dma_start3A_36, %dma_start3A_27, %dma_start3A_37, %dma_start3A_38] : memref<14x12x14x8192xf32, #tpu.memory_space<any>> -> memref<2x1x14x7424xf32, #tpu.memory_space<any>>
    %dma_start3A_40 = tpu.memref_squeeze %dma_start3A_39 : memref<2x1x14x7424xf32, #tpu.memory_space<any>> -> memref<2x14x7424xf32, #tpu.memory_space<any>>
    tpu.enqueue_dma source(%dma_start3A_40 : memref<2x14x7424xf32, #tpu.memory_space<any>>) target(%dma_start3A_35 : memref<2x14x7424xf32, #tpu.memory_space<vmem>>) target_semaphore(%dma_start3A_31 : memref<!tpu.dma_semaphore, #tpu.memory_space<semaphore_mem>>)
    %dma_start3A_41 = arith.constant 4 : i32
    %dma_start3A_42 = arith.constant 0 : i32
    %dma_start3A_43 = arith.constant 1 : i32
    %dma_start3A_44 = tpu.memref_slice %arg6[%dma_start3A_42, %dma_start3A_43] : memref<3x7x!tpu.dma_semaphore, #tpu.memory_space<semaphore_mem>> -> memref<1x1x!tpu.dma_semaphore, #tpu.memory_space<semaphore_mem>>
    %dma_start3A_45 = tpu.memref_squeeze %dma_start3A_44 : memref<1x1x!tpu.dma_semaphore, #tpu.memory_space<semaphore_mem>> -> memref<!tpu.dma_semaphore, #tpu.memory_space<semaphore_mem>>
    %dma_start3A_46 = arith.constant 2 : i32
    %dma_start3A_47 = arith.constant 0 : i32
    %dma_start3A_48 = arith.constant 0 : i32
    %dma_start3A_49 = tpu.memref_slice %arg3[%dma_start3A_46, %dma_start3A_47, %dma_start3A_48] : memref<14x14x7424xf32, #tpu.memory_space<vmem>> -> memref<2x14x7424xf32, #tpu.memory_space<vmem>>
    %dma_start3A_50 = arith.constant 2 : i32
    %dma_start3A_51 = arith.constant 0 : i32
    %dma_start3A_52 = arith.constant 768 : i32
    %dma_start3A_53 = tpu.memref_slice %arg0[%dma_start3A_50, %dma_start3A_41, %dma_start3A_51, %dma_start3A_52] : memref<14x12x14x8192xf32, #tpu.memory_space<any>> -> memref<2x1x14x7424xf32, #tpu.memory_space<any>>
    %dma_start3A_54 = tpu.memref_squeeze %dma_start3A_53 : memref<2x1x14x7424xf32, #tpu.memory_space<any>> -> memref<2x14x7424xf32, #tpu.memory_space<any>>
    tpu.enqueue_dma source(%dma_start3A_54 : memref<2x14x7424xf32, #tpu.memory_space<any>>) target(%dma_start3A_49 : memref<2x14x7424xf32, #tpu.memory_space<vmem>>) target_semaphore(%dma_start3A_45 : memref<!tpu.dma_semaphore, #tpu.memory_space<semaphore_mem>>)
    %dma_start3A_55 = arith.constant 9 : i32
    %dma_start3A_56 = arith.constant 1 : i32
    %dma_start3A_57 = arith.constant 1 : i32
    %dma_start3A_58 = tpu.memref_slice %arg6[%dma_start3A_56, %dma_start3A_57] : memref<3x7x!tpu.dma_semaphore, #tpu.memory_space<semaphore_mem>> -> memref<1x1x!tpu.dma_semaphore, #tpu.memory_space<semaphore_mem>>
    %dma_start3A_59 = tpu.memref_squeeze %dma_start3A_58 : memref<1x1x!tpu.dma_semaphore, #tpu.memory_space<semaphore_mem>> -> memref<!tpu.dma_semaphore, #tpu.memory_space<semaphore_mem>>
    %dma_start3A_60 = arith.constant 2 : i32
    %dma_start3A_61 = arith.constant 0 : i32
    %dma_start3A_62 = arith.constant 0 : i32
    %dma_start3A_63 = tpu.memref_slice %arg4[%dma_start3A_60, %dma_start3A_61, %dma_start3A_62] : memref<14x14x7424xf32, #tpu.memory_space<vmem>> -> memref<2x14x7424xf32, #tpu.memory_space<vmem>>
    %dma_start3A_64 = arith.constant 2 : i32
    %dma_start3A_65 = arith.constant 0 : i32
    %dma_start3A_66 = arith.constant 768 : i32
    %dma_start3A_67 = tpu.memref_slice %arg0[%dma_start3A_64, %dma_start3A_55, %dma_start3A_65, %dma_start3A_66] : memref<14x12x14x8192xf32, #tpu.memory_space<any>> -> memref<2x1x14x7424xf32, #tpu.memory_space<any>>
    %dma_start3A_68 = tpu.memref_squeeze %dma_start3A_67 : memref<2x1x14x7424xf32, #tpu.memory_space<any>> -> memref<2x14x7424xf32, #tpu.memory_space<any>>
    tpu.enqueue_dma source(%dma_start3A_68 : memref<2x14x7424xf32, #tpu.memory_space<any>>) target(%dma_start3A_63 : memref<2x14x7424xf32, #tpu.memory_space<vmem>>) target_semaphore(%dma_start3A_59 : memref<!tpu.dma_semaphore, #tpu.memory_space<semaphore_mem>>)
    %dma_start3A_69 = arith.constant 4 : i32
    %dma_start3A_70 = arith.constant 2 : i32
    %dma_start3A_71 = arith.constant 1 : i32
    %dma_start3A_72 = tpu.memref_slice %arg6[%dma_start3A_70, %dma_start3A_71] : memref<3x7x!tpu.dma_semaphore, #tpu.memory_space<semaphore_mem>> -> memref<1x1x!tpu.dma_semaphore, #tpu.memory_space<semaphore_mem>>
    %dma_start3A_73 = tpu.memref_squeeze %dma_start3A_72 : memref<1x1x!tpu.dma_semaphore, #tpu.memory_space<semaphore_mem>> -> memref<!tpu.dma_semaphore, #tpu.memory_space<semaphore_mem>>
    %dma_start3A_74 = arith.constant 2 : i32
    %dma_start3A_75 = arith.constant 0 : i32
    %dma_start3A_76 = arith.constant 0 : i32
    %dma_start3A_77 = tpu.memref_slice %arg5[%dma_start3A_74, %dma_start3A_75, %dma_start3A_76] : memref<14x14x7424xf32, #tpu.memory_space<vmem>> -> memref<2x14x7424xf32, #tpu.memory_space<vmem>>
    %dma_start3A_78 = arith.constant 2 : i32
    %dma_start3A_79 = arith.constant 0 : i32
    %dma_start3A_80 = arith.constant 768 : i32
    %dma_start3A_81 = tpu.memref_slice %arg1[%dma_start3A_78, %dma_start3A_69, %dma_start3A_79, %dma_start3A_80] : memref<14x12x14x8192xf32, #tpu.memory_space<any>> -> memref<2x1x14x7424xf32, #tpu.memory_space<any>>
    %dma_start3A_82 = tpu.memref_squeeze %dma_start3A_81 : memref<2x1x14x7424xf32, #tpu.memory_space<any>> -> memref<2x14x7424xf32, #tpu.memory_space<any>>
    tpu.enqueue_dma source(%dma_start3A_82 : memref<2x14x7424xf32, #tpu.memory_space<any>>) target(%dma_start3A_77 : memref<2x14x7424xf32, #tpu.memory_space<vmem>>) target_semaphore(%dma_start3A_73 : memref<!tpu.dma_semaphore, #tpu.memory_space<semaphore_mem>>)
    %dma_start3A_83 = arith.constant 4 : i32
    %dma_start3A_84 = arith.constant 0 : i32
    %dma_start3A_85 = arith.constant 2 : i32
    %dma_start3A_86 = tpu.memref_slice %arg6[%dma_start3A_84, %dma_start3A_85] : memref<3x7x!tpu.dma_semaphore, #tpu.memory_space<semaphore_mem>> -> memref<1x1x!tpu.dma_semaphore, #tpu.memory_space<semaphore_mem>>
    %dma_start3A_87 = tpu.memref_squeeze %dma_start3A_86 : memref<1x1x!tpu.dma_semaphore, #tpu.memory_space<semaphore_mem>> -> memref<!tpu.dma_semaphore, #tpu.memory_space<semaphore_mem>>
    %dma_start3A_88 = arith.constant 4 : i32
    %dma_start3A_89 = arith.constant 0 : i32
    %dma_start3A_90 = arith.constant 0 : i32
    %dma_start3A_91 = tpu.memref_slice %arg3[%dma_start3A_88, %dma_start3A_89, %dma_start3A_90] : memref<14x14x7424xf32, #tpu.memory_space<vmem>> -> memref<2x14x7424xf32, #tpu.memory_space<vmem>>
    %dma_start3A_92 = arith.constant 4 : i32
    %dma_start3A_93 = arith.constant 0 : i32
    %dma_start3A_94 = arith.constant 768 : i32
    %dma_start3A_95 = tpu.memref_slice %arg0[%dma_start3A_92, %dma_start3A_83, %dma_start3A_93, %dma_start3A_94] : memref<14x12x14x8192xf32, #tpu.memory_space<any>> -> memref<2x1x14x7424xf32, #tpu.memory_space<any>>
    %dma_start3A_96 = tpu.memref_squeeze %dma_start3A_95 : memref<2x1x14x7424xf32, #tpu.memory_space<any>> -> memref<2x14x7424xf32, #tpu.memory_space<any>>
    tpu.enqueue_dma source(%dma_start3A_96 : memref<2x14x7424xf32, #tpu.memory_space<any>>) target(%dma_start3A_91 : memref<2x14x7424xf32, #tpu.memory_space<vmem>>) target_semaphore(%dma_start3A_87 : memref<!tpu.dma_semaphore, #tpu.memory_space<semaphore_mem>>)
    %dma_start3A_97 = arith.constant 9 : i32
    %dma_start3A_98 = arith.constant 1 : i32
    %dma_start3A_99 = arith.constant 2 : i32
    %dma_start3A_100 = tpu.memref_slice %arg6[%dma_start3A_98, %dma_start3A_99] : memref<3x7x!tpu.dma_semaphore, #tpu.memory_space<semaphore_mem>> -> memref<1x1x!tpu.dma_semaphore, #tpu.memory_space<semaphore_mem>>
    %dma_start3A_101 = tpu.memref_squeeze %dma_start3A_100 : memref<1x1x!tpu.dma_semaphore, #tpu.memory_space<semaphore_mem>> -> memref<!tpu.dma_semaphore, #tpu.memory_space<semaphore_mem>>
    %dma_start3A_102 = arith.constant 4 : i32
    %dma_start3A_103 = arith.constant 0 : i32
    %dma_start3A_104 = arith.constant 0 : i32
    %dma_start3A_105 = tpu.memref_slice %arg4[%dma_start3A_102, %dma_start3A_103, %dma_start3A_104] : memref<14x14x7424xf32, #tpu.memory_space<vmem>> -> memref<2x14x7424xf32, #tpu.memory_space<vmem>>
    %dma_start3A_106 = arith.constant 4 : i32
    %dma_start3A_107 = arith.constant 0 : i32
    %dma_start3A_108 = arith.constant 768 : i32
    %dma_start3A_109 = tpu.memref_slice %arg0[%dma_start3A_106, %dma_start3A_97, %dma_start3A_107, %dma_start3A_108] : memref<14x12x14x8192xf32, #tpu.memory_space<any>> -> memref<2x1x14x7424xf32, #tpu.memory_space<any>>
    %dma_start3A_110 = tpu.memref_squeeze %dma_start3A_109 : memref<2x1x14x7424xf32, #tpu.memory_space<any>> -> memref<2x14x7424xf32, #tpu.memory_space<any>>
    tpu.enqueue_dma source(%dma_start3A_110 : memref<2x14x7424xf32, #tpu.memory_space<any>>) target(%dma_start3A_105 : memref<2x14x7424xf32, #tpu.memory_space<vmem>>) target_semaphore(%dma_start3A_101 : memref<!tpu.dma_semaphore, #tpu.memory_space<semaphore_mem>>)
    %dma_start3A_111 = arith.constant 4 : i32
    %dma_start3A_112 = arith.constant 2 : i32
    %dma_start3A_113 = arith.constant 2 : i32
    %dma_start3A_114 = tpu.memref_slice %arg6[%dma_start3A_112, %dma_start3A_113] : memref<3x7x!tpu.dma_semaphore, #tpu.memory_space<semaphore_mem>> -> memref<1x1x!tpu.dma_semaphore, #tpu.memory_space<semaphore_mem>>
    %dma_start3A_115 = tpu.memref_squeeze %dma_start3A_114 : memref<1x1x!tpu.dma_semaphore, #tpu.memory_space<semaphore_mem>> -> memref<!tpu.dma_semaphore, #tpu.memory_space<semaphore_mem>>
    %dma_start3A_116 = arith.constant 4 : i32
    %dma_start3A_117 = arith.constant 0 : i32
    %dma_start3A_118 = arith.constant 0 : i32
    %dma_start3A_119 = tpu.memref_slice %arg5[%dma_start3A_116, %dma_start3A_117, %dma_start3A_118] : memref<14x14x7424xf32, #tpu.memory_space<vmem>> -> memref<2x14x7424xf32, #tpu.memory_space<vmem>>
    %dma_start3A_120 = arith.constant 4 : i32
    %dma_start3A_121 = arith.constant 0 : i32
    %dma_start3A_122 = arith.constant 768 : i32
    %dma_start3A_123 = tpu.memref_slice %arg1[%dma_start3A_120, %dma_start3A_111, %dma_start3A_121, %dma_start3A_122] : memref<14x12x14x8192xf32, #tpu.memory_space<any>> -> memref<2x1x14x7424xf32, #tpu.memory_space<any>>
    %dma_start3A_124 = tpu.memref_squeeze %dma_start3A_123 : memref<2x1x14x7424xf32, #tpu.memory_space<any>> -> memref<2x14x7424xf32, #tpu.memory_space<any>>
    tpu.enqueue_dma source(%dma_start3A_124 : memref<2x14x7424xf32, #tpu.memory_space<any>>) target(%dma_start3A_119 : memref<2x14x7424xf32, #tpu.memory_space<vmem>>) target_semaphore(%dma_start3A_115 : memref<!tpu.dma_semaphore, #tpu.memory_space<semaphore_mem>>)
    %dma_start3A_125 = arith.constant 4 : i32
    %dma_start3A_126 = arith.constant 0 : i32
    %dma_start3A_127 = arith.constant 3 : i32
    %dma_start3A_128 = tpu.memref_slice %arg6[%dma_start3A_126, %dma_start3A_127] : memref<3x7x!tpu.dma_semaphore, #tpu.memory_space<semaphore_mem>> -> memref<1x1x!tpu.dma_semaphore, #tpu.memory_space<semaphore_mem>>
    %dma_start3A_129 = tpu.memref_squeeze %dma_start3A_128 : memref<1x1x!tpu.dma_semaphore, #tpu.memory_space<semaphore_mem>> -> memref<!tpu.dma_semaphore, #tpu.memory_space<semaphore_mem>>
    %dma_start3A_130 = arith.constant 6 : i32
    %dma_start3A_131 = arith.constant 0 : i32
    %dma_start3A_132 = arith.constant 0 : i32
    %dma_start3A_133 = tpu.memref_slice %arg3[%dma_start3A_130, %dma_start3A_131, %dma_start3A_132] : memref<14x14x7424xf32, #tpu.memory_space<vmem>> -> memref<2x14x7424xf32, #tpu.memory_space<vmem>>
    %dma_start3A_134 = arith.constant 6 : i32
    %dma_start3A_135 = arith.constant 0 : i32
    %dma_start3A_136 = arith.constant 768 : i32
    %dma_start3A_137 = tpu.memref_slice %arg0[%dma_start3A_134, %dma_start3A_125, %dma_start3A_135, %dma_start3A_136] : memref<14x12x14x8192xf32, #tpu.memory_space<any>> -> memref<2x1x14x7424xf32, #tpu.memory_space<any>>
    %dma_start3A_138 = tpu.memref_squeeze %dma_start3A_137 : memref<2x1x14x7424xf32, #tpu.memory_space<any>> -> memref<2x14x7424xf32, #tpu.memory_space<any>>
    tpu.enqueue_dma source(%dma_start3A_138 : memref<2x14x7424xf32, #tpu.memory_space<any>>) target(%dma_start3A_133 : memref<2x14x7424xf32, #tpu.memory_space<vmem>>) target_semaphore(%dma_start3A_129 : memref<!tpu.dma_semaphore, #tpu.memory_space<semaphore_mem>>)
    %dma_start3A_139 = arith.constant 9 : i32
    %dma_start3A_140 = arith.constant 1 : i32
    %dma_start3A_141 = arith.constant 3 : i32
    %dma_start3A_142 = tpu.memref_slice %arg6[%dma_start3A_140, %dma_start3A_141] : memref<3x7x!tpu.dma_semaphore, #tpu.memory_space<semaphore_mem>> -> memref<1x1x!tpu.dma_semaphore, #tpu.memory_space<semaphore_mem>>
    %dma_start3A_143 = tpu.memref_squeeze %dma_start3A_142 : memref<1x1x!tpu.dma_semaphore, #tpu.memory_space<semaphore_mem>> -> memref<!tpu.dma_semaphore, #tpu.memory_space<semaphore_mem>>
    %dma_start3A_144 = arith.constant 6 : i32
    %dma_start3A_145 = arith.constant 0 : i32
    %dma_start3A_146 = arith.constant 0 : i32
    %dma_start3A_147 = tpu.memref_slice %arg4[%dma_start3A_144, %dma_start3A_145, %dma_start3A_146] : memref<14x14x7424xf32, #tpu.memory_space<vmem>> -> memref<2x14x7424xf32, #tpu.memory_space<vmem>>
    %dma_start3A_148 = arith.constant 6 : i32
    %dma_start3A_149 = arith.constant 0 : i32
    %dma_start3A_150 = arith.constant 768 : i32
    %dma_start3A_151 = tpu.memref_slice %arg0[%dma_start3A_148, %dma_start3A_139, %dma_start3A_149, %dma_start3A_150] : memref<14x12x14x8192xf32, #tpu.memory_space<any>> -> memref<2x1x14x7424xf32, #tpu.memory_space<any>>
    %dma_start3A_152 = tpu.memref_squeeze %dma_start3A_151 : memref<2x1x14x7424xf32, #tpu.memory_space<any>> -> memref<2x14x7424xf32, #tpu.memory_space<any>>
    tpu.enqueue_dma source(%dma_start3A_152 : memref<2x14x7424xf32, #tpu.memory_space<any>>) target(%dma_start3A_147 : memref<2x14x7424xf32, #tpu.memory_space<vmem>>) target_semaphore(%dma_start3A_143 : memref<!tpu.dma_semaphore, #tpu.memory_space<semaphore_mem>>)
    %dma_start3A_153 = arith.constant 4 : i32
    %dma_start3A_154 = arith.constant 2 : i32
    %dma_start3A_155 = arith.constant 3 : i32
    %dma_start3A_156 = tpu.memref_slice %arg6[%dma_start3A_154, %dma_start3A_155] : memref<3x7x!tpu.dma_semaphore, #tpu.memory_space<semaphore_mem>> -> memref<1x1x!tpu.dma_semaphore, #tpu.memory_space<semaphore_mem>>
    %dma_start3A_157 = tpu.memref_squeeze %dma_start3A_156 : memref<1x1x!tpu.dma_semaphore, #tpu.memory_space<semaphore_mem>> -> memref<!tpu.dma_semaphore, #tpu.memory_space<semaphore_mem>>
    %dma_start3A_158 = arith.constant 6 : i32
    %dma_start3A_159 = arith.constant 0 : i32
    %dma_start3A_160 = arith.constant 0 : i32
    %dma_start3A_161 = tpu.memref_slice %arg5[%dma_start3A_158, %dma_start3A_159, %dma_start3A_160] : memref<14x14x7424xf32, #tpu.memory_space<vmem>> -> memref<2x14x7424xf32, #tpu.memory_space<vmem>>
    %dma_start3A_162 = arith.constant 6 : i32
    %dma_start3A_163 = arith.constant 0 : i32
    %dma_start3A_164 = arith.constant 768 : i32
    %dma_start3A_165 = tpu.memref_slice %arg1[%dma_start3A_162, %dma_start3A_153, %dma_start3A_163, %dma_start3A_164] : memref<14x12x14x8192xf32, #tpu.memory_space<any>> -> memref<2x1x14x7424xf32, #tpu.memory_space<any>>
    %dma_start3A_166 = tpu.memref_squeeze %dma_start3A_165 : memref<2x1x14x7424xf32, #tpu.memory_space<any>> -> memref<2x14x7424xf32, #tpu.memory_space<any>>
    tpu.enqueue_dma source(%dma_start3A_166 : memref<2x14x7424xf32, #tpu.memory_space<any>>) target(%dma_start3A_161 : memref<2x14x7424xf32, #tpu.memory_space<vmem>>) target_semaphore(%dma_start3A_157 : memref<!tpu.dma_semaphore, #tpu.memory_space<semaphore_mem>>)
    %dma_start3A_167 = arith.constant 4 : i32
    %dma_start3A_168 = arith.constant 0 : i32
    %dma_start3A_169 = arith.constant 4 : i32
    %dma_start3A_170 = tpu.memref_slice %arg6[%dma_start3A_168, %dma_start3A_169] : memref<3x7x!tpu.dma_semaphore, #tpu.memory_space<semaphore_mem>> -> memref<1x1x!tpu.dma_semaphore, #tpu.memory_space<semaphore_mem>>
    %dma_start3A_171 = tpu.memref_squeeze %dma_start3A_170 : memref<1x1x!tpu.dma_semaphore, #tpu.memory_space<semaphore_mem>> -> memref<!tpu.dma_semaphore, #tpu.memory_space<semaphore_mem>>
    %dma_start3A_172 = arith.constant 8 : i32
    %dma_start3A_173 = arith.constant 0 : i32
    %dma_start3A_174 = arith.constant 0 : i32
    %dma_start3A_175 = tpu.memref_slice %arg3[%dma_start3A_172, %dma_start3A_173, %dma_start3A_174] : memref<14x14x7424xf32, #tpu.memory_space<vmem>> -> memref<2x14x7424xf32, #tpu.memory_space<vmem>>
    %dma_start3A_176 = arith.constant 8 : i32
    %dma_start3A_177 = arith.constant 0 : i32
    %dma_start3A_178 = arith.constant 768 : i32
    %dma_start3A_179 = tpu.memref_slice %arg0[%dma_start3A_176, %dma_start3A_167, %dma_start3A_177, %dma_start3A_178] : memref<14x12x14x8192xf32, #tpu.memory_space<any>> -> memref<2x1x14x7424xf32, #tpu.memory_space<any>>
    %dma_start3A_180 = tpu.memref_squeeze %dma_start3A_179 : memref<2x1x14x7424xf32, #tpu.memory_space<any>> -> memref<2x14x7424xf32, #tpu.memory_space<any>>
    tpu.enqueue_dma source(%dma_start3A_180 : memref<2x14x7424xf32, #tpu.memory_space<any>>) target(%dma_start3A_175 : memref<2x14x7424xf32, #tpu.memory_space<vmem>>) target_semaphore(%dma_start3A_171 : memref<!tpu.dma_semaphore, #tpu.memory_space<semaphore_mem>>)
    %dma_start3A_181 = arith.constant 9 : i32
    %dma_start3A_182 = arith.constant 1 : i32
    %dma_start3A_183 = arith.constant 4 : i32
    %dma_start3A_184 = tpu.memref_slice %arg6[%dma_start3A_182, %dma_start3A_183] : memref<3x7x!tpu.dma_semaphore, #tpu.memory_space<semaphore_mem>> -> memref<1x1x!tpu.dma_semaphore, #tpu.memory_space<semaphore_mem>>
    %dma_start3A_185 = tpu.memref_squeeze %dma_start3A_184 : memref<1x1x!tpu.dma_semaphore, #tpu.memory_space<semaphore_mem>> -> memref<!tpu.dma_semaphore, #tpu.memory_space<semaphore_mem>>
    %dma_start3A_186 = arith.constant 8 : i32
    %dma_start3A_187 = arith.constant 0 : i32
    %dma_start3A_188 = arith.constant 0 : i32
    %dma_start3A_189 = tpu.memref_slice %arg4[%dma_start3A_186, %dma_start3A_187, %dma_start3A_188] : memref<14x14x7424xf32, #tpu.memory_space<vmem>> -> memref<2x14x7424xf32, #tpu.memory_space<vmem>>
    %dma_start3A_190 = arith.constant 8 : i32
    %dma_start3A_191 = arith.constant 0 : i32
    %dma_start3A_192 = arith.constant 768 : i32
    %dma_start3A_193 = tpu.memref_slice %arg0[%dma_start3A_190, %dma_start3A_181, %dma_start3A_191, %dma_start3A_192] : memref<14x12x14x8192xf32, #tpu.memory_space<any>> -> memref<2x1x14x7424xf32, #tpu.memory_space<any>>
    %dma_start3A_194 = tpu.memref_squeeze %dma_start3A_193 : memref<2x1x14x7424xf32, #tpu.memory_space<any>> -> memref<2x14x7424xf32, #tpu.memory_space<any>>
    tpu.enqueue_dma source(%dma_start3A_194 : memref<2x14x7424xf32, #tpu.memory_space<any>>) target(%dma_start3A_189 : memref<2x14x7424xf32, #tpu.memory_space<vmem>>) target_semaphore(%dma_start3A_185 : memref<!tpu.dma_semaphore, #tpu.memory_space<semaphore_mem>>)
    %dma_start3A_195 = arith.constant 4 : i32
    %dma_start3A_196 = arith.constant 2 : i32
    %dma_start3A_197 = arith.constant 4 : i32
    %dma_start3A_198 = tpu.memref_slice %arg6[%dma_start3A_196, %dma_start3A_197] : memref<3x7x!tpu.dma_semaphore, #tpu.memory_space<semaphore_mem>> -> memref<1x1x!tpu.dma_semaphore, #tpu.memory_space<semaphore_mem>>
    %dma_start3A_199 = tpu.memref_squeeze %dma_start3A_198 : memref<1x1x!tpu.dma_semaphore, #tpu.memory_space<semaphore_mem>> -> memref<!tpu.dma_semaphore, #tpu.memory_space<semaphore_mem>>
    %dma_start3A_200 = arith.constant 8 : i32
    %dma_start3A_201 = arith.constant 0 : i32
    %dma_start3A_202 = arith.constant 0 : i32
    %dma_start3A_203 = tpu.memref_slice %arg5[%dma_start3A_200, %dma_start3A_201, %dma_start3A_202] : memref<14x14x7424xf32, #tpu.memory_space<vmem>> -> memref<2x14x7424xf32, #tpu.memory_space<vmem>>
    %dma_start3A_204 = arith.constant 8 : i32
    %dma_start3A_205 = arith.constant 0 : i32
    %dma_start3A_206 = arith.constant 768 : i32
    %dma_start3A_207 = tpu.memref_slice %arg1[%dma_start3A_204, %dma_start3A_195, %dma_start3A_205, %dma_start3A_206] : memref<14x12x14x8192xf32, #tpu.memory_space<any>> -> memref<2x1x14x7424xf32, #tpu.memory_space<any>>
    %dma_start3A_208 = tpu.memref_squeeze %dma_start3A_207 : memref<2x1x14x7424xf32, #tpu.memory_space<any>> -> memref<2x14x7424xf32, #tpu.memory_space<any>>
    tpu.enqueue_dma source(%dma_start3A_208 : memref<2x14x7424xf32, #tpu.memory_space<any>>) target(%dma_start3A_203 : memref<2x14x7424xf32, #tpu.memory_space<vmem>>) target_semaphore(%dma_start3A_199 : memref<!tpu.dma_semaphore, #tpu.memory_space<semaphore_mem>>)
    %dma_start3A_209 = arith.constant 4 : i32
    %dma_start3A_210 = arith.constant 0 : i32
    %dma_start3A_211 = arith.constant 5 : i32
    %dma_start3A_212 = tpu.memref_slice %arg6[%dma_start3A_210, %dma_start3A_211] : memref<3x7x!tpu.dma_semaphore, #tpu.memory_space<semaphore_mem>> -> memref<1x1x!tpu.dma_semaphore, #tpu.memory_space<semaphore_mem>>
    %dma_start3A_213 = tpu.memref_squeeze %dma_start3A_212 : memref<1x1x!tpu.dma_semaphore, #tpu.memory_space<semaphore_mem>> -> memref<!tpu.dma_semaphore, #tpu.memory_space<semaphore_mem>>
    %dma_start3A_214 = arith.constant 10 : i32
    %dma_start3A_215 = arith.constant 0 : i32
    %dma_start3A_216 = arith.constant 0 : i32
    %dma_start3A_217 = tpu.memref_slice %arg3[%dma_start3A_214, %dma_start3A_215, %dma_start3A_216] : memref<14x14x7424xf32, #tpu.memory_space<vmem>> -> memref<2x14x7424xf32, #tpu.memory_space<vmem>>
    %dma_start3A_218 = arith.constant 10 : i32
    %dma_start3A_219 = arith.constant 0 : i32
    %dma_start3A_220 = arith.constant 768 : i32
    %dma_start3A_221 = tpu.memref_slice %arg0[%dma_start3A_218, %dma_start3A_209, %dma_start3A_219, %dma_start3A_220] : memref<14x12x14x8192xf32, #tpu.memory_space<any>> -> memref<2x1x14x7424xf32, #tpu.memory_space<any>>
    %dma_start3A_222 = tpu.memref_squeeze %dma_start3A_221 : memref<2x1x14x7424xf32, #tpu.memory_space<any>> -> memref<2x14x7424xf32, #tpu.memory_space<any>>
    tpu.enqueue_dma source(%dma_start3A_222 : memref<2x14x7424xf32, #tpu.memory_space<any>>) target(%dma_start3A_217 : memref<2x14x7424xf32, #tpu.memory_space<vmem>>) target_semaphore(%dma_start3A_213 : memref<!tpu.dma_semaphore, #tpu.memory_space<semaphore_mem>>)
    %dma_start3A_223 = arith.constant 9 : i32
    %dma_start3A_224 = arith.constant 1 : i32
    %dma_start3A_225 = arith.constant 5 : i32
    %dma_start3A_226 = tpu.memref_slice %arg6[%dma_start3A_224, %dma_start3A_225] : memref<3x7x!tpu.dma_semaphore, #tpu.memory_space<semaphore_mem>> -> memref<1x1x!tpu.dma_semaphore, #tpu.memory_space<semaphore_mem>>
    %dma_start3A_227 = tpu.memref_squeeze %dma_start3A_226 : memref<1x1x!tpu.dma_semaphore, #tpu.memory_space<semaphore_mem>> -> memref<!tpu.dma_semaphore, #tpu.memory_space<semaphore_mem>>
    %dma_start3A_228 = arith.constant 10 : i32
    %dma_start3A_229 = arith.constant 0 : i32
    %dma_start3A_230 = arith.constant 0 : i32
    %dma_start3A_231 = tpu.memref_slice %arg4[%dma_start3A_228, %dma_start3A_229, %dma_start3A_230] : memref<14x14x7424xf32, #tpu.memory_space<vmem>> -> memref<2x14x7424xf32, #tpu.memory_space<vmem>>
    %dma_start3A_232 = arith.constant 10 : i32
    %dma_start3A_233 = arith.constant 0 : i32
    %dma_start3A_234 = arith.constant 768 : i32
    %dma_start3A_235 = tpu.memref_slice %arg0[%dma_start3A_232, %dma_start3A_223, %dma_start3A_233, %dma_start3A_234] : memref<14x12x14x8192xf32, #tpu.memory_space<any>> -> memref<2x1x14x7424xf32, #tpu.memory_space<any>>
    %dma_start3A_236 = tpu.memref_squeeze %dma_start3A_235 : memref<2x1x14x7424xf32, #tpu.memory_space<any>> -> memref<2x14x7424xf32, #tpu.memory_space<any>>
    tpu.enqueue_dma source(%dma_start3A_236 : memref<2x14x7424xf32, #tpu.memory_space<any>>) target(%dma_start3A_231 : memref<2x14x7424xf32, #tpu.memory_space<vmem>>) target_semaphore(%dma_start3A_227 : memref<!tpu.dma_semaphore, #tpu.memory_space<semaphore_mem>>)
    %dma_start3A_237 = arith.constant 4 : i32
    %dma_start3A_238 = arith.constant 2 : i32
    %dma_start3A_239 = arith.constant 5 : i32
    %dma_start3A_240 = tpu.memref_slice %arg6[%dma_start3A_238, %dma_start3A_239] : memref<3x7x!tpu.dma_semaphore, #tpu.memory_space<semaphore_mem>> -> memref<1x1x!tpu.dma_semaphore, #tpu.memory_space<semaphore_mem>>
    %dma_start3A_241 = tpu.memref_squeeze %dma_start3A_240 : memref<1x1x!tpu.dma_semaphore, #tpu.memory_space<semaphore_mem>> -> memref<!tpu.dma_semaphore, #tpu.memory_space<semaphore_mem>>
    %dma_start3A_242 = arith.constant 10 : i32
    %dma_start3A_243 = arith.constant 0 : i32
    %dma_start3A_244 = arith.constant 0 : i32
    %dma_start3A_245 = tpu.memref_slice %arg5[%dma_start3A_242, %dma_start3A_243, %dma_start3A_244] : memref<14x14x7424xf32, #tpu.memory_space<vmem>> -> memref<2x14x7424xf32, #tpu.memory_space<vmem>>
    %dma_start3A_246 = arith.constant 10 : i32
    %dma_start3A_247 = arith.constant 0 : i32
    %dma_start3A_248 = arith.constant 768 : i32
    %dma_start3A_249 = tpu.memref_slice %arg1[%dma_start3A_246, %dma_start3A_237, %dma_start3A_247, %dma_start3A_248] : memref<14x12x14x8192xf32, #tpu.memory_space<any>> -> memref<2x1x14x7424xf32, #tpu.memory_space<any>>
    %dma_start3A_250 = tpu.memref_squeeze %dma_start3A_249 : memref<2x1x14x7424xf32, #tpu.memory_space<any>> -> memref<2x14x7424xf32, #tpu.memory_space<any>>
    tpu.enqueue_dma source(%dma_start3A_250 : memref<2x14x7424xf32, #tpu.memory_space<any>>) target(%dma_start3A_245 : memref<2x14x7424xf32, #tpu.memory_space<vmem>>) target_semaphore(%dma_start3A_241 : memref<!tpu.dma_semaphore, #tpu.memory_space<semaphore_mem>>)
    %dma_start3A_251 = arith.constant 4 : i32
    %dma_start3A_252 = arith.constant 0 : i32
    %dma_start3A_253 = arith.constant 6 : i32
    %dma_start3A_254 = tpu.memref_slice %arg6[%dma_start3A_252, %dma_start3A_253] : memref<3x7x!tpu.dma_semaphore, #tpu.memory_space<semaphore_mem>> -> memref<1x1x!tpu.dma_semaphore, #tpu.memory_space<semaphore_mem>>
    %dma_start3A_255 = tpu.memref_squeeze %dma_start3A_254 : memref<1x1x!tpu.dma_semaphore, #tpu.memory_space<semaphore_mem>> -> memref<!tpu.dma_semaphore, #tpu.memory_space<semaphore_mem>>
    %dma_start3A_256 = arith.constant 12 : i32
    %dma_start3A_257 = arith.constant 0 : i32
    %dma_start3A_258 = arith.constant 0 : i32
    %dma_start3A_259 = tpu.memref_slice %arg3[%dma_start3A_256, %dma_start3A_257, %dma_start3A_258] : memref<14x14x7424xf32, #tpu.memory_space<vmem>> -> memref<2x14x7424xf32, #tpu.memory_space<vmem>>
    %dma_start3A_260 = arith.constant 12 : i32
    %dma_start3A_261 = arith.constant 0 : i32
    %dma_start3A_262 = arith.constant 768 : i32
    %dma_start3A_263 = tpu.memref_slice %arg0[%dma_start3A_260, %dma_start3A_251, %dma_start3A_261, %dma_start3A_262] : memref<14x12x14x8192xf32, #tpu.memory_space<any>> -> memref<2x1x14x7424xf32, #tpu.memory_space<any>>
    %dma_start3A_264 = tpu.memref_squeeze %dma_start3A_263 : memref<2x1x14x7424xf32, #tpu.memory_space<any>> -> memref<2x14x7424xf32, #tpu.memory_space<any>>
    tpu.enqueue_dma source(%dma_start3A_264 : memref<2x14x7424xf32, #tpu.memory_space<any>>) target(%dma_start3A_259 : memref<2x14x7424xf32, #tpu.memory_space<vmem>>) target_semaphore(%dma_start3A_255 : memref<!tpu.dma_semaphore, #tpu.memory_space<semaphore_mem>>)
    %dma_start3A_265 = arith.constant 9 : i32
    %dma_start3A_266 = arith.constant 1 : i32
    %dma_start3A_267 = arith.constant 6 : i32
    %dma_start3A_268 = tpu.memref_slice %arg6[%dma_start3A_266, %dma_start3A_267] : memref<3x7x!tpu.dma_semaphore, #tpu.memory_space<semaphore_mem>> -> memref<1x1x!tpu.dma_semaphore, #tpu.memory_space<semaphore_mem>>
    %dma_start3A_269 = tpu.memref_squeeze %dma_start3A_268 : memref<1x1x!tpu.dma_semaphore, #tpu.memory_space<semaphore_mem>> -> memref<!tpu.dma_semaphore, #tpu.memory_space<semaphore_mem>>
    %dma_start3A_270 = arith.constant 12 : i32
    %dma_start3A_271 = arith.constant 0 : i32
    %dma_start3A_272 = arith.constant 0 : i32
    %dma_start3A_273 = tpu.memref_slice %arg4[%dma_start3A_270, %dma_start3A_271, %dma_start3A_272] : memref<14x14x7424xf32, #tpu.memory_space<vmem>> -> memref<2x14x7424xf32, #tpu.memory_space<vmem>>
    %dma_start3A_274 = arith.constant 12 : i32
    %dma_start3A_275 = arith.constant 0 : i32
    %dma_start3A_276 = arith.constant 768 : i32
    %dma_start3A_277 = tpu.memref_slice %arg0[%dma_start3A_274, %dma_start3A_265, %dma_start3A_275, %dma_start3A_276] : memref<14x12x14x8192xf32, #tpu.memory_space<any>> -> memref<2x1x14x7424xf32, #tpu.memory_space<any>>
    %dma_start3A_278 = tpu.memref_squeeze %dma_start3A_277 : memref<2x1x14x7424xf32, #tpu.memory_space<any>> -> memref<2x14x7424xf32, #tpu.memory_space<any>>
    tpu.enqueue_dma source(%dma_start3A_278 : memref<2x14x7424xf32, #tpu.memory_space<any>>) target(%dma_start3A_273 : memref<2x14x7424xf32, #tpu.memory_space<vmem>>) target_semaphore(%dma_start3A_269 : memref<!tpu.dma_semaphore, #tpu.memory_space<semaphore_mem>>)
    %dma_start3A_279 = arith.constant 4 : i32
    %dma_start3A_280 = arith.constant 2 : i32
    %dma_start3A_281 = arith.constant 6 : i32
    %dma_start3A_282 = tpu.memref_slice %arg6[%dma_start3A_280, %dma_start3A_281] : memref<3x7x!tpu.dma_semaphore, #tpu.memory_space<semaphore_mem>> -> memref<1x1x!tpu.dma_semaphore, #tpu.memory_space<semaphore_mem>>
    %dma_start3A_283 = tpu.memref_squeeze %dma_start3A_282 : memref<1x1x!tpu.dma_semaphore, #tpu.memory_space<semaphore_mem>> -> memref<!tpu.dma_semaphore, #tpu.memory_space<semaphore_mem>>
    %dma_start3A_284 = arith.constant 12 : i32
    %dma_start3A_285 = arith.constant 0 : i32
    %dma_start3A_286 = arith.constant 0 : i32
    %dma_start3A_287 = tpu.memref_slice %arg5[%dma_start3A_284, %dma_start3A_285, %dma_start3A_286] : memref<14x14x7424xf32, #tpu.memory_space<vmem>> -> memref<2x14x7424xf32, #tpu.memory_space<vmem>>
    %dma_start3A_288 = arith.constant 12 : i32
    %dma_start3A_289 = arith.constant 0 : i32
    %dma_start3A_290 = arith.constant 768 : i32
    %dma_start3A_291 = tpu.memref_slice %arg1[%dma_start3A_288, %dma_start3A_279, %dma_start3A_289, %dma_start3A_290] : memref<14x12x14x8192xf32, #tpu.memory_space<any>> -> memref<2x1x14x7424xf32, #tpu.memory_space<any>>
    %dma_start3A_292 = tpu.memref_squeeze %dma_start3A_291 : memref<2x1x14x7424xf32, #tpu.memory_space<any>> -> memref<2x14x7424xf32, #tpu.memory_space<any>>
    tpu.enqueue_dma source(%dma_start3A_292 : memref<2x14x7424xf32, #tpu.memory_space<any>>) target(%dma_start3A_287 : memref<2x14x7424xf32, #tpu.memory_space<vmem>>) target_semaphore(%dma_start3A_283 : memref<!tpu.dma_semaphore, #tpu.memory_space<semaphore_mem>>)
    %dma_wait3A = arith.constant 4 : i32
    %dma_wait3A_293 = arith.constant 0 : i32
    %dma_wait3A_294 = arith.constant 0 : i32
    %dma_wait3A_295 = tpu.memref_slice %arg6[%dma_wait3A_293, %dma_wait3A_294] : memref<3x7x!tpu.dma_semaphore, #tpu.memory_space<semaphore_mem>> -> memref<1x1x!tpu.dma_semaphore, #tpu.memory_space<semaphore_mem>>
    %dma_wait3A_296 = tpu.memref_squeeze %dma_wait3A_295 : memref<1x1x!tpu.dma_semaphore, #tpu.memory_space<semaphore_mem>> -> memref<!tpu.dma_semaphore, #tpu.memory_space<semaphore_mem>>
    %dma_wait3A_297 = arith.constant 0 : i32
    %dma_wait3A_298 = arith.constant 0 : i32
    %dma_wait3A_299 = arith.constant 0 : i32
    %dma_wait3A_300 = tpu.memref_slice %arg3[%dma_wait3A_297, %dma_wait3A_298, %dma_wait3A_299] : memref<14x14x7424xf32, #tpu.memory_space<vmem>> -> memref<2x14x7424xf32, #tpu.memory_space<vmem>>
    %dma_wait3A_301 = arith.constant 0 : i32
    %dma_wait3A_302 = arith.constant 0 : i32
    %dma_wait3A_303 = arith.constant 768 : i32
    %dma_wait3A_304 = tpu.memref_slice %arg0[%dma_wait3A_301, %dma_wait3A, %dma_wait3A_302, %dma_wait3A_303] : memref<14x12x14x8192xf32, #tpu.memory_space<any>> -> memref<2x1x14x7424xf32, #tpu.memory_space<any>>
    %dma_wait3A_305 = tpu.memref_squeeze %dma_wait3A_304 : memref<2x1x14x7424xf32, #tpu.memory_space<any>> -> memref<2x14x7424xf32, #tpu.memory_space<any>>
    tpu.wait_dma2 semaphore(%dma_wait3A_296 : memref<!tpu.dma_semaphore, #tpu.memory_space<semaphore_mem>>) src(%dma_wait3A_305 : memref<2x14x7424xf32, #tpu.memory_space<any>>) dst(%dma_wait3A_300 : memref<2x14x7424xf32, #tpu.memory_space<vmem>>)
    %dma_wait3A_306 = arith.constant 9 : i32
    %dma_wait3A_307 = arith.constant 1 : i32
    %dma_wait3A_308 = arith.constant 0 : i32
    %dma_wait3A_309 = tpu.memref_slice %arg6[%dma_wait3A_307, %dma_wait3A_308] : memref<3x7x!tpu.dma_semaphore, #tpu.memory_space<semaphore_mem>> -> memref<1x1x!tpu.dma_semaphore, #tpu.memory_space<semaphore_mem>>
    %dma_wait3A_310 = tpu.memref_squeeze %dma_wait3A_309 : memref<1x1x!tpu.dma_semaphore, #tpu.memory_space<semaphore_mem>> -> memref<!tpu.dma_semaphore, #tpu.memory_space<semaphore_mem>>
    %dma_wait3A_311 = arith.constant 0 : i32
    %dma_wait3A_312 = arith.constant 0 : i32
    %dma_wait3A_313 = arith.constant 0 : i32
    %dma_wait3A_314 = tpu.memref_slice %arg4[%dma_wait3A_311, %dma_wait3A_312, %dma_wait3A_313] : memref<14x14x7424xf32, #tpu.memory_space<vmem>> -> memref<2x14x7424xf32, #tpu.memory_space<vmem>>
    %dma_wait3A_315 = arith.constant 0 : i32
    %dma_wait3A_316 = arith.constant 0 : i32
    %dma_wait3A_317 = arith.constant 768 : i32
    %dma_wait3A_318 = tpu.memref_slice %arg0[%dma_wait3A_315, %dma_wait3A_306, %dma_wait3A_316, %dma_wait3A_317] : memref<14x12x14x8192xf32, #tpu.memory_space<any>> -> memref<2x1x14x7424xf32, #tpu.memory_space<any>>
    %dma_wait3A_319 = tpu.memref_squeeze %dma_wait3A_318 : memref<2x1x14x7424xf32, #tpu.memory_space<any>> -> memref<2x14x7424xf32, #tpu.memory_space<any>>
    tpu.wait_dma2 semaphore(%dma_wait3A_310 : memref<!tpu.dma_semaphore, #tpu.memory_space<semaphore_mem>>) src(%dma_wait3A_319 : memref<2x14x7424xf32, #tpu.memory_space<any>>) dst(%dma_wait3A_314 : memref<2x14x7424xf32, #tpu.memory_space<vmem>>)
    %dma_wait3A_320 = arith.constant 4 : i32
    %dma_wait3A_321 = arith.constant 2 : i32
    %dma_wait3A_322 = arith.constant 0 : i32
    %dma_wait3A_323 = tpu.memref_slice %arg6[%dma_wait3A_321, %dma_wait3A_322] : memref<3x7x!tpu.dma_semaphore, #tpu.memory_space<semaphore_mem>> -> memref<1x1x!tpu.dma_semaphore, #tpu.memory_space<semaphore_mem>>
    %dma_wait3A_324 = tpu.memref_squeeze %dma_wait3A_323 : memref<1x1x!tpu.dma_semaphore, #tpu.memory_space<semaphore_mem>> -> memref<!tpu.dma_semaphore, #tpu.memory_space<semaphore_mem>>
    %dma_wait3A_325 = arith.constant 0 : i32
    %dma_wait3A_326 = arith.constant 0 : i32
    %dma_wait3A_327 = arith.constant 0 : i32
    %dma_wait3A_328 = tpu.memref_slice %arg5[%dma_wait3A_325, %dma_wait3A_326, %dma_wait3A_327] : memref<14x14x7424xf32, #tpu.memory_space<vmem>> -> memref<2x14x7424xf32, #tpu.memory_space<vmem>>
    %dma_wait3A_329 = arith.constant 0 : i32
    %dma_wait3A_330 = arith.constant 0 : i32
    %dma_wait3A_331 = arith.constant 768 : i32
    %dma_wait3A_332 = tpu.memref_slice %arg1[%dma_wait3A_329, %dma_wait3A_320, %dma_wait3A_330, %dma_wait3A_331] : memref<14x12x14x8192xf32, #tpu.memory_space<any>> -> memref<2x1x14x7424xf32, #tpu.memory_space<any>>
    %dma_wait3A_333 = tpu.memref_squeeze %dma_wait3A_332 : memref<2x1x14x7424xf32, #tpu.memory_space<any>> -> memref<2x14x7424xf32, #tpu.memory_space<any>>
    tpu.wait_dma2 semaphore(%dma_wait3A_324 : memref<!tpu.dma_semaphore, #tpu.memory_space<semaphore_mem>>) src(%dma_wait3A_333 : memref<2x14x7424xf32, #tpu.memory_space<any>>) dst(%dma_wait3A_328 : memref<2x14x7424xf32, #tpu.memory_space<vmem>>)
    %get3A = arith.constant 0 : index
    %get3A_334 = arith.constant 0 : index
    %get3A_335 = arith.constant 0 : index
    %get3A_336 = vector.load %arg3[%get3A, %get3A_334, %get3A_335] : memref<14x14x7424xf32, #tpu.memory_space<vmem>>, vector<2x14x7424xf32>
    %get3A_337 = arith.constant 0 : index
    %get3A_338 = arith.constant 0 : index
    %get3A_339 = arith.constant 0 : index
    %get3A_340 = vector.load %arg4[%get3A_337, %get3A_338, %get3A_339] : memref<14x14x7424xf32, #tpu.memory_space<vmem>>, vector<2x14x7424xf32>
    %get3A_341 = arith.constant 0 : index
    %get3A_342 = arith.constant 0 : index
    %get3A_343 = arith.constant 0 : index
    %get3A_344 = vector.load %arg5[%get3A_341, %get3A_342, %get3A_343] : memref<14x14x7424xf32, #tpu.memory_space<vmem>>, vector<2x14x7424xf32>
    %mul3A = arith.mulf %get3A_336, %get3A_336 : vector<2x14x7424xf32>
    %mul3A_345 = arith.mulf %get3A_340, %get3A_340 : vector<2x14x7424xf32>
    %add3A = arith.addf %mul3A, %mul3A_345 : vector<2x14x7424xf32>
    %sub3A = arith.constant 1.000000e+00 : f32
    %sub3A_346 = vector.broadcast %sub3A : f32 to vector<2x14x7424xf32>
    %sub3A_347 = arith.subf %sub3A_346, %get3A_344 : vector<2x14x7424xf32>
    %mul3A_348 = arith.mulf %add3A, %sub3A_347 : vector<2x14x7424xf32>
    %reduce_sum3A = vector.shape_cast %mul3A_348 : vector<2x14x7424xf32> to vector<1x2x14x7424xf32>
    %reduce_sum3A_349 = arith.constant dense<0.000000e+00> : vector<1xf32>
    %reduce_sum3A_350 = vector.multi_reduction <add>, %reduce_sum3A, %reduce_sum3A_349 [1, 2, 3] : vector<1x2x14x7424xf32> to vector<1xf32>
    %reduce_sum3A_351 = vector.shape_cast %reduce_sum3A_350 : vector<1xf32> to vector<1x1x1x1xf32>
    %reduce_sum3A_352 = vector.extract %reduce_sum3A_351[0, 0, 0, 0] : f32 from vector<1x1x1x1xf32>
    %add3A_353 = arith.constant 0.000000e+00 : f32
    %add3A_354 = arith.addf %add3A_353, %reduce_sum3A_352 : f32
    %reduce_sum3A_355 = vector.shape_cast %get3A_344 : vector<2x14x7424xf32> to vector<1x2x14x7424xf32>
    %reduce_sum3A_356 = arith.constant dense<0.000000e+00> : vector<1xf32>
    %reduce_sum3A_357 = vector.multi_reduction <add>, %reduce_sum3A_355, %reduce_sum3A_356 [1, 2, 3] : vector<1x2x14x7424xf32> to vector<1xf32>
    %reduce_sum3A_358 = vector.shape_cast %reduce_sum3A_357 : vector<1xf32> to vector<1x1x1x1xf32>
    %reduce_sum3A_359 = vector.extract %reduce_sum3A_358[0, 0, 0, 0] : f32 from vector<1x1x1x1xf32>
    %add3A_360 = arith.constant 0.000000e+00 : f32
    %add3A_361 = arith.addf %add3A_360, %reduce_sum3A_359 : f32
    %dma_wait3A_362 = arith.constant 4 : i32
    %dma_wait3A_363 = arith.constant 0 : i32
    %dma_wait3A_364 = arith.constant 1 : i32
    %dma_wait3A_365 = tpu.memref_slice %arg6[%dma_wait3A_363, %dma_wait3A_364] : memref<3x7x!tpu.dma_semaphore, #tpu.memory_space<semaphore_mem>> -> memref<1x1x!tpu.dma_semaphore, #tpu.memory_space<semaphore_mem>>
    %dma_wait3A_366 = tpu.memref_squeeze %dma_wait3A_365 : memref<1x1x!tpu.dma_semaphore, #tpu.memory_space<semaphore_mem>> -> memref<!tpu.dma_semaphore, #tpu.memory_space<semaphore_mem>>
    %dma_wait3A_367 = arith.constant 2 : i32
    %dma_wait3A_368 = arith.constant 0 : i32
    %dma_wait3A_369 = arith.constant 0 : i32
    %dma_wait3A_370 = tpu.memref_slice %arg3[%dma_wait3A_367, %dma_wait3A_368, %dma_wait3A_369] : memref<14x14x7424xf32, #tpu.memory_space<vmem>> -> memref<2x14x7424xf32, #tpu.memory_space<vmem>>
    %dma_wait3A_371 = arith.constant 2 : i32
    %dma_wait3A_372 = arith.constant 0 : i32
    %dma_wait3A_373 = arith.constant 768 : i32
    %dma_wait3A_374 = tpu.memref_slice %arg0[%dma_wait3A_371, %dma_wait3A_362, %dma_wait3A_372, %dma_wait3A_373] : memref<14x12x14x8192xf32, #tpu.memory_space<any>> -> memref<2x1x14x7424xf32, #tpu.memory_space<any>>
    %dma_wait3A_375 = tpu.memref_squeeze %dma_wait3A_374 : memref<2x1x14x7424xf32, #tpu.memory_space<any>> -> memref<2x14x7424xf32, #tpu.memory_space<any>>
    tpu.wait_dma2 semaphore(%dma_wait3A_366 : memref<!tpu.dma_semaphore, #tpu.memory_space<semaphore_mem>>) src(%dma_wait3A_375 : memref<2x14x7424xf32, #tpu.memory_space<any>>) dst(%dma_wait3A_370 : memref<2x14x7424xf32, #tpu.memory_space<vmem>>)
    %dma_wait3A_376 = arith.constant 9 : i32
    %dma_wait3A_377 = arith.constant 1 : i32
    %dma_wait3A_378 = arith.constant 1 : i32
    %dma_wait3A_379 = tpu.memref_slice %arg6[%dma_wait3A_377, %dma_wait3A_378] : memref<3x7x!tpu.dma_semaphore, #tpu.memory_space<semaphore_mem>> -> memref<1x1x!tpu.dma_semaphore, #tpu.memory_space<semaphore_mem>>
    %dma_wait3A_380 = tpu.memref_squeeze %dma_wait3A_379 : memref<1x1x!tpu.dma_semaphore, #tpu.memory_space<semaphore_mem>> -> memref<!tpu.dma_semaphore, #tpu.memory_space<semaphore_mem>>
    %dma_wait3A_381 = arith.constant 2 : i32
    %dma_wait3A_382 = arith.constant 0 : i32
    %dma_wait3A_383 = arith.constant 0 : i32
    %dma_wait3A_384 = tpu.memref_slice %arg4[%dma_wait3A_381, %dma_wait3A_382, %dma_wait3A_383] : memref<14x14x7424xf32, #tpu.memory_space<vmem>> -> memref<2x14x7424xf32, #tpu.memory_space<vmem>>
    %dma_wait3A_385 = arith.constant 2 : i32
    %dma_wait3A_386 = arith.constant 0 : i32
    %dma_wait3A_387 = arith.constant 768 : i32
    %dma_wait3A_388 = tpu.memref_slice %arg0[%dma_wait3A_385, %dma_wait3A_376, %dma_wait3A_386, %dma_wait3A_387] : memref<14x12x14x8192xf32, #tpu.memory_space<any>> -> memref<2x1x14x7424xf32, #tpu.memory_space<any>>
    %dma_wait3A_389 = tpu.memref_squeeze %dma_wait3A_388 : memref<2x1x14x7424xf32, #tpu.memory_space<any>> -> memref<2x14x7424xf32, #tpu.memory_space<any>>
    tpu.wait_dma2 semaphore(%dma_wait3A_380 : memref<!tpu.dma_semaphore, #tpu.memory_space<semaphore_mem>>) src(%dma_wait3A_389 : memref<2x14x7424xf32, #tpu.memory_space<any>>) dst(%dma_wait3A_384 : memref<2x14x7424xf32, #tpu.memory_space<vmem>>)
    %dma_wait3A_390 = arith.constant 4 : i32
    %dma_wait3A_391 = arith.constant 2 : i32
    %dma_wait3A_392 = arith.constant 1 : i32
    %dma_wait3A_393 = tpu.memref_slice %arg6[%dma_wait3A_391, %dma_wait3A_392] : memref<3x7x!tpu.dma_semaphore, #tpu.memory_space<semaphore_mem>> -> memref<1x1x!tpu.dma_semaphore, #tpu.memory_space<semaphore_mem>>
    %dma_wait3A_394 = tpu.memref_squeeze %dma_wait3A_393 : memref<1x1x!tpu.dma_semaphore, #tpu.memory_space<semaphore_mem>> -> memref<!tpu.dma_semaphore, #tpu.memory_space<semaphore_mem>>
    %dma_wait3A_395 = arith.constant 2 : i32
    %dma_wait3A_396 = arith.constant 0 : i32
    %dma_wait3A_397 = arith.constant 0 : i32
    %dma_wait3A_398 = tpu.memref_slice %arg5[%dma_wait3A_395, %dma_wait3A_396, %dma_wait3A_397] : memref<14x14x7424xf32, #tpu.memory_space<vmem>> -> memref<2x14x7424xf32, #tpu.memory_space<vmem>>
    %dma_wait3A_399 = arith.constant 2 : i32
    %dma_wait3A_400 = arith.constant 0 : i32
    %dma_wait3A_401 = arith.constant 768 : i32
    %dma_wait3A_402 = tpu.memref_slice %arg1[%dma_wait3A_399, %dma_wait3A_390, %dma_wait3A_400, %dma_wait3A_401] : memref<14x12x14x8192xf32, #tpu.memory_space<any>> -> memref<2x1x14x7424xf32, #tpu.memory_space<any>>
    %dma_wait3A_403 = tpu.memref_squeeze %dma_wait3A_402 : memref<2x1x14x7424xf32, #tpu.memory_space<any>> -> memref<2x14x7424xf32, #tpu.memory_space<any>>
    tpu.wait_dma2 semaphore(%dma_wait3A_394 : memref<!tpu.dma_semaphore, #tpu.memory_space<semaphore_mem>>) src(%dma_wait3A_403 : memref<2x14x7424xf32, #tpu.memory_space<any>>) dst(%dma_wait3A_398 : memref<2x14x7424xf32, #tpu.memory_space<vmem>>)
    %get3A_404 = arith.constant 2 : index
    %get3A_405 = arith.constant 0 : index
    %get3A_406 = arith.constant 0 : index
    %get3A_407 = vector.load %arg3[%get3A_404, %get3A_405, %get3A_406] : memref<14x14x7424xf32, #tpu.memory_space<vmem>>, vector<2x14x7424xf32>
    %get3A_408 = arith.constant 2 : index
    %get3A_409 = arith.constant 0 : index
    %get3A_410 = arith.constant 0 : index
    %get3A_411 = vector.load %arg4[%get3A_408, %get3A_409, %get3A_410] : memref<14x14x7424xf32, #tpu.memory_space<vmem>>, vector<2x14x7424xf32>
    %get3A_412 = arith.constant 2 : index
    %get3A_413 = arith.constant 0 : index
    %get3A_414 = arith.constant 0 : index
    %get3A_415 = vector.load %arg5[%get3A_412, %get3A_413, %get3A_414] : memref<14x14x7424xf32, #tpu.memory_space<vmem>>, vector<2x14x7424xf32>
    %mul3A_416 = arith.mulf %get3A_407, %get3A_407 : vector<2x14x7424xf32>
    %mul3A_417 = arith.mulf %get3A_411, %get3A_411 : vector<2x14x7424xf32>
    %add3A_418 = arith.addf %mul3A_416, %mul3A_417 : vector<2x14x7424xf32>
    %sub3A_419 = arith.constant 1.000000e+00 : f32
    %sub3A_420 = vector.broadcast %sub3A_419 : f32 to vector<2x14x7424xf32>
    %sub3A_421 = arith.subf %sub3A_420, %get3A_415 : vector<2x14x7424xf32>
    %mul3A_422 = arith.mulf %add3A_418, %sub3A_421 : vector<2x14x7424xf32>
    %reduce_sum3A_423 = vector.shape_cast %mul3A_422 : vector<2x14x7424xf32> to vector<1x2x14x7424xf32>
    %reduce_sum3A_424 = arith.constant dense<0.000000e+00> : vector<1xf32>
    %reduce_sum3A_425 = vector.multi_reduction <add>, %reduce_sum3A_423, %reduce_sum3A_424 [1, 2, 3] : vector<1x2x14x7424xf32> to vector<1xf32>
    %reduce_sum3A_426 = vector.shape_cast %reduce_sum3A_425 : vector<1xf32> to vector<1x1x1x1xf32>
    %reduce_sum3A_427 = vector.extract %reduce_sum3A_426[0, 0, 0, 0] : f32 from vector<1x1x1x1xf32>
    %add3A_428 = arith.addf %add3A_354, %reduce_sum3A_427 : f32
    %reduce_sum3A_429 = vector.shape_cast %get3A_415 : vector<2x14x7424xf32> to vector<1x2x14x7424xf32>
    %reduce_sum3A_430 = arith.constant dense<0.000000e+00> : vector<1xf32>
    %reduce_sum3A_431 = vector.multi_reduction <add>, %reduce_sum3A_429, %reduce_sum3A_430 [1, 2, 3] : vector<1x2x14x7424xf32> to vector<1xf32>
    %reduce_sum3A_432 = vector.shape_cast %reduce_sum3A_431 : vector<1xf32> to vector<1x1x1x1xf32>
    %reduce_sum3A_433 = vector.extract %reduce_sum3A_432[0, 0, 0, 0] : f32 from vector<1x1x1x1xf32>
    %add3A_434 = arith.addf %add3A_361, %reduce_sum3A_433 : f32
    %dma_wait3A_435 = arith.constant 4 : i32
    %dma_wait3A_436 = arith.constant 0 : i32
    %dma_wait3A_437 = arith.constant 2 : i32
    %dma_wait3A_438 = tpu.memref_slice %arg6[%dma_wait3A_436, %dma_wait3A_437] : memref<3x7x!tpu.dma_semaphore, #tpu.memory_space<semaphore_mem>> -> memref<1x1x!tpu.dma_semaphore, #tpu.memory_space<semaphore_mem>>
    %dma_wait3A_439 = tpu.memref_squeeze %dma_wait3A_438 : memref<1x1x!tpu.dma_semaphore, #tpu.memory_space<semaphore_mem>> -> memref<!tpu.dma_semaphore, #tpu.memory_space<semaphore_mem>>
    %dma_wait3A_440 = arith.constant 4 : i32
    %dma_wait3A_441 = arith.constant 0 : i32
    %dma_wait3A_442 = arith.constant 0 : i32
    %dma_wait3A_443 = tpu.memref_slice %arg3[%dma_wait3A_440, %dma_wait3A_441, %dma_wait3A_442] : memref<14x14x7424xf32, #tpu.memory_space<vmem>> -> memref<2x14x7424xf32, #tpu.memory_space<vmem>>
    %dma_wait3A_444 = arith.constant 4 : i32
    %dma_wait3A_445 = arith.constant 0 : i32
    %dma_wait3A_446 = arith.constant 768 : i32
    %dma_wait3A_447 = tpu.memref_slice %arg0[%dma_wait3A_444, %dma_wait3A_435, %dma_wait3A_445, %dma_wait3A_446] : memref<14x12x14x8192xf32, #tpu.memory_space<any>> -> memref<2x1x14x7424xf32, #tpu.memory_space<any>>
    %dma_wait3A_448 = tpu.memref_squeeze %dma_wait3A_447 : memref<2x1x14x7424xf32, #tpu.memory_space<any>> -> memref<2x14x7424xf32, #tpu.memory_space<any>>
    tpu.wait_dma2 semaphore(%dma_wait3A_439 : memref<!tpu.dma_semaphore, #tpu.memory_space<semaphore_mem>>) src(%dma_wait3A_448 : memref<2x14x7424xf32, #tpu.memory_space<any>>) dst(%dma_wait3A_443 : memref<2x14x7424xf32, #tpu.memory_space<vmem>>)
    %dma_wait3A_449 = arith.constant 9 : i32
    %dma_wait3A_450 = arith.constant 1 : i32
    %dma_wait3A_451 = arith.constant 2 : i32
    %dma_wait3A_452 = tpu.memref_slice %arg6[%dma_wait3A_450, %dma_wait3A_451] : memref<3x7x!tpu.dma_semaphore, #tpu.memory_space<semaphore_mem>> -> memref<1x1x!tpu.dma_semaphore, #tpu.memory_space<semaphore_mem>>
    %dma_wait3A_453 = tpu.memref_squeeze %dma_wait3A_452 : memref<1x1x!tpu.dma_semaphore, #tpu.memory_space<semaphore_mem>> -> memref<!tpu.dma_semaphore, #tpu.memory_space<semaphore_mem>>
    %dma_wait3A_454 = arith.constant 4 : i32
    %dma_wait3A_455 = arith.constant 0 : i32
    %dma_wait3A_456 = arith.constant 0 : i32
    %dma_wait3A_457 = tpu.memref_slice %arg4[%dma_wait3A_454, %dma_wait3A_455, %dma_wait3A_456] : memref<14x14x7424xf32, #tpu.memory_space<vmem>> -> memref<2x14x7424xf32, #tpu.memory_space<vmem>>
    %dma_wait3A_458 = arith.constant 4 : i32
    %dma_wait3A_459 = arith.constant 0 : i32
    %dma_wait3A_460 = arith.constant 768 : i32
    %dma_wait3A_461 = tpu.memref_slice %arg0[%dma_wait3A_458, %dma_wait3A_449, %dma_wait3A_459, %dma_wait3A_460] : memref<14x12x14x8192xf32, #tpu.memory_space<any>> -> memref<2x1x14x7424xf32, #tpu.memory_space<any>>
    %dma_wait3A_462 = tpu.memref_squeeze %dma_wait3A_461 : memref<2x1x14x7424xf32, #tpu.memory_space<any>> -> memref<2x14x7424xf32, #tpu.memory_space<any>>
    tpu.wait_dma2 semaphore(%dma_wait3A_453 : memref<!tpu.dma_semaphore, #tpu.memory_space<semaphore_mem>>) src(%dma_wait3A_462 : memref<2x14x7424xf32, #tpu.memory_space<any>>) dst(%dma_wait3A_457 : memref<2x14x7424xf32, #tpu.memory_space<vmem>>)
    %dma_wait3A_463 = arith.constant 4 : i32
    %dma_wait3A_464 = arith.constant 2 : i32
    %dma_wait3A_465 = arith.constant 2 : i32
    %dma_wait3A_466 = tpu.memref_slice %arg6[%dma_wait3A_464, %dma_wait3A_465] : memref<3x7x!tpu.dma_semaphore, #tpu.memory_space<semaphore_mem>> -> memref<1x1x!tpu.dma_semaphore, #tpu.memory_space<semaphore_mem>>
    %dma_wait3A_467 = tpu.memref_squeeze %dma_wait3A_466 : memref<1x1x!tpu.dma_semaphore, #tpu.memory_space<semaphore_mem>> -> memref<!tpu.dma_semaphore, #tpu.memory_space<semaphore_mem>>
    %dma_wait3A_468 = arith.constant 4 : i32
    %dma_wait3A_469 = arith.constant 0 : i32
    %dma_wait3A_470 = arith.constant 0 : i32
    %dma_wait3A_471 = tpu.memref_slice %arg5[%dma_wait3A_468, %dma_wait3A_469, %dma_wait3A_470] : memref<14x14x7424xf32, #tpu.memory_space<vmem>> -> memref<2x14x7424xf32, #tpu.memory_space<vmem>>
    %dma_wait3A_472 = arith.constant 4 : i32
    %dma_wait3A_473 = arith.constant 0 : i32
    %dma_wait3A_474 = arith.constant 768 : i32
    %dma_wait3A_475 = tpu.memref_slice %arg1[%dma_wait3A_472, %dma_wait3A_463, %dma_wait3A_473, %dma_wait3A_474] : memref<14x12x14x8192xf32, #tpu.memory_space<any>> -> memref<2x1x14x7424xf32, #tpu.memory_space<any>>
    %dma_wait3A_476 = tpu.memref_squeeze %dma_wait3A_475 : memref<2x1x14x7424xf32, #tpu.memory_space<any>> -> memref<2x14x7424xf32, #tpu.memory_space<any>>
    tpu.wait_dma2 semaphore(%dma_wait3A_467 : memref<!tpu.dma_semaphore, #tpu.memory_space<semaphore_mem>>) src(%dma_wait3A_476 : memref<2x14x7424xf32, #tpu.memory_space<any>>) dst(%dma_wait3A_471 : memref<2x14x7424xf32, #tpu.memory_space<vmem>>)
    %get3A_477 = arith.constant 4 : index
    %get3A_478 = arith.constant 0 : index
    %get3A_479 = arith.constant 0 : index
    %get3A_480 = vector.load %arg3[%get3A_477, %get3A_478, %get3A_479] : memref<14x14x7424xf32, #tpu.memory_space<vmem>>, vector<2x14x7424xf32>
    %get3A_481 = arith.constant 4 : index
    %get3A_482 = arith.constant 0 : index
    %get3A_483 = arith.constant 0 : index
    %get3A_484 = vector.load %arg4[%get3A_481, %get3A_482, %get3A_483] : memref<14x14x7424xf32, #tpu.memory_space<vmem>>, vector<2x14x7424xf32>
    %get3A_485 = arith.constant 4 : index
    %get3A_486 = arith.constant 0 : index
    %get3A_487 = arith.constant 0 : index
    %get3A_488 = vector.load %arg5[%get3A_485, %get3A_486, %get3A_487] : memref<14x14x7424xf32, #tpu.memory_space<vmem>>, vector<2x14x7424xf32>
    %mul3A_489 = arith.mulf %get3A_480, %get3A_480 : vector<2x14x7424xf32>
    %mul3A_490 = arith.mulf %get3A_484, %get3A_484 : vector<2x14x7424xf32>
    %add3A_491 = arith.addf %mul3A_489, %mul3A_490 : vector<2x14x7424xf32>
    %sub3A_492 = arith.constant 1.000000e+00 : f32
    %sub3A_493 = vector.broadcast %sub3A_492 : f32 to vector<2x14x7424xf32>
    %sub3A_494 = arith.subf %sub3A_493, %get3A_488 : vector<2x14x7424xf32>
    %mul3A_495 = arith.mulf %add3A_491, %sub3A_494 : vector<2x14x7424xf32>
    %reduce_sum3A_496 = vector.shape_cast %mul3A_495 : vector<2x14x7424xf32> to vector<1x2x14x7424xf32>
    %reduce_sum3A_497 = arith.constant dense<0.000000e+00> : vector<1xf32>
    %reduce_sum3A_498 = vector.multi_reduction <add>, %reduce_sum3A_496, %reduce_sum3A_497 [1, 2, 3] : vector<1x2x14x7424xf32> to vector<1xf32>
    %reduce_sum3A_499 = vector.shape_cast %reduce_sum3A_498 : vector<1xf32> to vector<1x1x1x1xf32>
    %reduce_sum3A_500 = vector.extract %reduce_sum3A_499[0, 0, 0, 0] : f32 from vector<1x1x1x1xf32>
    %add3A_501 = arith.addf %add3A_428, %reduce_sum3A_500 : f32
    %reduce_sum3A_502 = vector.shape_cast %get3A_488 : vector<2x14x7424xf32> to vector<1x2x14x7424xf32>
    %reduce_sum3A_503 = arith.constant dense<0.000000e+00> : vector<1xf32>
    %reduce_sum3A_504 = vector.multi_reduction <add>, %reduce_sum3A_502, %reduce_sum3A_503 [1, 2, 3] : vector<1x2x14x7424xf32> to vector<1xf32>
    %reduce_sum3A_505 = vector.shape_cast %reduce_sum3A_504 : vector<1xf32> to vector<1x1x1x1xf32>
    %reduce_sum3A_506 = vector.extract %reduce_sum3A_505[0, 0, 0, 0] : f32 from vector<1x1x1x1xf32>
    %add3A_507 = arith.addf %add3A_434, %reduce_sum3A_506 : f32
    %dma_wait3A_508 = arith.constant 4 : i32
    %dma_wait3A_509 = arith.constant 0 : i32
    %dma_wait3A_510 = arith.constant 3 : i32
    %dma_wait3A_511 = tpu.memref_slice %arg6[%dma_wait3A_509, %dma_wait3A_510] : memref<3x7x!tpu.dma_semaphore, #tpu.memory_space<semaphore_mem>> -> memref<1x1x!tpu.dma_semaphore, #tpu.memory_space<semaphore_mem>>
    %dma_wait3A_512 = tpu.memref_squeeze %dma_wait3A_511 : memref<1x1x!tpu.dma_semaphore, #tpu.memory_space<semaphore_mem>> -> memref<!tpu.dma_semaphore, #tpu.memory_space<semaphore_mem>>
    %dma_wait3A_513 = arith.constant 6 : i32
    %dma_wait3A_514 = arith.constant 0 : i32
    %dma_wait3A_515 = arith.constant 0 : i32
    %dma_wait3A_516 = tpu.memref_slice %arg3[%dma_wait3A_513, %dma_wait3A_514, %dma_wait3A_515] : memref<14x14x7424xf32, #tpu.memory_space<vmem>> -> memref<2x14x7424xf32, #tpu.memory_space<vmem>>
    %dma_wait3A_517 = arith.constant 6 : i32
    %dma_wait3A_518 = arith.constant 0 : i32
    %dma_wait3A_519 = arith.constant 768 : i32
    %dma_wait3A_520 = tpu.memref_slice %arg0[%dma_wait3A_517, %dma_wait3A_508, %dma_wait3A_518, %dma_wait3A_519] : memref<14x12x14x8192xf32, #tpu.memory_space<any>> -> memref<2x1x14x7424xf32, #tpu.memory_space<any>>
    %dma_wait3A_521 = tpu.memref_squeeze %dma_wait3A_520 : memref<2x1x14x7424xf32, #tpu.memory_space<any>> -> memref<2x14x7424xf32, #tpu.memory_space<any>>
    tpu.wait_dma2 semaphore(%dma_wait3A_512 : memref<!tpu.dma_semaphore, #tpu.memory_space<semaphore_mem>>) src(%dma_wait3A_521 : memref<2x14x7424xf32, #tpu.memory_space<any>>) dst(%dma_wait3A_516 : memref<2x14x7424xf32, #tpu.memory_space<vmem>>)
    %dma_wait3A_522 = arith.constant 9 : i32
    %dma_wait3A_523 = arith.constant 1 : i32
    %dma_wait3A_524 = arith.constant 3 : i32
    %dma_wait3A_525 = tpu.memref_slice %arg6[%dma_wait3A_523, %dma_wait3A_524] : memref<3x7x!tpu.dma_semaphore, #tpu.memory_space<semaphore_mem>> -> memref<1x1x!tpu.dma_semaphore, #tpu.memory_space<semaphore_mem>>
    %dma_wait3A_526 = tpu.memref_squeeze %dma_wait3A_525 : memref<1x1x!tpu.dma_semaphore, #tpu.memory_space<semaphore_mem>> -> memref<!tpu.dma_semaphore, #tpu.memory_space<semaphore_mem>>
    %dma_wait3A_527 = arith.constant 6 : i32
    %dma_wait3A_528 = arith.constant 0 : i32
    %dma_wait3A_529 = arith.constant 0 : i32
    %dma_wait3A_530 = tpu.memref_slice %arg4[%dma_wait3A_527, %dma_wait3A_528, %dma_wait3A_529] : memref<14x14x7424xf32, #tpu.memory_space<vmem>> -> memref<2x14x7424xf32, #tpu.memory_space<vmem>>
    %dma_wait3A_531 = arith.constant 6 : i32
    %dma_wait3A_532 = arith.constant 0 : i32
    %dma_wait3A_533 = arith.constant 768 : i32
    %dma_wait3A_534 = tpu.memref_slice %arg0[%dma_wait3A_531, %dma_wait3A_522, %dma_wait3A_532, %dma_wait3A_533] : memref<14x12x14x8192xf32, #tpu.memory_space<any>> -> memref<2x1x14x7424xf32, #tpu.memory_space<any>>
    %dma_wait3A_535 = tpu.memref_squeeze %dma_wait3A_534 : memref<2x1x14x7424xf32, #tpu.memory_space<any>> -> memref<2x14x7424xf32, #tpu.memory_space<any>>
    tpu.wait_dma2 semaphore(%dma_wait3A_526 : memref<!tpu.dma_semaphore, #tpu.memory_space<semaphore_mem>>) src(%dma_wait3A_535 : memref<2x14x7424xf32, #tpu.memory_space<any>>) dst(%dma_wait3A_530 : memref<2x14x7424xf32, #tpu.memory_space<vmem>>)
    %dma_wait3A_536 = arith.constant 4 : i32
    %dma_wait3A_537 = arith.constant 2 : i32
    %dma_wait3A_538 = arith.constant 3 : i32
    %dma_wait3A_539 = tpu.memref_slice %arg6[%dma_wait3A_537, %dma_wait3A_538] : memref<3x7x!tpu.dma_semaphore, #tpu.memory_space<semaphore_mem>> -> memref<1x1x!tpu.dma_semaphore, #tpu.memory_space<semaphore_mem>>
    %dma_wait3A_540 = tpu.memref_squeeze %dma_wait3A_539 : memref<1x1x!tpu.dma_semaphore, #tpu.memory_space<semaphore_mem>> -> memref<!tpu.dma_semaphore, #tpu.memory_space<semaphore_mem>>
    %dma_wait3A_541 = arith.constant 6 : i32
    %dma_wait3A_542 = arith.constant 0 : i32
    %dma_wait3A_543 = arith.constant 0 : i32
    %dma_wait3A_544 = tpu.memref_slice %arg5[%dma_wait3A_541, %dma_wait3A_542, %dma_wait3A_543] : memref<14x14x7424xf32, #tpu.memory_space<vmem>> -> memref<2x14x7424xf32, #tpu.memory_space<vmem>>
    %dma_wait3A_545 = arith.constant 6 : i32
    %dma_wait3A_546 = arith.constant 0 : i32
    %dma_wait3A_547 = arith.constant 768 : i32
    %dma_wait3A_548 = tpu.memref_slice %arg1[%dma_wait3A_545, %dma_wait3A_536, %dma_wait3A_546, %dma_wait3A_547] : memref<14x12x14x8192xf32, #tpu.memory_space<any>> -> memref<2x1x14x7424xf32, #tpu.memory_space<any>>
    %dma_wait3A_549 = tpu.memref_squeeze %dma_wait3A_548 : memref<2x1x14x7424xf32, #tpu.memory_space<any>> -> memref<2x14x7424xf32, #tpu.memory_space<any>>
    tpu.wait_dma2 semaphore(%dma_wait3A_540 : memref<!tpu.dma_semaphore, #tpu.memory_space<semaphore_mem>>) src(%dma_wait3A_549 : memref<2x14x7424xf32, #tpu.memory_space<any>>) dst(%dma_wait3A_544 : memref<2x14x7424xf32, #tpu.memory_space<vmem>>)
    %get3A_550 = arith.constant 6 : index
    %get3A_551 = arith.constant 0 : index
    %get3A_552 = arith.constant 0 : index
    %get3A_553 = vector.load %arg3[%get3A_550, %get3A_551, %get3A_552] : memref<14x14x7424xf32, #tpu.memory_space<vmem>>, vector<2x14x7424xf32>
    %get3A_554 = arith.constant 6 : index
    %get3A_555 = arith.constant 0 : index
    %get3A_556 = arith.constant 0 : index
    %get3A_557 = vector.load %arg4[%get3A_554, %get3A_555, %get3A_556] : memref<14x14x7424xf32, #tpu.memory_space<vmem>>, vector<2x14x7424xf32>
    %get3A_558 = arith.constant 6 : index
    %get3A_559 = arith.constant 0 : index
    %get3A_560 = arith.constant 0 : index
    %get3A_561 = vector.load %arg5[%get3A_558, %get3A_559, %get3A_560] : memref<14x14x7424xf32, #tpu.memory_space<vmem>>, vector<2x14x7424xf32>
    %mul3A_562 = arith.mulf %get3A_553, %get3A_553 : vector<2x14x7424xf32>
    %mul3A_563 = arith.mulf %get3A_557, %get3A_557 : vector<2x14x7424xf32>
    %add3A_564 = arith.addf %mul3A_562, %mul3A_563 : vector<2x14x7424xf32>
    %sub3A_565 = arith.constant 1.000000e+00 : f32
    %sub3A_566 = vector.broadcast %sub3A_565 : f32 to vector<2x14x7424xf32>
    %sub3A_567 = arith.subf %sub3A_566, %get3A_561 : vector<2x14x7424xf32>
    %mul3A_568 = arith.mulf %add3A_564, %sub3A_567 : vector<2x14x7424xf32>
    %reduce_sum3A_569 = vector.shape_cast %mul3A_568 : vector<2x14x7424xf32> to vector<1x2x14x7424xf32>
    %reduce_sum3A_570 = arith.constant dense<0.000000e+00> : vector<1xf32>
    %reduce_sum3A_571 = vector.multi_reduction <add>, %reduce_sum3A_569, %reduce_sum3A_570 [1, 2, 3] : vector<1x2x14x7424xf32> to vector<1xf32>
    %reduce_sum3A_572 = vector.shape_cast %reduce_sum3A_571 : vector<1xf32> to vector<1x1x1x1xf32>
    %reduce_sum3A_573 = vector.extract %reduce_sum3A_572[0, 0, 0, 0] : f32 from vector<1x1x1x1xf32>
    %add3A_574 = arith.addf %add3A_501, %reduce_sum3A_573 : f32
    %reduce_sum3A_575 = vector.shape_cast %get3A_561 : vector<2x14x7424xf32> to vector<1x2x14x7424xf32>
    %reduce_sum3A_576 = arith.constant dense<0.000000e+00> : vector<1xf32>
    %reduce_sum3A_577 = vector.multi_reduction <add>, %reduce_sum3A_575, %reduce_sum3A_576 [1, 2, 3] : vector<1x2x14x7424xf32> to vector<1xf32>
    %reduce_sum3A_578 = vector.shape_cast %reduce_sum3A_577 : vector<1xf32> to vector<1x1x1x1xf32>
    %reduce_sum3A_579 = vector.extract %reduce_sum3A_578[0, 0, 0, 0] : f32 from vector<1x1x1x1xf32>
    %add3A_580 = arith.addf %add3A_507, %reduce_sum3A_579 : f32
    %dma_wait3A_581 = arith.constant 4 : i32
    %dma_wait3A_582 = arith.constant 0 : i32
    %dma_wait3A_583 = arith.constant 4 : i32
    %dma_wait3A_584 = tpu.memref_slice %arg6[%dma_wait3A_582, %dma_wait3A_583] : memref<3x7x!tpu.dma_semaphore, #tpu.memory_space<semaphore_mem>> -> memref<1x1x!tpu.dma_semaphore, #tpu.memory_space<semaphore_mem>>
    %dma_wait3A_585 = tpu.memref_squeeze %dma_wait3A_584 : memref<1x1x!tpu.dma_semaphore, #tpu.memory_space<semaphore_mem>> -> memref<!tpu.dma_semaphore, #tpu.memory_space<semaphore_mem>>
    %dma_wait3A_586 = arith.constant 8 : i32
    %dma_wait3A_587 = arith.constant 0 : i32
    %dma_wait3A_588 = arith.constant 0 : i32
    %dma_wait3A_589 = tpu.memref_slice %arg3[%dma_wait3A_586, %dma_wait3A_587, %dma_wait3A_588] : memref<14x14x7424xf32, #tpu.memory_space<vmem>> -> memref<2x14x7424xf32, #tpu.memory_space<vmem>>
    %dma_wait3A_590 = arith.constant 8 : i32
    %dma_wait3A_591 = arith.constant 0 : i32
    %dma_wait3A_592 = arith.constant 768 : i32
    %dma_wait3A_593 = tpu.memref_slice %arg0[%dma_wait3A_590, %dma_wait3A_581, %dma_wait3A_591, %dma_wait3A_592] : memref<14x12x14x8192xf32, #tpu.memory_space<any>> -> memref<2x1x14x7424xf32, #tpu.memory_space<any>>
    %dma_wait3A_594 = tpu.memref_squeeze %dma_wait3A_593 : memref<2x1x14x7424xf32, #tpu.memory_space<any>> -> memref<2x14x7424xf32, #tpu.memory_space<any>>
    tpu.wait_dma2 semaphore(%dma_wait3A_585 : memref<!tpu.dma_semaphore, #tpu.memory_space<semaphore_mem>>) src(%dma_wait3A_594 : memref<2x14x7424xf32, #tpu.memory_space<any>>) dst(%dma_wait3A_589 : memref<2x14x7424xf32, #tpu.memory_space<vmem>>)
    %dma_wait3A_595 = arith.constant 9 : i32
    %dma_wait3A_596 = arith.constant 1 : i32
    %dma_wait3A_597 = arith.constant 4 : i32
    %dma_wait3A_598 = tpu.memref_slice %arg6[%dma_wait3A_596, %dma_wait3A_597] : memref<3x7x!tpu.dma_semaphore, #tpu.memory_space<semaphore_mem>> -> memref<1x1x!tpu.dma_semaphore, #tpu.memory_space<semaphore_mem>>
    %dma_wait3A_599 = tpu.memref_squeeze %dma_wait3A_598 : memref<1x1x!tpu.dma_semaphore, #tpu.memory_space<semaphore_mem>> -> memref<!tpu.dma_semaphore, #tpu.memory_space<semaphore_mem>>
    %dma_wait3A_600 = arith.constant 8 : i32
    %dma_wait3A_601 = arith.constant 0 : i32
    %dma_wait3A_602 = arith.constant 0 : i32
    %dma_wait3A_603 = tpu.memref_slice %arg4[%dma_wait3A_600, %dma_wait3A_601, %dma_wait3A_602] : memref<14x14x7424xf32, #tpu.memory_space<vmem>> -> memref<2x14x7424xf32, #tpu.memory_space<vmem>>
    %dma_wait3A_604 = arith.constant 8 : i32
    %dma_wait3A_605 = arith.constant 0 : i32
    %dma_wait3A_606 = arith.constant 768 : i32
    %dma_wait3A_607 = tpu.memref_slice %arg0[%dma_wait3A_604, %dma_wait3A_595, %dma_wait3A_605, %dma_wait3A_606] : memref<14x12x14x8192xf32, #tpu.memory_space<any>> -> memref<2x1x14x7424xf32, #tpu.memory_space<any>>
    %dma_wait3A_608 = tpu.memref_squeeze %dma_wait3A_607 : memref<2x1x14x7424xf32, #tpu.memory_space<any>> -> memref<2x14x7424xf32, #tpu.memory_space<any>>
    tpu.wait_dma2 semaphore(%dma_wait3A_599 : memref<!tpu.dma_semaphore, #tpu.memory_space<semaphore_mem>>) src(%dma_wait3A_608 : memref<2x14x7424xf32, #tpu.memory_space<any>>) dst(%dma_wait3A_603 : memref<2x14x7424xf32, #tpu.memory_space<vmem>>)
    %dma_wait3A_609 = arith.constant 4 : i32
    %dma_wait3A_610 = arith.constant 2 : i32
    %dma_wait3A_611 = arith.constant 4 : i32
    %dma_wait3A_612 = tpu.memref_slice %arg6[%dma_wait3A_610, %dma_wait3A_611] : memref<3x7x!tpu.dma_semaphore, #tpu.memory_space<semaphore_mem>> -> memref<1x1x!tpu.dma_semaphore, #tpu.memory_space<semaphore_mem>>
    %dma_wait3A_613 = tpu.memref_squeeze %dma_wait3A_612 : memref<1x1x!tpu.dma_semaphore, #tpu.memory_space<semaphore_mem>> -> memref<!tpu.dma_semaphore, #tpu.memory_space<semaphore_mem>>
    %dma_wait3A_614 = arith.constant 8 : i32
    %dma_wait3A_615 = arith.constant 0 : i32
    %dma_wait3A_616 = arith.constant 0 : i32
    %dma_wait3A_617 = tpu.memref_slice %arg5[%dma_wait3A_614, %dma_wait3A_615, %dma_wait3A_616] : memref<14x14x7424xf32, #tpu.memory_space<vmem>> -> memref<2x14x7424xf32, #tpu.memory_space<vmem>>
    %dma_wait3A_618 = arith.constant 8 : i32
    %dma_wait3A_619 = arith.constant 0 : i32
    %dma_wait3A_620 = arith.constant 768 : i32
    %dma_wait3A_621 = tpu.memref_slice %arg1[%dma_wait3A_618, %dma_wait3A_609, %dma_wait3A_619, %dma_wait3A_620] : memref<14x12x14x8192xf32, #tpu.memory_space<any>> -> memref<2x1x14x7424xf32, #tpu.memory_space<any>>
    %dma_wait3A_622 = tpu.memref_squeeze %dma_wait3A_621 : memref<2x1x14x7424xf32, #tpu.memory_space<any>> -> memref<2x14x7424xf32, #tpu.memory_space<any>>
    tpu.wait_dma2 semaphore(%dma_wait3A_613 : memref<!tpu.dma_semaphore, #tpu.memory_space<semaphore_mem>>) src(%dma_wait3A_622 : memref<2x14x7424xf32, #tpu.memory_space<any>>) dst(%dma_wait3A_617 : memref<2x14x7424xf32, #tpu.memory_space<vmem>>)
    %get3A_623 = arith.constant 8 : index
    %get3A_624 = arith.constant 0 : index
    %get3A_625 = arith.constant 0 : index
    %get3A_626 = vector.load %arg3[%get3A_623, %get3A_624, %get3A_625] : memref<14x14x7424xf32, #tpu.memory_space<vmem>>, vector<2x14x7424xf32>
    %get3A_627 = arith.constant 8 : index
    %get3A_628 = arith.constant 0 : index
    %get3A_629 = arith.constant 0 : index
    %get3A_630 = vector.load %arg4[%get3A_627, %get3A_628, %get3A_629] : memref<14x14x7424xf32, #tpu.memory_space<vmem>>, vector<2x14x7424xf32>
    %get3A_631 = arith.constant 8 : index
    %get3A_632 = arith.constant 0 : index
    %get3A_633 = arith.constant 0 : index
    %get3A_634 = vector.load %arg5[%get3A_631, %get3A_632, %get3A_633] : memref<14x14x7424xf32, #tpu.memory_space<vmem>>, vector<2x14x7424xf32>
    %mul3A_635 = arith.mulf %get3A_626, %get3A_626 : vector<2x14x7424xf32>
    %mul3A_636 = arith.mulf %get3A_630, %get3A_630 : vector<2x14x7424xf32>
    %add3A_637 = arith.addf %mul3A_635, %mul3A_636 : vector<2x14x7424xf32>
    %sub3A_638 = arith.constant 1.000000e+00 : f32
    %sub3A_639 = vector.broadcast %sub3A_638 : f32 to vector<2x14x7424xf32>
    %sub3A_640 = arith.subf %sub3A_639, %get3A_634 : vector<2x14x7424xf32>
    %mul3A_641 = arith.mulf %add3A_637, %sub3A_640 : vector<2x14x7424xf32>
    %reduce_sum3A_642 = vector.shape_cast %mul3A_641 : vector<2x14x7424xf32> to vector<1x2x14x7424xf32>
    %reduce_sum3A_643 = arith.constant dense<0.000000e+00> : vector<1xf32>
    %reduce_sum3A_644 = vector.multi_reduction <add>, %reduce_sum3A_642, %reduce_sum3A_643 [1, 2, 3] : vector<1x2x14x7424xf32> to vector<1xf32>
    %reduce_sum3A_645 = vector.shape_cast %reduce_sum3A_644 : vector<1xf32> to vector<1x1x1x1xf32>
    %reduce_sum3A_646 = vector.extract %reduce_sum3A_645[0, 0, 0, 0] : f32 from vector<1x1x1x1xf32>
    %add3A_647 = arith.addf %add3A_574, %reduce_sum3A_646 : f32
    %reduce_sum3A_648 = vector.shape_cast %get3A_634 : vector<2x14x7424xf32> to vector<1x2x14x7424xf32>
    %reduce_sum3A_649 = arith.constant dense<0.000000e+00> : vector<1xf32>
    %reduce_sum3A_650 = vector.multi_reduction <add>, %reduce_sum3A_648, %reduce_sum3A_649 [1, 2, 3] : vector<1x2x14x7424xf32> to vector<1xf32>
    %reduce_sum3A_651 = vector.shape_cast %reduce_sum3A_650 : vector<1xf32> to vector<1x1x1x1xf32>
    %reduce_sum3A_652 = vector.extract %reduce_sum3A_651[0, 0, 0, 0] : f32 from vector<1x1x1x1xf32>
    %add3A_653 = arith.addf %add3A_580, %reduce_sum3A_652 : f32
    %dma_wait3A_654 = arith.constant 4 : i32
    %dma_wait3A_655 = arith.constant 0 : i32
    %dma_wait3A_656 = arith.constant 5 : i32
    %dma_wait3A_657 = tpu.memref_slice %arg6[%dma_wait3A_655, %dma_wait3A_656] : memref<3x7x!tpu.dma_semaphore, #tpu.memory_space<semaphore_mem>> -> memref<1x1x!tpu.dma_semaphore, #tpu.memory_space<semaphore_mem>>
    %dma_wait3A_658 = tpu.memref_squeeze %dma_wait3A_657 : memref<1x1x!tpu.dma_semaphore, #tpu.memory_space<semaphore_mem>> -> memref<!tpu.dma_semaphore, #tpu.memory_space<semaphore_mem>>
    %dma_wait3A_659 = arith.constant 10 : i32
    %dma_wait3A_660 = arith.constant 0 : i32
    %dma_wait3A_661 = arith.constant 0 : i32
    %dma_wait3A_662 = tpu.memref_slice %arg3[%dma_wait3A_659, %dma_wait3A_660, %dma_wait3A_661] : memref<14x14x7424xf32, #tpu.memory_space<vmem>> -> memref<2x14x7424xf32, #tpu.memory_space<vmem>>
    %dma_wait3A_663 = arith.constant 10 : i32
    %dma_wait3A_664 = arith.constant 0 : i32
    %dma_wait3A_665 = arith.constant 768 : i32
    %dma_wait3A_666 = tpu.memref_slice %arg0[%dma_wait3A_663, %dma_wait3A_654, %dma_wait3A_664, %dma_wait3A_665] : memref<14x12x14x8192xf32, #tpu.memory_space<any>> -> memref<2x1x14x7424xf32, #tpu.memory_space<any>>
    %dma_wait3A_667 = tpu.memref_squeeze %dma_wait3A_666 : memref<2x1x14x7424xf32, #tpu.memory_space<any>> -> memref<2x14x7424xf32, #tpu.memory_space<any>>
    tpu.wait_dma2 semaphore(%dma_wait3A_658 : memref<!tpu.dma_semaphore, #tpu.memory_space<semaphore_mem>>) src(%dma_wait3A_667 : memref<2x14x7424xf32, #tpu.memory_space<any>>) dst(%dma_wait3A_662 : memref<2x14x7424xf32, #tpu.memory_space<vmem>>)
    %dma_wait3A_668 = arith.constant 9 : i32
    %dma_wait3A_669 = arith.constant 1 : i32
    %dma_wait3A_670 = arith.constant 5 : i32
    %dma_wait3A_671 = tpu.memref_slice %arg6[%dma_wait3A_669, %dma_wait3A_670] : memref<3x7x!tpu.dma_semaphore, #tpu.memory_space<semaphore_mem>> -> memref<1x1x!tpu.dma_semaphore, #tpu.memory_space<semaphore_mem>>
    %dma_wait3A_672 = tpu.memref_squeeze %dma_wait3A_671 : memref<1x1x!tpu.dma_semaphore, #tpu.memory_space<semaphore_mem>> -> memref<!tpu.dma_semaphore, #tpu.memory_space<semaphore_mem>>
    %dma_wait3A_673 = arith.constant 10 : i32
    %dma_wait3A_674 = arith.constant 0 : i32
    %dma_wait3A_675 = arith.constant 0 : i32
    %dma_wait3A_676 = tpu.memref_slice %arg4[%dma_wait3A_673, %dma_wait3A_674, %dma_wait3A_675] : memref<14x14x7424xf32, #tpu.memory_space<vmem>> -> memref<2x14x7424xf32, #tpu.memory_space<vmem>>
    %dma_wait3A_677 = arith.constant 10 : i32
    %dma_wait3A_678 = arith.constant 0 : i32
    %dma_wait3A_679 = arith.constant 768 : i32
    %dma_wait3A_680 = tpu.memref_slice %arg0[%dma_wait3A_677, %dma_wait3A_668, %dma_wait3A_678, %dma_wait3A_679] : memref<14x12x14x8192xf32, #tpu.memory_space<any>> -> memref<2x1x14x7424xf32, #tpu.memory_space<any>>
    %dma_wait3A_681 = tpu.memref_squeeze %dma_wait3A_680 : memref<2x1x14x7424xf32, #tpu.memory_space<any>> -> memref<2x14x7424xf32, #tpu.memory_space<any>>
    tpu.wait_dma2 semaphore(%dma_wait3A_672 : memref<!tpu.dma_semaphore, #tpu.memory_space<semaphore_mem>>) src(%dma_wait3A_681 : memref<2x14x7424xf32, #tpu.memory_space<any>>) dst(%dma_wait3A_676 : memref<2x14x7424xf32, #tpu.memory_space<vmem>>)
    %dma_wait3A_682 = arith.constant 4 : i32
    %dma_wait3A_683 = arith.constant 2 : i32
    %dma_wait3A_684 = arith.constant 5 : i32
    %dma_wait3A_685 = tpu.memref_slice %arg6[%dma_wait3A_683, %dma_wait3A_684] : memref<3x7x!tpu.dma_semaphore, #tpu.memory_space<semaphore_mem>> -> memref<1x1x!tpu.dma_semaphore, #tpu.memory_space<semaphore_mem>>
    %dma_wait3A_686 = tpu.memref_squeeze %dma_wait3A_685 : memref<1x1x!tpu.dma_semaphore, #tpu.memory_space<semaphore_mem>> -> memref<!tpu.dma_semaphore, #tpu.memory_space<semaphore_mem>>
    %dma_wait3A_687 = arith.constant 10 : i32
    %dma_wait3A_688 = arith.constant 0 : i32
    %dma_wait3A_689 = arith.constant 0 : i32
    %dma_wait3A_690 = tpu.memref_slice %arg5[%dma_wait3A_687, %dma_wait3A_688, %dma_wait3A_689] : memref<14x14x7424xf32, #tpu.memory_space<vmem>> -> memref<2x14x7424xf32, #tpu.memory_space<vmem>>
    %dma_wait3A_691 = arith.constant 10 : i32
    %dma_wait3A_692 = arith.constant 0 : i32
    %dma_wait3A_693 = arith.constant 768 : i32
    %dma_wait3A_694 = tpu.memref_slice %arg1[%dma_wait3A_691, %dma_wait3A_682, %dma_wait3A_692, %dma_wait3A_693] : memref<14x12x14x8192xf32, #tpu.memory_space<any>> -> memref<2x1x14x7424xf32, #tpu.memory_space<any>>
    %dma_wait3A_695 = tpu.memref_squeeze %dma_wait3A_694 : memref<2x1x14x7424xf32, #tpu.memory_space<any>> -> memref<2x14x7424xf32, #tpu.memory_space<any>>
    tpu.wait_dma2 semaphore(%dma_wait3A_686 : memref<!tpu.dma_semaphore, #tpu.memory_space<semaphore_mem>>) src(%dma_wait3A_695 : memref<2x14x7424xf32, #tpu.memory_space<any>>) dst(%dma_wait3A_690 : memref<2x14x7424xf32, #tpu.memory_space<vmem>>)
    %get3A_696 = arith.constant 10 : index
    %get3A_697 = arith.constant 0 : index
    %get3A_698 = arith.constant 0 : index
    %get3A_699 = vector.load %arg3[%get3A_696, %get3A_697, %get3A_698] : memref<14x14x7424xf32, #tpu.memory_space<vmem>>, vector<2x14x7424xf32>
    %get3A_700 = arith.constant 10 : index
    %get3A_701 = arith.constant 0 : index
    %get3A_702 = arith.constant 0 : index
    %get3A_703 = vector.load %arg4[%get3A_700, %get3A_701, %get3A_702] : memref<14x14x7424xf32, #tpu.memory_space<vmem>>, vector<2x14x7424xf32>
    %get3A_704 = arith.constant 10 : index
    %get3A_705 = arith.constant 0 : index
    %get3A_706 = arith.constant 0 : index
    %get3A_707 = vector.load %arg5[%get3A_704, %get3A_705, %get3A_706] : memref<14x14x7424xf32, #tpu.memory_space<vmem>>, vector<2x14x7424xf32>
    %mul3A_708 = arith.mulf %get3A_699, %get3A_699 : vector<2x14x7424xf32>
    %mul3A_709 = arith.mulf %get3A_703, %get3A_703 : vector<2x14x7424xf32>
    %add3A_710 = arith.addf %mul3A_708, %mul3A_709 : vector<2x14x7424xf32>
    %sub3A_711 = arith.constant 1.000000e+00 : f32
    %sub3A_712 = vector.broadcast %sub3A_711 : f32 to vector<2x14x7424xf32>
    %sub3A_713 = arith.subf %sub3A_712, %get3A_707 : vector<2x14x7424xf32>
    %mul3A_714 = arith.mulf %add3A_710, %sub3A_713 : vector<2x14x7424xf32>
    %reduce_sum3A_715 = vector.shape_cast %mul3A_714 : vector<2x14x7424xf32> to vector<1x2x14x7424xf32>
    %reduce_sum3A_716 = arith.constant dense<0.000000e+00> : vector<1xf32>
    %reduce_sum3A_717 = vector.multi_reduction <add>, %reduce_sum3A_715, %reduce_sum3A_716 [1, 2, 3] : vector<1x2x14x7424xf32> to vector<1xf32>
    %reduce_sum3A_718 = vector.shape_cast %reduce_sum3A_717 : vector<1xf32> to vector<1x1x1x1xf32>
    %reduce_sum3A_719 = vector.extract %reduce_sum3A_718[0, 0, 0, 0] : f32 from vector<1x1x1x1xf32>
    %add3A_720 = arith.addf %add3A_647, %reduce_sum3A_719 : f32
    %reduce_sum3A_721 = vector.shape_cast %get3A_707 : vector<2x14x7424xf32> to vector<1x2x14x7424xf32>
    %reduce_sum3A_722 = arith.constant dense<0.000000e+00> : vector<1xf32>
    %reduce_sum3A_723 = vector.multi_reduction <add>, %reduce_sum3A_721, %reduce_sum3A_722 [1, 2, 3] : vector<1x2x14x7424xf32> to vector<1xf32>
    %reduce_sum3A_724 = vector.shape_cast %reduce_sum3A_723 : vector<1xf32> to vector<1x1x1x1xf32>
    %reduce_sum3A_725 = vector.extract %reduce_sum3A_724[0, 0, 0, 0] : f32 from vector<1x1x1x1xf32>
    %add3A_726 = arith.addf %add3A_653, %reduce_sum3A_725 : f32
    %dma_wait3A_727 = arith.constant 4 : i32
    %dma_wait3A_728 = arith.constant 0 : i32
    %dma_wait3A_729 = arith.constant 6 : i32
    %dma_wait3A_730 = tpu.memref_slice %arg6[%dma_wait3A_728, %dma_wait3A_729] : memref<3x7x!tpu.dma_semaphore, #tpu.memory_space<semaphore_mem>> -> memref<1x1x!tpu.dma_semaphore, #tpu.memory_space<semaphore_mem>>
    %dma_wait3A_731 = tpu.memref_squeeze %dma_wait3A_730 : memref<1x1x!tpu.dma_semaphore, #tpu.memory_space<semaphore_mem>> -> memref<!tpu.dma_semaphore, #tpu.memory_space<semaphore_mem>>
    %dma_wait3A_732 = arith.constant 12 : i32
    %dma_wait3A_733 = arith.constant 0 : i32
    %dma_wait3A_734 = arith.constant 0 : i32
    %dma_wait3A_735 = tpu.memref_slice %arg3[%dma_wait3A_732, %dma_wait3A_733, %dma_wait3A_734] : memref<14x14x7424xf32, #tpu.memory_space<vmem>> -> memref<2x14x7424xf32, #tpu.memory_space<vmem>>
    %dma_wait3A_736 = arith.constant 12 : i32
    %dma_wait3A_737 = arith.constant 0 : i32
    %dma_wait3A_738 = arith.constant 768 : i32
    %dma_wait3A_739 = tpu.memref_slice %arg0[%dma_wait3A_736, %dma_wait3A_727, %dma_wait3A_737, %dma_wait3A_738] : memref<14x12x14x8192xf32, #tpu.memory_space<any>> -> memref<2x1x14x7424xf32, #tpu.memory_space<any>>
    %dma_wait3A_740 = tpu.memref_squeeze %dma_wait3A_739 : memref<2x1x14x7424xf32, #tpu.memory_space<any>> -> memref<2x14x7424xf32, #tpu.memory_space<any>>
    tpu.wait_dma2 semaphore(%dma_wait3A_731 : memref<!tpu.dma_semaphore, #tpu.memory_space<semaphore_mem>>) src(%dma_wait3A_740 : memref<2x14x7424xf32, #tpu.memory_space<any>>) dst(%dma_wait3A_735 : memref<2x14x7424xf32, #tpu.memory_space<vmem>>)
    %dma_wait3A_741 = arith.constant 9 : i32
    %dma_wait3A_742 = arith.constant 1 : i32
    %dma_wait3A_743 = arith.constant 6 : i32
    %dma_wait3A_744 = tpu.memref_slice %arg6[%dma_wait3A_742, %dma_wait3A_743] : memref<3x7x!tpu.dma_semaphore, #tpu.memory_space<semaphore_mem>> -> memref<1x1x!tpu.dma_semaphore, #tpu.memory_space<semaphore_mem>>
    %dma_wait3A_745 = tpu.memref_squeeze %dma_wait3A_744 : memref<1x1x!tpu.dma_semaphore, #tpu.memory_space<semaphore_mem>> -> memref<!tpu.dma_semaphore, #tpu.memory_space<semaphore_mem>>
    %dma_wait3A_746 = arith.constant 12 : i32
    %dma_wait3A_747 = arith.constant 0 : i32
    %dma_wait3A_748 = arith.constant 0 : i32
    %dma_wait3A_749 = tpu.memref_slice %arg4[%dma_wait3A_746, %dma_wait3A_747, %dma_wait3A_748] : memref<14x14x7424xf32, #tpu.memory_space<vmem>> -> memref<2x14x7424xf32, #tpu.memory_space<vmem>>
    %dma_wait3A_750 = arith.constant 12 : i32
    %dma_wait3A_751 = arith.constant 0 : i32
    %dma_wait3A_752 = arith.constant 768 : i32
    %dma_wait3A_753 = tpu.memref_slice %arg0[%dma_wait3A_750, %dma_wait3A_741, %dma_wait3A_751, %dma_wait3A_752] : memref<14x12x14x8192xf32, #tpu.memory_space<any>> -> memref<2x1x14x7424xf32, #tpu.memory_space<any>>
    %dma_wait3A_754 = tpu.memref_squeeze %dma_wait3A_753 : memref<2x1x14x7424xf32, #tpu.memory_space<any>> -> memref<2x14x7424xf32, #tpu.memory_space<any>>
    tpu.wait_dma2 semaphore(%dma_wait3A_745 : memref<!tpu.dma_semaphore, #tpu.memory_space<semaphore_mem>>) src(%dma_wait3A_754 : memref<2x14x7424xf32, #tpu.memory_space<any>>) dst(%dma_wait3A_749 : memref<2x14x7424xf32, #tpu.memory_space<vmem>>)
    %dma_wait3A_755 = arith.constant 4 : i32
    %dma_wait3A_756 = arith.constant 2 : i32
    %dma_wait3A_757 = arith.constant 6 : i32
    %dma_wait3A_758 = tpu.memref_slice %arg6[%dma_wait3A_756, %dma_wait3A_757] : memref<3x7x!tpu.dma_semaphore, #tpu.memory_space<semaphore_mem>> -> memref<1x1x!tpu.dma_semaphore, #tpu.memory_space<semaphore_mem>>
    %dma_wait3A_759 = tpu.memref_squeeze %dma_wait3A_758 : memref<1x1x!tpu.dma_semaphore, #tpu.memory_space<semaphore_mem>> -> memref<!tpu.dma_semaphore, #tpu.memory_space<semaphore_mem>>
    %dma_wait3A_760 = arith.constant 12 : i32
    %dma_wait3A_761 = arith.constant 0 : i32
    %dma_wait3A_762 = arith.constant 0 : i32
    %dma_wait3A_763 = tpu.memref_slice %arg5[%dma_wait3A_760, %dma_wait3A_761, %dma_wait3A_762] : memref<14x14x7424xf32, #tpu.memory_space<vmem>> -> memref<2x14x7424xf32, #tpu.memory_space<vmem>>
    %dma_wait3A_764 = arith.constant 12 : i32
    %dma_wait3A_765 = arith.constant 0 : i32
    %dma_wait3A_766 = arith.constant 768 : i32
    %dma_wait3A_767 = tpu.memref_slice %arg1[%dma_wait3A_764, %dma_wait3A_755, %dma_wait3A_765, %dma_wait3A_766] : memref<14x12x14x8192xf32, #tpu.memory_space<any>> -> memref<2x1x14x7424xf32, #tpu.memory_space<any>>
    %dma_wait3A_768 = tpu.memref_squeeze %dma_wait3A_767 : memref<2x1x14x7424xf32, #tpu.memory_space<any>> -> memref<2x14x7424xf32, #tpu.memory_space<any>>
    tpu.wait_dma2 semaphore(%dma_wait3A_759 : memref<!tpu.dma_semaphore, #tpu.memory_space<semaphore_mem>>) src(%dma_wait3A_768 : memref<2x14x7424xf32, #tpu.memory_space<any>>) dst(%dma_wait3A_763 : memref<2x14x7424xf32, #tpu.memory_space<vmem>>)
    %get3A_769 = arith.constant 12 : index
    %get3A_770 = arith.constant 0 : index
    %get3A_771 = arith.constant 0 : index
    %get3A_772 = vector.load %arg3[%get3A_769, %get3A_770, %get3A_771] : memref<14x14x7424xf32, #tpu.memory_space<vmem>>, vector<2x14x7424xf32>
    %get3A_773 = arith.constant 12 : index
    %get3A_774 = arith.constant 0 : index
    %get3A_775 = arith.constant 0 : index
    %get3A_776 = vector.load %arg4[%get3A_773, %get3A_774, %get3A_775] : memref<14x14x7424xf32, #tpu.memory_space<vmem>>, vector<2x14x7424xf32>
    %get3A_777 = arith.constant 12 : index
    %get3A_778 = arith.constant 0 : index
    %get3A_779 = arith.constant 0 : index
    %get3A_780 = vector.load %arg5[%get3A_777, %get3A_778, %get3A_779] : memref<14x14x7424xf32, #tpu.memory_space<vmem>>, vector<2x14x7424xf32>
    %mul3A_781 = arith.mulf %get3A_772, %get3A_772 : vector<2x14x7424xf32>
    %mul3A_782 = arith.mulf %get3A_776, %get3A_776 : vector<2x14x7424xf32>
    %add3A_783 = arith.addf %mul3A_781, %mul3A_782 : vector<2x14x7424xf32>
    %sub3A_784 = arith.constant 1.000000e+00 : f32
    %sub3A_785 = vector.broadcast %sub3A_784 : f32 to vector<2x14x7424xf32>
    %sub3A_786 = arith.subf %sub3A_785, %get3A_780 : vector<2x14x7424xf32>
    %mul3A_787 = arith.mulf %add3A_783, %sub3A_786 : vector<2x14x7424xf32>
    %reduce_sum3A_788 = vector.shape_cast %mul3A_787 : vector<2x14x7424xf32> to vector<1x2x14x7424xf32>
    %reduce_sum3A_789 = arith.constant dense<0.000000e+00> : vector<1xf32>
    %reduce_sum3A_790 = vector.multi_reduction <add>, %reduce_sum3A_788, %reduce_sum3A_789 [1, 2, 3] : vector<1x2x14x7424xf32> to vector<1xf32>
    %reduce_sum3A_791 = vector.shape_cast %reduce_sum3A_790 : vector<1xf32> to vector<1x1x1x1xf32>
    %reduce_sum3A_792 = vector.extract %reduce_sum3A_791[0, 0, 0, 0] : f32 from vector<1x1x1x1xf32>
    %add3A_793 = arith.addf %add3A_720, %reduce_sum3A_792 : f32
    %reduce_sum3A_794 = vector.shape_cast %get3A_780 : vector<2x14x7424xf32> to vector<1x2x14x7424xf32>
    %reduce_sum3A_795 = arith.constant dense<0.000000e+00> : vector<1xf32>
    %reduce_sum3A_796 = vector.multi_reduction <add>, %reduce_sum3A_794, %reduce_sum3A_795 [1, 2, 3] : vector<1x2x14x7424xf32> to vector<1xf32>
    %reduce_sum3A_797 = vector.shape_cast %reduce_sum3A_796 : vector<1xf32> to vector<1x1x1x1xf32>
    %reduce_sum3A_798 = vector.extract %reduce_sum3A_797[0, 0, 0, 0] : f32 from vector<1x1x1x1xf32>
    %add3A_799 = arith.addf %add3A_726, %reduce_sum3A_798 : f32
    %swap3A = arith.constant 0 : index
    %swap3A_800 = memref.load %arg2[%swap3A] : memref<2xf32, #tpu.memory_space<smem>>
    memref.store %add3A_793, %arg2[%swap3A] : memref<2xf32, #tpu.memory_space<smem>>
    %swap3A_801 = arith.constant 1 : index
    %swap3A_802 = memref.load %arg2[%swap3A_801] : memref<2xf32, #tpu.memory_space<smem>>
    memref.store %add3A_799, %arg2[%swap3A_801] : memref<2xf32, #tpu.memory_space<smem>>
    return
  }
}

</mosaic_0001>

<sc_bundles>
// kernel: kernel.4.cloned.1.call-start
scs
__scs_entry_jumppad:
0x0: {  	(pc) =	sbr.rel $0x88, $3  }
0x1: {  	(tag) =	ssettag $0x0;
	lr =	simm.s32 $0x1  }
0x2: {  	[smem:$0x3F9F] =	sst lr;
	_ =	strace $0xD0000000  }
0x3: {  	_ = 	snop  }
0x4: {  	_ = 	snop  }
0x5: {  	_ = 	snop  }
0x6: {  	_ = 	snop  }
0x7: {  	_ = 	snop  }
__scs_overlays_trampoline_lowered:
0x8: {  	[smem:$0x3FAE] =	sst s0  }
0x9: {  	[smem:$0x3FAF] =	sst s1  }
0xa: {  	[smem:$0x3FB0] =	sst s2  }
0xb: {  	[smem:$0x3FB1] =	sst s3  }
0xc: {  	[smem:$0x3FB2] =	sst s4  }
0xd: {  	[smem:$0x3FB3] =	sst s5  }
0xe: {  	[smem:$0x3FB4] =	sst s6  }
0xf: {  	[smem:$0x3FB5] =	sst s7  }
0x10: {  	[smem:$0x3FB6] =	sst s8  }
0x11: {  	[smem:$0x3FB7] =	sst s9;
	s0 =	simm.s32 @!p0 $0x0  }
0x12: {  	s1 =	sld [smem:$0x3F9D];
	s0 =	simm.s32 @p0 $0x1  }
0x13: {  	[smem:$0x3FB8] =	sst s0;
	s0 =	simm.s32 @!p1 $0x0  }
0x14: {  	s2 =	sld [smem:$0x3F9C];
	s0 =	simm.s32 @p1 $0x1  }
0x15: {  	[smem:$0x3FB9] =	sst s0;
	s0 =	simm.s32 @!p2 $0x0  }
0x16: {  	s3 =	sld [smem:$0x3FDB];
	s0 =	simm.s32 @p2 $0x1  }
0x17: {  	s4 =	simm.s32 $0x1BF5;
	[smem:$0x3FBB] =	sst s0  }
0x18: {  	s0 =	sld [smem:$0x3F9E];
	_ =	swait.ge [sflag:s4], $0x0  }
0x19: {  	s7 =	sld [smem:$0x3F9F]  }
0x1a: {  	s8 =	sadd.s32 $0xFFFFE003, lr  }
0x1b: {  	s9 =	sadd.s32 $0xFFFFFEF7, lr;
	s5 =	simm.s32 $0xFFFFFFFF;
	p2 =	slt.u32 s8, $0xFFFFF086  }
0x1c: {  	p1 =	slt.u32 s9, $0xF7A;
	s5 =	simm.s32 @!p2 $0x0  }
0x1d: {  	s5 =	simm.s32 @p1 $0x1;
	p0 =	seq.s32 s7, s2  }
0x1e: {  	s7 =	smul.u32 @!p0 $0xF7A, s2;
	p2 =	seq.s32 @!p0 s5, $0x0  }
0x1f: {  	s9 =	smul.u32 $0xF7A, s1;
	s8 =	simm.s32 @!p0 $0x1BF5;
	p2 =	por !p2, p0  }
0x20: {  	[sflag:s8] =	ssyncset.s32 @!p0 $0xFFFFF086;
	s6 =	sadd.s32 @!p0 s3, s7;
	s7 =	simm.s32 @!p0 $0x108  }
0x21: {  	s3 =	sadd.s32 s3, s9;
	s6 =	sadd.s32 @!p0 $0x88, s6;
	s7 =	simm.s32 @p2 $0x1082  }
0x22: {  	[simem:s7], [sflag:s8] =	dma.local @!p0 [hbm:s6], $0xF7A  }
0x23: {  	s9 =	sor.u32 $0xD0000000, s2;
	s6 =	simm.s32 $0x108;
	_ =	swait.ge @!p0 [sflag:s8], $0x0  }
0x24: {  	s3 =	sadd.s32 $0x88, s3;
	s6 =	simm.s32 @!p1 $0x1082;
	[sflag:s4] =	ssyncset.s32 $0xFFFFF086  }
0x25: {  	[simem:s6], [sflag:s4] =	dma.local [hbm:s3], $0xF7A  }
0x26: {  	[smem:$0x3F9F] =	sst s1;
	(tag) =	ssettag s2;
	_ =	strace s9  }
0x27: {  	s1 =	sld [smem:$0x3FAF]  }
0x28: {  	s2 =	sld [smem:$0x3FB0]  }
0x29: {  	s4 =	sld [smem:$0x3FB2]  }
0x2a: {  	p0 =	seq.s32 s5, $0x0;
	s5 =	sld [smem:$0x3FB3]  }
0x2b: {  	s6 =	sld [smem:$0x3FB4]  }
0x2c: {  	s7 =	sld [smem:$0x3FB5]  }
0x2d: {  	s3 =	simm.s32 $0x108;
	s8 =	sld [smem:$0x3FB6]  }
0x2e: {  	s3 =	simm.s32 @!p0 $0x1082;
	s9 =	sld [smem:$0x3FB7]  }
0x2f: {  	lr =	sadd.s32 s0, s3;
	s0 =	sld [smem:$0x3FAE]  }
0x30: {  	s3 =	sld [smem:$0x3FB1]  }
0x31: {  	[smem:$0x3FBA] =	sst s10  }
0x32: {  	s10 =	sld [smem:$0x3FB8];
	_ =	sdelay $0x3  }
0x33: {  	p0 =	seq.s32 s10, $0x1;
	s10 =	sld [smem:$0x3FBA];
	_ =	sdelay $0x3  }
0x34: {  	[smem:$0x3FBA] =	sst s10  }
0x35: {  	s10 =	sld [smem:$0x3FB9];
	_ =	sdelay $0x3  }
0x36: {  	p1 =	seq.s32 s10, $0x1;
	s10 =	sld [smem:$0x3FBA];
	_ =	sdelay $0x3  }
0x37: {  	[smem:$0x3FBA] =	sst s10  }
0x38: {  	s10 =	sld [smem:$0x3FBB]  }
0x39: {  	_ = 	snop;
	(pc) =	sbr.ind lr, $3  }
0x3a: {  	_ = 	snop  }
0x3b: {  	_ = 	snop  }
0x3c: {  	p2 =	seq.s32 s10, $0x1;
	s10 =	sld [smem:$0x3FBA]  }
0x3d: {  	_ =	shalt  }
0x3e: {  	_ =	shalt  }
0x3f: {  	_ =	shalt  }
0x40: {  	_ =	shalt  }
0x41: {  	_ =	shalt  }
0x42: {  	_ =	shalt  }
0x43: {  	_ =	shalt  }
0x44: {  	_ =	shalt  }
0x45: {  	_ =	shalt  }
0x46: {  	_ =	shalt  }
0x47: {  	_ =	shalt  }
0x48: {  	_ =	shalt  }
0x49: {  	_ =	shalt  }
0x4a: {  	_ =	shalt  }
0x4b: {  	_ =	shalt  }
0x4c: {  	_ =	shalt  }
0x4d: {  	_ =	shalt  }
0x4e: {  	_ =	shalt  }
0x4f: {  	_ =	shalt  }
0x50: {  	_ =	shalt  }
0x51: {  	_ =	shalt  }
0x52: {  	_ =	shalt  }
0x53: {  	_ =	shalt  }
0x54: {  	_ =	shalt  }
0x55: {  	_ =	shalt  }
0x56: {  	_ =	shalt  }
0x57: {  	_ =	shalt  }
0x58: {  	_ =	shalt  }
0x59: {  	_ =	shalt  }
0x5a: {  	_ =	shalt  }
0x5b: {  	_ =	shalt  }
0x5c: {  	_ =	shalt  }
0x5d: {  	_ =	shalt  }
0x5e: {  	_ =	shalt  }
0x5f: {  	_ =	shalt  }
0x60: {  	_ =	shalt  }
0x61: {  	_ =	shalt  }
0x62: {  	_ =	shalt  }
0x63: {  	_ =	shalt  }
0x64: {  	_ =	shalt  }
0x65: {  	_ =	shalt  }
0x66: {  	_ =	shalt  }
0x67: {  	_ =	shalt  }
0x68: {  	_ =	shalt  }
0x69: {  	_ =	shalt  }
0x6a: {  	_ =	shalt  }
0x6b: {  	_ =	shalt  }
0x6c: {  	_ =	shalt  }
0x6d: {  	_ =	shalt  }
0x6e: {  	_ =	shalt  }
0x6f: {  	_ =	shalt  }
0x70: {  	_ =	shalt  }
0x71: {  	_ =	shalt  }
0x72: {  	_ =	shalt  }
0x73: {  	_ =	shalt  }
0x74: {  	_ =	shalt  }
0x75: {  	_ =	shalt  }
0x76: {  	_ =	shalt  }
0x77: {  	_ =	shalt  }
0x78: {  	_ =	shalt  }
0x79: {  	_ =	shalt  }
0x7a: {  	_ =	shalt  }
0x7b: {  	_ =	shalt  }
0x7c: {  	_ =	shalt  }
0x7d: {  	_ =	shalt  }
0x7e: {  	_ =	shalt  }
0x7f: {  	_ =	shalt  }
0x80: {  	_ =	shalt  }
0x81: {  	_ =	shalt  }
0x82: {  	_ =	shalt  }
0x83: {  	_ =	shalt  }
0x84: {  	_ =	shalt  }
0x85: {  	_ =	shalt  }
0x86: {  	_ =	shalt  }
0x87: {  	_ =	shalt  }
.Lfunc_end0:
.L_simem_size_0:
called_computation_lowered:
.L_overlay_start_0:
0x88: {  	s2 =	sld [smem:$0x3FD9]  }
0x89: {  	s3 =	sld [smem:$0x3FFE];
	_ =	sdelay $0x1  }
0x8a: {  	s1 =	srdreg.scid  }
0x8b: {  	s0 =	sand.u32 $0x1, s1  }
0x8c: {  	s17 =	sshll.u32 s0, $0xA;
	s2 =	sadd.s32 s3, s2  }
0x8d: {  	s2 =	sadd.s32 s2, s17  }
0x8e: {  	[smem:$0x3FC6] =	sst s2  }
0x8f: {  	_ = 	snop  }
0x90: {  	s2 =	sld [smem:$0x3FC9]  }
0x91: {  	s18 =	sld [smem:$0x3FC8];
	(tm) =	ssettm $0x1  }
0x92: {  	s4 =	sld [smem:$0x3FFB];
	_ =	sdelay $0x3  }
0x93: {  	_ =	strace s4  }
0x94: {  	s4 =	sld [smem:$0x3FFC];
	_ =	sdelay $0x3  }
0x95: {  	_ =	strace s4  }
0x96: {  	s4 =	sld [smem:$0x3FFD];
	_ =	sdelay $0x3  }
0x97: {  	_ =	strace s4  }
0x98: {  	_ =	strace $0x8FFFFFFF  }
0x99: {  	s19 =	sld [smem:$0x3FDB];
	_ =	sdelay $0x1  }
0x9a: {  	s5 =	simm.s32 $_scs_section_size  }
0x9b: {  	s6 =	simm.s32 $_size__tile_overlayer_lowered;
	s7 =	simm.s32 $_tile_overlayer_lowered  }
0x9c: {  	s22 =	simm.s32 $0x1BFF;
	s21 =	sshll.u32 s7, $0x1;
	s4 =	sadd.s32 s5, s19  }
0x9d: {  	s8 =	simm.s32 $0x0;
	s20 =	sshll.u32 s6, $0x1;
	s6 =	sadd.s32 s21, s4  }
0x9e: {  	[timem:s8], [sflag:s22] =	dma.local [hbm:s6], s20  }
0x9f: {  	_ =	swait.ge [sflag:s22], s20  }
0xa0: {  	s5 =	ssub.s32 $0x0, s20;
	[sflag:s22] =	ssyncset.done $0x0  }
0xa1: {  	[sflag:s22] =	ssyncadd.s32 s5;
	_ =	sdelay $0x1  }
0xa2: {  	s23 =	simm.s32 $0x1B8B  }
0xa3: {  	_ =	swait.ge [sflag:s23], $0x1  }
0xa4: {  	[sflag:s23] =	ssyncset.done $0x0  }
0xa5: {  	s25 =	simm.s32 $0x1B8E;
	s24 =	sld [smem:$0x3FFE];
	[sflag:s23] =	ssyncadd.s32 $0xFFFFFFFF  }
0xa6: {  	s26 =	simm.s32 $execute0_lowered;
	[smem:$0x3FD2] =	sst s25  }
0xa7: {  	s6 =	sshll.u32 s26, $0x1;
	_ =	strace $0x80000046;
	[dreg:$0x1] =	wrdreg $0xFFFFFFFF  }
0xa8: {  	s28 =	simm.s32 $_size_execute0_lowered;
	s4 =	sadd.s32 s4, s6;
	[dreg:$0x0] =	wrdreg $0x0  }
0xa9: {  	s6 =	sshll.u32 s28, $0x1;
	[dreg:$0x2] =	wrdreg s4  }
0xaa: {  	[dreg:$0x3] =	wrdreg s6  }
0xab: {  	[dreg:$0x4] =	wrdreg $0xC0  }
0xac: {  	_ =	task [dreg:s8], $0x5FFFF  }
0xad: {  	[dreg:$0x1] =	wrdreg $0xFFFFFFFF  }
0xae: {  	[dreg:$0x0] =	wrdreg $0x60  }
0xaf: {  	[dreg:$0x2] =	wrdreg s2  }
0xb0: {  	[dreg:$0x3] =	wrdreg s18  }
0xb1: {  	[dreg:$0x4] =	wrdreg s24  }
0xb2: {  	[dreg:$0x5] =	wrdreg $0x9  }
0xb3: {  	_ =	task.clear_ibuf [dreg:s8], $0x6FFFF;
	_ =	strace $0x90000046  }
0xb4: {  	s29 =	simm.s32 $0x9;
	_ =	strace $0x80000048  }
0xb5: {  	_ =	swait.ge [sflag:s29], $0x1  }
0xb6: {  	[sflag:s29] =	ssyncadd.s32 $0xFFFFFFFF  }
0xb7: {  	_ =	strace $0x90000048  }
0xb8: {  	_ =	sfence  }
0xb9: {  	s30 =	sld [smem:$0x0];
	_ =	sdelay $0x2  }
0xba: {  	s31 =	sshll.u32 s1, $0xD;
	s1 =	sshrl.u32 s1, $0x2  }
0xbb: {  	s3 =	sand.u32 $0x4000, s31;
	s1 =	sadd.s32 s1, s30  }
0xbc: {  	s0 =	sor.u32 s3, s0;
	s1 =	sshll.u32 s1, $0x11  }
0xbd: {  	s0 =	sor.u32 s1, s0  }
0xbe: {  	s0 =	sadd.s32 $0x8F2B, s0  }
0xbf: {  	[sflag:s0] =	ssyncadd.remote.s32 $0x1  }
0xc0: {  	_ =	sfence.sel $0xFFFF  }
0xc1: {  	[dreg:$0x0] =	wrdreg $0xFFFFFFFF;
	(pc) =	sbr.abs _section_cstart, $3  }
0xc2: {  	[dreg:$0x1] =	wrdreg $0xFFFFFFFF  }
0xc3: {  	_ =	task.clear_ibuf [dreg:s8], $0x2FFFF;
	_ =	strace $0x9FFFFFFF  }
0xc4: {  	(tm) =	ssettm $0x7FFFFFFF  }
0xc5: {  	_ =	shalt  }
tec
execute0_lowered:
.L_overlay_start_1:
0x0: {  	(tag) =	ssettag $0x1  }
0x1: {  	s0 =	srdreg.scid;
	s20 =	rddreg [dreg:$0x0]  }
0x2: {  	s26 =	stileid.u32;
	s21 =	rddreg [dreg:$0x1];
	s2 =	sand.u32 $0x1, s0  }
0x3: {  	s28 =	simm.s32 $0x400;
	s29 =	simm.s32 $0x1;
	s0 =	sshll.u32 s2, $0x4  }
0x4: {  	s30 =	simm.s32 $0x300;
	s31 =	simm.s32 $0x600;
	s0 =	sor.u32 s26, s0  }
0x5: {  	s2 =	ssub.s32 $0x2, s2;
	s1 =	smul.u32 $0x25, s0;
	s5 =	sor.u32 $0x20, s0  }
0x6: {  	s8 =	sshrl.u32 s2, $0x1;
	s14 =	sor.u32 $0x40, s0;
	s6 =	smul.u32 $0x25, s5  }
0x7: {  	s22 =	ssub.s32 s2, s8;
	s15 =	smul.u32 $0x93, s14;
	s3 =	sshrl.u32 s1, $0x9  }
0x8: {  	s19 =	sor.u32 $0x60, s0;
	p0 =	sgt.u32 s0, $0x3;
	s4 =	smul.u32 $0xE, s3  }
0x9: {  	s1 =	simm.s32 $0x0;
	s3 =	smul.u32 $0x180000, s3;
	s6 =	sshrl.u32 s6, $0x9  }
0xa: {  	[smem:$0x7FF] =	sst s1;
	s9 =	smul.u32 $0xE, s6;
	s4 =	ssub.s32 s0, s4  }
0xb: {  	s8 =	sshrl.u32 s15, $0xB;
	s12 =	smul.u32 $0x180000, s6;
	s7 =	sshll.u32 s4, $0xD  }
0xc: {  	s4 =	sshll.u32 s4, $0x7;
	s11 =	ssub.s32 s5, s9;
	s7 =	sand.u32 $0x10000, s7  }
0xd: {  	s4 =	sand.u32 $0x380, s4;
	s13 =	sshll.u32 s11, $0xD;
	s3 =	sor.u32 s7, s3  }
0xe: {  	s6 =	sand.u32 $0x10000, s13;
	s3 =	sor.u32 s4, s3;
	s4 =	sshll.u32 s11, $0x7  }
0xf: {  	s17 =	sor.u32 s6, s12;
	s12 =	smul.u32 $0x93, s19;
	s10 =	sadd.s32 $0x80000, s3  }
0x10: {  	s16 =	sand.u32 $0x380, s4;
	s3 =	sadd.s32 $0x120000, s3;
	s9 =	sshrl.u32 s10, $0x3  }
0x11: {  	s6 =	sor.u32 s16, s17;
	s3 =	sshrl.u32 s3, $0x3;
	s10 =	smul.u32 $0xE, s8  }
0x12: {  	s8 =	smul.u32 $0x180000, s8;
	s23 =	sshrl.u32 s12, $0xB;
	s4 =	sadd.s32 $0x80000, s6  }
0x13: {  	s2 =	sadd.s32 s20, s9;
	s3 =	sadd.s32 s20, s3;
	s6 =	sadd.s32 $0x120000, s6  }
0x14: {  	s13 =	smul.u32 $0xE, s23;
	s11 =	sshrl.u32 s4, $0x3;
	s4 =	sadd.s32 s21, s9  }
0x15: {  	s7 =	ssub.s32 s14, s10;
	s6 =	sshrl.u32 s6, $0x3;
	s5 =	sadd.s32 s20, s11  }
0x16: {  	s18 =	sshll.u32 s7, $0xD;
	s7 =	sshll.u32 s7, $0x7;
	s6 =	sadd.s32 s20, s6  }
0x17: {  	s17 =	ssub.s32 s19, s13;
	s9 =	sand.u32 $0x10000, s18;
	s7 =	sand.u32 $0x380, s7  }
0x18: {  	s18 =	sor.u32 $0xFFFFFF80, s0;
	s10 =	sshll.u32 s17, $0xD;
	s8 =	sor.u32 s9, s8  }
0x19: {  	s9 =	smul.u32 $0x180000, s23;
	s14 =	sand.u32 $0x9E, s18;
	s10 =	sand.u32 $0x10000, s10  }
0x1a: {  	s8 =	sor.u32 s7, s8;
	s7 =	sadd.s32 s21, s11;
	s14 =	sshrl.u32 s14, $0x1  }
0x1b: {  	s24 =	sadd.s32 $0x80000, s8;
	s8 =	sadd.s32 $0x120000, s8;
	s10 =	sor.u32 s10, s9  }
0x1c: {  	s14 =	smul.u32 $0x93, s14;
	s16 =	sshrl.u32 s8, $0x3;
	s8 =	sshll.u32 s17, $0x7  }
0x1d: {  	s25 =	sshrl.u32 s24, $0x3;
	s17 =	sor.u32 $0xFFFFFFA0, s0;
	s15 =	sand.u32 $0x380, s8  }
0x1e: {  	s8 =	sadd.s32 s20, s25;
	s9 =	sadd.s32 s20, s16;
	s14 =	sshrl.u32 s14, $0xA  }
0x1f: {  	s24 =	sand.u32 $0xBE, s17;
	s19 =	sor.u32 s15, s10;
	s10 =	sadd.s32 s21, s25  }
0x20: {  	s16 =	smul.u32 $0xE, s14;
	s23 =	sadd.s32 $0x80000, s19;
	s12 =	sadd.s32 $0x120000, s19  }
0x21: {  	s14 =	smul.u32 $0x180000, s14;
	s15 =	sshrl.u32 s23, $0x3;
	s12 =	sshrl.u32 s12, $0x3  }
0x22: {  	s13 =	ssub.s32 s18, s16;
	s16 =	sshrl.u32 s24, $0x1;
	s11 =	sadd.s32 s20, s15  }
0x23: {  	s18 =	sshll.u32 s13, $0xD;
	s13 =	sshll.u32 s13, $0x7;
	s16 =	smul.u32 $0x93, s16  }
0x24: {  	s12 =	sadd.s32 s20, s12;
	s18 =	sand.u32 $0x10000, s18;
	s13 =	sand.u32 $0x380, s13  }
0x25: {  	s14 =	sor.u32 s18, s14;
	s18 =	sor.u32 $0xFFFFFFC0, s26;
	s16 =	sshrl.u32 s16, $0xA  }
0x26: {  	s19 =	sor.u32 s13, s14;
	s25 =	sand.u32 $0xCE, s18;
	s23 =	smul.u32 $0xE, s16  }
0x27: {  	s13 =	sadd.s32 s21, s15;
	s16 =	smul.u32 $0x180000, s16;
	s24 =	sshrl.u32 s25, $0x1  }
0x28: {  	s14 =	sadd.s32 $0x80000, s19;
	s19 =	sadd.s32 $0x120000, s19;
	s24 =	smul.u32 $0x93, s24  }
0x29: {  	s25 =	sshrl.u32 s14, $0x3;
	s17 =	ssub.s32 s17, s23;
	s19 =	sshrl.u32 s19, $0x3  }
0x2a: {  	s14 =	sadd.s32 s20, s25;
	s23 =	sshll.u32 s17, $0xD;
	s15 =	sshrl.u32 s24, $0xA  }
0x2b: {  	s17 =	sshll.u32 s17, $0x7;
	s23 =	sand.u32 $0x10000, s23;
	s24 =	smul.u32 $0xE, s15  }
0x2c: {  	s17 =	sand.u32 $0x380, s17;
	s16 =	sor.u32 s23, s16;
	s15 =	sadd.s32 s20, s19  }
0x2d: {  	s17 =	sor.u32 s17, s16;
	s16 =	sadd.s32 s21, s25;
	s18 =	ssub.s32 s18, s24  }
0x2e: {  	s25 =	sadd.s32 $0x80000, s17;
	s17 =	sadd.s32 $0x120000, s17;
	s24 =	sand.u32 $0x7, s18  }
0x2f: {  	s18 =	sshll.u32 s18, $0xA;
	s19 =	sshrl.u32 s25, $0x3;
	s23 =	sshll.u32 s24, $0x4  }
0x30: {  	s25 =	sshrl.u32 s17, $0x3;
	s17 =	sadd.s32 s20, s19;
	s23 =	sor.u32 s23, s18  }
0x31: {  	s19 =	sadd.s32 s21, s19;
	s18 =	sadd.s32 s20, s25;
	s23 =	sand.u32 $0x2070, s23  }
0x32: {  	s24 =	sor.u32 $0x280000, s23;
	s25 =	sadd.s32 s23, s20;
	s23 =	sshll.u32 s26, $0x4  }
.Ltmp0:
0x33: {  	s26 =	sshll.u32 s0, $0x4;
	s0 =	simm.s32 $0x0;
	(pc) =	sbr.rel .LBB2_1-.Ltmp0, $4  }
0x34: {  	s20 =	sadd.s32 s20, s24;
	s21 =	sadd.s32 s21, s24;
	s24 =	rddreg [dreg:$0x2]  }
0x35: {  	s26 =	sand.u32 $0x180, s26;
	[dreg:$0x4] =	wrdreg s20;
	s20 =	sand.u32 $0x70, s23  }
0x36: {  	s20 =	sadd.s32 s24, s20;
	_ =	strace $0x80000047;
	s24 =	sadd.s32 $0x294000, s25  }
0x37: {  	v0 =	vimm.f32 $0.0e+00;
	s25 =	smax.u32 s22, $0x1;
	s23 =	sadd.s32 s26, s20;
	s26 =	simm.s32 $0x80  }
.LBB2_16:
0x38: {  	v4 =	vld [tilespmem:s22+$0x630];
	_ =	sdelay $0x2  }
0x39: {  	v3 =	vmul.f32 v3, v3;
	v2 =	vmul.f32 v2, v2  }
0x3a: {  	v5 =	vld [tilespmem:$0xA80]  }
0x3b: {  	v2 =	vadd.f32 v2, v3;
	v6 =	vsub.f32 $1.000000000e+00, v4;
	_ =	sdelay $0x1  }
0x3c: {  	v2 =	vmul.f32 v6, v2  }
0x3d: {  	v1 =	vadd.f32 v1, v4  }
0x3e: {  	v2 =	vadd.f32 v2, v5  }
0x3f: {  	[tilespmem:$0xC80] =	vst v1  }
0x40: {  	[tilespmem:$0xA80] =	vst v2  }
.LBB2_17:
0x41: {  	v1 =	vld [tilespmem:$0x900]  }
0x42: {  	v2 =	vld [tilespmem:$0x980]  }
0x43: {  	v3 =	vld [tilespmem:$0xA00]  }
0x44: {  	v4 =	vld [tilespmem:$0xA80]  }
0x45: {  	v5 =	vld [tilespmem:$0xB00]  }
0x46: {  	v6 =	vld [tilespmem:$0xB80]  }
0x47: {  	v7 =	vld [tilespmem:$0xC00]  }
0x48: {  	v8 =	vld [tilespmem:$0xC80];
	_ =	sdelay $0x3  }
0x49: {  	v1 =	vadd.f32 v2, v1;
	v2 =	vadd.f32 v4, v3  }
0x4a: {  	v3 =	vadd.f32 v6, v5;
	v63 =	vadd.f32 v8, v7  }
0x4b: {  	v1 =	vadd.f32 v2, v1  }
0x4c: {  	s0 =	sadd.s32 $0x1, s0;
	v2 =	vadd.f32 v63, v3  }
0x4d: {  	p1 =	sne.s32 s0, s25;
	[tilespmem:$0xD00] =	vst v1  }
.Ltmp1:
0x4e: {  	s20 =	simm.s32 $0xD00;
	[tilespmem:$0xD10] =	vst v2;
	(pc) =	sbr.rel @!p1 .LBB2_18-.Ltmp1, $4  }
0x4f: {  	[hbm4b:s23+s1] =	stream.linear.scatter [tilespmem:s20], [sflag:$0x1], $0x80, $0x38;
	[tilespmem:$0xD80] =	vst v63  }
0x50: {  	_ =	swait.ge [sflag:s29], $0x80  }
0x51: {  	[sflag:s29] =	ssyncset.done $0x0  }
0x52: {  	[sflag:s29] =	ssyncadd.s32 $0xFFFFFF80  }
.LBB2_1:
0x53: {  	[tilespmem:$0x900] =	vst v0  }
0x54: {  	[tilespmem:$0xB00] =	vst v0  }
0x55: {  	[tilespmem:$0x980] =	vst v0  }
0x56: {  	[tilespmem:$0xB80] =	vst v0  }
0x57: {  	[tilespmem:$0xA00] =	vst v0  }
0x58: {  	[tilespmem:$0xC00] =	vst v0  }
0x59: {  	[tilespmem:$0xA80] =	vst v0  }
0x5a: {  	[tilespmem:$0xC80] =	vst v0  }
0x5b: {  	[tilespmem:s1], [sflag:$0x1] =	stream.strided.gather [hbm4b:s2+s26], $0x300, s28, s26, $0x38;
	[tilespmem:$0xD80] =	vst v63  }
0x5c: {  	_ =	swait.ge [sflag:s29], $0x300  }
0x5d: {  	[sflag:s29] =	ssyncset.done $0x0  }
0x5e: {  	[sflag:s29] =	ssyncadd.s32 $0xFFFFFD00  }
0x5f: {  	[tilespmem:s30], [sflag:$0x1] =	stream.strided.gather [hbm4b:s3+s26], $0x300, s28, s26, $0x38;
	[tilespmem:$0xD80] =	vst v63  }
0x60: {  	_ =	swait.ge [sflag:s29], $0x300  }
0x61: {  	[sflag:s29] =	ssyncset.done $0x0  }
0x62: {  	[sflag:s29] =	ssyncadd.s32 $0xFFFFFD00  }
0x63: {  	[tilespmem:s31], [sflag:$0x1] =	stream.strided.gather [hbm4b:s4+s26], $0x300, s28, s26, $0x38;
	[tilespmem:$0xD80] =	vst v63  }
0x64: {  	_ =	swait.ge [sflag:s29], $0x300  }
0x65: {  	[sflag:s29] =	ssyncset.done $0x0  }
0x66: {  	s22 =	simm.s32 $0x0;
	[sflag:s29] =	ssyncadd.s32 $0xFFFFFD00  }
0x67: {  	v1 =	vld [tilespmem:s22+$0x0]  }
0x68: {  	v2 =	vld [tilespmem:s22+$0x300];
	_ =	sdelay $0x1  }
0x69: {  	v3 =	vld [tilespmem:s22+$0x600];
	_ =	sdelay $0x2  }
0x6a: {  	v4 =	vld [tilespmem:$0xB00];
	v1 =	vmul.f32 v1, v1;
	v2 =	vmul.f32 v2, v2  }
0x6b: {  	v5 =	vld [tilespmem:$0x900]  }
0x6c: {  	v1 =	vadd.f32 v2, v1;
	v2 =	vsub.f32 $1.000000000e+00, v3;
	_ =	sdelay $0x1  }
0x6d: {  	v1 =	vmul.f32 v2, v1  }
0x6e: {  	v2 =	vadd.f32 v4, v3  }
0x6f: {  	v1 =	vadd.f32 v1, v5  }
0x70: {  	[tilespmem:$0xB00] =	vst v2  }
0x71: {  	[tilespmem:$0x900] =	vst v1  }
0x72: {  	v1 =	vld [tilespmem:s22+$0x10]  }
0x73: {  	v2 =	vld [tilespmem:s22+$0x310];
	_ =	sdelay $0x1  }
0x74: {  	v3 =	vld [tilespmem:s22+$0x610];
	_ =	sdelay $0x2  }
0x75: {  	v4 =	vld [tilespmem:$0xB80];
	v1 =	vmul.f32 v1, v1;
	v2 =	vmul.f32 v2, v2  }
0x76: {  	v5 =	vld [tilespmem:$0x980]  }
0x77: {  	v1 =	vadd.f32 v2, v1;
	v2 =	vsub.f32 $1.000000000e+00, v3;
	_ =	sdelay $0x1  }
0x78: {  	v1 =	vmul.f32 v2, v1  }
0x79: {  	v2 =	vadd.f32 v4, v3  }
0x7a: {  	v1 =	vadd.f32 v1, v5  }
0x7b: {  	[tilespmem:$0xB80] =	vst v2  }
0x7c: {  	[tilespmem:$0x980] =	vst v1  }
0x7d: {  	v1 =	vld [tilespmem:s22+$0x20]  }
0x7e: {  	v2 =	vld [tilespmem:s22+$0x320];
	_ =	sdelay $0x1  }
0x7f: {  	v3 =	vld [tilespmem:s22+$0x620];
	_ =	sdelay $0x2  }
0x80: {  	v4 =	vld [tilespmem:$0xC00];
	v1 =	vmul.f32 v1, v1;
	v2 =	vmul.f32 v2, v2  }
0x81: {  	v5 =	vld [tilespmem:$0xA00]  }
0x82: {  	v1 =	vadd.f32 v2, v1;
	v2 =	vsub.f32 $1.000000000e+00, v3;
	_ =	sdelay $0x1  }
0x83: {  	v1 =	vmul.f32 v2, v1  }
0x84: {  	v2 =	vadd.f32 v4, v3  }
0x85: {  	v3 =	vadd.f32 v1, v5  }
0x86: {  	[tilespmem:$0xC00] =	vst v2  }
0x87: {  	v1 =	vld [tilespmem:$0xC80];
	[tilespmem:$0xA00] =	vst v3  }
0x88: {  	v3 =	vld [tilespmem:s22+$0x30]  }
0x89: {  	s20 =	simm.s32 $0x100;
	v2 =	vld [tilespmem:s22+$0x330]  }
.LBB2_2:
0x8a: {  	p1 =	sne.s32 s20, $0xB00;
	v4 =	vld [tilespmem:s22+$0x630];
	s22 =	smov.u32 s20;
	s20 =	sadd.s32 $0x100, s20  }
0x8b: {  	_ =	sdelay $0x1  }
0x8c: {  	v3 =	vmul.f32 v3, v3  }
0x8d: {  	s22 =	sshra.s32 s22, $0x2;
	v5 =	vld [tilespmem:$0xA80];
	v2 =	vmul.f32 v2, v2  }
0x8e: {  	v6 =	vsub.f32 $1.000000000e+00, v4;
	v1 =	vadd.f32 v1, v4  }
0x8f: {  	v2 =	vadd.f32 v2, v3  }
0x90: {  	[tilespmem:$0xC80] =	vst v1  }
0x91: {  	v1 =	vld [tilespmem:$0xC80];
	v2 =	vmul.f32 v6, v2;
	_ =	sdelay $0x1  }
0x92: {  	v2 =	vadd.f32 v2, v5;
	_ =	sdelay $0x1  }
0x93: {  	[tilespmem:$0xA80] =	vst v2  }
0x94: {  	v2 =	vld [tilespmem:s22+$0x0]  }
0x95: {  	v3 =	vld [tilespmem:s22+$0x300];
	_ =	sdelay $0x1  }
0x96: {  	v4 =	vld [tilespmem:s22+$0x600]  }
0x97: {  	v5 =	vld [tilespmem:$0xB00];
	_ =	sdelay $0x1  }
0x98: {  	v2 =	vmul.f32 v2, v2;
	v3 =	vmul.f32 v3, v3  }
0x99: {  	v6 =	vld [tilespmem:$0x900]  }
0x9a: {  	v2 =	vadd.f32 v3, v2;
	v3 =	vsub.f32 $1.000000000e+00, v4  }
0x9b: {  	v4 =	vadd.f32 v5, v4  }
0x9c: {  	v2 =	vmul.f32 v3, v2;
	_ =	sdelay $0x1  }
0x9d: {  	v2 =	vadd.f32 v2, v6  }
0x9e: {  	[tilespmem:$0xB00] =	vst v4  }
0x9f: {  	[tilespmem:$0x900] =	vst v2  }
0xa0: {  	v2 =	vld [tilespmem:s22+$0x10]  }
0xa1: {  	v3 =	vld [tilespmem:s22+$0x310];
	_ =	sdelay $0x1  }
0xa2: {  	v4 =	vld [tilespmem:s22+$0x610]  }
0xa3: {  	v5 =	vld [tilespmem:$0xB80];
	_ =	sdelay $0x1  }
0xa4: {  	v2 =	vmul.f32 v2, v2;
	v3 =	vmul.f32 v3, v3  }
0xa5: {  	v6 =	vld [tilespmem:$0x980]  }
0xa6: {  	v2 =	vadd.f32 v3, v2;
	v3 =	vsub.f32 $1.000000000e+00, v4  }
0xa7: {  	v4 =	vadd.f32 v5, v4  }
0xa8: {  	v2 =	vmul.f32 v3, v2  }
0xa9: {  	[tilespmem:$0xB80] =	vst v4  }
0xaa: {  	v2 =	vadd.f32 v2, v6;
	_ =	sdelay $0x1  }
0xab: {  	[tilespmem:$0x980] =	vst v2  }
0xac: {  	v2 =	vld [tilespmem:s22+$0x20]  }
0xad: {  	v3 =	vld [tilespmem:s22+$0x320];
	_ =	sdelay $0x1  }
0xae: {  	v4 =	vld [tilespmem:s22+$0x620]  }
0xaf: {  	v5 =	vld [tilespmem:$0xC00]  }
0xb0: {  	v2 =	vmul.f32 v2, v2  }
0xb1: {  	v3 =	vmul.f32 v3, v3  }
0xb2: {  	v6 =	vld [tilespmem:$0xA00]  }
0xb3: {  	v2 =	vadd.f32 v3, v2;
	v3 =	vsub.f32 $1.000000000e+00, v4  }
0xb4: {  	v4 =	vadd.f32 v5, v4  }
0xb5: {  	v2 =	vmul.f32 v3, v2  }
0xb6: {  	[tilespmem:$0xC00] =	vst v4  }
.Ltmp2:
0xb7: {  	v2 =	vadd.f32 v2, v6;
	(pc) =	sbr.rel @p1 .LBB2_2-.Ltmp2, $4  }
0xb8: {  	_ = 	snop  }
0xb9: {  	[tilespmem:$0xA00] =	vst v2  }
0xba: {  	v3 =	vld [tilespmem:s22+$0x30]  }
0xbb: {  	v2 =	vld [tilespmem:s22+$0x330]  }
0xbc: {  	_ = 	snop  }
0xbd: {  	v4 =	vld [tilespmem:s22+$0x630];
	_ =	sdelay $0x2  }
0xbe: {  	v3 =	vmul.f32 v3, v3;
	v2 =	vmul.f32 v2, v2  }
0xbf: {  	v5 =	vld [tilespmem:$0xA80]  }
0xc0: {  	v6 =	vsub.f32 $1.000000000e+00, v4;
	v2 =	vadd.f32 v2, v3;
	_ =	sdelay $0x1  }
0xc1: {  	v2 =	vmul.f32 v6, v2  }
0xc2: {  	v1 =	vadd.f32 v1, v4  }
0xc3: {  	v2 =	vadd.f32 v2, v5  }
0xc4: {  	[tilespmem:$0xC80] =	vst v1  }
0xc5: {  	s20 =	simm.s32 $0x0;
	[tilespmem:$0xA80] =	vst v2  }
0xc6: {  	[tilespmem:s20], [sflag:$0x1] =	stream.strided.gather [hbm4b:s5+s26], $0x300, s28, s26, $0x38;
	[tilespmem:$0xD80] =	vst v63  }
0xc7: {  	_ =	swait.ge [sflag:s29], $0x300  }
0xc8: {  	[sflag:s29] =	ssyncset.done $0x0  }
0xc9: {  	[sflag:s29] =	ssyncadd.s32 $0xFFFFFD00  }
0xca: {  	[tilespmem:s30], [sflag:$0x1] =	stream.strided.gather [hbm4b:s6+s26], $0x300, s28, s26, $0x38;
	[tilespmem:$0xD80] =	vst v63  }
0xcb: {  	_ =	swait.ge [sflag:s29], $0x300  }
0xcc: {  	[sflag:s29] =	ssyncset.done $0x0  }
0xcd: {  	[sflag:s29] =	ssyncadd.s32 $0xFFFFFD00  }
0xce: {  	[tilespmem:s31], [sflag:$0x1] =	stream.strided.gather [hbm4b:s7+s26], $0x300, s28, s26, $0x38;
	[tilespmem:$0xD80] =	vst v63  }
0xcf: {  	_ =	swait.ge [sflag:s29], $0x300  }
0xd0: {  	[sflag:s29] =	ssyncset.done $0x0  }
0xd1: {  	s22 =	simm.s32 $0x0;
	[sflag:s29] =	ssyncadd.s32 $0xFFFFFD00  }
0xd2: {  	v1 =	vld [tilespmem:s22+$0x0]  }
0xd3: {  	v2 =	vld [tilespmem:s22+$0x300];
	_ =	sdelay $0x1  }
0xd4: {  	v3 =	vld [tilespmem:s22+$0x600];
	_ =	sdelay $0x2  }
0xd5: {  	v4 =	vld [tilespmem:$0xB00];
	v1 =	vmul.f32 v1, v1;
	v2 =	vmul.f32 v2, v2  }
0xd6: {  	v5 =	vld [tilespmem:$0x900]  }
0xd7: {  	v1 =	vadd.f32 v2, v1;
	v2 =	vsub.f32 $1.000000000e+00, v3;
	_ =	sdelay $0x1  }
0xd8: {  	v1 =	vmul.f32 v2, v1  }
0xd9: {  	v2 =	vadd.f32 v4, v3  }
0xda: {  	v1 =	vadd.f32 v1, v5  }
0xdb: {  	[tilespmem:$0xB00] =	vst v2  }
0xdc: {  	[tilespmem:$0x900] =	vst v1  }
0xdd: {  	v1 =	vld [tilespmem:s22+$0x10]  }
0xde: {  	v2 =	vld [tilespmem:s22+$0x310];
	_ =	sdelay $0x1  }
0xdf: {  	v3 =	vld [tilespmem:s22+$0x610];
	_ =	sdelay $0x2  }
0xe0: {  	v4 =	vld [tilespmem:$0xB80];
	v1 =	vmul.f32 v1, v1;
	v2 =	vmul.f32 v2, v2  }
0xe1: {  	v5 =	vld [tilespmem:$0x980]  }
0xe2: {  	v1 =	vadd.f32 v2, v1;
	v2 =	vsub.f32 $1.000000000e+00, v3;
	_ =	sdelay $0x1  }
0xe3: {  	v1 =	vmul.f32 v2, v1  }
0xe4: {  	v2 =	vadd.f32 v4, v3  }
0xe5: {  	v1 =	vadd.f32 v1, v5  }
0xe6: {  	[tilespmem:$0xB80] =	vst v2  }
0xe7: {  	[tilespmem:$0x980] =	vst v1  }
0xe8: {  	v1 =	vld [tilespmem:s22+$0x20]  }
0xe9: {  	v2 =	vld [tilespmem:s22+$0x320];
	_ =	sdelay $0x1  }
0xea: {  	v3 =	vld [tilespmem:s22+$0x620];
	_ =	sdelay $0x2  }
0xeb: {  	v4 =	vld [tilespmem:$0xC00];
	v1 =	vmul.f32 v1, v1;
	v2 =	vmul.f32 v2, v2  }
0xec: {  	v5 =	vld [tilespmem:$0xA00]  }
0xed: {  	v1 =	vadd.f32 v2, v1;
	v2 =	vsub.f32 $1.000000000e+00, v3;
	_ =	sdelay $0x1  }
0xee: {  	v1 =	vmul.f32 v2, v1  }
0xef: {  	v2 =	vadd.f32 v4, v3  }
0xf0: {  	v3 =	vadd.f32 v1, v5  }
0xf1: {  	[tilespmem:$0xC00] =	vst v2  }
0xf2: {  	v1 =	vld [tilespmem:$0xC80];
	[tilespmem:$0xA00] =	vst v3  }
0xf3: {  	v3 =	vld [tilespmem:s22+$0x30]  }
0xf4: {  	s20 =	simm.s32 $0x100;
	v2 =	vld [tilespmem:s22+$0x330]  }
.LBB2_4:
0xf5: {  	p1 =	sne.s32 s20, $0xB00;
	v4 =	vld [tilespmem:s22+$0x630];
	s22 =	smov.u32 s20;
	s20 =	sadd.s32 $0x100, s20  }
0xf6: {  	_ =	sdelay $0x1  }
0xf7: {  	v3 =	vmul.f32 v3, v3  }
0xf8: {  	s22 =	sshra.s32 s22, $0x2;
	v5 =	vld [tilespmem:$0xA80];
	v2 =	vmul.f32 v2, v2  }
0xf9: {  	v6 =	vsub.f32 $1.000000000e+00, v4;
	v1 =	vadd.f32 v1, v4  }
0xfa: {  	v2 =	vadd.f32 v2, v3  }
0xfb: {  	[tilespmem:$0xC80] =	vst v1  }
0xfc: {  	v1 =	vld [tilespmem:$0xC80];
	v2 =	vmul.f32 v6, v2;
	_ =	sdelay $0x1  }
0xfd: {  	v2 =	vadd.f32 v2, v5;
	_ =	sdelay $0x1  }
0xfe: {  	[tilespmem:$0xA80] =	vst v2  }
0xff: {  	v2 =	vld [tilespmem:s22+$0x0]  }
0x100: {  	v3 =	vld [tilespmem:s22+$0x300];
	_ =	sdelay $0x1  }
0x101: {  	v4 =	vld [tilespmem:s22+$0x600]  }
0x102: {  	v5 =	vld [tilespmem:$0xB00];
	_ =	sdelay $0x1  }
0x103: {  	v2 =	vmul.f32 v2, v2;
	v3 =	vmul.f32 v3, v3  }
0x104: {  	v6 =	vld [tilespmem:$0x900]  }
0x105: {  	v2 =	vadd.f32 v3, v2;
	v3 =	vsub.f32 $1.000000000e+00, v4  }
0x106: {  	v4 =	vadd.f32 v5, v4  }
0x107: {  	v2 =	vmul.f32 v3, v2;
	_ =	sdelay $0x1  }
0x108: {  	v2 =	vadd.f32 v2, v6  }
0x109: {  	[tilespmem:$0xB00] =	vst v4  }
0x10a: {  	[tilespmem:$0x900] =	vst v2  }
0x10b: {  	v2 =	vld [tilespmem:s22+$0x10]  }
0x10c: {  	v3 =	vld [tilespmem:s22+$0x310];
	_ =	sdelay $0x1  }
0x10d: {  	v4 =	vld [tilespmem:s22+$0x610]  }
0x10e: {  	v5 =	vld [tilespmem:$0xB80];
	_ =	sdelay $0x1  }
0x10f: {  	v2 =	vmul.f32 v2, v2;
	v3 =	vmul.f32 v3, v3  }
0x110: {  	v6 =	vld [tilespmem:$0x980]  }
0x111: {  	v2 =	vadd.f32 v3, v2;
	v3 =	vsub.f32 $1.000000000e+00, v4  }
0x112: {  	v4 =	vadd.f32 v5, v4  }
0x113: {  	v2 =	vmul.f32 v3, v2  }
0x114: {  	[tilespmem:$0xB80] =	vst v4  }
0x115: {  	v2 =	vadd.f32 v2, v6;
	_ =	sdelay $0x1  }
0x116: {  	[tilespmem:$0x980] =	vst v2  }
0x117: {  	v2 =	vld [tilespmem:s22+$0x20]  }
0x118: {  	v3 =	vld [tilespmem:s22+$0x320];
	_ =	sdelay $0x1  }
0x119: {  	v4 =	vld [tilespmem:s22+$0x620]  }
0x11a: {  	v5 =	vld [tilespmem:$0xC00]  }
0x11b: {  	v2 =	vmul.f32 v2, v2  }
0x11c: {  	v3 =	vmul.f32 v3, v3  }
0x11d: {  	v6 =	vld [tilespmem:$0xA00]  }
0x11e: {  	v2 =	vadd.f32 v3, v2;
	v3 =	vsub.f32 $1.000000000e+00, v4  }
0x11f: {  	v4 =	vadd.f32 v5, v4  }
0x120: {  	v2 =	vmul.f32 v3, v2  }
0x121: {  	[tilespmem:$0xC00] =	vst v4  }
.Ltmp3:
0x122: {  	v2 =	vadd.f32 v2, v6;
	(pc) =	sbr.rel @p1 .LBB2_4-.Ltmp3, $4  }
0x123: {  	_ = 	snop  }
0x124: {  	[tilespmem:$0xA00] =	vst v2  }
0x125: {  	v3 =	vld [tilespmem:s22+$0x30]  }
0x126: {  	v2 =	vld [tilespmem:s22+$0x330]  }
0x127: {  	_ = 	snop  }
0x128: {  	v4 =	vld [tilespmem:s22+$0x630];
	_ =	sdelay $0x2  }
0x129: {  	v3 =	vmul.f32 v3, v3;
	v2 =	vmul.f32 v2, v2  }
0x12a: {  	v5 =	vld [tilespmem:$0xA80]  }
0x12b: {  	v6 =	vsub.f32 $1.000000000e+00, v4;
	v2 =	vadd.f32 v2, v3;
	_ =	sdelay $0x1  }
0x12c: {  	v2 =	vmul.f32 v6, v2  }
0x12d: {  	v1 =	vadd.f32 v1, v4  }
0x12e: {  	v2 =	vadd.f32 v2, v5  }
0x12f: {  	[tilespmem:$0xC80] =	vst v1  }
0x130: {  	s20 =	simm.s32 $0x0;
	[tilespmem:$0xA80] =	vst v2  }
0x131: {  	[tilespmem:s20], [sflag:$0x1] =	stream.strided.gather [hbm4b:s8+s26], $0x300, s28, s26, $0x38;
	[tilespmem:$0xD80] =	vst v63  }
0x132: {  	_ =	swait.ge [sflag:s29], $0x300  }
0x133: {  	[sflag:s29] =	ssyncset.done $0x0  }
0x134: {  	[sflag:s29] =	ssyncadd.s32 $0xFFFFFD00  }
0x135: {  	[tilespmem:s30], [sflag:$0x1] =	stream.strided.gather [hbm4b:s9+s26], $0x300, s28, s26, $0x38;
	[tilespmem:$0xD80] =	vst v63  }
0x136: {  	_ =	swait.ge [sflag:s29], $0x300  }
0x137: {  	[sflag:s29] =	ssyncset.done $0x0  }
0x138: {  	[sflag:s29] =	ssyncadd.s32 $0xFFFFFD00  }
0x139: {  	[tilespmem:s31], [sflag:$0x1] =	stream.strided.gather [hbm4b:s10+s26], $0x300, s28, s26, $0x38;
	[tilespmem:$0xD80] =	vst v63  }
0x13a: {  	_ =	swait.ge [sflag:s29], $0x300  }
0x13b: {  	[sflag:s29] =	ssyncset.done $0x0  }
0x13c: {  	s22 =	simm.s32 $0x0;
	[sflag:s29] =	ssyncadd.s32 $0xFFFFFD00  }
0x13d: {  	v1 =	vld [tilespmem:s22+$0x0]  }
0x13e: {  	v2 =	vld [tilespmem:s22+$0x300];
	_ =	sdelay $0x1  }
0x13f: {  	v3 =	vld [tilespmem:s22+$0x600];
	_ =	sdelay $0x2  }
0x140: {  	v4 =	vld [tilespmem:$0xB00];
	v1 =	vmul.f32 v1, v1;
	v2 =	vmul.f32 v2, v2  }
0x141: {  	v5 =	vld [tilespmem:$0x900]  }
0x142: {  	v1 =	vadd.f32 v2, v1;
	v2 =	vsub.f32 $1.000000000e+00, v3;
	_ =	sdelay $0x1  }
0x143: {  	v1 =	vmul.f32 v2, v1  }
0x144: {  	v2 =	vadd.f32 v4, v3  }
0x145: {  	v1 =	vadd.f32 v1, v5  }
0x146: {  	[tilespmem:$0xB00] =	vst v2  }
0x147: {  	[tilespmem:$0x900] =	vst v1  }
0x148: {  	v1 =	vld [tilespmem:s22+$0x10]  }
0x149: {  	v2 =	vld [tilespmem:s22+$0x310];
	_ =	sdelay $0x1  }
0x14a: {  	v3 =	vld [tilespmem:s22+$0x610];
	_ =	sdelay $0x2  }
0x14b: {  	v4 =	vld [tilespmem:$0xB80];
	v1 =	vmul.f32 v1, v1;
	v2 =	vmul.f32 v2, v2  }
0x14c: {  	v5 =	vld [tilespmem:$0x980]  }
0x14d: {  	v1 =	vadd.f32 v2, v1;
	v2 =	vsub.f32 $1.000000000e+00, v3;
	_ =	sdelay $0x1  }
0x14e: {  	v1 =	vmul.f32 v2, v1  }
0x14f: {  	v2 =	vadd.f32 v4, v3  }
0x150: {  	v1 =	vadd.f32 v1, v5  }
0x151: {  	[tilespmem:$0xB80] =	vst v2  }
0x152: {  	[tilespmem:$0x980] =	vst v1  }
0x153: {  	v1 =	vld [tilespmem:s22+$0x20]  }
0x154: {  	v2 =	vld [tilespmem:s22+$0x320];
	_ =	sdelay $0x1  }
0x155: {  	v3 =	vld [tilespmem:s22+$0x620];
	_ =	sdelay $0x2  }
0x156: {  	v4 =	vld [tilespmem:$0xC00];
	v1 =	vmul.f32 v1, v1;
	v2 =	vmul.f32 v2, v2  }
0x157: {  	v5 =	vld [tilespmem:$0xA00]  }
0x158: {  	v1 =	vadd.f32 v2, v1;
	v2 =	vsub.f32 $1.000000000e+00, v3;
	_ =	sdelay $0x1  }
0x159: {  	v1 =	vmul.f32 v2, v1  }
0x15a: {  	v2 =	vadd.f32 v4, v3  }
0x15b: {  	v3 =	vadd.f32 v1, v5  }
0x15c: {  	[tilespmem:$0xC00] =	vst v2  }
0x15d: {  	v1 =	vld [tilespmem:$0xC80];
	[tilespmem:$0xA00] =	vst v3  }
0x15e: {  	v3 =	vld [tilespmem:s22+$0x30]  }
0x15f: {  	s20 =	simm.s32 $0x100;
	v2 =	vld [tilespmem:s22+$0x330]  }
.LBB2_6:
0x160: {  	p1 =	sne.s32 s20, $0xB00;
	v4 =	vld [tilespmem:s22+$0x630];
	s22 =	smov.u32 s20;
	s20 =	sadd.s32 $0x100, s20  }
0x161: {  	_ =	sdelay $0x1  }
0x162: {  	v3 =	vmul.f32 v3, v3  }
0x163: {  	s22 =	sshra.s32 s22, $0x2;
	v5 =	vld [tilespmem:$0xA80];
	v2 =	vmul.f32 v2, v2  }
0x164: {  	v6 =	vsub.f32 $1.000000000e+00, v4;
	v1 =	vadd.f32 v1, v4  }
0x165: {  	v2 =	vadd.f32 v2, v3  }
0x166: {  	[tilespmem:$0xC80] =	vst v1  }
0x167: {  	v1 =	vld [tilespmem:$0xC80];
	v2 =	vmul.f32 v6, v2;
	_ =	sdelay $0x1  }
0x168: {  	v2 =	vadd.f32 v2, v5;
	_ =	sdelay $0x1  }
0x169: {  	[tilespmem:$0xA80] =	vst v2  }
0x16a: {  	v2 =	vld [tilespmem:s22+$0x0]  }
0x16b: {  	v3 =	vld [tilespmem:s22+$0x300];
	_ =	sdelay $0x1  }
0x16c: {  	v4 =	vld [tilespmem:s22+$0x600]  }
0x16d: {  	v5 =	vld [tilespmem:$0xB00];
	_ =	sdelay $0x1  }
0x16e: {  	v2 =	vmul.f32 v2, v2;
	v3 =	vmul.f32 v3, v3  }
0x16f: {  	v6 =	vld [tilespmem:$0x900]  }
0x170: {  	v2 =	vadd.f32 v3, v2;
	v3 =	vsub.f32 $1.000000000e+00, v4  }
0x171: {  	v4 =	vadd.f32 v5, v4  }
0x172: {  	v2 =	vmul.f32 v3, v2;
	_ =	sdelay $0x1  }
0x173: {  	v2 =	vadd.f32 v2, v6  }
0x174: {  	[tilespmem:$0xB00] =	vst v4  }
0x175: {  	[tilespmem:$0x900] =	vst v2  }
0x176: {  	v2 =	vld [tilespmem:s22+$0x10]  }
0x177: {  	v3 =	vld [tilespmem:s22+$0x310];
	_ =	sdelay $0x1  }
0x178: {  	v4 =	vld [tilespmem:s22+$0x610]  }
0x179: {  	v5 =	vld [tilespmem:$0xB80];
	_ =	sdelay $0x1  }
0x17a: {  	v2 =	vmul.f32 v2, v2;
	v3 =	vmul.f32 v3, v3  }
0x17b: {  	v6 =	vld [tilespmem:$0x980]  }
0x17c: {  	v2 =	vadd.f32 v3, v2;
	v3 =	vsub.f32 $1.000000000e+00, v4  }
0x17d: {  	v4 =	vadd.f32 v5, v4  }
0x17e: {  	v2 =	vmul.f32 v3, v2  }
0x17f: {  	[tilespmem:$0xB80] =	vst v4  }
0x180: {  	v2 =	vadd.f32 v2, v6;
	_ =	sdelay $0x1  }
0x181: {  	[tilespmem:$0x980] =	vst v2  }
0x182: {  	v2 =	vld [tilespmem:s22+$0x20]  }
0x183: {  	v3 =	vld [tilespmem:s22+$0x320];
	_ =	sdelay $0x1  }
0x184: {  	v4 =	vld [tilespmem:s22+$0x620]  }
0x185: {  	v5 =	vld [tilespmem:$0xC00]  }
0x186: {  	v2 =	vmul.f32 v2, v2  }
0x187: {  	v3 =	vmul.f32 v3, v3  }
0x188: {  	v6 =	vld [tilespmem:$0xA00]  }
0x189: {  	v2 =	vadd.f32 v3, v2;
	v3 =	vsub.f32 $1.000000000e+00, v4  }
0x18a: {  	v4 =	vadd.f32 v5, v4  }
0x18b: {  	v2 =	vmul.f32 v3, v2  }
0x18c: {  	[tilespmem:$0xC00] =	vst v4  }
.Ltmp4:
0x18d: {  	v2 =	vadd.f32 v2, v6;
	(pc) =	sbr.rel @p1 .LBB2_6-.Ltmp4, $4  }
0x18e: {  	_ = 	snop  }
0x18f: {  	[tilespmem:$0xA00] =	vst v2  }
0x190: {  	v3 =	vld [tilespmem:s22+$0x30]  }
0x191: {  	v2 =	vld [tilespmem:s22+$0x330]  }
0x192: {  	_ = 	snop  }
0x193: {  	v4 =	vld [tilespmem:s22+$0x630];
	_ =	sdelay $0x2  }
0x194: {  	v3 =	vmul.f32 v3, v3;
	v2 =	vmul.f32 v2, v2  }
0x195: {  	v5 =	vld [tilespmem:$0xA80]  }
0x196: {  	v6 =	vsub.f32 $1.000000000e+00, v4;
	v2 =	vadd.f32 v2, v3;
	_ =	sdelay $0x1  }
0x197: {  	v2 =	vmul.f32 v6, v2  }
0x198: {  	v1 =	vadd.f32 v1, v4  }
0x199: {  	v2 =	vadd.f32 v2, v5  }
0x19a: {  	[tilespmem:$0xC80] =	vst v1  }
0x19b: {  	s20 =	simm.s32 $0x0;
	[tilespmem:$0xA80] =	vst v2  }
0x19c: {  	[tilespmem:s20], [sflag:$0x1] =	stream.strided.gather [hbm4b:s11+s26], $0x300, s28, s26, $0x38;
	[tilespmem:$0xD80] =	vst v63  }
0x19d: {  	_ =	swait.ge [sflag:s29], $0x300  }
0x19e: {  	[sflag:s29] =	ssyncset.done $0x0  }
0x19f: {  	[sflag:s29] =	ssyncadd.s32 $0xFFFFFD00  }
0x1a0: {  	[tilespmem:s30], [sflag:$0x1] =	stream.strided.gather [hbm4b:s12+s26], $0x300, s28, s26, $0x38;
	[tilespmem:$0xD80] =	vst v63  }
0x1a1: {  	_ =	swait.ge [sflag:s29], $0x300  }
0x1a2: {  	[sflag:s29] =	ssyncset.done $0x0  }
0x1a3: {  	[sflag:s29] =	ssyncadd.s32 $0xFFFFFD00  }
0x1a4: {  	[tilespmem:s31], [sflag:$0x1] =	stream.strided.gather [hbm4b:s13+s26], $0x300, s28, s26, $0x38;
	[tilespmem:$0xD80] =	vst v63  }
0x1a5: {  	_ =	swait.ge [sflag:s29], $0x300  }
0x1a6: {  	[sflag:s29] =	ssyncset.done $0x0  }
0x1a7: {  	s22 =	simm.s32 $0x0;
	[sflag:s29] =	ssyncadd.s32 $0xFFFFFD00  }
0x1a8: {  	v1 =	vld [tilespmem:s22+$0x0]  }
0x1a9: {  	v2 =	vld [tilespmem:s22+$0x300];
	_ =	sdelay $0x1  }
0x1aa: {  	v3 =	vld [tilespmem:s22+$0x600];
	_ =	sdelay $0x2  }
0x1ab: {  	v4 =	vld [tilespmem:$0xB00];
	v1 =	vmul.f32 v1, v1;
	v2 =	vmul.f32 v2, v2  }
0x1ac: {  	v5 =	vld [tilespmem:$0x900]  }
0x1ad: {  	v1 =	vadd.f32 v2, v1;
	v2 =	vsub.f32 $1.000000000e+00, v3;
	_ =	sdelay $0x1  }
0x1ae: {  	v1 =	vmul.f32 v2, v1  }
0x1af: {  	v2 =	vadd.f32 v4, v3  }
0x1b0: {  	v1 =	vadd.f32 v1, v5  }
0x1b1: {  	[tilespmem:$0xB00] =	vst v2  }
0x1b2: {  	[tilespmem:$0x900] =	vst v1  }
0x1b3: {  	v1 =	vld [tilespmem:s22+$0x10]  }
0x1b4: {  	v2 =	vld [tilespmem:s22+$0x310];
	_ =	sdelay $0x1  }
0x1b5: {  	v3 =	vld [tilespmem:s22+$0x610];
	_ =	sdelay $0x2  }
0x1b6: {  	v4 =	vld [tilespmem:$0xB80];
	v1 =	vmul.f32 v1, v1;
	v2 =	vmul.f32 v2, v2  }
0x1b7: {  	v5 =	vld [tilespmem:$0x980]  }
0x1b8: {  	v1 =	vadd.f32 v2, v1;
	v2 =	vsub.f32 $1.000000000e+00, v3;
	_ =	sdelay $0x1  }
0x1b9: {  	v1 =	vmul.f32 v2, v1  }
0x1ba: {  	v2 =	vadd.f32 v4, v3  }
0x1bb: {  	v1 =	vadd.f32 v1, v5  }
0x1bc: {  	[tilespmem:$0xB80] =	vst v2  }
0x1bd: {  	[tilespmem:$0x980] =	vst v1  }
0x1be: {  	v1 =	vld [tilespmem:s22+$0x20]  }
0x1bf: {  	v2 =	vld [tilespmem:s22+$0x320];
	_ =	sdelay $0x1  }
0x1c0: {  	v3 =	vld [tilespmem:s22+$0x620];
	_ =	sdelay $0x2  }
0x1c1: {  	v4 =	vld [tilespmem:$0xC00];
	v1 =	vmul.f32 v1, v1;
	v2 =	vmul.f32 v2, v2  }
0x1c2: {  	v5 =	vld [tilespmem:$0xA00]  }
0x1c3: {  	v1 =	vadd.f32 v2, v1;
	v2 =	vsub.f32 $1.000000000e+00, v3;
	_ =	sdelay $0x1  }
0x1c4: {  	v1 =	vmul.f32 v2, v1  }
0x1c5: {  	v2 =	vadd.f32 v4, v3  }
0x1c6: {  	v3 =	vadd.f32 v1, v5  }
0x1c7: {  	[tilespmem:$0xC00] =	vst v2  }
0x1c8: {  	v1 =	vld [tilespmem:$0xC80];
	[tilespmem:$0xA00] =	vst v3  }
0x1c9: {  	v3 =	vld [tilespmem:s22+$0x30]  }
0x1ca: {  	s20 =	simm.s32 $0x100;
	v2 =	vld [tilespmem:s22+$0x330]  }
.LBB2_8:
0x1cb: {  	p1 =	sne.s32 s20, $0xB00;
	v4 =	vld [tilespmem:s22+$0x630];
	s22 =	smov.u32 s20;
	s20 =	sadd.s32 $0x100, s20  }
0x1cc: {  	_ =	sdelay $0x1  }
0x1cd: {  	v3 =	vmul.f32 v3, v3  }
0x1ce: {  	s22 =	sshra.s32 s22, $0x2;
	v5 =	vld [tilespmem:$0xA80];
	v2 =	vmul.f32 v2, v2  }
0x1cf: {  	v6 =	vsub.f32 $1.000000000e+00, v4;
	v1 =	vadd.f32 v1, v4  }
0x1d0: {  	v2 =	vadd.f32 v2, v3  }
0x1d1: {  	[tilespmem:$0xC80] =	vst v1  }
0x1d2: {  	v1 =	vld [tilespmem:$0xC80];
	v2 =	vmul.f32 v6, v2;
	_ =	sdelay $0x1  }
0x1d3: {  	v2 =	vadd.f32 v2, v5;
	_ =	sdelay $0x1  }
0x1d4: {  	[tilespmem:$0xA80] =	vst v2  }
0x1d5: {  	v2 =	vld [tilespmem:s22+$0x0]  }
0x1d6: {  	v3 =	vld [tilespmem:s22+$0x300];
	_ =	sdelay $0x1  }
0x1d7: {  	v4 =	vld [tilespmem:s22+$0x600]  }
0x1d8: {  	v5 =	vld [tilespmem:$0xB00];
	_ =	sdelay $0x1  }
0x1d9: {  	v2 =	vmul.f32 v2, v2;
	v3 =	vmul.f32 v3, v3  }
0x1da: {  	v6 =	vld [tilespmem:$0x900]  }
0x1db: {  	v2 =	vadd.f32 v3, v2;
	v3 =	vsub.f32 $1.000000000e+00, v4  }
0x1dc: {  	v4 =	vadd.f32 v5, v4  }
0x1dd: {  	v2 =	vmul.f32 v3, v2;
	_ =	sdelay $0x1  }
0x1de: {  	v2 =	vadd.f32 v2, v6  }
0x1df: {  	[tilespmem:$0xB00] =	vst v4  }
0x1e0: {  	[tilespmem:$0x900] =	vst v2  }
0x1e1: {  	v2 =	vld [tilespmem:s22+$0x10]  }
0x1e2: {  	v3 =	vld [tilespmem:s22+$0x310];
	_ =	sdelay $0x1  }
0x1e3: {  	v4 =	vld [tilespmem:s22+$0x610]  }
0x1e4: {  	v5 =	vld [tilespmem:$0xB80];
	_ =	sdelay $0x1  }
0x1e5: {  	v2 =	vmul.f32 v2, v2;
	v3 =	vmul.f32 v3, v3  }
0x1e6: {  	v6 =	vld [tilespmem:$0x980]  }
0x1e7: {  	v2 =	vadd.f32 v3, v2;
	v3 =	vsub.f32 $1.000000000e+00, v4  }
0x1e8: {  	v4 =	vadd.f32 v5, v4  }
0x1e9: {  	v2 =	vmul.f32 v3, v2  }
0x1ea: {  	[tilespmem:$0xB80] =	vst v4  }
0x1eb: {  	v2 =	vadd.f32 v2, v6;
	_ =	sdelay $0x1  }
0x1ec: {  	[tilespmem:$0x980] =	vst v2  }
0x1ed: {  	v2 =	vld [tilespmem:s22+$0x20]  }
0x1ee: {  	v3 =	vld [tilespmem:s22+$0x320];
	_ =	sdelay $0x1  }
0x1ef: {  	v4 =	vld [tilespmem:s22+$0x620]  }
0x1f0: {  	v5 =	vld [tilespmem:$0xC00]  }
0x1f1: {  	v2 =	vmul.f32 v2, v2  }
0x1f2: {  	v3 =	vmul.f32 v3, v3  }
0x1f3: {  	v6 =	vld [tilespmem:$0xA00]  }
0x1f4: {  	v2 =	vadd.f32 v3, v2;
	v3 =	vsub.f32 $1.000000000e+00, v4  }
0x1f5: {  	v4 =	vadd.f32 v5, v4  }
0x1f6: {  	v2 =	vmul.f32 v3, v2  }
0x1f7: {  	[tilespmem:$0xC00] =	vst v4  }
.Ltmp5:
0x1f8: {  	v2 =	vadd.f32 v2, v6;
	(pc) =	sbr.rel @p1 .LBB2_8-.Ltmp5, $4  }
0x1f9: {  	_ = 	snop  }
0x1fa: {  	[tilespmem:$0xA00] =	vst v2  }
0x1fb: {  	v3 =	vld [tilespmem:s22+$0x30]  }
0x1fc: {  	v2 =	vld [tilespmem:s22+$0x330]  }
0x1fd: {  	_ = 	snop  }
0x1fe: {  	v4 =	vld [tilespmem:s22+$0x630];
	_ =	sdelay $0x2  }
0x1ff: {  	v3 =	vmul.f32 v3, v3;
	v2 =	vmul.f32 v2, v2  }
0x200: {  	v5 =	vld [tilespmem:$0xA80]  }
0x201: {  	v6 =	vsub.f32 $1.000000000e+00, v4;
	v2 =	vadd.f32 v2, v3;
	_ =	sdelay $0x1  }
0x202: {  	v2 =	vmul.f32 v6, v2  }
0x203: {  	v1 =	vadd.f32 v1, v4  }
0x204: {  	v2 =	vadd.f32 v2, v5  }
0x205: {  	[tilespmem:$0xC80] =	vst v1  }
0x206: {  	s20 =	simm.s32 $0x0;
	[tilespmem:$0xA80] =	vst v2  }
0x207: {  	[tilespmem:s20], [sflag:$0x1] =	stream.strided.gather [hbm4b:s14+s26], $0x300, s28, s26, $0x38;
	[tilespmem:$0xD80] =	vst v63  }
0x208: {  	_ =	swait.ge [sflag:s29], $0x300  }
0x209: {  	[sflag:s29] =	ssyncset.done $0x0  }
0x20a: {  	[sflag:s29] =	ssyncadd.s32 $0xFFFFFD00  }
0x20b: {  	[tilespmem:s30], [sflag:$0x1] =	stream.strided.gather [hbm4b:s15+s26], $0x300, s28, s26, $0x38;
	[tilespmem:$0xD80] =	vst v63  }
0x20c: {  	_ =	swait.ge [sflag:s29], $0x300  }
0x20d: {  	[sflag:s29] =	ssyncset.done $0x0  }
0x20e: {  	[sflag:s29] =	ssyncadd.s32 $0xFFFFFD00  }
0x20f: {  	[tilespmem:s31], [sflag:$0x1] =	stream.strided.gather [hbm4b:s16+s26], $0x300, s28, s26, $0x38;
	[tilespmem:$0xD80] =	vst v63  }
0x210: {  	_ =	swait.ge [sflag:s29], $0x300  }
0x211: {  	[sflag:s29] =	ssyncset.done $0x0  }
0x212: {  	s22 =	simm.s32 $0x0;
	[sflag:s29] =	ssyncadd.s32 $0xFFFFFD00  }
0x213: {  	v1 =	vld [tilespmem:s22+$0x0]  }
0x214: {  	v2 =	vld [tilespmem:s22+$0x300];
	_ =	sdelay $0x1  }
0x215: {  	v3 =	vld [tilespmem:s22+$0x600];
	_ =	sdelay $0x2  }
0x216: {  	v4 =	vld [tilespmem:$0xB00];
	v1 =	vmul.f32 v1, v1;
	v2 =	vmul.f32 v2, v2  }
0x217: {  	v5 =	vld [tilespmem:$0x900]  }
0x218: {  	v1 =	vadd.f32 v2, v1;
	v2 =	vsub.f32 $1.000000000e+00, v3;
	_ =	sdelay $0x1  }
0x219: {  	v1 =	vmul.f32 v2, v1  }
0x21a: {  	v2 =	vadd.f32 v4, v3  }
0x21b: {  	v1 =	vadd.f32 v1, v5  }
0x21c: {  	[tilespmem:$0xB00] =	vst v2  }
0x21d: {  	[tilespmem:$0x900] =	vst v1  }
0x21e: {  	v1 =	vld [tilespmem:s22+$0x10]  }
0x21f: {  	v2 =	vld [tilespmem:s22+$0x310];
	_ =	sdelay $0x1  }
0x220: {  	v3 =	vld [tilespmem:s22+$0x610];
	_ =	sdelay $0x2  }
0x221: {  	v4 =	vld [tilespmem:$0xB80];
	v1 =	vmul.f32 v1, v1;
	v2 =	vmul.f32 v2, v2  }
0x222: {  	v5 =	vld [tilespmem:$0x980]  }
0x223: {  	v1 =	vadd.f32 v2, v1;
	v2 =	vsub.f32 $1.000000000e+00, v3;
	_ =	sdelay $0x1  }
0x224: {  	v1 =	vmul.f32 v2, v1  }
0x225: {  	v2 =	vadd.f32 v4, v3  }
0x226: {  	v1 =	vadd.f32 v1, v5  }
0x227: {  	[tilespmem:$0xB80] =	vst v2  }
0x228: {  	[tilespmem:$0x980] =	vst v1  }
0x229: {  	v1 =	vld [tilespmem:s22+$0x20]  }
0x22a: {  	v2 =	vld [tilespmem:s22+$0x320];
	_ =	sdelay $0x1  }
0x22b: {  	v3 =	vld [tilespmem:s22+$0x620];
	_ =	sdelay $0x2  }
0x22c: {  	v4 =	vld [tilespmem:$0xC00];
	v1 =	vmul.f32 v1, v1;
	v2 =	vmul.f32 v2, v2  }
0x22d: {  	v5 =	vld [tilespmem:$0xA00]  }
0x22e: {  	v1 =	vadd.f32 v2, v1;
	v2 =	vsub.f32 $1.000000000e+00, v3;
	_ =	sdelay $0x1  }
0x22f: {  	v1 =	vmul.f32 v2, v1  }
0x230: {  	v2 =	vadd.f32 v4, v3  }
0x231: {  	v3 =	vadd.f32 v1, v5  }
0x232: {  	[tilespmem:$0xC00] =	vst v2  }
0x233: {  	v1 =	vld [tilespmem:$0xC80];
	[tilespmem:$0xA00] =	vst v3  }
0x234: {  	v3 =	vld [tilespmem:s22+$0x30]  }
0x235: {  	s20 =	simm.s32 $0x100;
	v2 =	vld [tilespmem:s22+$0x330]  }
.LBB2_10:
0x236: {  	p1 =	sne.s32 s20, $0xB00;
	v4 =	vld [tilespmem:s22+$0x630];
	s22 =	smov.u32 s20;
	s20 =	sadd.s32 $0x100, s20  }
0x237: {  	_ =	sdelay $0x1  }
0x238: {  	v3 =	vmul.f32 v3, v3  }
0x239: {  	s22 =	sshra.s32 s22, $0x2;
	v5 =	vld [tilespmem:$0xA80];
	v2 =	vmul.f32 v2, v2  }
0x23a: {  	v6 =	vsub.f32 $1.000000000e+00, v4;
	v1 =	vadd.f32 v1, v4  }
0x23b: {  	v2 =	vadd.f32 v2, v3  }
0x23c: {  	[tilespmem:$0xC80] =	vst v1  }
0x23d: {  	v1 =	vld [tilespmem:$0xC80];
	v2 =	vmul.f32 v6, v2;
	_ =	sdelay $0x1  }
0x23e: {  	v2 =	vadd.f32 v2, v5;
	_ =	sdelay $0x1  }
0x23f: {  	[tilespmem:$0xA80] =	vst v2  }
0x240: {  	v2 =	vld [tilespmem:s22+$0x0]  }
0x241: {  	v3 =	vld [tilespmem:s22+$0x300];
	_ =	sdelay $0x1  }
0x242: {  	v4 =	vld [tilespmem:s22+$0x600]  }
0x243: {  	v5 =	vld [tilespmem:$0xB00];
	_ =	sdelay $0x1  }
0x244: {  	v2 =	vmul.f32 v2, v2;
	v3 =	vmul.f32 v3, v3  }
0x245: {  	v6 =	vld [tilespmem:$0x900]  }
0x246: {  	v2 =	vadd.f32 v3, v2;
	v3 =	vsub.f32 $1.000000000e+00, v4  }
0x247: {  	v4 =	vadd.f32 v5, v4  }
0x248: {  	v2 =	vmul.f32 v3, v2;
	_ =	sdelay $0x1  }
0x249: {  	v2 =	vadd.f32 v2, v6  }
0x24a: {  	[tilespmem:$0xB00] =	vst v4  }
0x24b: {  	[tilespmem:$0x900] =	vst v2  }
0x24c: {  	v2 =	vld [tilespmem:s22+$0x10]  }
0x24d: {  	v3 =	vld [tilespmem:s22+$0x310];
	_ =	sdelay $0x1  }
0x24e: {  	v4 =	vld [tilespmem:s22+$0x610]  }
0x24f: {  	v5 =	vld [tilespmem:$0xB80];
	_ =	sdelay $0x1  }
0x250: {  	v2 =	vmul.f32 v2, v2;
	v3 =	vmul.f32 v3, v3  }
0x251: {  	v6 =	vld [tilespmem:$0x980]  }
0x252: {  	v2 =	vadd.f32 v3, v2;
	v3 =	vsub.f32 $1.000000000e+00, v4  }
0x253: {  	v4 =	vadd.f32 v5, v4  }
0x254: {  	v2 =	vmul.f32 v3, v2  }
0x255: {  	[tilespmem:$0xB80] =	vst v4  }
0x256: {  	v2 =	vadd.f32 v2, v6;
	_ =	sdelay $0x1  }
0x257: {  	[tilespmem:$0x980] =	vst v2  }
0x258: {  	v2 =	vld [tilespmem:s22+$0x20]  }
0x259: {  	v3 =	vld [tilespmem:s22+$0x320];
	_ =	sdelay $0x1  }
0x25a: {  	v4 =	vld [tilespmem:s22+$0x620]  }
0x25b: {  	v5 =	vld [tilespmem:$0xC00]  }
0x25c: {  	v2 =	vmul.f32 v2, v2  }
0x25d: {  	v3 =	vmul.f32 v3, v3  }
0x25e: {  	v6 =	vld [tilespmem:$0xA00]  }
0x25f: {  	v2 =	vadd.f32 v3, v2;
	v3 =	vsub.f32 $1.000000000e+00, v4  }
0x260: {  	v4 =	vadd.f32 v5, v4  }
0x261: {  	v2 =	vmul.f32 v3, v2  }
0x262: {  	[tilespmem:$0xC00] =	vst v4  }
.Ltmp6:
0x263: {  	v2 =	vadd.f32 v2, v6;
	(pc) =	sbr.rel @p1 .LBB2_10-.Ltmp6, $4  }
0x264: {  	_ = 	snop  }
0x265: {  	[tilespmem:$0xA00] =	vst v2  }
0x266: {  	v3 =	vld [tilespmem:s22+$0x30]  }
0x267: {  	v2 =	vld [tilespmem:s22+$0x330]  }
0x268: {  	_ = 	snop  }
0x269: {  	v4 =	vld [tilespmem:s22+$0x630];
	_ =	sdelay $0x2  }
0x26a: {  	v3 =	vmul.f32 v3, v3;
	v2 =	vmul.f32 v2, v2  }
0x26b: {  	v5 =	vld [tilespmem:$0xA80]  }
0x26c: {  	v6 =	vsub.f32 $1.000000000e+00, v4;
	v2 =	vadd.f32 v2, v3;
	_ =	sdelay $0x1  }
0x26d: {  	v2 =	vmul.f32 v6, v2  }
0x26e: {  	v1 =	vadd.f32 v1, v4  }
0x26f: {  	v2 =	vadd.f32 v2, v5  }
0x270: {  	[tilespmem:$0xC80] =	vst v1  }
0x271: {  	s20 =	simm.s32 $0x0;
	[tilespmem:$0xA80] =	vst v2  }
0x272: {  	[tilespmem:s20], [sflag:$0x1] =	stream.strided.gather [hbm4b:s17+s26], $0x300, s28, s26, $0x38;
	[tilespmem:$0xD80] =	vst v63  }
0x273: {  	_ =	swait.ge [sflag:s29], $0x300  }
0x274: {  	[sflag:s29] =	ssyncset.done $0x0  }
0x275: {  	[sflag:s29] =	ssyncadd.s32 $0xFFFFFD00  }
0x276: {  	[tilespmem:s30], [sflag:$0x1] =	stream.strided.gather [hbm4b:s18+s26], $0x300, s28, s26, $0x38;
	[tilespmem:$0xD80] =	vst v63  }
0x277: {  	_ =	swait.ge [sflag:s29], $0x300  }
0x278: {  	[sflag:s29] =	ssyncset.done $0x0  }
0x279: {  	[sflag:s29] =	ssyncadd.s32 $0xFFFFFD00  }
0x27a: {  	[tilespmem:s31], [sflag:$0x1] =	stream.strided.gather [hbm4b:s19+s26], $0x300, s28, s26, $0x38;
	[tilespmem:$0xD80] =	vst v63  }
0x27b: {  	_ =	swait.ge [sflag:s29], $0x300  }
0x27c: {  	[sflag:s29] =	ssyncset.done $0x0  }
0x27d: {  	s22 =	simm.s32 $0x0;
	[sflag:s29] =	ssyncadd.s32 $0xFFFFFD00  }
0x27e: {  	v1 =	vld [tilespmem:s22+$0x0]  }
0x27f: {  	v2 =	vld [tilespmem:s22+$0x300];
	_ =	sdelay $0x1  }
0x280: {  	v3 =	vld [tilespmem:s22+$0x600];
	_ =	sdelay $0x2  }
0x281: {  	v4 =	vld [tilespmem:$0xB00];
	v1 =	vmul.f32 v1, v1;
	v2 =	vmul.f32 v2, v2  }
0x282: {  	v5 =	vld [tilespmem:$0x900]  }
0x283: {  	v1 =	vadd.f32 v2, v1;
	v2 =	vsub.f32 $1.000000000e+00, v3;
	_ =	sdelay $0x1  }
0x284: {  	v1 =	vmul.f32 v2, v1  }
0x285: {  	v2 =	vadd.f32 v4, v3  }
0x286: {  	v1 =	vadd.f32 v1, v5  }
0x287: {  	[tilespmem:$0xB00] =	vst v2  }
0x288: {  	[tilespmem:$0x900] =	vst v1  }
0x289: {  	v1 =	vld [tilespmem:s22+$0x10]  }
0x28a: {  	v2 =	vld [tilespmem:s22+$0x310];
	_ =	sdelay $0x1  }
0x28b: {  	v3 =	vld [tilespmem:s22+$0x610];
	_ =	sdelay $0x2  }
0x28c: {  	v4 =	vld [tilespmem:$0xB80];
	v1 =	vmul.f32 v1, v1;
	v2 =	vmul.f32 v2, v2  }
0x28d: {  	v5 =	vld [tilespmem:$0x980]  }
0x28e: {  	v1 =	vadd.f32 v2, v1;
	v2 =	vsub.f32 $1.000000000e+00, v3;
	_ =	sdelay $0x1  }
0x28f: {  	v1 =	vmul.f32 v2, v1  }
0x290: {  	v2 =	vadd.f32 v4, v3  }
0x291: {  	v1 =	vadd.f32 v1, v5  }
0x292: {  	[tilespmem:$0xB80] =	vst v2  }
0x293: {  	[tilespmem:$0x980] =	vst v1  }
0x294: {  	v1 =	vld [tilespmem:s22+$0x20]  }
0x295: {  	v2 =	vld [tilespmem:s22+$0x320];
	_ =	sdelay $0x1  }
0x296: {  	v3 =	vld [tilespmem:s22+$0x620];
	_ =	sdelay $0x2  }
0x297: {  	v4 =	vld [tilespmem:$0xC00];
	v1 =	vmul.f32 v1, v1;
	v2 =	vmul.f32 v2, v2  }
0x298: {  	v5 =	vld [tilespmem:$0xA00]  }
0x299: {  	v1 =	vadd.f32 v2, v1;
	v2 =	vsub.f32 $1.000000000e+00, v3;
	_ =	sdelay $0x1  }
0x29a: {  	v1 =	vmul.f32 v2, v1  }
0x29b: {  	v2 =	vadd.f32 v4, v3  }
0x29c: {  	v3 =	vadd.f32 v1, v5  }
0x29d: {  	[tilespmem:$0xC00] =	vst v2  }
0x29e: {  	v1 =	vld [tilespmem:$0xC80];
	[tilespmem:$0xA00] =	vst v3  }
0x29f: {  	v3 =	vld [tilespmem:s22+$0x30]  }
0x2a0: {  	s20 =	simm.s32 $0x100;
	v2 =	vld [tilespmem:s22+$0x330]  }
.LBB2_12:
0x2a1: {  	p1 =	sne.s32 s20, $0xB00;
	v4 =	vld [tilespmem:s22+$0x630];
	s22 =	smov.u32 s20;
	s20 =	sadd.s32 $0x100, s20  }
0x2a2: {  	_ =	sdelay $0x1  }
0x2a3: {  	v3 =	vmul.f32 v3, v3  }
0x2a4: {  	s22 =	sshra.s32 s22, $0x2;
	v5 =	vld [tilespmem:$0xA80];
	v2 =	vmul.f32 v2, v2  }
0x2a5: {  	v6 =	vsub.f32 $1.000000000e+00, v4;
	v1 =	vadd.f32 v1, v4  }
0x2a6: {  	v2 =	vadd.f32 v2, v3  }
0x2a7: {  	[tilespmem:$0xC80] =	vst v1  }
0x2a8: {  	v1 =	vld [tilespmem:$0xC80];
	v2 =	vmul.f32 v6, v2;
	_ =	sdelay $0x1  }
0x2a9: {  	v2 =	vadd.f32 v2, v5;
	_ =	sdelay $0x1  }
0x2aa: {  	[tilespmem:$0xA80] =	vst v2  }
0x2ab: {  	v2 =	vld [tilespmem:s22+$0x0]  }
0x2ac: {  	v3 =	vld [tilespmem:s22+$0x300];
	_ =	sdelay $0x1  }
0x2ad: {  	v4 =	vld [tilespmem:s22+$0x600]  }
0x2ae: {  	v5 =	vld [tilespmem:$0xB00];
	_ =	sdelay $0x1  }
0x2af: {  	v2 =	vmul.f32 v2, v2;
	v3 =	vmul.f32 v3, v3  }
0x2b0: {  	v6 =	vld [tilespmem:$0x900]  }
0x2b1: {  	v2 =	vadd.f32 v3, v2;
	v3 =	vsub.f32 $1.000000000e+00, v4  }
0x2b2: {  	v4 =	vadd.f32 v5, v4  }
0x2b3: {  	v2 =	vmul.f32 v3, v2;
	_ =	sdelay $0x1  }
0x2b4: {  	v2 =	vadd.f32 v2, v6  }
0x2b5: {  	[tilespmem:$0xB00] =	vst v4  }
0x2b6: {  	[tilespmem:$0x900] =	vst v2  }
0x2b7: {  	v2 =	vld [tilespmem:s22+$0x10]  }
0x2b8: {  	v3 =	vld [tilespmem:s22+$0x310];
	_ =	sdelay $0x1  }
0x2b9: {  	v4 =	vld [tilespmem:s22+$0x610]  }
0x2ba: {  	v5 =	vld [tilespmem:$0xB80];
	_ =	sdelay $0x1  }
0x2bb: {  	v2 =	vmul.f32 v2, v2;
	v3 =	vmul.f32 v3, v3  }
0x2bc: {  	v6 =	vld [tilespmem:$0x980]  }
0x2bd: {  	v2 =	vadd.f32 v3, v2;
	v3 =	vsub.f32 $1.000000000e+00, v4  }
0x2be: {  	v4 =	vadd.f32 v5, v4  }
0x2bf: {  	v2 =	vmul.f32 v3, v2  }
0x2c0: {  	[tilespmem:$0xB80] =	vst v4  }
0x2c1: {  	v2 =	vadd.f32 v2, v6;
	_ =	sdelay $0x1  }
0x2c2: {  	[tilespmem:$0x980] =	vst v2  }
0x2c3: {  	v2 =	vld [tilespmem:s22+$0x20]  }
0x2c4: {  	v3 =	vld [tilespmem:s22+$0x320];
	_ =	sdelay $0x1  }
0x2c5: {  	v4 =	vld [tilespmem:s22+$0x620]  }
0x2c6: {  	v5 =	vld [tilespmem:$0xC00]  }
0x2c7: {  	v2 =	vmul.f32 v2, v2  }
0x2c8: {  	v3 =	vmul.f32 v3, v3  }
0x2c9: {  	v6 =	vld [tilespmem:$0xA00]  }
0x2ca: {  	v2 =	vadd.f32 v3, v2;
	v3 =	vsub.f32 $1.000000000e+00, v4  }
0x2cb: {  	v4 =	vadd.f32 v5, v4  }
0x2cc: {  	v2 =	vmul.f32 v3, v2  }
0x2cd: {  	[tilespmem:$0xC00] =	vst v4  }
.Ltmp7:
0x2ce: {  	v2 =	vadd.f32 v2, v6;
	(pc) =	sbr.rel @p1 .LBB2_12-.Ltmp7, $4  }
0x2cf: {  	_ = 	snop  }
0x2d0: {  	[tilespmem:$0xA00] =	vst v2  }
0x2d1: {  	v3 =	vld [tilespmem:s22+$0x30]  }
0x2d2: {  	v2 =	vld [tilespmem:s22+$0x330]  }
0x2d3: {  	_ = 	snop  }
0x2d4: {  	v4 =	vld [tilespmem:s22+$0x630];
	_ =	sdelay $0x2  }
0x2d5: {  	v3 =	vmul.f32 v3, v3;
	v2 =	vmul.f32 v2, v2  }
0x2d6: {  	v5 =	vld [tilespmem:$0xA80]  }
0x2d7: {  	v6 =	vsub.f32 $1.000000000e+00, v4;
	v2 =	vadd.f32 v2, v3;
	_ =	sdelay $0x1  }
.Ltmp8:
0x2d8: {  	v2 =	vmul.f32 v6, v2;
	(pc) =	sbr.rel @p0 .LBB2_17-.Ltmp8, $4  }
0x2d9: {  	v1 =	vadd.f32 v1, v4  }
0x2da: {  	v2 =	vadd.f32 v2, v5  }
0x2db: {  	[tilespmem:$0xC80] =	vst v1  }
0x2dc: {  	[tilespmem:$0xA80] =	vst v2  }
0x2dd: {  	s20 =	simm.s32 $0x0;
	s22 =	rddreg [dreg:$0x4]  }
0x2de: {  	[tilespmem:s20], [sflag:$0x1] =	stream.strided.gather [hbm4b:s22+s26], $0x300, s28, s26, $0x38;
	[tilespmem:$0xD80] =	vst v63  }
0x2df: {  	_ =	swait.ge [sflag:s29], $0x300  }
0x2e0: {  	[sflag:s29] =	ssyncset.done $0x0  }
0x2e1: {  	[sflag:s29] =	ssyncadd.s32 $0xFFFFFD00  }
0x2e2: {  	[tilespmem:s30], [sflag:$0x1] =	stream.strided.gather [hbm4b:s24+s26], $0x300, s28, s26, $0x38;
	[tilespmem:$0xD80] =	vst v63  }
0x2e3: {  	_ =	swait.ge [sflag:s29], $0x300  }
0x2e4: {  	[sflag:s29] =	ssyncset.done $0x0  }
0x2e5: {  	[sflag:s29] =	ssyncadd.s32 $0xFFFFFD00  }
0x2e6: {  	[tilespmem:s31], [sflag:$0x1] =	stream.strided.gather [hbm4b:s21+s26], $0x300, s28, s26, $0x38;
	[tilespmem:$0xD80] =	vst v63  }
0x2e7: {  	_ =	swait.ge [sflag:s29], $0x300  }
0x2e8: {  	[sflag:s29] =	ssyncset.done $0x0  }
0x2e9: {  	s22 =	simm.s32 $0x0;
	[sflag:s29] =	ssyncadd.s32 $0xFFFFFD00  }
0x2ea: {  	v1 =	vld [tilespmem:s22+$0x0]  }
0x2eb: {  	v2 =	vld [tilespmem:s22+$0x300];
	_ =	sdelay $0x1  }
0x2ec: {  	v3 =	vld [tilespmem:s22+$0x600];
	_ =	sdelay $0x2  }
0x2ed: {  	v4 =	vld [tilespmem:$0xB00];
	v1 =	vmul.f32 v1, v1;
	v2 =	vmul.f32 v2, v2  }
0x2ee: {  	v5 =	vld [tilespmem:$0x900]  }
0x2ef: {  	v1 =	vadd.f32 v2, v1;
	v2 =	vsub.f32 $1.000000000e+00, v3;
	_ =	sdelay $0x1  }
0x2f0: {  	v1 =	vmul.f32 v2, v1  }
0x2f1: {  	v2 =	vadd.f32 v4, v3  }
0x2f2: {  	v1 =	vadd.f32 v1, v5  }
0x2f3: {  	[tilespmem:$0xB00] =	vst v2  }
0x2f4: {  	[tilespmem:$0x900] =	vst v1  }
0x2f5: {  	v1 =	vld [tilespmem:s22+$0x10]  }
0x2f6: {  	v2 =	vld [tilespmem:s22+$0x310];
	_ =	sdelay $0x1  }
0x2f7: {  	v3 =	vld [tilespmem:s22+$0x610];
	_ =	sdelay $0x2  }
0x2f8: {  	v4 =	vld [tilespmem:$0xB80];
	v1 =	vmul.f32 v1, v1;
	v2 =	vmul.f32 v2, v2  }
0x2f9: {  	v5 =	vld [tilespmem:$0x980]  }
0x2fa: {  	v1 =	vadd.f32 v2, v1;
	v2 =	vsub.f32 $1.000000000e+00, v3;
	_ =	sdelay $0x1  }
0x2fb: {  	v1 =	vmul.f32 v2, v1  }
0x2fc: {  	v2 =	vadd.f32 v4, v3  }
0x2fd: {  	v1 =	vadd.f32 v1, v5  }
0x2fe: {  	[tilespmem:$0xB80] =	vst v2  }
0x2ff: {  	[tilespmem:$0x980] =	vst v1  }
0x300: {  	v1 =	vld [tilespmem:s22+$0x20]  }
0x301: {  	v2 =	vld [tilespmem:s22+$0x320];
	_ =	sdelay $0x1  }
0x302: {  	v3 =	vld [tilespmem:s22+$0x620];
	_ =	sdelay $0x2  }
0x303: {  	v4 =	vld [tilespmem:$0xC00];
	v1 =	vmul.f32 v1, v1;
	v2 =	vmul.f32 v2, v2  }
0x304: {  	v5 =	vld [tilespmem:$0xA00]  }
0x305: {  	v1 =	vadd.f32 v2, v1;
	v2 =	vsub.f32 $1.000000000e+00, v3;
	_ =	sdelay $0x1  }
0x306: {  	v1 =	vmul.f32 v2, v1  }
0x307: {  	v2 =	vadd.f32 v4, v3  }
0x308: {  	v3 =	vadd.f32 v1, v5  }
0x309: {  	[tilespmem:$0xC00] =	vst v2  }
0x30a: {  	v1 =	vld [tilespmem:$0xC80];
	[tilespmem:$0xA00] =	vst v3  }
0x30b: {  	v3 =	vld [tilespmem:s22+$0x30]  }
0x30c: {  	s20 =	simm.s32 $0x100;
	v2 =	vld [tilespmem:s22+$0x330]  }
.LBB2_15:
0x30d: {  	p1 =	sne.s32 s20, $0xB00;
	v4 =	vld [tilespmem:s22+$0x630];
	s22 =	smov.u32 s20;
	s20 =	sadd.s32 $0x100, s20  }
0x30e: {  	_ =	sdelay $0x1  }
0x30f: {  	v3 =	vmul.f32 v3, v3  }
0x310: {  	v2 =	vmul.f32 v2, v2;
	s22 =	sshra.s32 s22, $0x2;
	v5 =	vld [tilespmem:$0xA80]  }
0x311: {  	v6 =	vsub.f32 $1.000000000e+00, v4;
	v1 =	vadd.f32 v1, v4  }
0x312: {  	v2 =	vadd.f32 v2, v3  }
0x313: {  	[tilespmem:$0xC80] =	vst v1  }
0x314: {  	v2 =	vmul.f32 v6, v2;
	v1 =	vld [tilespmem:$0xC80];
	_ =	sdelay $0x1  }
0x315: {  	v2 =	vadd.f32 v2, v5;
	_ =	sdelay $0x1  }
0x316: {  	[tilespmem:$0xA80] =	vst v2  }
0x317: {  	v2 =	vld [tilespmem:s22+$0x0]  }
0x318: {  	v3 =	vld [tilespmem:s22+$0x300];
	_ =	sdelay $0x1  }
0x319: {  	v4 =	vld [tilespmem:s22+$0x600]  }
0x31a: {  	v5 =	vld [tilespmem:$0xB00];
	_ =	sdelay $0x1  }
0x31b: {  	v2 =	vmul.f32 v2, v2;
	v3 =	vmul.f32 v3, v3  }
0x31c: {  	v6 =	vld [tilespmem:$0x900]  }
0x31d: {  	v2 =	vadd.f32 v3, v2;
	v3 =	vsub.f32 $1.000000000e+00, v4  }
0x31e: {  	v4 =	vadd.f32 v5, v4  }
0x31f: {  	v2 =	vmul.f32 v3, v2;
	_ =	sdelay $0x1  }
0x320: {  	v2 =	vadd.f32 v2, v6  }
0x321: {  	[tilespmem:$0xB00] =	vst v4  }
0x322: {  	[tilespmem:$0x900] =	vst v2  }
0x323: {  	v2 =	vld [tilespmem:s22+$0x10]  }
0x324: {  	v3 =	vld [tilespmem:s22+$0x310];
	_ =	sdelay $0x1  }
0x325: {  	v4 =	vld [tilespmem:s22+$0x610]  }
0x326: {  	v5 =	vld [tilespmem:$0xB80];
	_ =	sdelay $0x1  }
0x327: {  	v2 =	vmul.f32 v2, v2;
	v3 =	vmul.f32 v3, v3  }
0x328: {  	v6 =	vld [tilespmem:$0x980]  }
0x329: {  	v2 =	vadd.f32 v3, v2;
	v3 =	vsub.f32 $1.000000000e+00, v4  }
0x32a: {  	v4 =	vadd.f32 v5, v4  }
0x32b: {  	v2 =	vmul.f32 v3, v2  }
0x32c: {  	[tilespmem:$0xB80] =	vst v4  }
0x32d: {  	v2 =	vadd.f32 v2, v6;
	_ =	sdelay $0x1  }
0x32e: {  	[tilespmem:$0x980] =	vst v2  }
0x32f: {  	v2 =	vld [tilespmem:s22+$0x20]  }
0x330: {  	v3 =	vld [tilespmem:s22+$0x320];
	_ =	sdelay $0x1  }
0x331: {  	v4 =	vld [tilespmem:s22+$0x620]  }
0x332: {  	v5 =	vld [tilespmem:$0xC00]  }
0x333: {  	v2 =	vmul.f32 v2, v2  }
0x334: {  	v3 =	vmul.f32 v3, v3  }
0x335: {  	v6 =	vld [tilespmem:$0xA00]  }
0x336: {  	v2 =	vadd.f32 v3, v2;
	v3 =	vsub.f32 $1.000000000e+00, v4  }
0x337: {  	v4 =	vadd.f32 v5, v4  }
0x338: {  	v2 =	vmul.f32 v3, v2  }
0x339: {  	[tilespmem:$0xC00] =	vst v4  }
.Ltmp9:
0x33a: {  	v2 =	vadd.f32 v2, v6;
	(pc) =	sbr.rel @p1 .LBB2_15-.Ltmp9, $4  }
0x33b: {  	_ = 	snop  }
0x33c: {  	[tilespmem:$0xA00] =	vst v2  }
0x33d: {  	v3 =	vld [tilespmem:s22+$0x30]  }
0x33e: {  	v2 =	vld [tilespmem:s22+$0x330]  }
.Ltmp10:
0x33f: {  	_ = 	snop;
	(pc) =	sbr.rel .LBB2_16-.Ltmp10, $1  }
0x340: {  	_ =	sdelay $0x3  }
.LBB2_18:
0x341: {  	_ =	sfence.sel $0x180000  }
0x342: {  	[bflag:$0x0] =	sbarrier.arrive $0xFFFF  }
0x343: {  	_ =	strace $0x90000047  }
0x344: {  	s0 =	stileid.u32;
	[bflag:$0x2] =	sbarrier.arrive $0xFFFF  }
0x345: {  	p0 =	sne.s32 s0, $0x0;
	s0 =	rddreg [dreg:$0x3]  }
0x346: {  	s0 =	sadd.s32 @!p0 $0x100000, s0  }
0x347: {  	[sflag:s0] =	ssyncadd.tile.s32 @!p0 $0x1;
	_ =	shalt  }
.Lfunc_end2:
_tile_overlayer_lowered:
.L_overlay_start_2:
0x348: {  	(tag) =	ssettag $0x2  }
0x349: {  	s0 =	rddreg [dreg:$0x0];
	s2 =	stileid.u32  }
0x34a: {  	s1 =	rddreg [dreg:$0x1];
	p0 =	sne.s32 s2, $0x0  }
0x34b: {  	s3 =	rddreg [dreg:$0x2];
	[bflag:$0x3] =	sbarrier.arrive $0xFFFF;
	s2 =	simm.s32 @!p0 $0x1C01  }
0x34c: {  	[timem:s3], [sflag:s2] =	dma.local @!p0 [hbm:s0], s1  }
0x34d: {  	s0 =	simm.s32 @!p0 $0x1  }
0x34e: {  	_ =	swait.ge @!p0 [sflag:s0], s1  }
0x34f: {  	s1 =	ssub.s32 @!p0 $0x0, s1;
	[sflag:s0] =	ssyncset.done @!p0 $0x0  }
0x350: {  	[sflag:s0] =	ssyncadd.s32 @!p0 s1  }
0x351: {  	[bflag:$0x3] =	sbarrier.arrive $0xFFFF  }
0x352: {  	_ =	shalt  }

</sc_bundles>
